<compile_context>
chip_gen: v7x
topology: tpu7x:2x2x1
jax: 0.10.2.dev20260603
libtpu: 0.0.44.dev20260713+nightly
codegen_flags: <defaults>
</compile_context>

<pallas_src>
import functools

import jax
import jax.numpy as jnp
from jax import lax
from jax.experimental import pallas as pl
from jax.experimental.pallas import tpu as pltpu
from jax.experimental.pallas import tpu_sc as plsc

N_PAT = 1_000_000
N_MEAS = 1000
N_T = 200
L_DIM = 16
N_U = 26
COVP = 4
COVW = COVP * N_U
R_COV = N_PAT // COVP
B = 16384

NC, NS = 2, 16
NW = NC * NS
BPW = B // NW
CH = 128
NCH = BPW // CH


def _gather_body(idx_pat, idx_meas, idx_t, pat_lat, cov_u, meas_lat, time_lat,
                 pat_out, cov_out, meas_out, time_out,
                 idxp_v, idxm_v, idxt_v,
                 pat_v, cov_v, meas_v, time_v,
                 sem_p, sem_c, sem_m, sem_t):
    wid = lax.axis_index("s") * NC + lax.axis_index("c")
    base = wid * BPW
    pltpu.sync_copy(idx_pat.at[pl.ds(base, BPW)], idxp_v)
    pltpu.sync_copy(idx_meas.at[pl.ds(base, BPW)], idxm_v)
    pltpu.sync_copy(idx_t.at[pl.ds(base, BPW)], idxt_v)

    for c in range(NCH):
        def grp(g, carry):
            off = c * CH + g * 16
            pv = idxp_v[pl.ds(off, 16)]
            mv = idxm_v[pl.ds(off, 16)]
            tv = idxt_v[pl.ds(off, 16)]
            jv = lax.shift_right_logical(pv, 2)
            for k in range(16):
                p = pv[k]
                j = jv[k]
                m = mv[k]
                t = tv[k]
                i = g * 16 + k
                pltpu.async_copy(pat_lat.at[pl.ds(p, 1)],
                                 pat_v.at[pl.ds(i, 1)], sem_p)
                pltpu.async_copy(cov_u.at[pl.ds(j, 1)],
                                 cov_v.at[pl.ds(i, 1)], sem_c)
                pltpu.async_copy(meas_lat.at[pl.ds(m, 1)],
                                 meas_v.at[pl.ds(i, 1)], sem_m)
                pltpu.async_copy(time_lat.at[pl.ds(t, 1)],
                                 time_v.at[pl.ds(i, 1)], sem_t)
            return carry

        lax.fori_loop(0, CH // 16, grp, 0)
        pltpu.make_async_copy(pat_lat.at[pl.ds(0, CH)], pat_v, sem_p).wait()
        pltpu.make_async_copy(cov_u.at[pl.ds(0, CH)], cov_v, sem_c).wait()
        pltpu.make_async_copy(meas_lat.at[pl.ds(0, CH)], meas_v, sem_m).wait()
        pltpu.make_async_copy(time_lat.at[pl.ds(0, CH)], time_v, sem_t).wait()
        ob = base + c * CH
        pltpu.sync_copy(pat_v, pat_out.at[pl.ds(ob, CH)])
        pltpu.sync_copy(cov_v, cov_out.at[pl.ds(ob, CH)])
        pltpu.sync_copy(meas_v, meas_out.at[pl.ds(ob, CH)])
        pltpu.sync_copy(time_v, time_out.at[pl.ds(ob, CH)])


_gather = pl.kernel(
    _gather_body,
    out_type=[
        jax.ShapeDtypeStruct((B, L_DIM), jnp.float32),
        jax.ShapeDtypeStruct((B, COVW), jnp.float32),
        jax.ShapeDtypeStruct((B, L_DIM), jnp.float32),
        jax.ShapeDtypeStruct((B, L_DIM), jnp.float32),
    ],
    mesh=plsc.VectorSubcoreMesh(core_axis_name="c", subcore_axis_name="s"),
    scratch_types=[
        pltpu.VMEM((BPW,), jnp.int32),
        pltpu.VMEM((BPW,), jnp.int32),
        pltpu.VMEM((BPW,), jnp.int32),
        pltpu.VMEM((CH, L_DIM), jnp.float32),
        pltpu.VMEM((CH, COVW), jnp.float32),
        pltpu.VMEM((CH, L_DIM), jnp.float32),
        pltpu.VMEM((CH, L_DIM), jnp.float32),
        pltpu.SemaphoreType.DMA,
        pltpu.SemaphoreType.DMA,
        pltpu.SemaphoreType.DMA,
        pltpu.SemaphoreType.DMA,
    ],
)


TB = 2048
NTB = B // TB


def _tc_body(pat_ref, cov_ref, meas_ref, time_ref, qf_ref, tf_ref, bu_ref,
             bw_ref, out_ref):
    qf = qf_ref[...]
    covp = cov_ref[...]
    cov26 = jnp.zeros((TB, N_U), jnp.float32)
    for q in range(COVP):
        sel = jnp.where(qf == q, 1.0, 0.0)
        cov26 = cov26 + covp[:, q * N_U:(q + 1) * N_U] * sel
    pat = pat_ref[...] + jnp.dot(cov26, bu_ref[...],
                                 preferred_element_type=jnp.float32)
    tim = time_ref[...] + tf_ref[...] * bw_ref[...]
    out_ref[...] = jnp.sum(pat * meas_ref[...] * tim, axis=1)


def kernel(idx_pat, idx_meas, idx_t, pat_lat, meas_lat, time_lat, beta_u,
           beta_w, covariates_u):
    idx_pat = idx_pat.astype(jnp.int32)
    idx_meas = idx_meas.astype(jnp.int32)
    idx_t = idx_t.astype(jnp.int32)
    cov_p = covariates_u.reshape(R_COV, COVW)
    pat_r, cov_r, meas_r, time_r = _gather(
        idx_pat, idx_meas, idx_t, pat_lat, cov_p, meas_lat, time_lat)
    qf = (idx_pat & 3).astype(jnp.float32).reshape(B, 1)
    tf = idx_t.astype(jnp.float32).reshape(B, 1)
    pred = pl.pallas_call(
        _tc_body,
        grid=(NTB,),
        in_specs=[
            pl.BlockSpec((TB, L_DIM), lambda i: (i, 0)),
            pl.BlockSpec((TB, COVW), lambda i: (i, 0)),
            pl.BlockSpec((TB, L_DIM), lambda i: (i, 0)),
            pl.BlockSpec((TB, L_DIM), lambda i: (i, 0)),
            pl.BlockSpec((TB, 1), lambda i: (i, 0)),
            pl.BlockSpec((TB, 1), lambda i: (i, 0)),
            pl.BlockSpec((N_U, L_DIM), lambda i: (0, 0)),
            pl.BlockSpec((1, L_DIM), lambda i: (0, 0)),
        ],
        out_specs=pl.BlockSpec((TB,), lambda i: (i,)),
        out_shape=jax.ShapeDtypeStruct((B,), jnp.float32),
    )(pat_r, cov_r, meas_r, time_r, qf, tf, beta_u, beta_w)
    return pred

# --- scband reference (transcript-rebuilt; emitter-appended) ---
"""Pipeline reference for scband-tensor-fact-14955076125079 (READ-ONLY COPY).

The authoritative reference and input builder live on the scoring server;
editing this copy changes nothing except your own understanding.
"""

import jax, jax.numpy as jnp
import numpy as np

N_PAT = 1000000
N_MEAS = 1000
N_T = 200
L_DIM = 16
N_U = 26
N_W = 1
B = 16384


def setup_inputs(seed: int = 0) -> dict:
    key = jax.random.key(seed)
    ks = jax.random.split(key, 9)
    idx_pat = jax.random.randint(ks[0], (B,), 0, N_PAT)
    idx_meas = jax.random.randint(ks[1], (B,), 0, N_MEAS)
    idx_t = jax.random.randint(ks[2], (B,), 0, N_T)
    pat_lat = 0.05 * jax.random.normal(ks[3], (N_PAT, L_DIM), dtype=jnp.float32)
    meas_lat = 0.05 * jax.random.normal(ks[4], (N_MEAS, L_DIM), dtype=jnp.float32)
    time_lat = 0.005 * jax.random.normal(ks[5], (N_T, L_DIM), dtype=jnp.float32)
    beta_u = jax.random.normal(ks[6], (N_U, L_DIM), dtype=jnp.float32)
    beta_w = jax.random.normal(ks[7], (N_W, L_DIM), dtype=jnp.float32)
    covariates_u = jax.random.normal(ks[8], (N_PAT, N_U), dtype=jnp.float32)
    return {
        "idx_pat": idx_pat,
        "idx_meas": idx_meas,
        "idx_t": idx_t,
        "pat_lat": pat_lat,
        "meas_lat": meas_lat,
        "time_lat": time_lat,
        "beta_u": beta_u,
        "beta_w": beta_w,
        "covariates_u": covariates_u,
    }


def reference(idx_pat, idx_meas, idx_t, pat_lat, meas_lat, time_lat, beta_u, beta_w, covariates_u):
    # cov_w_fixed = arange(n_t).unsqueeze(1), a non-learned constant
    cov_w_fixed = jnp.arange(N_T, dtype=jnp.float32)[:, None]
    pat_term = jnp.take(pat_lat, idx_pat, axis=0) + jnp.take(covariates_u, idx_pat, axis=0) @ beta_u
    meas_term = jnp.take(meas_lat, idx_meas, axis=0)
    time_term = jnp.take(time_lat, idx_t, axis=0) + jnp.take(cov_w_fixed, idx_t, axis=0) @ beta_w
    pred = (pat_term * meas_term * time_term).sum(axis=1)
    return pred

if __name__ == "__main__":
    import jax
    _d = setup_inputs()
    print(jax.jit(kernel)(*tuple(_d.values())))

</pallas_src>

<mosaic_0001>
#map = affine_map<(d0, d1) -> (0)>
#map1 = affine_map<(d0, d1) -> (0, 0)>
module attributes {stable_mosaic.version = 14 : i64} {
  func.func @_gather_body(%arg0: i32, %arg1: i32, %arg2: memref<16384xi32, #tpu.memory_space<hbm>>, %arg3: memref<16384xi32, #tpu.memory_space<hbm>>, %arg4: memref<16384xi32, #tpu.memory_space<hbm>>, %arg5: memref<1000000x16xf32, #tpu.memory_space<hbm>>, %arg6: memref<250000x104xf32, #tpu.memory_space<hbm>>, %arg7: memref<1000x16xf32, #tpu.memory_space<hbm>>, %arg8: memref<200x16xf32, #tpu.memory_space<hbm>>, %arg9: memref<16384x16xf32, #tpu.memory_space<hbm>>, %arg10: memref<16384x104xf32, #tpu.memory_space<hbm>>, %arg11: memref<16384x16xf32, #tpu.memory_space<hbm>>, %arg12: memref<16384x16xf32, #tpu.memory_space<hbm>>, %arg13: memref<512xi32, #tpu.memory_space<vmem>>, %arg14: memref<512xi32, #tpu.memory_space<vmem>>, %arg15: memref<512xi32, #tpu.memory_space<vmem>>, %arg16: memref<128x16xf32, #tpu.memory_space<vmem>>, %arg17: memref<128x104xf32, #tpu.memory_space<vmem>>, %arg18: memref<128x16xf32, #tpu.memory_space<vmem>>, %arg19: memref<128x16xf32, #tpu.memory_space<vmem>>, %arg20: memref<!tpu.dma_semaphore, #tpu.memory_space<semaphore_mem>>, %arg21: memref<!tpu.dma_semaphore, #tpu.memory_space<semaphore_mem>>, %arg22: memref<!tpu.dma_semaphore, #tpu.memory_space<semaphore_mem>>, %arg23: memref<!tpu.dma_semaphore, #tpu.memory_space<semaphore_mem>>) attributes {dimension_semantics = [#tpu.dimension_semantics<core_parallel>, #tpu.dimension_semantics<subcore_parallel>], iteration_bounds = array<i64: 2, 16>, scalar_prefetch = 0 : i64, scratch_operands = 11 : i64, tpu.core_type = #tpu.core_type<sc_vector_subcore>, window_params = [{transform_indices = #map}, {transform_indices = #map}, {transform_indices = #map}, {transform_indices = #map1}, {transform_indices = #map1}, {transform_indices = #map1}, {transform_indices = #map1}, {transform_indices = #map1}, {transform_indices = #map1}, {transform_indices = #map1}, {transform_indices = #map1}]} {
    %mul3A = arith.constant 2 : i32
    %mul3A_0 = arith.muli %arg1, %mul3A : i32
    %add3A = arith.addi %mul3A_0, %arg0 : i32
    %mul3A_1 = arith.constant 512 : i32
    %mul3A_2 = arith.muli %add3A, %mul3A_1 : i32
    "tpu.region"() ({
      %run_scoped3A = tpu.sem_alloc : memref<!tpu.dma_semaphore, #tpu.memory_space<semaphore_mem>>
      %dma_start3A = tpu.memref_slice %arg2[%mul3A_2] : memref<16384xi32, #tpu.memory_space<hbm>> -> memref<512xi32, #tpu.memory_space<hbm>>
      %dma_start3A_129 = tpu.memref_slice %arg2[%mul3A_2] : memref<16384xi32, #tpu.memory_space<hbm>> -> memref<512xi32, #tpu.memory_space<hbm>>
      tpu.enqueue_dma source(%dma_start3A_129 : memref<512xi32, #tpu.memory_space<hbm>>) target(%arg13 : memref<512xi32, #tpu.memory_space<vmem>>) target_semaphore(%run_scoped3A : memref<!tpu.dma_semaphore, #tpu.memory_space<semaphore_mem>>)
      %dma_wait3A_130 = tpu.memref_slice %arg2[%mul3A_2] : memref<16384xi32, #tpu.memory_space<hbm>> -> memref<512xi32, #tpu.memory_space<hbm>>
      %dma_wait3A_131 = tpu.memref_slice %arg2[%mul3A_2] : memref<16384xi32, #tpu.memory_space<hbm>> -> memref<512xi32, #tpu.memory_space<hbm>>
      tpu.wait_dma2 semaphore(%run_scoped3A : memref<!tpu.dma_semaphore, #tpu.memory_space<semaphore_mem>>) src(%dma_wait3A_131 : memref<512xi32, #tpu.memory_space<hbm>>) dst(%arg13 : memref<512xi32, #tpu.memory_space<vmem>>)
      tpu.yield
    }) : () -> ()
    "tpu.region"() ({
      %run_scoped3A = tpu.sem_alloc : memref<!tpu.dma_semaphore, #tpu.memory_space<semaphore_mem>>
      %dma_start3A = tpu.memref_slice %arg3[%mul3A_2] : memref<16384xi32, #tpu.memory_space<hbm>> -> memref<512xi32, #tpu.memory_space<hbm>>
      %dma_start3A_129 = tpu.memref_slice %arg3[%mul3A_2] : memref<16384xi32, #tpu.memory_space<hbm>> -> memref<512xi32, #tpu.memory_space<hbm>>
      tpu.enqueue_dma source(%dma_start3A_129 : memref<512xi32, #tpu.memory_space<hbm>>) target(%arg14 : memref<512xi32, #tpu.memory_space<vmem>>) target_semaphore(%run_scoped3A : memref<!tpu.dma_semaphore, #tpu.memory_space<semaphore_mem>>)
      %dma_wait3A_130 = tpu.memref_slice %arg3[%mul3A_2] : memref<16384xi32, #tpu.memory_space<hbm>> -> memref<512xi32, #tpu.memory_space<hbm>>
      %dma_wait3A_131 = tpu.memref_slice %arg3[%mul3A_2] : memref<16384xi32, #tpu.memory_space<hbm>> -> memref<512xi32, #tpu.memory_space<hbm>>
      tpu.wait_dma2 semaphore(%run_scoped3A : memref<!tpu.dma_semaphore, #tpu.memory_space<semaphore_mem>>) src(%dma_wait3A_131 : memref<512xi32, #tpu.memory_space<hbm>>) dst(%arg14 : memref<512xi32, #tpu.memory_space<vmem>>)
      tpu.yield
    }) : () -> ()
    "tpu.region"() ({
      %run_scoped3A = tpu.sem_alloc : memref<!tpu.dma_semaphore, #tpu.memory_space<semaphore_mem>>
      %dma_start3A = tpu.memref_slice %arg4[%mul3A_2] : memref<16384xi32, #tpu.memory_space<hbm>> -> memref<512xi32, #tpu.memory_space<hbm>>
      %dma_start3A_129 = tpu.memref_slice %arg4[%mul3A_2] : memref<16384xi32, #tpu.memory_space<hbm>> -> memref<512xi32, #tpu.memory_space<hbm>>
      tpu.enqueue_dma source(%dma_start3A_129 : memref<512xi32, #tpu.memory_space<hbm>>) target(%arg15 : memref<512xi32, #tpu.memory_space<vmem>>) target_semaphore(%run_scoped3A : memref<!tpu.dma_semaphore, #tpu.memory_space<semaphore_mem>>)
      %dma_wait3A_130 = tpu.memref_slice %arg4[%mul3A_2] : memref<16384xi32, #tpu.memory_space<hbm>> -> memref<512xi32, #tpu.memory_space<hbm>>
      %dma_wait3A_131 = tpu.memref_slice %arg4[%mul3A_2] : memref<16384xi32, #tpu.memory_space<hbm>> -> memref<512xi32, #tpu.memory_space<hbm>>
      tpu.wait_dma2 semaphore(%run_scoped3A : memref<!tpu.dma_semaphore, #tpu.memory_space<semaphore_mem>>) src(%dma_wait3A_131 : memref<512xi32, #tpu.memory_space<hbm>>) dst(%arg15 : memref<512xi32, #tpu.memory_space<vmem>>)
      tpu.yield
    }) : () -> ()
    %scan3A = arith.constant 0 : i32
    %scan3A_3 = arith.constant 0 : i32
    %scan3A_4 = arith.constant 8 : i32
    %scan3A_5 = arith.addi %scan3A_3, %scan3A_4 : i32
    %scan3A_6 = arith.constant 1 : i32
    scf.for %scan3A_129 = %scan3A_3 to %scan3A_5 step %scan3A_6  : i32 {
      %mul3A_130 = arith.constant 16 : i32
      %mul3A_131 = arith.muli %scan3A_129, %mul3A_130 : i32
      %add3A_132 = arith.constant 0 : i32
      %add3A_133 = arith.addi %add3A_132, %mul3A_131 : i32
      %get3A = arith.index_cast %add3A_133 : i32 to index
      %get3A_134 = tpu.vector_load %arg13[%get3A] {strides = array<i32>} : memref<512xi32, #tpu.memory_space<vmem>>, vector<16xi32>,
      %get3A_135 = vector.shape_cast %get3A_134 : vector<16xi32> to vector<16xi32>
      %get3A_136 = arith.index_cast %add3A_133 : i32 to index
      %get3A_137 = tpu.vector_load %arg14[%get3A_136] {strides = array<i32>} : memref<512xi32, #tpu.memory_space<vmem>>, vector<16xi32>,
      %get3A_138 = vector.shape_cast %get3A_137 : vector<16xi32> to vector<16xi32>
      %get3A_139 = arith.index_cast %add3A_133 : i32 to index
      %get3A_140 = tpu.vector_load %arg15[%get3A_139] {strides = array<i32>} : memref<512xi32, #tpu.memory_space<vmem>>, vector<16xi32>,
      %get3A_141 = vector.shape_cast %get3A_140 : vector<16xi32> to vector<16xi32>
      %shift_right_logical3A = arith.constant 2 : i32
      %shift_right_logical3A_142 = vector.broadcast %shift_right_logical3A : i32 to vector<16xi32>
      %shift_right_logical3A_143 = arith.shrui %get3A_135, %shift_right_logical3A_142 : vector<16xi32>
      %slice3A = vector.extract_strided_slice %get3A_135 {offsets = [0], sizes = [1], strides = [1]} : vector<16xi32> to vector<1xi32>
      %squeeze3A = vector.extract %slice3A[0] : i32 from vector<1xi32>
      %slice3A_144 = vector.extract_strided_slice %shift_right_logical3A_143 {offsets = [0], sizes = [1], strides = [1]} : vector<16xi32> to vector<1xi32>
      %squeeze3A_145 = vector.extract %slice3A_144[0] : i32 from vector<1xi32>
      %slice3A_146 = vector.extract_strided_slice %get3A_138 {offsets = [0], sizes = [1], strides = [1]} : vector<16xi32> to vector<1xi32>
      %squeeze3A_147 = vector.extract %slice3A_146[0] : i32 from vector<1xi32>
      %slice3A_148 = vector.extract_strided_slice %get3A_141 {offsets = [0], sizes = [1], strides = [1]} : vector<16xi32> to vector<1xi32>
      %squeeze3A_149 = vector.extract %slice3A_148[0] : i32 from vector<1xi32>
      %mul3A_150 = arith.constant 16 : i32
      %mul3A_151 = arith.muli %scan3A_129, %mul3A_150 : i32
      %add3A_152 = arith.constant 0 : i32
      %add3A_153 = arith.addi %mul3A_151, %add3A_152 : i32
      %dma_start3A = arith.constant 0 : i32
      %dma_start3A_154 = tpu.memref_slice %arg16[%add3A_153, %dma_start3A] : memref<128x16xf32, #tpu.memory_space<vmem>> -> memref<1x16xf32, #tpu.memory_space<vmem>>
      %dma_start3A_155 = arith.constant 0 : i32
      %dma_start3A_156 = tpu.memref_slice %arg5[%squeeze3A, %dma_start3A_155] : memref<1000000x16xf32, #tpu.memory_space<hbm>> -> memref<1x16xf32, #tpu.memory_space<hbm>>
      %dma_start3A_157 = arith.constant 0 : i32
      %dma_start3A_158 = tpu.memref_slice %arg16[%add3A_153, %dma_start3A_157] : memref<128x16xf32, #tpu.memory_space<vmem>> -> memref<1x16xf32, #tpu.memory_space<vmem>>
      %dma_start3A_159 = arith.constant 0 : i32
      %dma_start3A_160 = tpu.memref_slice %arg5[%squeeze3A, %dma_start3A_159] : memref<1000000x16xf32, #tpu.memory_space<hbm>> -> memref<1x16xf32, #tpu.memory_space<hbm>>
      tpu.enqueue_dma source(%dma_start3A_160 : memref<1x16xf32, #tpu.memory_space<hbm>>) target(%dma_start3A_158 : memref<1x16xf32, #tpu.memory_space<vmem>>) target_semaphore(%arg20 : memref<!tpu.dma_semaphore, #tpu.memory_space<semaphore_mem>>)
      %dma_start3A_161 = arith.constant 0 : i32
      %dma_start3A_162 = tpu.memref_slice %arg17[%add3A_153, %dma_start3A_161] : memref<128x104xf32, #tpu.memory_space<vmem>> -> memref<1x104xf32, #tpu.memory_space<vmem>>
      %dma_start3A_163 = arith.constant 0 : i32
      %dma_start3A_164 = tpu.memref_slice %arg6[%squeeze3A_145, %dma_start3A_163] : memref<250000x104xf32, #tpu.memory_space<hbm>> -> memref<1x104xf32, #tpu.memory_space<hbm>>
      %dma_start3A_165 = arith.constant 0 : i32
      %dma_start3A_166 = tpu.memref_slice %arg17[%add3A_153, %dma_start3A_165] : memref<128x104xf32, #tpu.memory_space<vmem>> -> memref<1x104xf32, #tpu.memory_space<vmem>>
      %dma_start3A_167 = arith.constant 0 : i32
      %dma_start3A_168 = tpu.memref_slice %arg6[%squeeze3A_145, %dma_start3A_167] : memref<250000x104xf32, #tpu.memory_space<hbm>> -> memref<1x104xf32, #tpu.memory_space<hbm>>
      tpu.enqueue_dma source(%dma_start3A_168 : memref<1x104xf32, #tpu.memory_space<hbm>>) target(%dma_start3A_166 : memref<1x104xf32, #tpu.memory_space<vmem>>) target_semaphore(%arg21 : memref<!tpu.dma_semaphore, #tpu.memory_space<semaphore_mem>>)
      %dma_start3A_169 = arith.constant 0 : i32
      %dma_start3A_170 = tpu.memref_slice %arg18[%add3A_153, %dma_start3A_169] : memref<128x16xf32, #tpu.memory_space<vmem>> -> memref<1x16xf32, #tpu.memory_space<vmem>>
      %dma_start3A_171 = arith.constant 0 : i32
      %dma_start3A_172 = tpu.memref_slice %arg7[%squeeze3A_147, %dma_start3A_171] : memref<1000x16xf32, #tpu.memory_space<hbm>> -> memref<1x16xf32, #tpu.memory_space<hbm>>
      %dma_start3A_173 = arith.constant 0 : i32
      %dma_start3A_174 = tpu.memref_slice %arg18[%add3A_153, %dma_start3A_173] : memref<128x16xf32, #tpu.memory_space<vmem>> -> memref<1x16xf32, #tpu.memory_space<vmem>>
      %dma_start3A_175 = arith.constant 0 : i32
      %dma_start3A_176 = tpu.memref_slice %arg7[%squeeze3A_147, %dma_start3A_175] : memref<1000x16xf32, #tpu.memory_space<hbm>> -> memref<1x16xf32, #tpu.memory_space<hbm>>
      tpu.enqueue_dma source(%dma_start3A_176 : memref<1x16xf32, #tpu.memory_space<hbm>>) target(%dma_start3A_174 : memref<1x16xf32, #tpu.memory_space<vmem>>) target_semaphore(%arg22 : memref<!tpu.dma_semaphore, #tpu.memory_space<semaphore_mem>>)
      %dma_start3A_177 = arith.constant 0 : i32
      %dma_start3A_178 = tpu.memref_slice %arg19[%add3A_153, %dma_start3A_177] : memref<128x16xf32, #tpu.memory_space<vmem>> -> memref<1x16xf32, #tpu.memory_space<vmem>>
      %dma_start3A_179 = arith.constant 0 : i32
      %dma_start3A_180 = tpu.memref_slice %arg8[%squeeze3A_149, %dma_start3A_179] : memref<200x16xf32, #tpu.memory_space<hbm>> -> memref<1x16xf32, #tpu.memory_space<hbm>>
      %dma_start3A_181 = arith.constant 0 : i32
      %dma_start3A_182 = tpu.memref_slice %arg19[%add3A_153, %dma_start3A_181] : memref<128x16xf32, #tpu.memory_space<vmem>> -> memref<1x16xf32, #tpu.memory_space<vmem>>
      %dma_start3A_183 = arith.constant 0 : i32
      %dma_start3A_184 = tpu.memref_slice %arg8[%squeeze3A_149, %dma_start3A_183] : memref<200x16xf32, #tpu.memory_space<hbm>> -> memref<1x16xf32, #tpu.memory_space<hbm>>
      tpu.enqueue_dma source(%dma_start3A_184 : memref<1x16xf32, #tpu.memory_space<hbm>>) target(%dma_start3A_182 : memref<1x16xf32, #tpu.memory_space<vmem>>) target_semaphore(%arg23 : memref<!tpu.dma_semaphore, #tpu.memory_space<semaphore_mem>>)
      %slice3A_185 = vector.extract_strided_slice %get3A_135 {offsets = [1], sizes = [1], strides = [1]} : vector<16xi32> to vector<1xi32>
      %squeeze3A_186 = vector.extract %slice3A_185[0] : i32 from vector<1xi32>
      %slice3A_187 = vector.extract_strided_slice %shift_right_logical3A_143 {offsets = [1], sizes = [1], strides = [1]} : vector<16xi32> to vector<1xi32>
      %squeeze3A_188 = vector.extract %slice3A_187[0] : i32 from vector<1xi32>
      %slice3A_189 = vector.extract_strided_slice %get3A_138 {offsets = [1], sizes = [1], strides = [1]} : vector<16xi32> to vector<1xi32>
      %squeeze3A_190 = vector.extract %slice3A_189[0] : i32 from vector<1xi32>
      %slice3A_191 = vector.extract_strided_slice %get3A_141 {offsets = [1], sizes = [1], strides = [1]} : vector<16xi32> to vector<1xi32>
      %squeeze3A_192 = vector.extract %slice3A_191[0] : i32 from vector<1xi32>
      %mul3A_193 = arith.constant 16 : i32
      %mul3A_194 = arith.muli %scan3A_129, %mul3A_193 : i32
      %add3A_195 = arith.constant 1 : i32
      %add3A_196 = arith.addi %mul3A_194, %add3A_195 : i32
      %dma_start3A_197 = arith.constant 0 : i32
      %dma_start3A_198 = tpu.memref_slice %arg16[%add3A_196, %dma_start3A_197] : memref<128x16xf32, #tpu.memory_space<vmem>> -> memref<1x16xf32, #tpu.memory_space<vmem>>
      %dma_start3A_199 = arith.constant 0 : i32
      %dma_start3A_200 = tpu.memref_slice %arg5[%squeeze3A_186, %dma_start3A_199] : memref<1000000x16xf32, #tpu.memory_space<hbm>> -> memref<1x16xf32, #tpu.memory_space<hbm>>
      %dma_start3A_201 = arith.constant 0 : i32
      %dma_start3A_202 = tpu.memref_slice %arg16[%add3A_196, %dma_start3A_201] : memref<128x16xf32, #tpu.memory_space<vmem>> -> memref<1x16xf32, #tpu.memory_space<vmem>>
      %dma_start3A_203 = arith.constant 0 : i32
      %dma_start3A_204 = tpu.memref_slice %arg5[%squeeze3A_186, %dma_start3A_203] : memref<1000000x16xf32, #tpu.memory_space<hbm>> -> memref<1x16xf32, #tpu.memory_space<hbm>>
      tpu.enqueue_dma source(%dma_start3A_204 : memref<1x16xf32, #tpu.memory_space<hbm>>) target(%dma_start3A_202 : memref<1x16xf32, #tpu.memory_space<vmem>>) target_semaphore(%arg20 : memref<!tpu.dma_semaphore, #tpu.memory_space<semaphore_mem>>)
      %dma_start3A_205 = arith.constant 0 : i32
      %dma_start3A_206 = tpu.memref_slice %arg17[%add3A_196, %dma_start3A_205] : memref<128x104xf32, #tpu.memory_space<vmem>> -> memref<1x104xf32, #tpu.memory_space<vmem>>
      %dma_start3A_207 = arith.constant 0 : i32
      %dma_start3A_208 = tpu.memref_slice %arg6[%squeeze3A_188, %dma_start3A_207] : memref<250000x104xf32, #tpu.memory_space<hbm>> -> memref<1x104xf32, #tpu.memory_space<hbm>>
      %dma_start3A_209 = arith.constant 0 : i32
      %dma_start3A_210 = tpu.memref_slice %arg17[%add3A_196, %dma_start3A_209] : memref<128x104xf32, #tpu.memory_space<vmem>> -> memref<1x104xf32, #tpu.memory_space<vmem>>
      %dma_start3A_211 = arith.constant 0 : i32
      %dma_start3A_212 = tpu.memref_slice %arg6[%squeeze3A_188, %dma_start3A_211] : memref<250000x104xf32, #tpu.memory_space<hbm>> -> memref<1x104xf32, #tpu.memory_space<hbm>>
      tpu.enqueue_dma source(%dma_start3A_212 : memref<1x104xf32, #tpu.memory_space<hbm>>) target(%dma_start3A_210 : memref<1x104xf32, #tpu.memory_space<vmem>>) target_semaphore(%arg21 : memref<!tpu.dma_semaphore, #tpu.memory_space<semaphore_mem>>)
      %dma_start3A_213 = arith.constant 0 : i32
      %dma_start3A_214 = tpu.memref_slice %arg18[%add3A_196, %dma_start3A_213] : memref<128x16xf32, #tpu.memory_space<vmem>> -> memref<1x16xf32, #tpu.memory_space<vmem>>
      %dma_start3A_215 = arith.constant 0 : i32
      %dma_start3A_216 = tpu.memref_slice %arg7[%squeeze3A_190, %dma_start3A_215] : memref<1000x16xf32, #tpu.memory_space<hbm>> -> memref<1x16xf32, #tpu.memory_space<hbm>>
      %dma_start3A_217 = arith.constant 0 : i32
      %dma_start3A_218 = tpu.memref_slice %arg18[%add3A_196, %dma_start3A_217] : memref<128x16xf32, #tpu.memory_space<vmem>> -> memref<1x16xf32, #tpu.memory_space<vmem>>
      %dma_start3A_219 = arith.constant 0 : i32
      %dma_start3A_220 = tpu.memref_slice %arg7[%squeeze3A_190, %dma_start3A_219] : memref<1000x16xf32, #tpu.memory_space<hbm>> -> memref<1x16xf32, #tpu.memory_space<hbm>>
      tpu.enqueue_dma source(%dma_start3A_220 : memref<1x16xf32, #tpu.memory_space<hbm>>) target(%dma_start3A_218 : memref<1x16xf32, #tpu.memory_space<vmem>>) target_semaphore(%arg22 : memref<!tpu.dma_semaphore, #tpu.memory_space<semaphore_mem>>)
      %dma_start3A_221 = arith.constant 0 : i32
      %dma_start3A_222 = tpu.memref_slice %arg19[%add3A_196, %dma_start3A_221] : memref<128x16xf32, #tpu.memory_space<vmem>> -> memref<1x16xf32, #tpu.memory_space<vmem>>
      %dma_start3A_223 = arith.constant 0 : i32
      %dma_start3A_224 = tpu.memref_slice %arg8[%squeeze3A_192, %dma_start3A_223] : memref<200x16xf32, #tpu.memory_space<hbm>> -> memref<1x16xf32, #tpu.memory_space<hbm>>
      %dma_start3A_225 = arith.constant 0 : i32
      %dma_start3A_226 = tpu.memref_slice %arg19[%add3A_196, %dma_start3A_225] : memref<128x16xf32, #tpu.memory_space<vmem>> -> memref<1x16xf32, #tpu.memory_space<vmem>>
      %dma_start3A_227 = arith.constant 0 : i32
      %dma_start3A_228 = tpu.memref_slice %arg8[%squeeze3A_192, %dma_start3A_227] : memref<200x16xf32, #tpu.memory_space<hbm>> -> memref<1x16xf32, #tpu.memory_space<hbm>>
      tpu.enqueue_dma source(%dma_start3A_228 : memref<1x16xf32, #tpu.memory_space<hbm>>) target(%dma_start3A_226 : memref<1x16xf32, #tpu.memory_space<vmem>>) target_semaphore(%arg23 : memref<!tpu.dma_semaphore, #tpu.memory_space<semaphore_mem>>)
      %slice3A_229 = vector.extract_strided_slice %get3A_135 {offsets = [2], sizes = [1], strides = [1]} : vector<16xi32> to vector<1xi32>
      %squeeze3A_230 = vector.extract %slice3A_229[0] : i32 from vector<1xi32>
      %slice3A_231 = vector.extract_strided_slice %shift_right_logical3A_143 {offsets = [2], sizes = [1], strides = [1]} : vector<16xi32> to vector<1xi32>
      %squeeze3A_232 = vector.extract %slice3A_231[0] : i32 from vector<1xi32>
      %slice3A_233 = vector.extract_strided_slice %get3A_138 {offsets = [2], sizes = [1], strides = [1]} : vector<16xi32> to vector<1xi32>
      %squeeze3A_234 = vector.extract %slice3A_233[0] : i32 from vector<1xi32>
      %slice3A_235 = vector.extract_strided_slice %get3A_141 {offsets = [2], sizes = [1], strides = [1]} : vector<16xi32> to vector<1xi32>
      %squeeze3A_236 = vector.extract %slice3A_235[0] : i32 from vector<1xi32>
      %mul3A_237 = arith.constant 16 : i32
      %mul3A_238 = arith.muli %scan3A_129, %mul3A_237 : i32
      %add3A_239 = arith.constant 2 : i32
      %add3A_240 = arith.addi %mul3A_238, %add3A_239 : i32
      %dma_start3A_241 = arith.constant 0 : i32
      %dma_start3A_242 = tpu.memref_slice %arg16[%add3A_240, %dma_start3A_241] : memref<128x16xf32, #tpu.memory_space<vmem>> -> memref<1x16xf32, #tpu.memory_space<vmem>>
      %dma_start3A_243 = arith.constant 0 : i32
      %dma_start3A_244 = tpu.memref_slice %arg5[%squeeze3A_230, %dma_start3A_243] : memref<1000000x16xf32, #tpu.memory_space<hbm>> -> memref<1x16xf32, #tpu.memory_space<hbm>>
      %dma_start3A_245 = arith.constant 0 : i32
      %dma_start3A_246 = tpu.memref_slice %arg16[%add3A_240, %dma_start3A_245] : memref<128x16xf32, #tpu.memory_space<vmem>> -> memref<1x16xf32, #tpu.memory_space<vmem>>
      %dma_start3A_247 = arith.constant 0 : i32
      %dma_start3A_248 = tpu.memref_slice %arg5[%squeeze3A_230, %dma_start3A_247] : memref<1000000x16xf32, #tpu.memory_space<hbm>> -> memref<1x16xf32, #tpu.memory_space<hbm>>
      tpu.enqueue_dma source(%dma_start3A_248 : memref<1x16xf32, #tpu.memory_space<hbm>>) target(%dma_start3A_246 : memref<1x16xf32, #tpu.memory_space<vmem>>) target_semaphore(%arg20 : memref<!tpu.dma_semaphore, #tpu.memory_space<semaphore_mem>>)
      %dma_start3A_249 = arith.constant 0 : i32
      %dma_start3A_250 = tpu.memref_slice %arg17[%add3A_240, %dma_start3A_249] : memref<128x104xf32, #tpu.memory_space<vmem>> -> memref<1x104xf32, #tpu.memory_space<vmem>>
      %dma_start3A_251 = arith.constant 0 : i32
      %dma_start3A_252 = tpu.memref_slice %arg6[%squeeze3A_232, %dma_start3A_251] : memref<250000x104xf32, #tpu.memory_space<hbm>> -> memref<1x104xf32, #tpu.memory_space<hbm>>
      %dma_start3A_253 = arith.constant 0 : i32
      %dma_start3A_254 = tpu.memref_slice %arg17[%add3A_240, %dma_start3A_253] : memref<128x104xf32, #tpu.memory_space<vmem>> -> memref<1x104xf32, #tpu.memory_space<vmem>>
      %dma_start3A_255 = arith.constant 0 : i32
      %dma_start3A_256 = tpu.memref_slice %arg6[%squeeze3A_232, %dma_start3A_255] : memref<250000x104xf32, #tpu.memory_space<hbm>> -> memref<1x104xf32, #tpu.memory_space<hbm>>
      tpu.enqueue_dma source(%dma_start3A_256 : memref<1x104xf32, #tpu.memory_space<hbm>>) target(%dma_start3A_254 : memref<1x104xf32, #tpu.memory_space<vmem>>) target_semaphore(%arg21 : memref<!tpu.dma_semaphore, #tpu.memory_space<semaphore_mem>>)
      %dma_start3A_257 = arith.constant 0 : i32
      %dma_start3A_258 = tpu.memref_slice %arg18[%add3A_240, %dma_start3A_257] : memref<128x16xf32, #tpu.memory_space<vmem>> -> memref<1x16xf32, #tpu.memory_space<vmem>>
      %dma_start3A_259 = arith.constant 0 : i32
      %dma_start3A_260 = tpu.memref_slice %arg7[%squeeze3A_234, %dma_start3A_259] : memref<1000x16xf32, #tpu.memory_space<hbm>> -> memref<1x16xf32, #tpu.memory_space<hbm>>
      %dma_start3A_261 = arith.constant 0 : i32
      %dma_start3A_262 = tpu.memref_slice %arg18[%add3A_240, %dma_start3A_261] : memref<128x16xf32, #tpu.memory_space<vmem>> -> memref<1x16xf32, #tpu.memory_space<vmem>>
      %dma_start3A_263 = arith.constant 0 : i32
      %dma_start3A_264 = tpu.memref_slice %arg7[%squeeze3A_234, %dma_start3A_263] : memref<1000x16xf32, #tpu.memory_space<hbm>> -> memref<1x16xf32, #tpu.memory_space<hbm>>
      tpu.enqueue_dma source(%dma_start3A_264 : memref<1x16xf32, #tpu.memory_space<hbm>>) target(%dma_start3A_262 : memref<1x16xf32, #tpu.memory_space<vmem>>) target_semaphore(%arg22 : memref<!tpu.dma_semaphore, #tpu.memory_space<semaphore_mem>>)
      %dma_start3A_265 = arith.constant 0 : i32
      %dma_start3A_266 = tpu.memref_slice %arg19[%add3A_240, %dma_start3A_265] : memref<128x16xf32, #tpu.memory_space<vmem>> -> memref<1x16xf32, #tpu.memory_space<vmem>>
      %dma_start3A_267 = arith.constant 0 : i32
      %dma_start3A_268 = tpu.memref_slice %arg8[%squeeze3A_236, %dma_start3A_267] : memref<200x16xf32, #tpu.memory_space<hbm>> -> memref<1x16xf32, #tpu.memory_space<hbm>>
      %dma_start3A_269 = arith.constant 0 : i32
      %dma_start3A_270 = tpu.memref_slice %arg19[%add3A_240, %dma_start3A_269] : memref<128x16xf32, #tpu.memory_space<vmem>> -> memref<1x16xf32, #tpu.memory_space<vmem>>
      %dma_start3A_271 = arith.constant 0 : i32
      %dma_start3A_272 = tpu.memref_slice %arg8[%squeeze3A_236, %dma_start3A_271] : memref<200x16xf32, #tpu.memory_space<hbm>> -> memref<1x16xf32, #tpu.memory_space<hbm>>
      tpu.enqueue_dma source(%dma_start3A_272 : memref<1x16xf32, #tpu.memory_space<hbm>>) target(%dma_start3A_270 : memref<1x16xf32, #tpu.memory_space<vmem>>) target_semaphore(%arg23 : memref<!tpu.dma_semaphore, #tpu.memory_space<semaphore_mem>>)
      %slice3A_273 = vector.extract_strided_slice %get3A_135 {offsets = [3], sizes = [1], strides = [1]} : vector<16xi32> to vector<1xi32>
      %squeeze3A_274 = vector.extract %slice3A_273[0] : i32 from vector<1xi32>
      %slice3A_275 = vector.extract_strided_slice %shift_right_logical3A_143 {offsets = [3], sizes = [1], strides = [1]} : vector<16xi32> to vector<1xi32>
      %squeeze3A_276 = vector.extract %slice3A_275[0] : i32 from vector<1xi32>
      %slice3A_277 = vector.extract_strided_slice %get3A_138 {offsets = [3], sizes = [1], strides = [1]} : vector<16xi32> to vector<1xi32>
      %squeeze3A_278 = vector.extract %slice3A_277[0] : i32 from vector<1xi32>
      %slice3A_279 = vector.extract_strided_slice %get3A_141 {offsets = [3], sizes = [1], strides = [1]} : vector<16xi32> to vector<1xi32>
      %squeeze3A_280 = vector.extract %slice3A_279[0] : i32 from vector<1xi32>
      %mul3A_281 = arith.constant 16 : i32
      %mul3A_282 = arith.muli %scan3A_129, %mul3A_281 : i32
      %add3A_283 = arith.constant 3 : i32
      %add3A_284 = arith.addi %mul3A_282, %add3A_283 : i32
      %dma_start3A_285 = arith.constant 0 : i32
      %dma_start3A_286 = tpu.memref_slice %arg16[%add3A_284, %dma_start3A_285] : memref<128x16xf32, #tpu.memory_space<vmem>> -> memref<1x16xf32, #tpu.memory_space<vmem>>
      %dma_start3A_287 = arith.constant 0 : i32
      %dma_start3A_288 = tpu.memref_slice %arg5[%squeeze3A_274, %dma_start3A_287] : memref<1000000x16xf32, #tpu.memory_space<hbm>> -> memref<1x16xf32, #tpu.memory_space<hbm>>
      %dma_start3A_289 = arith.constant 0 : i32
      %dma_start3A_290 = tpu.memref_slice %arg16[%add3A_284, %dma_start3A_289] : memref<128x16xf32, #tpu.memory_space<vmem>> -> memref<1x16xf32, #tpu.memory_space<vmem>>
      %dma_start3A_291 = arith.constant 0 : i32
      %dma_start3A_292 = tpu.memref_slice %arg5[%squeeze3A_274, %dma_start3A_291] : memref<1000000x16xf32, #tpu.memory_space<hbm>> -> memref<1x16xf32, #tpu.memory_space<hbm>>
      tpu.enqueue_dma source(%dma_start3A_292 : memref<1x16xf32, #tpu.memory_space<hbm>>) target(%dma_start3A_290 : memref<1x16xf32, #tpu.memory_space<vmem>>) target_semaphore(%arg20 : memref<!tpu.dma_semaphore, #tpu.memory_space<semaphore_mem>>)
      %dma_start3A_293 = arith.constant 0 : i32
      %dma_start3A_294 = tpu.memref_slice %arg17[%add3A_284, %dma_start3A_293] : memref<128x104xf32, #tpu.memory_space<vmem>> -> memref<1x104xf32, #tpu.memory_space<vmem>>
      %dma_start3A_295 = arith.constant 0 : i32
      %dma_start3A_296 = tpu.memref_slice %arg6[%squeeze3A_276, %dma_start3A_295] : memref<250000x104xf32, #tpu.memory_space<hbm>> -> memref<1x104xf32, #tpu.memory_space<hbm>>
      %dma_start3A_297 = arith.constant 0 : i32
      %dma_start3A_298 = tpu.memref_slice %arg17[%add3A_284, %dma_start3A_297] : memref<128x104xf32, #tpu.memory_space<vmem>> -> memref<1x104xf32, #tpu.memory_space<vmem>>
      %dma_start3A_299 = arith.constant 0 : i32
      %dma_start3A_300 = tpu.memref_slice %arg6[%squeeze3A_276, %dma_start3A_299] : memref<250000x104xf32, #tpu.memory_space<hbm>> -> memref<1x104xf32, #tpu.memory_space<hbm>>
      tpu.enqueue_dma source(%dma_start3A_300 : memref<1x104xf32, #tpu.memory_space<hbm>>) target(%dma_start3A_298 : memref<1x104xf32, #tpu.memory_space<vmem>>) target_semaphore(%arg21 : memref<!tpu.dma_semaphore, #tpu.memory_space<semaphore_mem>>)
      %dma_start3A_301 = arith.constant 0 : i32
      %dma_start3A_302 = tpu.memref_slice %arg18[%add3A_284, %dma_start3A_301] : memref<128x16xf32, #tpu.memory_space<vmem>> -> memref<1x16xf32, #tpu.memory_space<vmem>>
      %dma_start3A_303 = arith.constant 0 : i32
      %dma_start3A_304 = tpu.memref_slice %arg7[%squeeze3A_278, %dma_start3A_303] : memref<1000x16xf32, #tpu.memory_space<hbm>> -> memref<1x16xf32, #tpu.memory_space<hbm>>
      %dma_start3A_305 = arith.constant 0 : i32
      %dma_start3A_306 = tpu.memref_slice %arg18[%add3A_284, %dma_start3A_305] : memref<128x16xf32, #tpu.memory_space<vmem>> -> memref<1x16xf32, #tpu.memory_space<vmem>>
      %dma_start3A_307 = arith.constant 0 : i32
      %dma_start3A_308 = tpu.memref_slice %arg7[%squeeze3A_278, %dma_start3A_307] : memref<1000x16xf32, #tpu.memory_space<hbm>> -> memref<1x16xf32, #tpu.memory_space<hbm>>
      tpu.enqueue_dma source(%dma_start3A_308 : memref<1x16xf32, #tpu.memory_space<hbm>>) target(%dma_start3A_306 : memref<1x16xf32, #tpu.memory_space<vmem>>) target_semaphore(%arg22 : memref<!tpu.dma_semaphore, #tpu.memory_space<semaphore_mem>>)
      %dma_start3A_309 = arith.constant 0 : i32
      %dma_start3A_310 = tpu.memref_slice %arg19[%add3A_284, %dma_start3A_309] : memref<128x16xf32, #tpu.memory_space<vmem>> -> memref<1x16xf32, #tpu.memory_space<vmem>>
      %dma_start3A_311 = arith.constant 0 : i32
      %dma_start3A_312 = tpu.memref_slice %arg8[%squeeze3A_280, %dma_start3A_311] : memref<200x16xf32, #tpu.memory_space<hbm>> -> memref<1x16xf32, #tpu.memory_space<hbm>>
      %dma_start3A_313 = arith.constant 0 : i32
      %dma_start3A_314 = tpu.memref_slice %arg19[%add3A_284, %dma_start3A_313] : memref<128x16xf32, #tpu.memory_space<vmem>> -> memref<1x16xf32, #tpu.memory_space<vmem>>
      %dma_start3A_315 = arith.constant 0 : i32
      %dma_start3A_316 = tpu.memref_slice %arg8[%squeeze3A_280, %dma_start3A_315] : memref<200x16xf32, #tpu.memory_space<hbm>> -> memref<1x16xf32, #tpu.memory_space<hbm>>
      tpu.enqueue_dma source(%dma_start3A_316 : memref<1x16xf32, #tpu.memory_space<hbm>>) target(%dma_start3A_314 : memref<1x16xf32, #tpu.memory_space<vmem>>) target_semaphore(%arg23 : memref<!tpu.dma_semaphore, #tpu.memory_space<semaphore_mem>>)
      %slice3A_317 = vector.extract_strided_slice %get3A_135 {offsets = [4], sizes = [1], strides = [1]} : vector<16xi32> to vector<1xi32>
      %squeeze3A_318 = vector.extract %slice3A_317[0] : i32 from vector<1xi32>
      %slice3A_319 = vector.extract_strided_slice %shift_right_logical3A_143 {offsets = [4], sizes = [1], strides = [1]} : vector<16xi32> to vector<1xi32>
      %squeeze3A_320 = vector.extract %slice3A_319[0] : i32 from vector<1xi32>
      %slice3A_321 = vector.extract_strided_slice %get3A_138 {offsets = [4], sizes = [1], strides = [1]} : vector<16xi32> to vector<1xi32>
      %squeeze3A_322 = vector.extract %slice3A_321[0] : i32 from vector<1xi32>
      %slice3A_323 = vector.extract_strided_slice %get3A_141 {offsets = [4], sizes = [1], strides = [1]} : vector<16xi32> to vector<1xi32>
      %squeeze3A_324 = vector.extract %slice3A_323[0] : i32 from vector<1xi32>
      %mul3A_325 = arith.constant 16 : i32
      %mul3A_326 = arith.muli %scan3A_129, %mul3A_325 : i32
      %add3A_327 = arith.constant 4 : i32
      %add3A_328 = arith.addi %mul3A_326, %add3A_327 : i32
      %dma_start3A_329 = arith.constant 0 : i32
      %dma_start3A_330 = tpu.memref_slice %arg16[%add3A_328, %dma_start3A_329] : memref<128x16xf32, #tpu.memory_space<vmem>> -> memref<1x16xf32, #tpu.memory_space<vmem>>
      %dma_start3A_331 = arith.constant 0 : i32
      %dma_start3A_332 = tpu.memref_slice %arg5[%squeeze3A_318, %dma_start3A_331] : memref<1000000x16xf32, #tpu.memory_space<hbm>> -> memref<1x16xf32, #tpu.memory_space<hbm>>
      %dma_start3A_333 = arith.constant 0 : i32
      %dma_start3A_334 = tpu.memref_slice %arg16[%add3A_328, %dma_start3A_333] : memref<128x16xf32, #tpu.memory_space<vmem>> -> memref<1x16xf32, #tpu.memory_space<vmem>>
      %dma_start3A_335 = arith.constant 0 : i32
      %dma_start3A_336 = tpu.memref_slice %arg5[%squeeze3A_318, %dma_start3A_335] : memref<1000000x16xf32, #tpu.memory_space<hbm>> -> memref<1x16xf32, #tpu.memory_space<hbm>>
      tpu.enqueue_dma source(%dma_start3A_336 : memref<1x16xf32, #tpu.memory_space<hbm>>) target(%dma_start3A_334 : memref<1x16xf32, #tpu.memory_space<vmem>>) target_semaphore(%arg20 : memref<!tpu.dma_semaphore, #tpu.memory_space<semaphore_mem>>)
      %dma_start3A_337 = arith.constant 0 : i32
      %dma_start3A_338 = tpu.memref_slice %arg17[%add3A_328, %dma_start3A_337] : memref<128x104xf32, #tpu.memory_space<vmem>> -> memref<1x104xf32, #tpu.memory_space<vmem>>
      %dma_start3A_339 = arith.constant 0 : i32
      %dma_start3A_340 = tpu.memref_slice %arg6[%squeeze3A_320, %dma_start3A_339] : memref<250000x104xf32, #tpu.memory_space<hbm>> -> memref<1x104xf32, #tpu.memory_space<hbm>>
      %dma_start3A_341 = arith.constant 0 : i32
      %dma_start3A_342 = tpu.memref_slice %arg17[%add3A_328, %dma_start3A_341] : memref<128x104xf32, #tpu.memory_space<vmem>> -> memref<1x104xf32, #tpu.memory_space<vmem>>
      %dma_start3A_343 = arith.constant 0 : i32
      %dma_start3A_344 = tpu.memref_slice %arg6[%squeeze3A_320, %dma_start3A_343] : memref<250000x104xf32, #tpu.memory_space<hbm>> -> memref<1x104xf32, #tpu.memory_space<hbm>>
      tpu.enqueue_dma source(%dma_start3A_344 : memref<1x104xf32, #tpu.memory_space<hbm>>) target(%dma_start3A_342 : memref<1x104xf32, #tpu.memory_space<vmem>>) target_semaphore(%arg21 : memref<!tpu.dma_semaphore, #tpu.memory_space<semaphore_mem>>)
      %dma_start3A_345 = arith.constant 0 : i32
      %dma_start3A_346 = tpu.memref_slice %arg18[%add3A_328, %dma_start3A_345] : memref<128x16xf32, #tpu.memory_space<vmem>> -> memref<1x16xf32, #tpu.memory_space<vmem>>
      %dma_start3A_347 = arith.constant 0 : i32
      %dma_start3A_348 = tpu.memref_slice %arg7[%squeeze3A_322, %dma_start3A_347] : memref<1000x16xf32, #tpu.memory_space<hbm>> -> memref<1x16xf32, #tpu.memory_space<hbm>>
      %dma_start3A_349 = arith.constant 0 : i32
      %dma_start3A_350 = tpu.memref_slice %arg18[%add3A_328, %dma_start3A_349] : memref<128x16xf32, #tpu.memory_space<vmem>> -> memref<1x16xf32, #tpu.memory_space<vmem>>
      %dma_start3A_351 = arith.constant 0 : i32
      %dma_start3A_352 = tpu.memref_slice %arg7[%squeeze3A_322, %dma_start3A_351] : memref<1000x16xf32, #tpu.memory_space<hbm>> -> memref<1x16xf32, #tpu.memory_space<hbm>>
      tpu.enqueue_dma source(%dma_start3A_352 : memref<1x16xf32, #tpu.memory_space<hbm>>) target(%dma_start3A_350 : memref<1x16xf32, #tpu.memory_space<vmem>>) target_semaphore(%arg22 : memref<!tpu.dma_semaphore, #tpu.memory_space<semaphore_mem>>)
      %dma_start3A_353 = arith.constant 0 : i32
      %dma_start3A_354 = tpu.memref_slice %arg19[%add3A_328, %dma_start3A_353] : memref<128x16xf32, #tpu.memory_space<vmem>> -> memref<1x16xf32, #tpu.memory_space<vmem>>
      %dma_start3A_355 = arith.constant 0 : i32
      %dma_start3A_356 = tpu.memref_slice %arg8[%squeeze3A_324, %dma_start3A_355] : memref<200x16xf32, #tpu.memory_space<hbm>> -> memref<1x16xf32, #tpu.memory_space<hbm>>
      %dma_start3A_357 = arith.constant 0 : i32
      %dma_start3A_358 = tpu.memref_slice %arg19[%add3A_328, %dma_start3A_357] : memref<128x16xf32, #tpu.memory_space<vmem>> -> memref<1x16xf32, #tpu.memory_space<vmem>>
      %dma_start3A_359 = arith.constant 0 : i32
      %dma_start3A_360 = tpu.memref_slice %arg8[%squeeze3A_324, %dma_start3A_359] : memref<200x16xf32, #tpu.memory_space<hbm>> -> memref<1x16xf32, #tpu.memory_space<hbm>>
      tpu.enqueue_dma source(%dma_start3A_360 : memref<1x16xf32, #tpu.memory_space<hbm>>) target(%dma_start3A_358 : memref<1x16xf32, #tpu.memory_space<vmem>>) target_semaphore(%arg23 : memref<!tpu.dma_semaphore, #tpu.memory_space<semaphore_mem>>)
      %slice3A_361 = vector.extract_strided_slice %get3A_135 {offsets = [5], sizes = [1], strides = [1]} : vector<16xi32> to vector<1xi32>
      %squeeze3A_362 = vector.extract %slice3A_361[0] : i32 from vector<1xi32>
      %slice3A_363 = vector.extract_strided_slice %shift_right_logical3A_143 {offsets = [5], sizes = [1], strides = [1]} : vector<16xi32> to vector<1xi32>
      %squeeze3A_364 = vector.extract %slice3A_363[0] : i32 from vector<1xi32>
      %slice3A_365 = vector.extract_strided_slice %get3A_138 {offsets = [5], sizes = [1], strides = [1]} : vector<16xi32> to vector<1xi32>
      %squeeze3A_366 = vector.extract %slice3A_365[0] : i32 from vector<1xi32>
      %slice3A_367 = vector.extract_strided_slice %get3A_141 {offsets = [5], sizes = [1], strides = [1]} : vector<16xi32> to vector<1xi32>
      %squeeze3A_368 = vector.extract %slice3A_367[0] : i32 from vector<1xi32>
      %mul3A_369 = arith.constant 16 : i32
      %mul3A_370 = arith.muli %scan3A_129, %mul3A_369 : i32
      %add3A_371 = arith.constant 5 : i32
      %add3A_372 = arith.addi %mul3A_370, %add3A_371 : i32
      %dma_start3A_373 = arith.constant 0 : i32
      %dma_start3A_374 = tpu.memref_slice %arg16[%add3A_372, %dma_start3A_373] : memref<128x16xf32, #tpu.memory_space<vmem>> -> memref<1x16xf32, #tpu.memory_space<vmem>>
      %dma_start3A_375 = arith.constant 0 : i32
      %dma_start3A_376 = tpu.memref_slice %arg5[%squeeze3A_362, %dma_start3A_375] : memref<1000000x16xf32, #tpu.memory_space<hbm>> -> memref<1x16xf32, #tpu.memory_space<hbm>>
      %dma_start3A_377 = arith.constant 0 : i32
      %dma_start3A_378 = tpu.memref_slice %arg16[%add3A_372, %dma_start3A_377] : memref<128x16xf32, #tpu.memory_space<vmem>> -> memref<1x16xf32, #tpu.memory_space<vmem>>
      %dma_start3A_379 = arith.constant 0 : i32
      %dma_start3A_380 = tpu.memref_slice %arg5[%squeeze3A_362, %dma_start3A_379] : memref<1000000x16xf32, #tpu.memory_space<hbm>> -> memref<1x16xf32, #tpu.memory_space<hbm>>
      tpu.enqueue_dma source(%dma_start3A_380 : memref<1x16xf32, #tpu.memory_space<hbm>>) target(%dma_start3A_378 : memref<1x16xf32, #tpu.memory_space<vmem>>) target_semaphore(%arg20 : memref<!tpu.dma_semaphore, #tpu.memory_space<semaphore_mem>>)
      %dma_start3A_381 = arith.constant 0 : i32
      %dma_start3A_382 = tpu.memref_slice %arg17[%add3A_372, %dma_start3A_381] : memref<128x104xf32, #tpu.memory_space<vmem>> -> memref<1x104xf32, #tpu.memory_space<vmem>>
      %dma_start3A_383 = arith.constant 0 : i32
      %dma_start3A_384 = tpu.memref_slice %arg6[%squeeze3A_364, %dma_start3A_383] : memref<250000x104xf32, #tpu.memory_space<hbm>> -> memref<1x104xf32, #tpu.memory_space<hbm>>
      %dma_start3A_385 = arith.constant 0 : i32
      %dma_start3A_386 = tpu.memref_slice %arg17[%add3A_372, %dma_start3A_385] : memref<128x104xf32, #tpu.memory_space<vmem>> -> memref<1x104xf32, #tpu.memory_space<vmem>>
      %dma_start3A_387 = arith.constant 0 : i32
      %dma_start3A_388 = tpu.memref_slice %arg6[%squeeze3A_364, %dma_start3A_387] : memref<250000x104xf32, #tpu.memory_space<hbm>> -> memref<1x104xf32, #tpu.memory_space<hbm>>
      tpu.enqueue_dma source(%dma_start3A_388 : memref<1x104xf32, #tpu.memory_space<hbm>>) target(%dma_start3A_386 : memref<1x104xf32, #tpu.memory_space<vmem>>) target_semaphore(%arg21 : memref<!tpu.dma_semaphore, #tpu.memory_space<semaphore_mem>>)
      %dma_start3A_389 = arith.constant 0 : i32
      %dma_start3A_390 = tpu.memref_slice %arg18[%add3A_372, %dma_start3A_389] : memref<128x16xf32, #tpu.memory_space<vmem>> -> memref<1x16xf32, #tpu.memory_space<vmem>>
      %dma_start3A_391 = arith.constant 0 : i32
      %dma_start3A_392 = tpu.memref_slice %arg7[%squeeze3A_366, %dma_start3A_391] : memref<1000x16xf32, #tpu.memory_space<hbm>> -> memref<1x16xf32, #tpu.memory_space<hbm>>
      %dma_start3A_393 = arith.constant 0 : i32
      %dma_start3A_394 = tpu.memref_slice %arg18[%add3A_372, %dma_start3A_393] : memref<128x16xf32, #tpu.memory_space<vmem>> -> memref<1x16xf32, #tpu.memory_space<vmem>>
      %dma_start3A_395 = arith.constant 0 : i32
      %dma_start3A_396 = tpu.memref_slice %arg7[%squeeze3A_366, %dma_start3A_395] : memref<1000x16xf32, #tpu.memory_space<hbm>> -> memref<1x16xf32, #tpu.memory_space<hbm>>
      tpu.enqueue_dma source(%dma_start3A_396 : memref<1x16xf32, #tpu.memory_space<hbm>>) target(%dma_start3A_394 : memref<1x16xf32, #tpu.memory_space<vmem>>) target_semaphore(%arg22 : memref<!tpu.dma_semaphore, #tpu.memory_space<semaphore_mem>>)
      %dma_start3A_397 = arith.constant 0 : i32
      %dma_start3A_398 = tpu.memref_slice %arg19[%add3A_372, %dma_start3A_397] : memref<128x16xf32, #tpu.memory_space<vmem>> -> memref<1x16xf32, #tpu.memory_space<vmem>>
      %dma_start3A_399 = arith.constant 0 : i32
      %dma_start3A_400 = tpu.memref_slice %arg8[%squeeze3A_368, %dma_start3A_399] : memref<200x16xf32, #tpu.memory_space<hbm>> -> memref<1x16xf32, #tpu.memory_space<hbm>>
      %dma_start3A_401 = arith.constant 0 : i32
      %dma_start3A_402 = tpu.memref_slice %arg19[%add3A_372, %dma_start3A_401] : memref<128x16xf32, #tpu.memory_space<vmem>> -> memref<1x16xf32, #tpu.memory_space<vmem>>
      %dma_start3A_403 = arith.constant 0 : i32
      %dma_start3A_404 = tpu.memref_slice %arg8[%squeeze3A_368, %dma_start3A_403] : memref<200x16xf32, #tpu.memory_space<hbm>> -> memref<1x16xf32, #tpu.memory_space<hbm>>
      tpu.enqueue_dma source(%dma_start3A_404 : memref<1x16xf32, #tpu.memory_space<hbm>>) target(%dma_start3A_402 : memref<1x16xf32, #tpu.memory_space<vmem>>) target_semaphore(%arg23 : memref<!tpu.dma_semaphore, #tpu.memory_space<semaphore_mem>>)
      %slice3A_405 = vector.extract_strided_slice %get3A_135 {offsets = [6], sizes = [1], strides = [1]} : vector<16xi32> to vector<1xi32>
      %squeeze3A_406 = vector.extract %slice3A_405[0] : i32 from vector<1xi32>
      %slice3A_407 = vector.extract_strided_slice %shift_right_logical3A_143 {offsets = [6], sizes = [1], strides = [1]} : vector<16xi32> to vector<1xi32>
      %squeeze3A_408 = vector.extract %slice3A_407[0] : i32 from vector<1xi32>
      %slice3A_409 = vector.extract_strided_slice %get3A_138 {offsets = [6], sizes = [1], strides = [1]} : vector<16xi32> to vector<1xi32>
      %squeeze3A_410 = vector.extract %slice3A_409[0] : i32 from vector<1xi32>
      %slice3A_411 = vector.extract_strided_slice %get3A_141 {offsets = [6], sizes = [1], strides = [1]} : vector<16xi32> to vector<1xi32>
      %squeeze3A_412 = vector.extract %slice3A_411[0] : i32 from vector<1xi32>
      %mul3A_413 = arith.constant 16 : i32
      %mul3A_414 = arith.muli %scan3A_129, %mul3A_413 : i32
      %add3A_415 = arith.constant 6 : i32
      %add3A_416 = arith.addi %mul3A_414, %add3A_415 : i32
      %dma_start3A_417 = arith.constant 0 : i32
      %dma_start3A_418 = tpu.memref_slice %arg16[%add3A_416, %dma_start3A_417] : memref<128x16xf32, #tpu.memory_space<vmem>> -> memref<1x16xf32, #tpu.memory_space<vmem>>
      %dma_start3A_419 = arith.constant 0 : i32
      %dma_start3A_420 = tpu.memref_slice %arg5[%squeeze3A_406, %dma_start3A_419] : memref<1000000x16xf32, #tpu.memory_space<hbm>> -> memref<1x16xf32, #tpu.memory_space<hbm>>
      %dma_start3A_421 = arith.constant 0 : i32
      %dma_start3A_422 = tpu.memref_slice %arg16[%add3A_416, %dma_start3A_421] : memref<128x16xf32, #tpu.memory_space<vmem>> -> memref<1x16xf32, #tpu.memory_space<vmem>>
      %dma_start3A_423 = arith.constant 0 : i32
      %dma_start3A_424 = tpu.memref_slice %arg5[%squeeze3A_406, %dma_start3A_423] : memref<1000000x16xf32, #tpu.memory_space<hbm>> -> memref<1x16xf32, #tpu.memory_space<hbm>>
      tpu.enqueue_dma source(%dma_start3A_424 : memref<1x16xf32, #tpu.memory_space<hbm>>) target(%dma_start3A_422 : memref<1x16xf32, #tpu.memory_space<vmem>>) target_semaphore(%arg20 : memref<!tpu.dma_semaphore, #tpu.memory_space<semaphore_mem>>)
      %dma_start3A_425 = arith.constant 0 : i32
      %dma_start3A_426 = tpu.memref_slice %arg17[%add3A_416, %dma_start3A_425] : memref<128x104xf32, #tpu.memory_space<vmem>> -> memref<1x104xf32, #tpu.memory_space<vmem>>
      %dma_start3A_427 = arith.constant 0 : i32
      %dma_start3A_428 = tpu.memref_slice %arg6[%squeeze3A_408, %dma_start3A_427] : memref<250000x104xf32, #tpu.memory_space<hbm>> -> memref<1x104xf32, #tpu.memory_space<hbm>>
      %dma_start3A_429 = arith.constant 0 : i32
      %dma_start3A_430 = tpu.memref_slice %arg17[%add3A_416, %dma_start3A_429] : memref<128x104xf32, #tpu.memory_space<vmem>> -> memref<1x104xf32, #tpu.memory_space<vmem>>
      %dma_start3A_431 = arith.constant 0 : i32
      %dma_start3A_432 = tpu.memref_slice %arg6[%squeeze3A_408, %dma_start3A_431] : memref<250000x104xf32, #tpu.memory_space<hbm>> -> memref<1x104xf32, #tpu.memory_space<hbm>>
      tpu.enqueue_dma source(%dma_start3A_432 : memref<1x104xf32, #tpu.memory_space<hbm>>) target(%dma_start3A_430 : memref<1x104xf32, #tpu.memory_space<vmem>>) target_semaphore(%arg21 : memref<!tpu.dma_semaphore, #tpu.memory_space<semaphore_mem>>)
      %dma_start3A_433 = arith.constant 0 : i32
      %dma_start3A_434 = tpu.memref_slice %arg18[%add3A_416, %dma_start3A_433] : memref<128x16xf32, #tpu.memory_space<vmem>> -> memref<1x16xf32, #tpu.memory_space<vmem>>
      %dma_start3A_435 = arith.constant 0 : i32
      %dma_start3A_436 = tpu.memref_slice %arg7[%squeeze3A_410, %dma_start3A_435] : memref<1000x16xf32, #tpu.memory_space<hbm>> -> memref<1x16xf32, #tpu.memory_space<hbm>>
      %dma_start3A_437 = arith.constant 0 : i32
      %dma_start3A_438 = tpu.memref_slice %arg18[%add3A_416, %dma_start3A_437] : memref<128x16xf32, #tpu.memory_space<vmem>> -> memref<1x16xf32, #tpu.memory_space<vmem>>
      %dma_start3A_439 = arith.constant 0 : i32
      %dma_start3A_440 = tpu.memref_slice %arg7[%squeeze3A_410, %dma_start3A_439] : memref<1000x16xf32, #tpu.memory_space<hbm>> -> memref<1x16xf32, #tpu.memory_space<hbm>>
      tpu.enqueue_dma source(%dma_start3A_440 : memref<1x16xf32, #tpu.memory_space<hbm>>) target(%dma_start3A_438 : memref<1x16xf32, #tpu.memory_space<vmem>>) target_semaphore(%arg22 : memref<!tpu.dma_semaphore, #tpu.memory_space<semaphore_mem>>)
      %dma_start3A_441 = arith.constant 0 : i32
      %dma_start3A_442 = tpu.memref_slice %arg19[%add3A_416, %dma_start3A_441] : memref<128x16xf32, #tpu.memory_space<vmem>> -> memref<1x16xf32, #tpu.memory_space<vmem>>
      %dma_start3A_443 = arith.constant 0 : i32
      %dma_start3A_444 = tpu.memref_slice %arg8[%squeeze3A_412, %dma_start3A_443] : memref<200x16xf32, #tpu.memory_space<hbm>> -> memref<1x16xf32, #tpu.memory_space<hbm>>
      %dma_start3A_445 = arith.constant 0 : i32
      %dma_start3A_446 = tpu.memref_slice %arg19[%add3A_416, %dma_start3A_445] : memref<128x16xf32, #tpu.memory_space<vmem>> -> memref<1x16xf32, #tpu.memory_space<vmem>>
      %dma_start3A_447 = arith.constant 0 : i32
      %dma_start3A_448 = tpu.memref_slice %arg8[%squeeze3A_412, %dma_start3A_447] : memref<200x16xf32, #tpu.memory_space<hbm>> -> memref<1x16xf32, #tpu.memory_space<hbm>>
      tpu.enqueue_dma source(%dma_start3A_448 : memref<1x16xf32, #tpu.memory_space<hbm>>) target(%dma_start3A_446 : memref<1x16xf32, #tpu.memory_space<vmem>>) target_semaphore(%arg23 : memref<!tpu.dma_semaphore, #tpu.memory_space<semaphore_mem>>)
      %slice3A_449 = vector.extract_strided_slice %get3A_135 {offsets = [7], sizes = [1], strides = [1]} : vector<16xi32> to vector<1xi32>
      %squeeze3A_450 = vector.extract %slice3A_449[0] : i32 from vector<1xi32>
      %slice3A_451 = vector.extract_strided_slice %shift_right_logical3A_143 {offsets = [7], sizes = [1], strides = [1]} : vector<16xi32> to vector<1xi32>
      %squeeze3A_452 = vector.extract %slice3A_451[0] : i32 from vector<1xi32>
      %slice3A_453 = vector.extract_strided_slice %get3A_138 {offsets = [7], sizes = [1], strides = [1]} : vector<16xi32> to vector<1xi32>
      %squeeze3A_454 = vector.extract %slice3A_453[0] : i32 from vector<1xi32>
      %slice3A_455 = vector.extract_strided_slice %get3A_141 {offsets = [7], sizes = [1], strides = [1]} : vector<16xi32> to vector<1xi32>
      %squeeze3A_456 = vector.extract %slice3A_455[0] : i32 from vector<1xi32>
      %mul3A_457 = arith.constant 16 : i32
      %mul3A_458 = arith.muli %scan3A_129, %mul3A_457 : i32
      %add3A_459 = arith.constant 7 : i32
      %add3A_460 = arith.addi %mul3A_458, %add3A_459 : i32
      %dma_start3A_461 = arith.constant 0 : i32
      %dma_start3A_462 = tpu.memref_slice %arg16[%add3A_460, %dma_start3A_461] : memref<128x16xf32, #tpu.memory_space<vmem>> -> memref<1x16xf32, #tpu.memory_space<vmem>>
      %dma_start3A_463 = arith.constant 0 : i32
      %dma_start3A_464 = tpu.memref_slice %arg5[%squeeze3A_450, %dma_start3A_463] : memref<1000000x16xf32, #tpu.memory_space<hbm>> -> memref<1x16xf32, #tpu.memory_space<hbm>>
      %dma_start3A_465 = arith.constant 0 : i32
      %dma_start3A_466 = tpu.memref_slice %arg16[%add3A_460, %dma_start3A_465] : memref<128x16xf32, #tpu.memory_space<vmem>> -> memref<1x16xf32, #tpu.memory_space<vmem>>
      %dma_start3A_467 = arith.constant 0 : i32
      %dma_start3A_468 = tpu.memref_slice %arg5[%squeeze3A_450, %dma_start3A_467] : memref<1000000x16xf32, #tpu.memory_space<hbm>> -> memref<1x16xf32, #tpu.memory_space<hbm>>
      tpu.enqueue_dma source(%dma_start3A_468 : memref<1x16xf32, #tpu.memory_space<hbm>>) target(%dma_start3A_466 : memref<1x16xf32, #tpu.memory_space<vmem>>) target_semaphore(%arg20 : memref<!tpu.dma_semaphore, #tpu.memory_space<semaphore_mem>>)
      %dma_start3A_469 = arith.constant 0 : i32
      %dma_start3A_470 = tpu.memref_slice %arg17[%add3A_460, %dma_start3A_469] : memref<128x104xf32, #tpu.memory_space<vmem>> -> memref<1x104xf32, #tpu.memory_space<vmem>>
      %dma_start3A_471 = arith.constant 0 : i32
      %dma_start3A_472 = tpu.memref_slice %arg6[%squeeze3A_452, %dma_start3A_471] : memref<250000x104xf32, #tpu.memory_space<hbm>> -> memref<1x104xf32, #tpu.memory_space<hbm>>
      %dma_start3A_473 = arith.constant 0 : i32
      %dma_start3A_474 = tpu.memref_slice %arg17[%add3A_460, %dma_start3A_473] : memref<128x104xf32, #tpu.memory_space<vmem>> -> memref<1x104xf32, #tpu.memory_space<vmem>>
      %dma_start3A_475 = arith.constant 0 : i32
      %dma_start3A_476 = tpu.memref_slice %arg6[%squeeze3A_452, %dma_start3A_475] : memref<250000x104xf32, #tpu.memory_space<hbm>> -> memref<1x104xf32, #tpu.memory_space<hbm>>
      tpu.enqueue_dma source(%dma_start3A_476 : memref<1x104xf32, #tpu.memory_space<hbm>>) target(%dma_start3A_474 : memref<1x104xf32, #tpu.memory_space<vmem>>) target_semaphore(%arg21 : memref<!tpu.dma_semaphore, #tpu.memory_space<semaphore_mem>>)
      %dma_start3A_477 = arith.constant 0 : i32
      %dma_start3A_478 = tpu.memref_slice %arg18[%add3A_460, %dma_start3A_477] : memref<128x16xf32, #tpu.memory_space<vmem>> -> memref<1x16xf32, #tpu.memory_space<vmem>>
      %dma_start3A_479 = arith.constant 0 : i32
      %dma_start3A_480 = tpu.memref_slice %arg7[%squeeze3A_454, %dma_start3A_479] : memref<1000x16xf32, #tpu.memory_space<hbm>> -> memref<1x16xf32, #tpu.memory_space<hbm>>
      %dma_start3A_481 = arith.constant 0 : i32
      %dma_start3A_482 = tpu.memref_slice %arg18[%add3A_460, %dma_start3A_481] : memref<128x16xf32, #tpu.memory_space<vmem>> -> memref<1x16xf32, #tpu.memory_space<vmem>>
      %dma_start3A_483 = arith.constant 0 : i32
      %dma_start3A_484 = tpu.memref_slice %arg7[%squeeze3A_454, %dma_start3A_483] : memref<1000x16xf32, #tpu.memory_space<hbm>> -> memref<1x16xf32, #tpu.memory_space<hbm>>
      tpu.enqueue_dma source(%dma_start3A_484 : memref<1x16xf32, #tpu.memory_space<hbm>>) target(%dma_start3A_482 : memref<1x16xf32, #tpu.memory_space<vmem>>) target_semaphore(%arg22 : memref<!tpu.dma_semaphore, #tpu.memory_space<semaphore_mem>>)
      %dma_start3A_485 = arith.constant 0 : i32
      %dma_start3A_486 = tpu.memref_slice %arg19[%add3A_460, %dma_start3A_485] : memref<128x16xf32, #tpu.memory_space<vmem>> -> memref<1x16xf32, #tpu.memory_space<vmem>>
      %dma_start3A_487 = arith.constant 0 : i32
      %dma_start3A_488 = tpu.memref_slice %arg8[%squeeze3A_456, %dma_start3A_487] : memref<200x16xf32, #tpu.memory_space<hbm>> -> memref<1x16xf32, #tpu.memory_space<hbm>>
      %dma_start3A_489 = arith.constant 0 : i32
      %dma_start3A_490 = tpu.memref_slice %arg19[%add3A_460, %dma_start3A_489] : memref<128x16xf32, #tpu.memory_space<vmem>> -> memref<1x16xf32, #tpu.memory_space<vmem>>
      %dma_start3A_491 = arith.constant 0 : i32
      %dma_start3A_492 = tpu.memref_slice %arg8[%squeeze3A_456, %dma_start3A_491] : memref<200x16xf32, #tpu.memory_space<hbm>> -> memref<1x16xf32, #tpu.memory_space<hbm>>
      tpu.enqueue_dma source(%dma_start3A_492 : memref<1x16xf32, #tpu.memory_space<hbm>>) target(%dma_start3A_490 : memref<1x16xf32, #tpu.memory_space<vmem>>) target_semaphore(%arg23 : memref<!tpu.dma_semaphore, #tpu.memory_space<semaphore_mem>>)
      %slice3A_493 = vector.extract_strided_slice %get3A_135 {offsets = [8], sizes = [1], strides = [1]} : vector<16xi32> to vector<1xi32>
      %squeeze3A_494 = vector.extract %slice3A_493[0] : i32 from vector<1xi32>
      %slice3A_495 = vector.extract_strided_slice %shift_right_logical3A_143 {offsets = [8], sizes = [1], strides = [1]} : vector<16xi32> to vector<1xi32>
      %squeeze3A_496 = vector.extract %slice3A_495[0] : i32 from vector<1xi32>
      %slice3A_497 = vector.extract_strided_slice %get3A_138 {offsets = [8], sizes = [1], strides = [1]} : vector<16xi32> to vector<1xi32>
      %squeeze3A_498 = vector.extract %slice3A_497[0] : i32 from vector<1xi32>
      %slice3A_499 = vector.extract_strided_slice %get3A_141 {offsets = [8], sizes = [1], strides = [1]} : vector<16xi32> to vector<1xi32>
      %squeeze3A_500 = vector.extract %slice3A_499[0] : i32 from vector<1xi32>
      %mul3A_501 = arith.constant 16 : i32
      %mul3A_502 = arith.muli %scan3A_129, %mul3A_501 : i32
      %add3A_503 = arith.constant 8 : i32
      %add3A_504 = arith.addi %mul3A_502, %add3A_503 : i32
      %dma_start3A_505 = arith.constant 0 : i32
      %dma_start3A_506 = tpu.memref_slice %arg16[%add3A_504, %dma_start3A_505] : memref<128x16xf32, #tpu.memory_space<vmem>> -> memref<1x16xf32, #tpu.memory_space<vmem>>
      %dma_start3A_507 = arith.constant 0 : i32
      %dma_start3A_508 = tpu.memref_slice %arg5[%squeeze3A_494, %dma_start3A_507] : memref<1000000x16xf32, #tpu.memory_space<hbm>> -> memref<1x16xf32, #tpu.memory_space<hbm>>
      %dma_start3A_509 = arith.constant 0 : i32
      %dma_start3A_510 = tpu.memref_slice %arg16[%add3A_504, %dma_start3A_509] : memref<128x16xf32, #tpu.memory_space<vmem>> -> memref<1x16xf32, #tpu.memory_space<vmem>>
      %dma_start3A_511 = arith.constant 0 : i32
      %dma_start3A_512 = tpu.memref_slice %arg5[%squeeze3A_494, %dma_start3A_511] : memref<1000000x16xf32, #tpu.memory_space<hbm>> -> memref<1x16xf32, #tpu.memory_space<hbm>>
      tpu.enqueue_dma source(%dma_start3A_512 : memref<1x16xf32, #tpu.memory_space<hbm>>) target(%dma_start3A_510 : memref<1x16xf32, #tpu.memory_space<vmem>>) target_semaphore(%arg20 : memref<!tpu.dma_semaphore, #tpu.memory_space<semaphore_mem>>)
      %dma_start3A_513 = arith.constant 0 : i32
      %dma_start3A_514 = tpu.memref_slice %arg17[%add3A_504, %dma_start3A_513] : memref<128x104xf32, #tpu.memory_space<vmem>> -> memref<1x104xf32, #tpu.memory_space<vmem>>
      %dma_start3A_515 = arith.constant 0 : i32
      %dma_start3A_516 = tpu.memref_slice %arg6[%squeeze3A_496, %dma_start3A_515] : memref<250000x104xf32, #tpu.memory_space<hbm>> -> memref<1x104xf32, #tpu.memory_space<hbm>>
      %dma_start3A_517 = arith.constant 0 : i32
      %dma_start3A_518 = tpu.memref_slice %arg17[%add3A_504, %dma_start3A_517] : memref<128x104xf32, #tpu.memory_space<vmem>> -> memref<1x104xf32, #tpu.memory_space<vmem>>
      %dma_start3A_519 = arith.constant 0 : i32
      %dma_start3A_520 = tpu.memref_slice %arg6[%squeeze3A_496, %dma_start3A_519] : memref<250000x104xf32, #tpu.memory_space<hbm>> -> memref<1x104xf32, #tpu.memory_space<hbm>>
      tpu.enqueue_dma source(%dma_start3A_520 : memref<1x104xf32, #tpu.memory_space<hbm>>) target(%dma_start3A_518 : memref<1x104xf32, #tpu.memory_space<vmem>>) target_semaphore(%arg21 : memref<!tpu.dma_semaphore, #tpu.memory_space<semaphore_mem>>)
      %dma_start3A_521 = arith.constant 0 : i32
      %dma_start3A_522 = tpu.memref_slice %arg18[%add3A_504, %dma_start3A_521] : memref<128x16xf32, #tpu.memory_space<vmem>> -> memref<1x16xf32, #tpu.memory_space<vmem>>
      %dma_start3A_523 = arith.constant 0 : i32
      %dma_start3A_524 = tpu.memref_slice %arg7[%squeeze3A_498, %dma_start3A_523] : memref<1000x16xf32, #tpu.memory_space<hbm>> -> memref<1x16xf32, #tpu.memory_space<hbm>>
      %dma_start3A_525 = arith.constant 0 : i32
      %dma_start3A_526 = tpu.memref_slice %arg18[%add3A_504, %dma_start3A_525] : memref<128x16xf32, #tpu.memory_space<vmem>> -> memref<1x16xf32, #tpu.memory_space<vmem>>
      %dma_start3A_527 = arith.constant 0 : i32
      %dma_start3A_528 = tpu.memref_slice %arg7[%squeeze3A_498, %dma_start3A_527] : memref<1000x16xf32, #tpu.memory_space<hbm>> -> memref<1x16xf32, #tpu.memory_space<hbm>>
      tpu.enqueue_dma source(%dma_start3A_528 : memref<1x16xf32, #tpu.memory_space<hbm>>) target(%dma_start3A_526 : memref<1x16xf32, #tpu.memory_space<vmem>>) target_semaphore(%arg22 : memref<!tpu.dma_semaphore, #tpu.memory_space<semaphore_mem>>)
      %dma_start3A_529 = arith.constant 0 : i32
      %dma_start3A_530 = tpu.memref_slice %arg19[%add3A_504, %dma_start3A_529] : memref<128x16xf32, #tpu.memory_space<vmem>> -> memref<1x16xf32, #tpu.memory_space<vmem>>
      %dma_start3A_531 = arith.constant 0 : i32
      %dma_start3A_532 = tpu.memref_slice %arg8[%squeeze3A_500, %dma_start3A_531] : memref<200x16xf32, #tpu.memory_space<hbm>> -> memref<1x16xf32, #tpu.memory_space<hbm>>
      %dma_start3A_533 = arith.constant 0 : i32
      %dma_start3A_534 = tpu.memref_slice %arg19[%add3A_504, %dma_start3A_533] : memref<128x16xf32, #tpu.memory_space<vmem>> -> memref<1x16xf32, #tpu.memory_space<vmem>>
      %dma_start3A_535 = arith.constant 0 : i32
      %dma_start3A_536 = tpu.memref_slice %arg8[%squeeze3A_500, %dma_start3A_535] : memref<200x16xf32, #tpu.memory_space<hbm>> -> memref<1x16xf32, #tpu.memory_space<hbm>>
      tpu.enqueue_dma source(%dma_start3A_536 : memref<1x16xf32, #tpu.memory_space<hbm>>) target(%dma_start3A_534 : memref<1x16xf32, #tpu.memory_space<vmem>>) target_semaphore(%arg23 : memref<!tpu.dma_semaphore, #tpu.memory_space<semaphore_mem>>)
      %slice3A_537 = vector.extract_strided_slice %get3A_135 {offsets = [9], sizes = [1], strides = [1]} : vector<16xi32> to vector<1xi32>
      %squeeze3A_538 = vector.extract %slice3A_537[0] : i32 from vector<1xi32>
      %slice3A_539 = vector.extract_strided_slice %shift_right_logical3A_143 {offsets = [9], sizes = [1], strides = [1]} : vector<16xi32> to vector<1xi32>
      %squeeze3A_540 = vector.extract %slice3A_539[0] : i32 from vector<1xi32>
      %slice3A_541 = vector.extract_strided_slice %get3A_138 {offsets = [9], sizes = [1], strides = [1]} : vector<16xi32> to vector<1xi32>
      %squeeze3A_542 = vector.extract %slice3A_541[0] : i32 from vector<1xi32>
      %slice3A_543 = vector.extract_strided_slice %get3A_141 {offsets = [9], sizes = [1], strides = [1]} : vector<16xi32> to vector<1xi32>
      %squeeze3A_544 = vector.extract %slice3A_543[0] : i32 from vector<1xi32>
      %mul3A_545 = arith.constant 16 : i32
      %mul3A_546 = arith.muli %scan3A_129, %mul3A_545 : i32
      %add3A_547 = arith.constant 9 : i32
      %add3A_548 = arith.addi %mul3A_546, %add3A_547 : i32
      %dma_start3A_549 = arith.constant 0 : i32
      %dma_start3A_550 = tpu.memref_slice %arg16[%add3A_548, %dma_start3A_549] : memref<128x16xf32, #tpu.memory_space<vmem>> -> memref<1x16xf32, #tpu.memory_space<vmem>>
      %dma_start3A_551 = arith.constant 0 : i32
      %dma_start3A_552 = tpu.memref_slice %arg5[%squeeze3A_538, %dma_start3A_551] : memref<1000000x16xf32, #tpu.memory_space<hbm>> -> memref<1x16xf32, #tpu.memory_space<hbm>>
      %dma_start3A_553 = arith.constant 0 : i32
      %dma_start3A_554 = tpu.memref_slice %arg16[%add3A_548, %dma_start3A_553] : memref<128x16xf32, #tpu.memory_space<vmem>> -> memref<1x16xf32, #tpu.memory_space<vmem>>
      %dma_start3A_555 = arith.constant 0 : i32
      %dma_start3A_556 = tpu.memref_slice %arg5[%squeeze3A_538, %dma_start3A_555] : memref<1000000x16xf32, #tpu.memory_space<hbm>> -> memref<1x16xf32, #tpu.memory_space<hbm>>
      tpu.enqueue_dma source(%dma_start3A_556 : memref<1x16xf32, #tpu.memory_space<hbm>>) target(%dma_start3A_554 : memref<1x16xf32, #tpu.memory_space<vmem>>) target_semaphore(%arg20 : memref<!tpu.dma_semaphore, #tpu.memory_space<semaphore_mem>>)
      %dma_start3A_557 = arith.constant 0 : i32
      %dma_start3A_558 = tpu.memref_slice %arg17[%add3A_548, %dma_start3A_557] : memref<128x104xf32, #tpu.memory_space<vmem>> -> memref<1x104xf32, #tpu.memory_space<vmem>>
      %dma_start3A_559 = arith.constant 0 : i32
      %dma_start3A_560 = tpu.memref_slice %arg6[%squeeze3A_540, %dma_start3A_559] : memref<250000x104xf32, #tpu.memory_space<hbm>> -> memref<1x104xf32, #tpu.memory_space<hbm>>
      %dma_start3A_561 = arith.constant 0 : i32
      %dma_start3A_562 = tpu.memref_slice %arg17[%add3A_548, %dma_start3A_561] : memref<128x104xf32, #tpu.memory_space<vmem>> -> memref<1x104xf32, #tpu.memory_space<vmem>>
      %dma_start3A_563 = arith.constant 0 : i32
      %dma_start3A_564 = tpu.memref_slice %arg6[%squeeze3A_540, %dma_start3A_563] : memref<250000x104xf32, #tpu.memory_space<hbm>> -> memref<1x104xf32, #tpu.memory_space<hbm>>
      tpu.enqueue_dma source(%dma_start3A_564 : memref<1x104xf32, #tpu.memory_space<hbm>>) target(%dma_start3A_562 : memref<1x104xf32, #tpu.memory_space<vmem>>) target_semaphore(%arg21 : memref<!tpu.dma_semaphore, #tpu.memory_space<semaphore_mem>>)
      %dma_start3A_565 = arith.constant 0 : i32
      %dma_start3A_566 = tpu.memref_slice %arg18[%add3A_548, %dma_start3A_565] : memref<128x16xf32, #tpu.memory_space<vmem>> -> memref<1x16xf32, #tpu.memory_space<vmem>>
      %dma_start3A_567 = arith.constant 0 : i32
      %dma_start3A_568 = tpu.memref_slice %arg7[%squeeze3A_542, %dma_start3A_567] : memref<1000x16xf32, #tpu.memory_space<hbm>> -> memref<1x16xf32, #tpu.memory_space<hbm>>
      %dma_start3A_569 = arith.constant 0 : i32
      %dma_start3A_570 = tpu.memref_slice %arg18[%add3A_548, %dma_start3A_569] : memref<128x16xf32, #tpu.memory_space<vmem>> -> memref<1x16xf32, #tpu.memory_space<vmem>>
      %dma_start3A_571 = arith.constant 0 : i32
      %dma_start3A_572 = tpu.memref_slice %arg7[%squeeze3A_542, %dma_start3A_571] : memref<1000x16xf32, #tpu.memory_space<hbm>> -> memref<1x16xf32, #tpu.memory_space<hbm>>
      tpu.enqueue_dma source(%dma_start3A_572 : memref<1x16xf32, #tpu.memory_space<hbm>>) target(%dma_start3A_570 : memref<1x16xf32, #tpu.memory_space<vmem>>) target_semaphore(%arg22 : memref<!tpu.dma_semaphore, #tpu.memory_space<semaphore_mem>>)
      %dma_start3A_573 = arith.constant 0 : i32
      %dma_start3A_574 = tpu.memref_slice %arg19[%add3A_548, %dma_start3A_573] : memref<128x16xf32, #tpu.memory_space<vmem>> -> memref<1x16xf32, #tpu.memory_space<vmem>>
      %dma_start3A_575 = arith.constant 0 : i32
      %dma_start3A_576 = tpu.memref_slice %arg8[%squeeze3A_544, %dma_start3A_575] : memref<200x16xf32, #tpu.memory_space<hbm>> -> memref<1x16xf32, #tpu.memory_space<hbm>>
      %dma_start3A_577 = arith.constant 0 : i32
      %dma_start3A_578 = tpu.memref_slice %arg19[%add3A_548, %dma_start3A_577] : memref<128x16xf32, #tpu.memory_space<vmem>> -> memref<1x16xf32, #tpu.memory_space<vmem>>
      %dma_start3A_579 = arith.constant 0 : i32
      %dma_start3A_580 = tpu.memref_slice %arg8[%squeeze3A_544, %dma_start3A_579] : memref<200x16xf32, #tpu.memory_space<hbm>> -> memref<1x16xf32, #tpu.memory_space<hbm>>
      tpu.enqueue_dma source(%dma_start3A_580 : memref<1x16xf32, #tpu.memory_space<hbm>>) target(%dma_start3A_578 : memref<1x16xf32, #tpu.memory_space<vmem>>) target_semaphore(%arg23 : memref<!tpu.dma_semaphore, #tpu.memory_space<semaphore_mem>>)
      %slice3A_581 = vector.extract_strided_slice %get3A_135 {offsets = [10], sizes = [1], strides = [1]} : vector<16xi32> to vector<1xi32>
      %squeeze3A_582 = vector.extract %slice3A_581[0] : i32 from vector<1xi32>
      %slice3A_583 = vector.extract_strided_slice %shift_right_logical3A_143 {offsets = [10], sizes = [1], strides = [1]} : vector<16xi32> to vector<1xi32>
      %squeeze3A_584 = vector.extract %slice3A_583[0] : i32 from vector<1xi32>
      %slice3A_585 = vector.extract_strided_slice %get3A_138 {offsets = [10], sizes = [1], strides = [1]} : vector<16xi32> to vector<1xi32>
      %squeeze3A_586 = vector.extract %slice3A_585[0] : i32 from vector<1xi32>
      %slice3A_587 = vector.extract_strided_slice %get3A_141 {offsets = [10], sizes = [1], strides = [1]} : vector<16xi32> to vector<1xi32>
      %squeeze3A_588 = vector.extract %slice3A_587[0] : i32 from vector<1xi32>
      %mul3A_589 = arith.constant 16 : i32
      %mul3A_590 = arith.muli %scan3A_129, %mul3A_589 : i32
      %add3A_591 = arith.constant 10 : i32
      %add3A_592 = arith.addi %mul3A_590, %add3A_591 : i32
      %dma_start3A_593 = arith.constant 0 : i32
      %dma_start3A_594 = tpu.memref_slice %arg16[%add3A_592, %dma_start3A_593] : memref<128x16xf32, #tpu.memory_space<vmem>> -> memref<1x16xf32, #tpu.memory_space<vmem>>
      %dma_start3A_595 = arith.constant 0 : i32
      %dma_start3A_596 = tpu.memref_slice %arg5[%squeeze3A_582, %dma_start3A_595] : memref<1000000x16xf32, #tpu.memory_space<hbm>> -> memref<1x16xf32, #tpu.memory_space<hbm>>
      %dma_start3A_597 = arith.constant 0 : i32
      %dma_start3A_598 = tpu.memref_slice %arg16[%add3A_592, %dma_start3A_597] : memref<128x16xf32, #tpu.memory_space<vmem>> -> memref<1x16xf32, #tpu.memory_space<vmem>>
      %dma_start3A_599 = arith.constant 0 : i32
      %dma_start3A_600 = tpu.memref_slice %arg5[%squeeze3A_582, %dma_start3A_599] : memref<1000000x16xf32, #tpu.memory_space<hbm>> -> memref<1x16xf32, #tpu.memory_space<hbm>>
      tpu.enqueue_dma source(%dma_start3A_600 : memref<1x16xf32, #tpu.memory_space<hbm>>) target(%dma_start3A_598 : memref<1x16xf32, #tpu.memory_space<vmem>>) target_semaphore(%arg20 : memref<!tpu.dma_semaphore, #tpu.memory_space<semaphore_mem>>)
      %dma_start3A_601 = arith.constant 0 : i32
      %dma_start3A_602 = tpu.memref_slice %arg17[%add3A_592, %dma_start3A_601] : memref<128x104xf32, #tpu.memory_space<vmem>> -> memref<1x104xf32, #tpu.memory_space<vmem>>
      %dma_start3A_603 = arith.constant 0 : i32
      %dma_start3A_604 = tpu.memref_slice %arg6[%squeeze3A_584, %dma_start3A_603] : memref<250000x104xf32, #tpu.memory_space<hbm>> -> memref<1x104xf32, #tpu.memory_space<hbm>>
      %dma_start3A_605 = arith.constant 0 : i32
      %dma_start3A_606 = tpu.memref_slice %arg17[%add3A_592, %dma_start3A_605] : memref<128x104xf32, #tpu.memory_space<vmem>> -> memref<1x104xf32, #tpu.memory_space<vmem>>
      %dma_start3A_607 = arith.constant 0 : i32
      %dma_start3A_608 = tpu.memref_slice %arg6[%squeeze3A_584, %dma_start3A_607] : memref<250000x104xf32, #tpu.memory_space<hbm>> -> memref<1x104xf32, #tpu.memory_space<hbm>>
      tpu.enqueue_dma source(%dma_start3A_608 : memref<1x104xf32, #tpu.memory_space<hbm>>) target(%dma_start3A_606 : memref<1x104xf32, #tpu.memory_space<vmem>>) target_semaphore(%arg21 : memref<!tpu.dma_semaphore, #tpu.memory_space<semaphore_mem>>)
      %dma_start3A_609 = arith.constant 0 : i32
      %dma_start3A_610 = tpu.memref_slice %arg18[%add3A_592, %dma_start3A_609] : memref<128x16xf32, #tpu.memory_space<vmem>> -> memref<1x16xf32, #tpu.memory_space<vmem>>
      %dma_start3A_611 = arith.constant 0 : i32
      %dma_start3A_612 = tpu.memref_slice %arg7[%squeeze3A_586, %dma_start3A_611] : memref<1000x16xf32, #tpu.memory_space<hbm>> -> memref<1x16xf32, #tpu.memory_space<hbm>>
      %dma_start3A_613 = arith.constant 0 : i32
      %dma_start3A_614 = tpu.memref_slice %arg18[%add3A_592, %dma_start3A_613] : memref<128x16xf32, #tpu.memory_space<vmem>> -> memref<1x16xf32, #tpu.memory_space<vmem>>
      %dma_start3A_615 = arith.constant 0 : i32
      %dma_start3A_616 = tpu.memref_slice %arg7[%squeeze3A_586, %dma_start3A_615] : memref<1000x16xf32, #tpu.memory_space<hbm>> -> memref<1x16xf32, #tpu.memory_space<hbm>>
      tpu.enqueue_dma source(%dma_start3A_616 : memref<1x16xf32, #tpu.memory_space<hbm>>) target(%dma_start3A_614 : memref<1x16xf32, #tpu.memory_space<vmem>>) target_semaphore(%arg22 : memref<!tpu.dma_semaphore, #tpu.memory_space<semaphore_mem>>)
      %dma_start3A_617 = arith.constant 0 : i32
      %dma_start3A_618 = tpu.memref_slice %arg19[%add3A_592, %dma_start3A_617] : memref<128x16xf32, #tpu.memory_space<vmem>> -> memref<1x16xf32, #tpu.memory_space<vmem>>
      %dma_start3A_619 = arith.constant 0 : i32
      %dma_start3A_620 = tpu.memref_slice %arg8[%squeeze3A_588, %dma_start3A_619] : memref<200x16xf32, #tpu.memory_space<hbm>> -> memref<1x16xf32, #tpu.memory_space<hbm>>
      %dma_start3A_621 = arith.constant 0 : i32
      %dma_start3A_622 = tpu.memref_slice %arg19[%add3A_592, %dma_start3A_621] : memref<128x16xf32, #tpu.memory_space<vmem>> -> memref<1x16xf32, #tpu.memory_space<vmem>>
      %dma_start3A_623 = arith.constant 0 : i32
      %dma_start3A_624 = tpu.memref_slice %arg8[%squeeze3A_588, %dma_start3A_623] : memref<200x16xf32, #tpu.memory_space<hbm>> -> memref<1x16xf32, #tpu.memory_space<hbm>>
      tpu.enqueue_dma source(%dma_start3A_624 : memref<1x16xf32, #tpu.memory_space<hbm>>) target(%dma_start3A_622 : memref<1x16xf32, #tpu.memory_space<vmem>>) target_semaphore(%arg23 : memref<!tpu.dma_semaphore, #tpu.memory_space<semaphore_mem>>)
      %slice3A_625 = vector.extract_strided_slice %get3A_135 {offsets = [11], sizes = [1], strides = [1]} : vector<16xi32> to vector<1xi32>
      %squeeze3A_626 = vector.extract %slice3A_625[0] : i32 from vector<1xi32>
      %slice3A_627 = vector.extract_strided_slice %shift_right_logical3A_143 {offsets = [11], sizes = [1], strides = [1]} : vector<16xi32> to vector<1xi32>
      %squeeze3A_628 = vector.extract %slice3A_627[0] : i32 from vector<1xi32>
      %slice3A_629 = vector.extract_strided_slice %get3A_138 {offsets = [11], sizes = [1], strides = [1]} : vector<16xi32> to vector<1xi32>
      %squeeze3A_630 = vector.extract %slice3A_629[0] : i32 from vector<1xi32>
      %slice3A_631 = vector.extract_strided_slice %get3A_141 {offsets = [11], sizes = [1], strides = [1]} : vector<16xi32> to vector<1xi32>
      %squeeze3A_632 = vector.extract %slice3A_631[0] : i32 from vector<1xi32>
      %mul3A_633 = arith.constant 16 : i32
      %mul3A_634 = arith.muli %scan3A_129, %mul3A_633 : i32
      %add3A_635 = arith.constant 11 : i32
      %add3A_636 = arith.addi %mul3A_634, %add3A_635 : i32
      %dma_start3A_637 = arith.constant 0 : i32
      %dma_start3A_638 = tpu.memref_slice %arg16[%add3A_636, %dma_start3A_637] : memref<128x16xf32, #tpu.memory_space<vmem>> -> memref<1x16xf32, #tpu.memory_space<vmem>>
      %dma_start3A_639 = arith.constant 0 : i32
      %dma_start3A_640 = tpu.memref_slice %arg5[%squeeze3A_626, %dma_start3A_639] : memref<1000000x16xf32, #tpu.memory_space<hbm>> -> memref<1x16xf32, #tpu.memory_space<hbm>>
      %dma_start3A_641 = arith.constant 0 : i32
      %dma_start3A_642 = tpu.memref_slice %arg16[%add3A_636, %dma_start3A_641] : memref<128x16xf32, #tpu.memory_space<vmem>> -> memref<1x16xf32, #tpu.memory_space<vmem>>
      %dma_start3A_643 = arith.constant 0 : i32
      %dma_start3A_644 = tpu.memref_slice %arg5[%squeeze3A_626, %dma_start3A_643] : memref<1000000x16xf32, #tpu.memory_space<hbm>> -> memref<1x16xf32, #tpu.memory_space<hbm>>
      tpu.enqueue_dma source(%dma_start3A_644 : memref<1x16xf32, #tpu.memory_space<hbm>>) target(%dma_start3A_642 : memref<1x16xf32, #tpu.memory_space<vmem>>) target_semaphore(%arg20 : memref<!tpu.dma_semaphore, #tpu.memory_space<semaphore_mem>>)
      %dma_start3A_645 = arith.constant 0 : i32
      %dma_start3A_646 = tpu.memref_slice %arg17[%add3A_636, %dma_start3A_645] : memref<128x104xf32, #tpu.memory_space<vmem>> -> memref<1x104xf32, #tpu.memory_space<vmem>>
      %dma_start3A_647 = arith.constant 0 : i32
      %dma_start3A_648 = tpu.memref_slice %arg6[%squeeze3A_628, %dma_start3A_647] : memref<250000x104xf32, #tpu.memory_space<hbm>> -> memref<1x104xf32, #tpu.memory_space<hbm>>
      %dma_start3A_649 = arith.constant 0 : i32
      %dma_start3A_650 = tpu.memref_slice %arg17[%add3A_636, %dma_start3A_649] : memref<128x104xf32, #tpu.memory_space<vmem>> -> memref<1x104xf32, #tpu.memory_space<vmem>>
      %dma_start3A_651 = arith.constant 0 : i32
      %dma_start3A_652 = tpu.memref_slice %arg6[%squeeze3A_628, %dma_start3A_651] : memref<250000x104xf32, #tpu.memory_space<hbm>> -> memref<1x104xf32, #tpu.memory_space<hbm>>
      tpu.enqueue_dma source(%dma_start3A_652 : memref<1x104xf32, #tpu.memory_space<hbm>>) target(%dma_start3A_650 : memref<1x104xf32, #tpu.memory_space<vmem>>) target_semaphore(%arg21 : memref<!tpu.dma_semaphore, #tpu.memory_space<semaphore_mem>>)
      %dma_start3A_653 = arith.constant 0 : i32
      %dma_start3A_654 = tpu.memref_slice %arg18[%add3A_636, %dma_start3A_653] : memref<128x16xf32, #tpu.memory_space<vmem>> -> memref<1x16xf32, #tpu.memory_space<vmem>>
      %dma_start3A_655 = arith.constant 0 : i32
      %dma_start3A_656 = tpu.memref_slice %arg7[%squeeze3A_630, %dma_start3A_655] : memref<1000x16xf32, #tpu.memory_space<hbm>> -> memref<1x16xf32, #tpu.memory_space<hbm>>
      %dma_start3A_657 = arith.constant 0 : i32
      %dma_start3A_658 = tpu.memref_slice %arg18[%add3A_636, %dma_start3A_657] : memref<128x16xf32, #tpu.memory_space<vmem>> -> memref<1x16xf32, #tpu.memory_space<vmem>>
      %dma_start3A_659 = arith.constant 0 : i32
      %dma_start3A_660 = tpu.memref_slice %arg7[%squeeze3A_630, %dma_start3A_659] : memref<1000x16xf32, #tpu.memory_space<hbm>> -> memref<1x16xf32, #tpu.memory_space<hbm>>
      tpu.enqueue_dma source(%dma_start3A_660 : memref<1x16xf32, #tpu.memory_space<hbm>>) target(%dma_start3A_658 : memref<1x16xf32, #tpu.memory_space<vmem>>) target_semaphore(%arg22 : memref<!tpu.dma_semaphore, #tpu.memory_space<semaphore_mem>>)
      %dma_start3A_661 = arith.constant 0 : i32
      %dma_start3A_662 = tpu.memref_slice %arg19[%add3A_636, %dma_start3A_661] : memref<128x16xf32, #tpu.memory_space<vmem>> -> memref<1x16xf32, #tpu.memory_space<vmem>>
      %dma_start3A_663 = arith.constant 0 : i32
      %dma_start3A_664 = tpu.memref_slice %arg8[%squeeze3A_632, %dma_start3A_663] : memref<200x16xf32, #tpu.memory_space<hbm>> -> memref<1x16xf32, #tpu.memory_space<hbm>>
      %dma_start3A_665 = arith.constant 0 : i32
      %dma_start3A_666 = tpu.memref_slice %arg19[%add3A_636, %dma_start3A_665] : memref<128x16xf32, #tpu.memory_space<vmem>> -> memref<1x16xf32, #tpu.memory_space<vmem>>
      %dma_start3A_667 = arith.constant 0 : i32
      %dma_start3A_668 = tpu.memref_slice %arg8[%squeeze3A_632, %dma_start3A_667] : memref<200x16xf32, #tpu.memory_space<hbm>> -> memref<1x16xf32, #tpu.memory_space<hbm>>
      tpu.enqueue_dma source(%dma_start3A_668 : memref<1x16xf32, #tpu.memory_space<hbm>>) target(%dma_start3A_666 : memref<1x16xf32, #tpu.memory_space<vmem>>) target_semaphore(%arg23 : memref<!tpu.dma_semaphore, #tpu.memory_space<semaphore_mem>>)
      %slice3A_669 = vector.extract_strided_slice %get3A_135 {offsets = [12], sizes = [1], strides = [1]} : vector<16xi32> to vector<1xi32>
      %squeeze3A_670 = vector.extract %slice3A_669[0] : i32 from vector<1xi32>
      %slice3A_671 = vector.extract_strided_slice %shift_right_logical3A_143 {offsets = [12], sizes = [1], strides = [1]} : vector<16xi32> to vector<1xi32>
      %squeeze3A_672 = vector.extract %slice3A_671[0] : i32 from vector<1xi32>
      %slice3A_673 = vector.extract_strided_slice %get3A_138 {offsets = [12], sizes = [1], strides = [1]} : vector<16xi32> to vector<1xi32>
      %squeeze3A_674 = vector.extract %slice3A_673[0] : i32 from vector<1xi32>
      %slice3A_675 = vector.extract_strided_slice %get3A_141 {offsets = [12], sizes = [1], strides = [1]} : vector<16xi32> to vector<1xi32>
      %squeeze3A_676 = vector.extract %slice3A_675[0] : i32 from vector<1xi32>
      %mul3A_677 = arith.constant 16 : i32
      %mul3A_678 = arith.muli %scan3A_129, %mul3A_677 : i32
      %add3A_679 = arith.constant 12 : i32
      %add3A_680 = arith.addi %mul3A_678, %add3A_679 : i32
      %dma_start3A_681 = arith.constant 0 : i32
      %dma_start3A_682 = tpu.memref_slice %arg16[%add3A_680, %dma_start3A_681] : memref<128x16xf32, #tpu.memory_space<vmem>> -> memref<1x16xf32, #tpu.memory_space<vmem>>
      %dma_start3A_683 = arith.constant 0 : i32
      %dma_start3A_684 = tpu.memref_slice %arg5[%squeeze3A_670, %dma_start3A_683] : memref<1000000x16xf32, #tpu.memory_space<hbm>> -> memref<1x16xf32, #tpu.memory_space<hbm>>
      %dma_start3A_685 = arith.constant 0 : i32
      %dma_start3A_686 = tpu.memref_slice %arg16[%add3A_680, %dma_start3A_685] : memref<128x16xf32, #tpu.memory_space<vmem>> -> memref<1x16xf32, #tpu.memory_space<vmem>>
      %dma_start3A_687 = arith.constant 0 : i32
      %dma_start3A_688 = tpu.memref_slice %arg5[%squeeze3A_670, %dma_start3A_687] : memref<1000000x16xf32, #tpu.memory_space<hbm>> -> memref<1x16xf32, #tpu.memory_space<hbm>>
      tpu.enqueue_dma source(%dma_start3A_688 : memref<1x16xf32, #tpu.memory_space<hbm>>) target(%dma_start3A_686 : memref<1x16xf32, #tpu.memory_space<vmem>>) target_semaphore(%arg20 : memref<!tpu.dma_semaphore, #tpu.memory_space<semaphore_mem>>)
      %dma_start3A_689 = arith.constant 0 : i32
      %dma_start3A_690 = tpu.memref_slice %arg17[%add3A_680, %dma_start3A_689] : memref<128x104xf32, #tpu.memory_space<vmem>> -> memref<1x104xf32, #tpu.memory_space<vmem>>
      %dma_start3A_691 = arith.constant 0 : i32
      %dma_start3A_692 = tpu.memref_slice %arg6[%squeeze3A_672, %dma_start3A_691] : memref<250000x104xf32, #tpu.memory_space<hbm>> -> memref<1x104xf32, #tpu.memory_space<hbm>>
      %dma_start3A_693 = arith.constant 0 : i32
      %dma_start3A_694 = tpu.memref_slice %arg17[%add3A_680, %dma_start3A_693] : memref<128x104xf32, #tpu.memory_space<vmem>> -> memref<1x104xf32, #tpu.memory_space<vmem>>
      %dma_start3A_695 = arith.constant 0 : i32
      %dma_start3A_696 = tpu.memref_slice %arg6[%squeeze3A_672, %dma_start3A_695] : memref<250000x104xf32, #tpu.memory_space<hbm>> -> memref<1x104xf32, #tpu.memory_space<hbm>>
      tpu.enqueue_dma source(%dma_start3A_696 : memref<1x104xf32, #tpu.memory_space<hbm>>) target(%dma_start3A_694 : memref<1x104xf32, #tpu.memory_space<vmem>>) target_semaphore(%arg21 : memref<!tpu.dma_semaphore, #tpu.memory_space<semaphore_mem>>)
      %dma_start3A_697 = arith.constant 0 : i32
      %dma_start3A_698 = tpu.memref_slice %arg18[%add3A_680, %dma_start3A_697] : memref<128x16xf32, #tpu.memory_space<vmem>> -> memref<1x16xf32, #tpu.memory_space<vmem>>
      %dma_start3A_699 = arith.constant 0 : i32
      %dma_start3A_700 = tpu.memref_slice %arg7[%squeeze3A_674, %dma_start3A_699] : memref<1000x16xf32, #tpu.memory_space<hbm>> -> memref<1x16xf32, #tpu.memory_space<hbm>>
      %dma_start3A_701 = arith.constant 0 : i32
      %dma_start3A_702 = tpu.memref_slice %arg18[%add3A_680, %dma_start3A_701] : memref<128x16xf32, #tpu.memory_space<vmem>> -> memref<1x16xf32, #tpu.memory_space<vmem>>
      %dma_start3A_703 = arith.constant 0 : i32
      %dma_start3A_704 = tpu.memref_slice %arg7[%squeeze3A_674, %dma_start3A_703] : memref<1000x16xf32, #tpu.memory_space<hbm>> -> memref<1x16xf32, #tpu.memory_space<hbm>>
      tpu.enqueue_dma source(%dma_start3A_704 : memref<1x16xf32, #tpu.memory_space<hbm>>) target(%dma_start3A_702 : memref<1x16xf32, #tpu.memory_space<vmem>>) target_semaphore(%arg22 : memref<!tpu.dma_semaphore, #tpu.memory_space<semaphore_mem>>)
      %dma_start3A_705 = arith.constant 0 : i32
      %dma_start3A_706 = tpu.memref_slice %arg19[%add3A_680, %dma_start3A_705] : memref<128x16xf32, #tpu.memory_space<vmem>> -> memref<1x16xf32, #tpu.memory_space<vmem>>
      %dma_start3A_707 = arith.constant 0 : i32
      %dma_start3A_708 = tpu.memref_slice %arg8[%squeeze3A_676, %dma_start3A_707] : memref<200x16xf32, #tpu.memory_space<hbm>> -> memref<1x16xf32, #tpu.memory_space<hbm>>
      %dma_start3A_709 = arith.constant 0 : i32
      %dma_start3A_710 = tpu.memref_slice %arg19[%add3A_680, %dma_start3A_709] : memref<128x16xf32, #tpu.memory_space<vmem>> -> memref<1x16xf32, #tpu.memory_space<vmem>>
      %dma_start3A_711 = arith.constant 0 : i32
      %dma_start3A_712 = tpu.memref_slice %arg8[%squeeze3A_676, %dma_start3A_711] : memref<200x16xf32, #tpu.memory_space<hbm>> -> memref<1x16xf32, #tpu.memory_space<hbm>>
      tpu.enqueue_dma source(%dma_start3A_712 : memref<1x16xf32, #tpu.memory_space<hbm>>) target(%dma_start3A_710 : memref<1x16xf32, #tpu.memory_space<vmem>>) target_semaphore(%arg23 : memref<!tpu.dma_semaphore, #tpu.memory_space<semaphore_mem>>)
      %slice3A_713 = vector.extract_strided_slice %get3A_135 {offsets = [13], sizes = [1], strides = [1]} : vector<16xi32> to vector<1xi32>
      %squeeze3A_714 = vector.extract %slice3A_713[0] : i32 from vector<1xi32>
      %slice3A_715 = vector.extract_strided_slice %shift_right_logical3A_143 {offsets = [13], sizes = [1], strides = [1]} : vector<16xi32> to vector<1xi32>
      %squeeze3A_716 = vector.extract %slice3A_715[0] : i32 from vector<1xi32>
      %slice3A_717 = vector.extract_strided_slice %get3A_138 {offsets = [13], sizes = [1], strides = [1]} : vector<16xi32> to vector<1xi32>
      %squeeze3A_718 = vector.extract %slice3A_717[0] : i32 from vector<1xi32>
      %slice3A_719 = vector.extract_strided_slice %get3A_141 {offsets = [13], sizes = [1], strides = [1]} : vector<16xi32> to vector<1xi32>
      %squeeze3A_720 = vector.extract %slice3A_719[0] : i32 from vector<1xi32>
      %mul3A_721 = arith.constant 16 : i32
      %mul3A_722 = arith.muli %scan3A_129, %mul3A_721 : i32
      %add3A_723 = arith.constant 13 : i32
      %add3A_724 = arith.addi %mul3A_722, %add3A_723 : i32
      %dma_start3A_725 = arith.constant 0 : i32
      %dma_start3A_726 = tpu.memref_slice %arg16[%add3A_724, %dma_start3A_725] : memref<128x16xf32, #tpu.memory_space<vmem>> -> memref<1x16xf32, #tpu.memory_space<vmem>>
      %dma_start3A_727 = arith.constant 0 : i32
      %dma_start3A_728 = tpu.memref_slice %arg5[%squeeze3A_714, %dma_start3A_727] : memref<1000000x16xf32, #tpu.memory_space<hbm>> -> memref<1x16xf32, #tpu.memory_space<hbm>>
      %dma_start3A_729 = arith.constant 0 : i32
      %dma_start3A_730 = tpu.memref_slice %arg16[%add3A_724, %dma_start3A_729] : memref<128x16xf32, #tpu.memory_space<vmem>> -> memref<1x16xf32, #tpu.memory_space<vmem>>
      %dma_start3A_731 = arith.constant 0 : i32
      %dma_start3A_732 = tpu.memref_slice %arg5[%squeeze3A_714, %dma_start3A_731] : memref<1000000x16xf32, #tpu.memory_space<hbm>> -> memref<1x16xf32, #tpu.memory_space<hbm>>
      tpu.enqueue_dma source(%dma_start3A_732 : memref<1x16xf32, #tpu.memory_space<hbm>>) target(%dma_start3A_730 : memref<1x16xf32, #tpu.memory_space<vmem>>) target_semaphore(%arg20 : memref<!tpu.dma_semaphore, #tpu.memory_space<semaphore_mem>>)
      %dma_start3A_733 = arith.constant 0 : i32
      %dma_start3A_734 = tpu.memref_slice %arg17[%add3A_724, %dma_start3A_733] : memref<128x104xf32, #tpu.memory_space<vmem>> -> memref<1x104xf32, #tpu.memory_space<vmem>>
      %dma_start3A_735 = arith.constant 0 : i32
      %dma_start3A_736 = tpu.memref_slice %arg6[%squeeze3A_716, %dma_start3A_735] : memref<250000x104xf32, #tpu.memory_space<hbm>> -> memref<1x104xf32, #tpu.memory_space<hbm>>
      %dma_start3A_737 = arith.constant 0 : i32
      %dma_start3A_738 = tpu.memref_slice %arg17[%add3A_724, %dma_start3A_737] : memref<128x104xf32, #tpu.memory_space<vmem>> -> memref<1x104xf32, #tpu.memory_space<vmem>>
      %dma_start3A_739 = arith.constant 0 : i32
      %dma_start3A_740 = tpu.memref_slice %arg6[%squeeze3A_716, %dma_start3A_739] : memref<250000x104xf32, #tpu.memory_space<hbm>> -> memref<1x104xf32, #tpu.memory_space<hbm>>
      tpu.enqueue_dma source(%dma_start3A_740 : memref<1x104xf32, #tpu.memory_space<hbm>>) target(%dma_start3A_738 : memref<1x104xf32, #tpu.memory_space<vmem>>) target_semaphore(%arg21 : memref<!tpu.dma_semaphore, #tpu.memory_space<semaphore_mem>>)
      %dma_start3A_741 = arith.constant 0 : i32
      %dma_start3A_742 = tpu.memref_slice %arg18[%add3A_724, %dma_start3A_741] : memref<128x16xf32, #tpu.memory_space<vmem>> -> memref<1x16xf32, #tpu.memory_space<vmem>>
      %dma_start3A_743 = arith.constant 0 : i32
      %dma_start3A_744 = tpu.memref_slice %arg7[%squeeze3A_718, %dma_start3A_743] : memref<1000x16xf32, #tpu.memory_space<hbm>> -> memref<1x16xf32, #tpu.memory_space<hbm>>
      %dma_start3A_745 = arith.constant 0 : i32
      %dma_start3A_746 = tpu.memref_slice %arg18[%add3A_724, %dma_start3A_745] : memref<128x16xf32, #tpu.memory_space<vmem>> -> memref<1x16xf32, #tpu.memory_space<vmem>>
      %dma_start3A_747 = arith.constant 0 : i32
      %dma_start3A_748 = tpu.memref_slice %arg7[%squeeze3A_718, %dma_start3A_747] : memref<1000x16xf32, #tpu.memory_space<hbm>> -> memref<1x16xf32, #tpu.memory_space<hbm>>
      tpu.enqueue_dma source(%dma_start3A_748 : memref<1x16xf32, #tpu.memory_space<hbm>>) target(%dma_start3A_746 : memref<1x16xf32, #tpu.memory_space<vmem>>) target_semaphore(%arg22 : memref<!tpu.dma_semaphore, #tpu.memory_space<semaphore_mem>>)
      %dma_start3A_749 = arith.constant 0 : i32
      %dma_start3A_750 = tpu.memref_slice %arg19[%add3A_724, %dma_start3A_749] : memref<128x16xf32, #tpu.memory_space<vmem>> -> memref<1x16xf32, #tpu.memory_space<vmem>>
      %dma_start3A_751 = arith.constant 0 : i32
      %dma_start3A_752 = tpu.memref_slice %arg8[%squeeze3A_720, %dma_start3A_751] : memref<200x16xf32, #tpu.memory_space<hbm>> -> memref<1x16xf32, #tpu.memory_space<hbm>>
      %dma_start3A_753 = arith.constant 0 : i32
      %dma_start3A_754 = tpu.memref_slice %arg19[%add3A_724, %dma_start3A_753] : memref<128x16xf32, #tpu.memory_space<vmem>> -> memref<1x16xf32, #tpu.memory_space<vmem>>
      %dma_start3A_755 = arith.constant 0 : i32
      %dma_start3A_756 = tpu.memref_slice %arg8[%squeeze3A_720, %dma_start3A_755] : memref<200x16xf32, #tpu.memory_space<hbm>> -> memref<1x16xf32, #tpu.memory_space<hbm>>
      tpu.enqueue_dma source(%dma_start3A_756 : memref<1x16xf32, #tpu.memory_space<hbm>>) target(%dma_start3A_754 : memref<1x16xf32, #tpu.memory_space<vmem>>) target_semaphore(%arg23 : memref<!tpu.dma_semaphore, #tpu.memory_space<semaphore_mem>>)
      %slice3A_757 = vector.extract_strided_slice %get3A_135 {offsets = [14], sizes = [1], strides = [1]} : vector<16xi32> to vector<1xi32>
      %squeeze3A_758 = vector.extract %slice3A_757[0] : i32 from vector<1xi32>
      %slice3A_759 = vector.extract_strided_slice %shift_right_logical3A_143 {offsets = [14], sizes = [1], strides = [1]} : vector<16xi32> to vector<1xi32>
      %squeeze3A_760 = vector.extract %slice3A_759[0] : i32 from vector<1xi32>
      %slice3A_761 = vector.extract_strided_slice %get3A_138 {offsets = [14], sizes = [1], strides = [1]} : vector<16xi32> to vector<1xi32>
      %squeeze3A_762 = vector.extract %slice3A_761[0] : i32 from vector<1xi32>
      %slice3A_763 = vector.extract_strided_slice %get3A_141 {offsets = [14], sizes = [1], strides = [1]} : vector<16xi32> to vector<1xi32>
      %squeeze3A_764 = vector.extract %slice3A_763[0] : i32 from vector<1xi32>
      %mul3A_765 = arith.constant 16 : i32
      %mul3A_766 = arith.muli %scan3A_129, %mul3A_765 : i32
      %add3A_767 = arith.constant 14 : i32
      %add3A_768 = arith.addi %mul3A_766, %add3A_767 : i32
      %dma_start3A_769 = arith.constant 0 : i32
      %dma_start3A_770 = tpu.memref_slice %arg16[%add3A_768, %dma_start3A_769] : memref<128x16xf32, #tpu.memory_space<vmem>> -> memref<1x16xf32, #tpu.memory_space<vmem>>
      %dma_start3A_771 = arith.constant 0 : i32
      %dma_start3A_772 = tpu.memref_slice %arg5[%squeeze3A_758, %dma_start3A_771] : memref<1000000x16xf32, #tpu.memory_space<hbm>> -> memref<1x16xf32, #tpu.memory_space<hbm>>
      %dma_start3A_773 = arith.constant 0 : i32
      %dma_start3A_774 = tpu.memref_slice %arg16[%add3A_768, %dma_start3A_773] : memref<128x16xf32, #tpu.memory_space<vmem>> -> memref<1x16xf32, #tpu.memory_space<vmem>>
      %dma_start3A_775 = arith.constant 0 : i32
      %dma_start3A_776 = tpu.memref_slice %arg5[%squeeze3A_758, %dma_start3A_775] : memref<1000000x16xf32, #tpu.memory_space<hbm>> -> memref<1x16xf32, #tpu.memory_space<hbm>>
      tpu.enqueue_dma source(%dma_start3A_776 : memref<1x16xf32, #tpu.memory_space<hbm>>) target(%dma_start3A_774 : memref<1x16xf32, #tpu.memory_space<vmem>>) target_semaphore(%arg20 : memref<!tpu.dma_semaphore, #tpu.memory_space<semaphore_mem>>)
      %dma_start3A_777 = arith.constant 0 : i32
      %dma_start3A_778 = tpu.memref_slice %arg17[%add3A_768, %dma_start3A_777] : memref<128x104xf32, #tpu.memory_space<vmem>> -> memref<1x104xf32, #tpu.memory_space<vmem>>
      %dma_start3A_779 = arith.constant 0 : i32
      %dma_start3A_780 = tpu.memref_slice %arg6[%squeeze3A_760, %dma_start3A_779] : memref<250000x104xf32, #tpu.memory_space<hbm>> -> memref<1x104xf32, #tpu.memory_space<hbm>>
      %dma_start3A_781 = arith.constant 0 : i32
      %dma_start3A_782 = tpu.memref_slice %arg17[%add3A_768, %dma_start3A_781] : memref<128x104xf32, #tpu.memory_space<vmem>> -> memref<1x104xf32, #tpu.memory_space<vmem>>
      %dma_start3A_783 = arith.constant 0 : i32
      %dma_start3A_784 = tpu.memref_slice %arg6[%squeeze3A_760, %dma_start3A_783] : memref<250000x104xf32, #tpu.memory_space<hbm>> -> memref<1x104xf32, #tpu.memory_space<hbm>>
      tpu.enqueue_dma source(%dma_start3A_784 : memref<1x104xf32, #tpu.memory_space<hbm>>) target(%dma_start3A_782 : memref<1x104xf32, #tpu.memory_space<vmem>>) target_semaphore(%arg21 : memref<!tpu.dma_semaphore, #tpu.memory_space<semaphore_mem>>)
      %dma_start3A_785 = arith.constant 0 : i32
      %dma_start3A_786 = tpu.memref_slice %arg18[%add3A_768, %dma_start3A_785] : memref<128x16xf32, #tpu.memory_space<vmem>> -> memref<1x16xf32, #tpu.memory_space<vmem>>
      %dma_start3A_787 = arith.constant 0 : i32
      %dma_start3A_788 = tpu.memref_slice %arg7[%squeeze3A_762, %dma_start3A_787] : memref<1000x16xf32, #tpu.memory_space<hbm>> -> memref<1x16xf32, #tpu.memory_space<hbm>>
      %dma_start3A_789 = arith.constant 0 : i32
      %dma_start3A_790 = tpu.memref_slice %arg18[%add3A_768, %dma_start3A_789] : memref<128x16xf32, #tpu.memory_space<vmem>> -> memref<1x16xf32, #tpu.memory_space<vmem>>
      %dma_start3A_791 = arith.constant 0 : i32
      %dma_start3A_792 = tpu.memref_slice %arg7[%squeeze3A_762, %dma_start3A_791] : memref<1000x16xf32, #tpu.memory_space<hbm>> -> memref<1x16xf32, #tpu.memory_space<hbm>>
      tpu.enqueue_dma source(%dma_start3A_792 : memref<1x16xf32, #tpu.memory_space<hbm>>) target(%dma_start3A_790 : memref<1x16xf32, #tpu.memory_space<vmem>>) target_semaphore(%arg22 : memref<!tpu.dma_semaphore, #tpu.memory_space<semaphore_mem>>)
      %dma_start3A_793 = arith.constant 0 : i32
      %dma_start3A_794 = tpu.memref_slice %arg19[%add3A_768, %dma_start3A_793] : memref<128x16xf32, #tpu.memory_space<vmem>> -> memref<1x16xf32, #tpu.memory_space<vmem>>
      %dma_start3A_795 = arith.constant 0 : i32
      %dma_start3A_796 = tpu.memref_slice %arg8[%squeeze3A_764, %dma_start3A_795] : memref<200x16xf32, #tpu.memory_space<hbm>> -> memref<1x16xf32, #tpu.memory_space<hbm>>
      %dma_start3A_797 = arith.constant 0 : i32
      %dma_start3A_798 = tpu.memref_slice %arg19[%add3A_768, %dma_start3A_797] : memref<128x16xf32, #tpu.memory_space<vmem>> -> memref<1x16xf32, #tpu.memory_space<vmem>>
      %dma_start3A_799 = arith.constant 0 : i32
      %dma_start3A_800 = tpu.memref_slice %arg8[%squeeze3A_764, %dma_start3A_799] : memref<200x16xf32, #tpu.memory_space<hbm>> -> memref<1x16xf32, #tpu.memory_space<hbm>>
      tpu.enqueue_dma source(%dma_start3A_800 : memref<1x16xf32, #tpu.memory_space<hbm>>) target(%dma_start3A_798 : memref<1x16xf32, #tpu.memory_space<vmem>>) target_semaphore(%arg23 : memref<!tpu.dma_semaphore, #tpu.memory_space<semaphore_mem>>)
      %slice3A_801 = vector.extract_strided_slice %get3A_135 {offsets = [15], sizes = [1], strides = [1]} : vector<16xi32> to vector<1xi32>
      %squeeze3A_802 = vector.extract %slice3A_801[0] : i32 from vector<1xi32>
      %slice3A_803 = vector.extract_strided_slice %shift_right_logical3A_143 {offsets = [15], sizes = [1], strides = [1]} : vector<16xi32> to vector<1xi32>
      %squeeze3A_804 = vector.extract %slice3A_803[0] : i32 from vector<1xi32>
      %slice3A_805 = vector.extract_strided_slice %get3A_138 {offsets = [15], sizes = [1], strides = [1]} : vector<16xi32> to vector<1xi32>
      %squeeze3A_806 = vector.extract %slice3A_805[0] : i32 from vector<1xi32>
      %slice3A_807 = vector.extract_strided_slice %get3A_141 {offsets = [15], sizes = [1], strides = [1]} : vector<16xi32> to vector<1xi32>
      %squeeze3A_808 = vector.extract %slice3A_807[0] : i32 from vector<1xi32>
      %mul3A_809 = arith.constant 16 : i32
      %mul3A_810 = arith.muli %scan3A_129, %mul3A_809 : i32
      %add3A_811 = arith.constant 15 : i32
      %add3A_812 = arith.addi %mul3A_810, %add3A_811 : i32
      %dma_start3A_813 = arith.constant 0 : i32
      %dma_start3A_814 = tpu.memref_slice %arg16[%add3A_812, %dma_start3A_813] : memref<128x16xf32, #tpu.memory_space<vmem>> -> memref<1x16xf32, #tpu.memory_space<vmem>>
      %dma_start3A_815 = arith.constant 0 : i32
      %dma_start3A_816 = tpu.memref_slice %arg5[%squeeze3A_802, %dma_start3A_815] : memref<1000000x16xf32, #tpu.memory_space<hbm>> -> memref<1x16xf32, #tpu.memory_space<hbm>>
      %dma_start3A_817 = arith.constant 0 : i32
      %dma_start3A_818 = tpu.memref_slice %arg16[%add3A_812, %dma_start3A_817] : memref<128x16xf32, #tpu.memory_space<vmem>> -> memref<1x16xf32, #tpu.memory_space<vmem>>
      %dma_start3A_819 = arith.constant 0 : i32
      %dma_start3A_820 = tpu.memref_slice %arg5[%squeeze3A_802, %dma_start3A_819] : memref<1000000x16xf32, #tpu.memory_space<hbm>> -> memref<1x16xf32, #tpu.memory_space<hbm>>
      tpu.enqueue_dma source(%dma_start3A_820 : memref<1x16xf32, #tpu.memory_space<hbm>>) target(%dma_start3A_818 : memref<1x16xf32, #tpu.memory_space<vmem>>) target_semaphore(%arg20 : memref<!tpu.dma_semaphore, #tpu.memory_space<semaphore_mem>>)
      %dma_start3A_821 = arith.constant 0 : i32
      %dma_start3A_822 = tpu.memref_slice %arg17[%add3A_812, %dma_start3A_821] : memref<128x104xf32, #tpu.memory_space<vmem>> -> memref<1x104xf32, #tpu.memory_space<vmem>>
      %dma_start3A_823 = arith.constant 0 : i32
      %dma_start3A_824 = tpu.memref_slice %arg6[%squeeze3A_804, %dma_start3A_823] : memref<250000x104xf32, #tpu.memory_space<hbm>> -> memref<1x104xf32, #tpu.memory_space<hbm>>
      %dma_start3A_825 = arith.constant 0 : i32
      %dma_start3A_826 = tpu.memref_slice %arg17[%add3A_812, %dma_start3A_825] : memref<128x104xf32, #tpu.memory_space<vmem>> -> memref<1x104xf32, #tpu.memory_space<vmem>>
      %dma_start3A_827 = arith.constant 0 : i32
      %dma_start3A_828 = tpu.memref_slice %arg6[%squeeze3A_804, %dma_start3A_827] : memref<250000x104xf32, #tpu.memory_space<hbm>> -> memref<1x104xf32, #tpu.memory_space<hbm>>
      tpu.enqueue_dma source(%dma_start3A_828 : memref<1x104xf32, #tpu.memory_space<hbm>>) target(%dma_start3A_826 : memref<1x104xf32, #tpu.memory_space<vmem>>) target_semaphore(%arg21 : memref<!tpu.dma_semaphore, #tpu.memory_space<semaphore_mem>>)
      %dma_start3A_829 = arith.constant 0 : i32
      %dma_start3A_830 = tpu.memref_slice %arg18[%add3A_812, %dma_start3A_829] : memref<128x16xf32, #tpu.memory_space<vmem>> -> memref<1x16xf32, #tpu.memory_space<vmem>>
      %dma_start3A_831 = arith.constant 0 : i32
      %dma_start3A_832 = tpu.memref_slice %arg7[%squeeze3A_806, %dma_start3A_831] : memref<1000x16xf32, #tpu.memory_space<hbm>> -> memref<1x16xf32, #tpu.memory_space<hbm>>
      %dma_start3A_833 = arith.constant 0 : i32
      %dma_start3A_834 = tpu.memref_slice %arg18[%add3A_812, %dma_start3A_833] : memref<128x16xf32, #tpu.memory_space<vmem>> -> memref<1x16xf32, #tpu.memory_space<vmem>>
      %dma_start3A_835 = arith.constant 0 : i32
      %dma_start3A_836 = tpu.memref_slice %arg7[%squeeze3A_806, %dma_start3A_835] : memref<1000x16xf32, #tpu.memory_space<hbm>> -> memref<1x16xf32, #tpu.memory_space<hbm>>
      tpu.enqueue_dma source(%dma_start3A_836 : memref<1x16xf32, #tpu.memory_space<hbm>>) target(%dma_start3A_834 : memref<1x16xf32, #tpu.memory_space<vmem>>) target_semaphore(%arg22 : memref<!tpu.dma_semaphore, #tpu.memory_space<semaphore_mem>>)
      %dma_start3A_837 = arith.constant 0 : i32
      %dma_start3A_838 = tpu.memref_slice %arg19[%add3A_812, %dma_start3A_837] : memref<128x16xf32, #tpu.memory_space<vmem>> -> memref<1x16xf32, #tpu.memory_space<vmem>>
      %dma_start3A_839 = arith.constant 0 : i32
      %dma_start3A_840 = tpu.memref_slice %arg8[%squeeze3A_808, %dma_start3A_839] : memref<200x16xf32, #tpu.memory_space<hbm>> -> memref<1x16xf32, #tpu.memory_space<hbm>>
      %dma_start3A_841 = arith.constant 0 : i32
      %dma_start3A_842 = tpu.memref_slice %arg19[%add3A_812, %dma_start3A_841] : memref<128x16xf32, #tpu.memory_space<vmem>> -> memref<1x16xf32, #tpu.memory_space<vmem>>
      %dma_start3A_843 = arith.constant 0 : i32
      %dma_start3A_844 = tpu.memref_slice %arg8[%squeeze3A_808, %dma_start3A_843] : memref<200x16xf32, #tpu.memory_space<hbm>> -> memref<1x16xf32, #tpu.memory_space<hbm>>
      tpu.enqueue_dma source(%dma_start3A_844 : memref<1x16xf32, #tpu.memory_space<hbm>>) target(%dma_start3A_842 : memref<1x16xf32, #tpu.memory_space<vmem>>) target_semaphore(%arg23 : memref<!tpu.dma_semaphore, #tpu.memory_space<semaphore_mem>>)
    }
    %scan3A_7 = arith.constant 8 : i32
    %dma_wait3A = arith.constant 0 : i32
    %dma_wait3A_8 = arith.constant 0 : i32
    %dma_wait3A_9 = tpu.memref_slice %arg5[%dma_wait3A, %dma_wait3A_8] : memref<1000000x16xf32, #tpu.memory_space<hbm>> -> memref<128x16xf32, #tpu.memory_space<hbm>>
    %dma_wait3A_10 = arith.constant 0 : i32
    %dma_wait3A_11 = arith.constant 0 : i32
    %dma_wait3A_12 = tpu.memref_slice %arg5[%dma_wait3A_10, %dma_wait3A_11] : memref<1000000x16xf32, #tpu.memory_space<hbm>> -> memref<128x16xf32, #tpu.memory_space<hbm>>
    tpu.wait_dma2 semaphore(%arg20 : memref<!tpu.dma_semaphore, #tpu.memory_space<semaphore_mem>>) src(%dma_wait3A_12 : memref<128x16xf32, #tpu.memory_space<hbm>>) dst(%arg16 : memref<128x16xf32, #tpu.memory_space<vmem>>)
    %dma_wait3A_13 = arith.constant 0 : i32
    %dma_wait3A_14 = arith.constant 0 : i32
    %dma_wait3A_15 = tpu.memref_slice %arg6[%dma_wait3A_13, %dma_wait3A_14] : memref<250000x104xf32, #tpu.memory_space<hbm>> -> memref<128x104xf32, #tpu.memory_space<hbm>>
    %dma_wait3A_16 = arith.constant 0 : i32
    %dma_wait3A_17 = arith.constant 0 : i32
    %dma_wait3A_18 = tpu.memref_slice %arg6[%dma_wait3A_16, %dma_wait3A_17] : memref<250000x104xf32, #tpu.memory_space<hbm>> -> memref<128x104xf32, #tpu.memory_space<hbm>>
    tpu.wait_dma2 semaphore(%arg21 : memref<!tpu.dma_semaphore, #tpu.memory_space<semaphore_mem>>) src(%dma_wait3A_18 : memref<128x104xf32, #tpu.memory_space<hbm>>) dst(%arg17 : memref<128x104xf32, #tpu.memory_space<vmem>>)
    %dma_wait3A_19 = arith.constant 0 : i32
    %dma_wait3A_20 = arith.constant 0 : i32
    %dma_wait3A_21 = tpu.memref_slice %arg7[%dma_wait3A_19, %dma_wait3A_20] : memref<1000x16xf32, #tpu.memory_space<hbm>> -> memref<128x16xf32, #tpu.memory_space<hbm>>
    %dma_wait3A_22 = arith.constant 0 : i32
    %dma_wait3A_23 = arith.constant 0 : i32
    %dma_wait3A_24 = tpu.memref_slice %arg7[%dma_wait3A_22, %dma_wait3A_23] : memref<1000x16xf32, #tpu.memory_space<hbm>> -> memref<128x16xf32, #tpu.memory_space<hbm>>
    tpu.wait_dma2 semaphore(%arg22 : memref<!tpu.dma_semaphore, #tpu.memory_space<semaphore_mem>>) src(%dma_wait3A_24 : memref<128x16xf32, #tpu.memory_space<hbm>>) dst(%arg18 : memref<128x16xf32, #tpu.memory_space<vmem>>)
    %dma_wait3A_25 = arith.constant 0 : i32
    %dma_wait3A_26 = arith.constant 0 : i32
    %dma_wait3A_27 = tpu.memref_slice %arg8[%dma_wait3A_25, %dma_wait3A_26] : memref<200x16xf32, #tpu.memory_space<hbm>> -> memref<128x16xf32, #tpu.memory_space<hbm>>
    %dma_wait3A_28 = arith.constant 0 : i32
    %dma_wait3A_29 = arith.constant 0 : i32
    %dma_wait3A_30 = tpu.memref_slice %arg8[%dma_wait3A_28, %dma_wait3A_29] : memref<200x16xf32, #tpu.memory_space<hbm>> -> memref<128x16xf32, #tpu.memory_space<hbm>>
    tpu.wait_dma2 semaphore(%arg23 : memref<!tpu.dma_semaphore, #tpu.memory_space<semaphore_mem>>) src(%dma_wait3A_30 : memref<128x16xf32, #tpu.memory_space<hbm>>) dst(%arg19 : memref<128x16xf32, #tpu.memory_space<vmem>>)
    %add3A_31 = arith.constant 0 : i32
    %add3A_32 = arith.addi %mul3A_2, %add3A_31 : i32
    "tpu.region"() ({
      %run_scoped3A = tpu.sem_alloc : memref<!tpu.dma_semaphore, #tpu.memory_space<semaphore_mem>>
      %dma_start3A = arith.constant 0 : i32
      %dma_start3A_129 = tpu.memref_slice %arg9[%add3A_32, %dma_start3A] : memref<16384x16xf32, #tpu.memory_space<hbm>> -> memref<128x16xf32, #tpu.memory_space<hbm>>
      %dma_start3A_130 = arith.constant 0 : i32
      %dma_start3A_131 = tpu.memref_slice %arg9[%add3A_32, %dma_start3A_130] : memref<16384x16xf32, #tpu.memory_space<hbm>> -> memref<128x16xf32, #tpu.memory_space<hbm>>
      tpu.enqueue_dma source(%arg16 : memref<128x16xf32, #tpu.memory_space<vmem>>) target(%dma_start3A_131 : memref<128x16xf32, #tpu.memory_space<hbm>>) target_semaphore(%run_scoped3A : memref<!tpu.dma_semaphore, #tpu.memory_space<semaphore_mem>>)
      %dma_wait3A_132 = arith.constant 0 : i32
      %dma_wait3A_133 = tpu.memref_slice %arg9[%add3A_32, %dma_wait3A_132] : memref<16384x16xf32, #tpu.memory_space<hbm>> -> memref<128x16xf32, #tpu.memory_space<hbm>>
      %dma_wait3A_134 = arith.constant 0 : i32
      %dma_wait3A_135 = tpu.memref_slice %arg9[%add3A_32, %dma_wait3A_134] : memref<16384x16xf32, #tpu.memory_space<hbm>> -> memref<128x16xf32, #tpu.memory_space<hbm>>
      tpu.wait_dma2 semaphore(%run_scoped3A : memref<!tpu.dma_semaphore, #tpu.memory_space<semaphore_mem>>) src(%arg16 : memref<128x16xf32, #tpu.memory_space<vmem>>) dst(%dma_wait3A_135 : memref<128x16xf32, #tpu.memory_space<hbm>>)
      tpu.yield
    }) : () -> ()
    "tpu.region"() ({
      %run_scoped3A = tpu.sem_alloc : memref<!tpu.dma_semaphore, #tpu.memory_space<semaphore_mem>>
      %dma_start3A = arith.constant 0 : i32
      %dma_start3A_129 = tpu.memref_slice %arg10[%add3A_32, %dma_start3A] : memref<16384x104xf32, #tpu.memory_space<hbm>> -> memref<128x104xf32, #tpu.memory_space<hbm>>
      %dma_start3A_130 = arith.constant 0 : i32
      %dma_start3A_131 = tpu.memref_slice %arg10[%add3A_32, %dma_start3A_130] : memref<16384x104xf32, #tpu.memory_space<hbm>> -> memref<128x104xf32, #tpu.memory_space<hbm>>
      tpu.enqueue_dma source(%arg17 : memref<128x104xf32, #tpu.memory_space<vmem>>) target(%dma_start3A_131 : memref<128x104xf32, #tpu.memory_space<hbm>>) target_semaphore(%run_scoped3A : memref<!tpu.dma_semaphore, #tpu.memory_space<semaphore_mem>>)
      %dma_wait3A_132 = arith.constant 0 : i32
      %dma_wait3A_133 = tpu.memref_slice %arg10[%add3A_32, %dma_wait3A_132] : memref<16384x104xf32, #tpu.memory_space<hbm>> -> memref<128x104xf32, #tpu.memory_space<hbm>>
      %dma_wait3A_134 = arith.constant 0 : i32
      %dma_wait3A_135 = tpu.memref_slice %arg10[%add3A_32, %dma_wait3A_134] : memref<16384x104xf32, #tpu.memory_space<hbm>> -> memref<128x104xf32, #tpu.memory_space<hbm>>
      tpu.wait_dma2 semaphore(%run_scoped3A : memref<!tpu.dma_semaphore, #tpu.memory_space<semaphore_mem>>) src(%arg17 : memref<128x104xf32, #tpu.memory_space<vmem>>) dst(%dma_wait3A_135 : memref<128x104xf32, #tpu.memory_space<hbm>>)
      tpu.yield
    }) : () -> ()
    "tpu.region"() ({
      %run_scoped3A = tpu.sem_alloc : memref<!tpu.dma_semaphore, #tpu.memory_space<semaphore_mem>>
      %dma_start3A = arith.constant 0 : i32
      %dma_start3A_129 = tpu.memref_slice %arg11[%add3A_32, %dma_start3A] : memref<16384x16xf32, #tpu.memory_space<hbm>> -> memref<128x16xf32, #tpu.memory_space<hbm>>
      %dma_start3A_130 = arith.constant 0 : i32
      %dma_start3A_131 = tpu.memref_slice %arg11[%add3A_32, %dma_start3A_130] : memref<16384x16xf32, #tpu.memory_space<hbm>> -> memref<128x16xf32, #tpu.memory_space<hbm>>
      tpu.enqueue_dma source(%arg18 : memref<128x16xf32, #tpu.memory_space<vmem>>) target(%dma_start3A_131 : memref<128x16xf32, #tpu.memory_space<hbm>>) target_semaphore(%run_scoped3A : memref<!tpu.dma_semaphore, #tpu.memory_space<semaphore_mem>>)
      %dma_wait3A_132 = arith.constant 0 : i32
      %dma_wait3A_133 = tpu.memref_slice %arg11[%add3A_32, %dma_wait3A_132] : memref<16384x16xf32, #tpu.memory_space<hbm>> -> memref<128x16xf32, #tpu.memory_space<hbm>>
      %dma_wait3A_134 = arith.constant 0 : i32
      %dma_wait3A_135 = tpu.memref_slice %arg11[%add3A_32, %dma_wait3A_134] : memref<16384x16xf32, #tpu.memory_space<hbm>> -> memref<128x16xf32, #tpu.memory_space<hbm>>
      tpu.wait_dma2 semaphore(%run_scoped3A : memref<!tpu.dma_semaphore, #tpu.memory_space<semaphore_mem>>) src(%arg18 : memref<128x16xf32, #tpu.memory_space<vmem>>) dst(%dma_wait3A_135 : memref<128x16xf32, #tpu.memory_space<hbm>>)
      tpu.yield
    }) : () -> ()
    "tpu.region"() ({
      %run_scoped3A = tpu.sem_alloc : memref<!tpu.dma_semaphore, #tpu.memory_space<semaphore_mem>>
      %dma_start3A = arith.constant 0 : i32
      %dma_start3A_129 = tpu.memref_slice %arg12[%add3A_32, %dma_start3A] : memref<16384x16xf32, #tpu.memory_space<hbm>> -> memref<128x16xf32, #tpu.memory_space<hbm>>
      %dma_start3A_130 = arith.constant 0 : i32
      %dma_start3A_131 = tpu.memref_slice %arg12[%add3A_32, %dma_start3A_130] : memref<16384x16xf32, #tpu.memory_space<hbm>> -> memref<128x16xf32, #tpu.memory_space<hbm>>
      tpu.enqueue_dma source(%arg19 : memref<128x16xf32, #tpu.memory_space<vmem>>) target(%dma_start3A_131 : memref<128x16xf32, #tpu.memory_space<hbm>>) target_semaphore(%run_scoped3A : memref<!tpu.dma_semaphore, #tpu.memory_space<semaphore_mem>>)
      %dma_wait3A_132 = arith.constant 0 : i32
      %dma_wait3A_133 = tpu.memref_slice %arg12[%add3A_32, %dma_wait3A_132] : memref<16384x16xf32, #tpu.memory_space<hbm>> -> memref<128x16xf32, #tpu.memory_space<hbm>>
      %dma_wait3A_134 = arith.constant 0 : i32
      %dma_wait3A_135 = tpu.memref_slice %arg12[%add3A_32, %dma_wait3A_134] : memref<16384x16xf32, #tpu.memory_space<hbm>> -> memref<128x16xf32, #tpu.memory_space<hbm>>
      tpu.wait_dma2 semaphore(%run_scoped3A : memref<!tpu.dma_semaphore, #tpu.memory_space<semaphore_mem>>) src(%arg19 : memref<128x16xf32, #tpu.memory_space<vmem>>) dst(%dma_wait3A_135 : memref<128x16xf32, #tpu.memory_space<hbm>>)
      tpu.yield
    }) : () -> ()
    %scan3A_33 = arith.constant 0 : i32
    %scan3A_34 = arith.constant 0 : i32
    %scan3A_35 = arith.constant 8 : i32
    %scan3A_36 = arith.addi %scan3A_34, %scan3A_35 : i32
    %scan3A_37 = arith.constant 1 : i32
    scf.for %scan3A_129 = %scan3A_34 to %scan3A_36 step %scan3A_37  : i32 {
      %mul3A_130 = arith.constant 16 : i32
      %mul3A_131 = arith.muli %scan3A_129, %mul3A_130 : i32
      %add3A_132 = arith.constant 128 : i32
      %add3A_133 = arith.addi %add3A_132, %mul3A_131 : i32
      %get3A = arith.index_cast %add3A_133 : i32 to index
      %get3A_134 = tpu.vector_load %arg13[%get3A] {strides = array<i32>} : memref<512xi32, #tpu.memory_space<vmem>>, vector<16xi32>,
      %get3A_135 = vector.shape_cast %get3A_134 : vector<16xi32> to vector<16xi32>
      %get3A_136 = arith.index_cast %add3A_133 : i32 to index
      %get3A_137 = tpu.vector_load %arg14[%get3A_136] {strides = array<i32>} : memref<512xi32, #tpu.memory_space<vmem>>, vector<16xi32>,
      %get3A_138 = vector.shape_cast %get3A_137 : vector<16xi32> to vector<16xi32>
      %get3A_139 = arith.index_cast %add3A_133 : i32 to index
      %get3A_140 = tpu.vector_load %arg15[%get3A_139] {strides = array<i32>} : memref<512xi32, #tpu.memory_space<vmem>>, vector<16xi32>,
      %get3A_141 = vector.shape_cast %get3A_140 : vector<16xi32> to vector<16xi32>
      %shift_right_logical3A = arith.constant 2 : i32
      %shift_right_logical3A_142 = vector.broadcast %shift_right_logical3A : i32 to vector<16xi32>
      %shift_right_logical3A_143 = arith.shrui %get3A_135, %shift_right_logical3A_142 : vector<16xi32>
      %slice3A = vector.extract_strided_slice %get3A_135 {offsets = [0], sizes = [1], strides = [1]} : vector<16xi32> to vector<1xi32>
      %squeeze3A = vector.extract %slice3A[0] : i32 from vector<1xi32>
      %slice3A_144 = vector.extract_strided_slice %shift_right_logical3A_143 {offsets = [0], sizes = [1], strides = [1]} : vector<16xi32> to vector<1xi32>
      %squeeze3A_145 = vector.extract %slice3A_144[0] : i32 from vector<1xi32>
      %slice3A_146 = vector.extract_strided_slice %get3A_138 {offsets = [0], sizes = [1], strides = [1]} : vector<16xi32> to vector<1xi32>
      %squeeze3A_147 = vector.extract %slice3A_146[0] : i32 from vector<1xi32>
      %slice3A_148 = vector.extract_strided_slice %get3A_141 {offsets = [0], sizes = [1], strides = [1]} : vector<16xi32> to vector<1xi32>
      %squeeze3A_149 = vector.extract %slice3A_148[0] : i32 from vector<1xi32>
      %mul3A_150 = arith.constant 16 : i32
      %mul3A_151 = arith.muli %scan3A_129, %mul3A_150 : i32
      %add3A_152 = arith.constant 0 : i32
      %add3A_153 = arith.addi %mul3A_151, %add3A_152 : i32
      %dma_start3A = arith.constant 0 : i32
      %dma_start3A_154 = tpu.memref_slice %arg16[%add3A_153, %dma_start3A] : memref<128x16xf32, #tpu.memory_space<vmem>> -> memref<1x16xf32, #tpu.memory_space<vmem>>
      %dma_start3A_155 = arith.constant 0 : i32
      %dma_start3A_156 = tpu.memref_slice %arg5[%squeeze3A, %dma_start3A_155] : memref<1000000x16xf32, #tpu.memory_space<hbm>> -> memref<1x16xf32, #tpu.memory_space<hbm>>
      %dma_start3A_157 = arith.constant 0 : i32
      %dma_start3A_158 = tpu.memref_slice %arg16[%add3A_153, %dma_start3A_157] : memref<128x16xf32, #tpu.memory_space<vmem>> -> memref<1x16xf32, #tpu.memory_space<vmem>>
      %dma_start3A_159 = arith.constant 0 : i32
      %dma_start3A_160 = tpu.memref_slice %arg5[%squeeze3A, %dma_start3A_159] : memref<1000000x16xf32, #tpu.memory_space<hbm>> -> memref<1x16xf32, #tpu.memory_space<hbm>>
      tpu.enqueue_dma source(%dma_start3A_160 : memref<1x16xf32, #tpu.memory_space<hbm>>) target(%dma_start3A_158 : memref<1x16xf32, #tpu.memory_space<vmem>>) target_semaphore(%arg20 : memref<!tpu.dma_semaphore, #tpu.memory_space<semaphore_mem>>)
      %dma_start3A_161 = arith.constant 0 : i32
      %dma_start3A_162 = tpu.memref_slice %arg17[%add3A_153, %dma_start3A_161] : memref<128x104xf32, #tpu.memory_space<vmem>> -> memref<1x104xf32, #tpu.memory_space<vmem>>
      %dma_start3A_163 = arith.constant 0 : i32
      %dma_start3A_164 = tpu.memref_slice %arg6[%squeeze3A_145, %dma_start3A_163] : memref<250000x104xf32, #tpu.memory_space<hbm>> -> memref<1x104xf32, #tpu.memory_space<hbm>>
      %dma_start3A_165 = arith.constant 0 : i32
      %dma_start3A_166 = tpu.memref_slice %arg17[%add3A_153, %dma_start3A_165] : memref<128x104xf32, #tpu.memory_space<vmem>> -> memref<1x104xf32, #tpu.memory_space<vmem>>
      %dma_start3A_167 = arith.constant 0 : i32
      %dma_start3A_168 = tpu.memref_slice %arg6[%squeeze3A_145, %dma_start3A_167] : memref<250000x104xf32, #tpu.memory_space<hbm>> -> memref<1x104xf32, #tpu.memory_space<hbm>>
      tpu.enqueue_dma source(%dma_start3A_168 : memref<1x104xf32, #tpu.memory_space<hbm>>) target(%dma_start3A_166 : memref<1x104xf32, #tpu.memory_space<vmem>>) target_semaphore(%arg21 : memref<!tpu.dma_semaphore, #tpu.memory_space<semaphore_mem>>)
      %dma_start3A_169 = arith.constant 0 : i32
      %dma_start3A_170 = tpu.memref_slice %arg18[%add3A_153, %dma_start3A_169] : memref<128x16xf32, #tpu.memory_space<vmem>> -> memref<1x16xf32, #tpu.memory_space<vmem>>
      %dma_start3A_171 = arith.constant 0 : i32
      %dma_start3A_172 = tpu.memref_slice %arg7[%squeeze3A_147, %dma_start3A_171] : memref<1000x16xf32, #tpu.memory_space<hbm>> -> memref<1x16xf32, #tpu.memory_space<hbm>>
      %dma_start3A_173 = arith.constant 0 : i32
      %dma_start3A_174 = tpu.memref_slice %arg18[%add3A_153, %dma_start3A_173] : memref<128x16xf32, #tpu.memory_space<vmem>> -> memref<1x16xf32, #tpu.memory_space<vmem>>
      %dma_start3A_175 = arith.constant 0 : i32
      %dma_start3A_176 = tpu.memref_slice %arg7[%squeeze3A_147, %dma_start3A_175] : memref<1000x16xf32, #tpu.memory_space<hbm>> -> memref<1x16xf32, #tpu.memory_space<hbm>>
      tpu.enqueue_dma source(%dma_start3A_176 : memref<1x16xf32, #tpu.memory_space<hbm>>) target(%dma_start3A_174 : memref<1x16xf32, #tpu.memory_space<vmem>>) target_semaphore(%arg22 : memref<!tpu.dma_semaphore, #tpu.memory_space<semaphore_mem>>)
      %dma_start3A_177 = arith.constant 0 : i32
      %dma_start3A_178 = tpu.memref_slice %arg19[%add3A_153, %dma_start3A_177] : memref<128x16xf32, #tpu.memory_space<vmem>> -> memref<1x16xf32, #tpu.memory_space<vmem>>
      %dma_start3A_179 = arith.constant 0 : i32
      %dma_start3A_180 = tpu.memref_slice %arg8[%squeeze3A_149, %dma_start3A_179] : memref<200x16xf32, #tpu.memory_space<hbm>> -> memref<1x16xf32, #tpu.memory_space<hbm>>
      %dma_start3A_181 = arith.constant 0 : i32
      %dma_start3A_182 = tpu.memref_slice %arg19[%add3A_153, %dma_start3A_181] : memref<128x16xf32, #tpu.memory_space<vmem>> -> memref<1x16xf32, #tpu.memory_space<vmem>>
      %dma_start3A_183 = arith.constant 0 : i32
      %dma_start3A_184 = tpu.memref_slice %arg8[%squeeze3A_149, %dma_start3A_183] : memref<200x16xf32, #tpu.memory_space<hbm>> -> memref<1x16xf32, #tpu.memory_space<hbm>>
      tpu.enqueue_dma source(%dma_start3A_184 : memref<1x16xf32, #tpu.memory_space<hbm>>) target(%dma_start3A_182 : memref<1x16xf32, #tpu.memory_space<vmem>>) target_semaphore(%arg23 : memref<!tpu.dma_semaphore, #tpu.memory_space<semaphore_mem>>)
      %slice3A_185 = vector.extract_strided_slice %get3A_135 {offsets = [1], sizes = [1], strides = [1]} : vector<16xi32> to vector<1xi32>
      %squeeze3A_186 = vector.extract %slice3A_185[0] : i32 from vector<1xi32>
      %slice3A_187 = vector.extract_strided_slice %shift_right_logical3A_143 {offsets = [1], sizes = [1], strides = [1]} : vector<16xi32> to vector<1xi32>
      %squeeze3A_188 = vector.extract %slice3A_187[0] : i32 from vector<1xi32>
      %slice3A_189 = vector.extract_strided_slice %get3A_138 {offsets = [1], sizes = [1], strides = [1]} : vector<16xi32> to vector<1xi32>
      %squeeze3A_190 = vector.extract %slice3A_189[0] : i32 from vector<1xi32>
      %slice3A_191 = vector.extract_strided_slice %get3A_141 {offsets = [1], sizes = [1], strides = [1]} : vector<16xi32> to vector<1xi32>
      %squeeze3A_192 = vector.extract %slice3A_191[0] : i32 from vector<1xi32>
      %mul3A_193 = arith.constant 16 : i32
      %mul3A_194 = arith.muli %scan3A_129, %mul3A_193 : i32
      %add3A_195 = arith.constant 1 : i32
      %add3A_196 = arith.addi %mul3A_194, %add3A_195 : i32
      %dma_start3A_197 = arith.constant 0 : i32
      %dma_start3A_198 = tpu.memref_slice %arg16[%add3A_196, %dma_start3A_197] : memref<128x16xf32, #tpu.memory_space<vmem>> -> memref<1x16xf32, #tpu.memory_space<vmem>>
      %dma_start3A_199 = arith.constant 0 : i32
      %dma_start3A_200 = tpu.memref_slice %arg5[%squeeze3A_186, %dma_start3A_199] : memref<1000000x16xf32, #tpu.memory_space<hbm>> -> memref<1x16xf32, #tpu.memory_space<hbm>>
      %dma_start3A_201 = arith.constant 0 : i32
      %dma_start3A_202 = tpu.memref_slice %arg16[%add3A_196, %dma_start3A_201] : memref<128x16xf32, #tpu.memory_space<vmem>> -> memref<1x16xf32, #tpu.memory_space<vmem>>
      %dma_start3A_203 = arith.constant 0 : i32
      %dma_start3A_204 = tpu.memref_slice %arg5[%squeeze3A_186, %dma_start3A_203] : memref<1000000x16xf32, #tpu.memory_space<hbm>> -> memref<1x16xf32, #tpu.memory_space<hbm>>
      tpu.enqueue_dma source(%dma_start3A_204 : memref<1x16xf32, #tpu.memory_space<hbm>>) target(%dma_start3A_202 : memref<1x16xf32, #tpu.memory_space<vmem>>) target_semaphore(%arg20 : memref<!tpu.dma_semaphore, #tpu.memory_space<semaphore_mem>>)
      %dma_start3A_205 = arith.constant 0 : i32
      %dma_start3A_206 = tpu.memref_slice %arg17[%add3A_196, %dma_start3A_205] : memref<128x104xf32, #tpu.memory_space<vmem>> -> memref<1x104xf32, #tpu.memory_space<vmem>>
      %dma_start3A_207 = arith.constant 0 : i32
      %dma_start3A_208 = tpu.memref_slice %arg6[%squeeze3A_188, %dma_start3A_207] : memref<250000x104xf32, #tpu.memory_space<hbm>> -> memref<1x104xf32, #tpu.memory_space<hbm>>
      %dma_start3A_209 = arith.constant 0 : i32
      %dma_start3A_210 = tpu.memref_slice %arg17[%add3A_196, %dma_start3A_209] : memref<128x104xf32, #tpu.memory_space<vmem>> -> memref<1x104xf32, #tpu.memory_space<vmem>>
      %dma_start3A_211 = arith.constant 0 : i32
      %dma_start3A_212 = tpu.memref_slice %arg6[%squeeze3A_188, %dma_start3A_211] : memref<250000x104xf32, #tpu.memory_space<hbm>> -> memref<1x104xf32, #tpu.memory_space<hbm>>
      tpu.enqueue_dma source(%dma_start3A_212 : memref<1x104xf32, #tpu.memory_space<hbm>>) target(%dma_start3A_210 : memref<1x104xf32, #tpu.memory_space<vmem>>) target_semaphore(%arg21 : memref<!tpu.dma_semaphore, #tpu.memory_space<semaphore_mem>>)
      %dma_start3A_213 = arith.constant 0 : i32
      %dma_start3A_214 = tpu.memref_slice %arg18[%add3A_196, %dma_start3A_213] : memref<128x16xf32, #tpu.memory_space<vmem>> -> memref<1x16xf32, #tpu.memory_space<vmem>>
      %dma_start3A_215 = arith.constant 0 : i32
      %dma_start3A_216 = tpu.memref_slice %arg7[%squeeze3A_190, %dma_start3A_215] : memref<1000x16xf32, #tpu.memory_space<hbm>> -> memref<1x16xf32, #tpu.memory_space<hbm>>
      %dma_start3A_217 = arith.constant 0 : i32
      %dma_start3A_218 = tpu.memref_slice %arg18[%add3A_196, %dma_start3A_217] : memref<128x16xf32, #tpu.memory_space<vmem>> -> memref<1x16xf32, #tpu.memory_space<vmem>>
      %dma_start3A_219 = arith.constant 0 : i32
      %dma_start3A_220 = tpu.memref_slice %arg7[%squeeze3A_190, %dma_start3A_219] : memref<1000x16xf32, #tpu.memory_space<hbm>> -> memref<1x16xf32, #tpu.memory_space<hbm>>
      tpu.enqueue_dma source(%dma_start3A_220 : memref<1x16xf32, #tpu.memory_space<hbm>>) target(%dma_start3A_218 : memref<1x16xf32, #tpu.memory_space<vmem>>) target_semaphore(%arg22 : memref<!tpu.dma_semaphore, #tpu.memory_space<semaphore_mem>>)
      %dma_start3A_221 = arith.constant 0 : i32
      %dma_start3A_222 = tpu.memref_slice %arg19[%add3A_196, %dma_start3A_221] : memref<128x16xf32, #tpu.memory_space<vmem>> -> memref<1x16xf32, #tpu.memory_space<vmem>>
      %dma_start3A_223 = arith.constant 0 : i32
      %dma_start3A_224 = tpu.memref_slice %arg8[%squeeze3A_192, %dma_start3A_223] : memref<200x16xf32, #tpu.memory_space<hbm>> -> memref<1x16xf32, #tpu.memory_space<hbm>>
      %dma_start3A_225 = arith.constant 0 : i32
      %dma_start3A_226 = tpu.memref_slice %arg19[%add3A_196, %dma_start3A_225] : memref<128x16xf32, #tpu.memory_space<vmem>> -> memref<1x16xf32, #tpu.memory_space<vmem>>
      %dma_start3A_227 = arith.constant 0 : i32
      %dma_start3A_228 = tpu.memref_slice %arg8[%squeeze3A_192, %dma_start3A_227] : memref<200x16xf32, #tpu.memory_space<hbm>> -> memref<1x16xf32, #tpu.memory_space<hbm>>
      tpu.enqueue_dma source(%dma_start3A_228 : memref<1x16xf32, #tpu.memory_space<hbm>>) target(%dma_start3A_226 : memref<1x16xf32, #tpu.memory_space<vmem>>) target_semaphore(%arg23 : memref<!tpu.dma_semaphore, #tpu.memory_space<semaphore_mem>>)
      %slice3A_229 = vector.extract_strided_slice %get3A_135 {offsets = [2], sizes = [1], strides = [1]} : vector<16xi32> to vector<1xi32>
      %squeeze3A_230 = vector.extract %slice3A_229[0] : i32 from vector<1xi32>
      %slice3A_231 = vector.extract_strided_slice %shift_right_logical3A_143 {offsets = [2], sizes = [1], strides = [1]} : vector<16xi32> to vector<1xi32>
      %squeeze3A_232 = vector.extract %slice3A_231[0] : i32 from vector<1xi32>
      %slice3A_233 = vector.extract_strided_slice %get3A_138 {offsets = [2], sizes = [1], strides = [1]} : vector<16xi32> to vector<1xi32>
      %squeeze3A_234 = vector.extract %slice3A_233[0] : i32 from vector<1xi32>
      %slice3A_235 = vector.extract_strided_slice %get3A_141 {offsets = [2], sizes = [1], strides = [1]} : vector<16xi32> to vector<1xi32>
      %squeeze3A_236 = vector.extract %slice3A_235[0] : i32 from vector<1xi32>
      %mul3A_237 = arith.constant 16 : i32
      %mul3A_238 = arith.muli %scan3A_129, %mul3A_237 : i32
      %add3A_239 = arith.constant 2 : i32
      %add3A_240 = arith.addi %mul3A_238, %add3A_239 : i32
      %dma_start3A_241 = arith.constant 0 : i32
      %dma_start3A_242 = tpu.memref_slice %arg16[%add3A_240, %dma_start3A_241] : memref<128x16xf32, #tpu.memory_space<vmem>> -> memref<1x16xf32, #tpu.memory_space<vmem>>
      %dma_start3A_243 = arith.constant 0 : i32
      %dma_start3A_244 = tpu.memref_slice %arg5[%squeeze3A_230, %dma_start3A_243] : memref<1000000x16xf32, #tpu.memory_space<hbm>> -> memref<1x16xf32, #tpu.memory_space<hbm>>
      %dma_start3A_245 = arith.constant 0 : i32
      %dma_start3A_246 = tpu.memref_slice %arg16[%add3A_240, %dma_start3A_245] : memref<128x16xf32, #tpu.memory_space<vmem>> -> memref<1x16xf32, #tpu.memory_space<vmem>>
      %dma_start3A_247 = arith.constant 0 : i32
      %dma_start3A_248 = tpu.memref_slice %arg5[%squeeze3A_230, %dma_start3A_247] : memref<1000000x16xf32, #tpu.memory_space<hbm>> -> memref<1x16xf32, #tpu.memory_space<hbm>>
      tpu.enqueue_dma source(%dma_start3A_248 : memref<1x16xf32, #tpu.memory_space<hbm>>) target(%dma_start3A_246 : memref<1x16xf32, #tpu.memory_space<vmem>>) target_semaphore(%arg20 : memref<!tpu.dma_semaphore, #tpu.memory_space<semaphore_mem>>)
      %dma_start3A_249 = arith.constant 0 : i32
      %dma_start3A_250 = tpu.memref_slice %arg17[%add3A_240, %dma_start3A_249] : memref<128x104xf32, #tpu.memory_space<vmem>> -> memref<1x104xf32, #tpu.memory_space<vmem>>
      %dma_start3A_251 = arith.constant 0 : i32
      %dma_start3A_252 = tpu.memref_slice %arg6[%squeeze3A_232, %dma_start3A_251] : memref<250000x104xf32, #tpu.memory_space<hbm>> -> memref<1x104xf32, #tpu.memory_space<hbm>>
      %dma_start3A_253 = arith.constant 0 : i32
      %dma_start3A_254 = tpu.memref_slice %arg17[%add3A_240, %dma_start3A_253] : memref<128x104xf32, #tpu.memory_space<vmem>> -> memref<1x104xf32, #tpu.memory_space<vmem>>
      %dma_start3A_255 = arith.constant 0 : i32
      %dma_start3A_256 = tpu.memref_slice %arg6[%squeeze3A_232, %dma_start3A_255] : memref<250000x104xf32, #tpu.memory_space<hbm>> -> memref<1x104xf32, #tpu.memory_space<hbm>>
      tpu.enqueue_dma source(%dma_start3A_256 : memref<1x104xf32, #tpu.memory_space<hbm>>) target(%dma_start3A_254 : memref<1x104xf32, #tpu.memory_space<vmem>>) target_semaphore(%arg21 : memref<!tpu.dma_semaphore, #tpu.memory_space<semaphore_mem>>)
      %dma_start3A_257 = arith.constant 0 : i32
      %dma_start3A_258 = tpu.memref_slice %arg18[%add3A_240, %dma_start3A_257] : memref<128x16xf32, #tpu.memory_space<vmem>> -> memref<1x16xf32, #tpu.memory_space<vmem>>
      %dma_start3A_259 = arith.constant 0 : i32
      %dma_start3A_260 = tpu.memref_slice %arg7[%squeeze3A_234, %dma_start3A_259] : memref<1000x16xf32, #tpu.memory_space<hbm>> -> memref<1x16xf32, #tpu.memory_space<hbm>>
      %dma_start3A_261 = arith.constant 0 : i32
      %dma_start3A_262 = tpu.memref_slice %arg18[%add3A_240, %dma_start3A_261] : memref<128x16xf32, #tpu.memory_space<vmem>> -> memref<1x16xf32, #tpu.memory_space<vmem>>
      %dma_start3A_263 = arith.constant 0 : i32
      %dma_start3A_264 = tpu.memref_slice %arg7[%squeeze3A_234, %dma_start3A_263] : memref<1000x16xf32, #tpu.memory_space<hbm>> -> memref<1x16xf32, #tpu.memory_space<hbm>>
      tpu.enqueue_dma source(%dma_start3A_264 : memref<1x16xf32, #tpu.memory_space<hbm>>) target(%dma_start3A_262 : memref<1x16xf32, #tpu.memory_space<vmem>>) target_semaphore(%arg22 : memref<!tpu.dma_semaphore, #tpu.memory_space<semaphore_mem>>)
      %dma_start3A_265 = arith.constant 0 : i32
      %dma_start3A_266 = tpu.memref_slice %arg19[%add3A_240, %dma_start3A_265] : memref<128x16xf32, #tpu.memory_space<vmem>> -> memref<1x16xf32, #tpu.memory_space<vmem>>
      %dma_start3A_267 = arith.constant 0 : i32
      %dma_start3A_268 = tpu.memref_slice %arg8[%squeeze3A_236, %dma_start3A_267] : memref<200x16xf32, #tpu.memory_space<hbm>> -> memref<1x16xf32, #tpu.memory_space<hbm>>
      %dma_start3A_269 = arith.constant 0 : i32
      %dma_start3A_270 = tpu.memref_slice %arg19[%add3A_240, %dma_start3A_269] : memref<128x16xf32, #tpu.memory_space<vmem>> -> memref<1x16xf32, #tpu.memory_space<vmem>>
      %dma_start3A_271 = arith.constant 0 : i32
      %dma_start3A_272 = tpu.memref_slice %arg8[%squeeze3A_236, %dma_start3A_271] : memref<200x16xf32, #tpu.memory_space<hbm>> -> memref<1x16xf32, #tpu.memory_space<hbm>>
      tpu.enqueue_dma source(%dma_start3A_272 : memref<1x16xf32, #tpu.memory_space<hbm>>) target(%dma_start3A_270 : memref<1x16xf32, #tpu.memory_space<vmem>>) target_semaphore(%arg23 : memref<!tpu.dma_semaphore, #tpu.memory_space<semaphore_mem>>)
      %slice3A_273 = vector.extract_strided_slice %get3A_135 {offsets = [3], sizes = [1], strides = [1]} : vector<16xi32> to vector<1xi32>
      %squeeze3A_274 = vector.extract %slice3A_273[0] : i32 from vector<1xi32>
      %slice3A_275 = vector.extract_strided_slice %shift_right_logical3A_143 {offsets = [3], sizes = [1], strides = [1]} : vector<16xi32> to vector<1xi32>
      %squeeze3A_276 = vector.extract %slice3A_275[0] : i32 from vector<1xi32>
      %slice3A_277 = vector.extract_strided_slice %get3A_138 {offsets = [3], sizes = [1], strides = [1]} : vector<16xi32> to vector<1xi32>
      %squeeze3A_278 = vector.extract %slice3A_277[0] : i32 from vector<1xi32>
      %slice3A_279 = vector.extract_strided_slice %get3A_141 {offsets = [3], sizes = [1], strides = [1]} : vector<16xi32> to vector<1xi32>
      %squeeze3A_280 = vector.extract %slice3A_279[0] : i32 from vector<1xi32>
      %mul3A_281 = arith.constant 16 : i32
      %mul3A_282 = arith.muli %scan3A_129, %mul3A_281 : i32
      %add3A_283 = arith.constant 3 : i32
      %add3A_284 = arith.addi %mul3A_282, %add3A_283 : i32
      %dma_start3A_285 = arith.constant 0 : i32
      %dma_start3A_286 = tpu.memref_slice %arg16[%add3A_284, %dma_start3A_285] : memref<128x16xf32, #tpu.memory_space<vmem>> -> memref<1x16xf32, #tpu.memory_space<vmem>>
      %dma_start3A_287 = arith.constant 0 : i32
      %dma_start3A_288 = tpu.memref_slice %arg5[%squeeze3A_274, %dma_start3A_287] : memref<1000000x16xf32, #tpu.memory_space<hbm>> -> memref<1x16xf32, #tpu.memory_space<hbm>>
      %dma_start3A_289 = arith.constant 0 : i32
      %dma_start3A_290 = tpu.memref_slice %arg16[%add3A_284, %dma_start3A_289] : memref<128x16xf32, #tpu.memory_space<vmem>> -> memref<1x16xf32, #tpu.memory_space<vmem>>
      %dma_start3A_291 = arith.constant 0 : i32
      %dma_start3A_292 = tpu.memref_slice %arg5[%squeeze3A_274, %dma_start3A_291] : memref<1000000x16xf32, #tpu.memory_space<hbm>> -> memref<1x16xf32, #tpu.memory_space<hbm>>
      tpu.enqueue_dma source(%dma_start3A_292 : memref<1x16xf32, #tpu.memory_space<hbm>>) target(%dma_start3A_290 : memref<1x16xf32, #tpu.memory_space<vmem>>) target_semaphore(%arg20 : memref<!tpu.dma_semaphore, #tpu.memory_space<semaphore_mem>>)
      %dma_start3A_293 = arith.constant 0 : i32
      %dma_start3A_294 = tpu.memref_slice %arg17[%add3A_284, %dma_start3A_293] : memref<128x104xf32, #tpu.memory_space<vmem>> -> memref<1x104xf32, #tpu.memory_space<vmem>>
      %dma_start3A_295 = arith.constant 0 : i32
      %dma_start3A_296 = tpu.memref_slice %arg6[%squeeze3A_276, %dma_start3A_295] : memref<250000x104xf32, #tpu.memory_space<hbm>> -> memref<1x104xf32, #tpu.memory_space<hbm>>
      %dma_start3A_297 = arith.constant 0 : i32
      %dma_start3A_298 = tpu.memref_slice %arg17[%add3A_284, %dma_start3A_297] : memref<128x104xf32, #tpu.memory_space<vmem>> -> memref<1x104xf32, #tpu.memory_space<vmem>>
      %dma_start3A_299 = arith.constant 0 : i32
      %dma_start3A_300 = tpu.memref_slice %arg6[%squeeze3A_276, %dma_start3A_299] : memref<250000x104xf32, #tpu.memory_space<hbm>> -> memref<1x104xf32, #tpu.memory_space<hbm>>
      tpu.enqueue_dma source(%dma_start3A_300 : memref<1x104xf32, #tpu.memory_space<hbm>>) target(%dma_start3A_298 : memref<1x104xf32, #tpu.memory_space<vmem>>) target_semaphore(%arg21 : memref<!tpu.dma_semaphore, #tpu.memory_space<semaphore_mem>>)
      %dma_start3A_301 = arith.constant 0 : i32
      %dma_start3A_302 = tpu.memref_slice %arg18[%add3A_284, %dma_start3A_301] : memref<128x16xf32, #tpu.memory_space<vmem>> -> memref<1x16xf32, #tpu.memory_space<vmem>>
      %dma_start3A_303 = arith.constant 0 : i32
      %dma_start3A_304 = tpu.memref_slice %arg7[%squeeze3A_278, %dma_start3A_303] : memref<1000x16xf32, #tpu.memory_space<hbm>> -> memref<1x16xf32, #tpu.memory_space<hbm>>
      %dma_start3A_305 = arith.constant 0 : i32
      %dma_start3A_306 = tpu.memref_slice %arg18[%add3A_284, %dma_start3A_305] : memref<128x16xf32, #tpu.memory_space<vmem>> -> memref<1x16xf32, #tpu.memory_space<vmem>>
      %dma_start3A_307 = arith.constant 0 : i32
      %dma_start3A_308 = tpu.memref_slice %arg7[%squeeze3A_278, %dma_start3A_307] : memref<1000x16xf32, #tpu.memory_space<hbm>> -> memref<1x16xf32, #tpu.memory_space<hbm>>
      tpu.enqueue_dma source(%dma_start3A_308 : memref<1x16xf32, #tpu.memory_space<hbm>>) target(%dma_start3A_306 : memref<1x16xf32, #tpu.memory_space<vmem>>) target_semaphore(%arg22 : memref<!tpu.dma_semaphore, #tpu.memory_space<semaphore_mem>>)
      %dma_start3A_309 = arith.constant 0 : i32
      %dma_start3A_310 = tpu.memref_slice %arg19[%add3A_284, %dma_start3A_309] : memref<128x16xf32, #tpu.memory_space<vmem>> -> memref<1x16xf32, #tpu.memory_space<vmem>>
      %dma_start3A_311 = arith.constant 0 : i32
      %dma_start3A_312 = tpu.memref_slice %arg8[%squeeze3A_280, %dma_start3A_311] : memref<200x16xf32, #tpu.memory_space<hbm>> -> memref<1x16xf32, #tpu.memory_space<hbm>>
      %dma_start3A_313 = arith.constant 0 : i32
      %dma_start3A_314 = tpu.memref_slice %arg19[%add3A_284, %dma_start3A_313] : memref<128x16xf32, #tpu.memory_space<vmem>> -> memref<1x16xf32, #tpu.memory_space<vmem>>
      %dma_start3A_315 = arith.constant 0 : i32
      %dma_start3A_316 = tpu.memref_slice %arg8[%squeeze3A_280, %dma_start3A_315] : memref<200x16xf32, #tpu.memory_space<hbm>> -> memref<1x16xf32, #tpu.memory_space<hbm>>
      tpu.enqueue_dma source(%dma_start3A_316 : memref<1x16xf32, #tpu.memory_space<hbm>>) target(%dma_start3A_314 : memref<1x16xf32, #tpu.memory_space<vmem>>) target_semaphore(%arg23 : memref<!tpu.dma_semaphore, #tpu.memory_space<semaphore_mem>>)
      %slice3A_317 = vector.extract_strided_slice %get3A_135 {offsets = [4], sizes = [1], strides = [1]} : vector<16xi32> to vector<1xi32>
      %squeeze3A_318 = vector.extract %slice3A_317[0] : i32 from vector<1xi32>
      %slice3A_319 = vector.extract_strided_slice %shift_right_logical3A_143 {offsets = [4], sizes = [1], strides = [1]} : vector<16xi32> to vector<1xi32>
      %squeeze3A_320 = vector.extract %slice3A_319[0] : i32 from vector<1xi32>
      %slice3A_321 = vector.extract_strided_slice %get3A_138 {offsets = [4], sizes = [1], strides = [1]} : vector<16xi32> to vector<1xi32>
      %squeeze3A_322 = vector.extract %slice3A_321[0] : i32 from vector<1xi32>
      %slice3A_323 = vector.extract_strided_slice %get3A_141 {offsets = [4], sizes = [1], strides = [1]} : vector<16xi32> to vector<1xi32>
      %squeeze3A_324 = vector.extract %slice3A_323[0] : i32 from vector<1xi32>
      %mul3A_325 = arith.constant 16 : i32
      %mul3A_326 = arith.muli %scan3A_129, %mul3A_325 : i32
      %add3A_327 = arith.constant 4 : i32
      %add3A_328 = arith.addi %mul3A_326, %add3A_327 : i32
      %dma_start3A_329 = arith.constant 0 : i32
      %dma_start3A_330 = tpu.memref_slice %arg16[%add3A_328, %dma_start3A_329] : memref<128x16xf32, #tpu.memory_space<vmem>> -> memref<1x16xf32, #tpu.memory_space<vmem>>
      %dma_start3A_331 = arith.constant 0 : i32
      %dma_start3A_332 = tpu.memref_slice %arg5[%squeeze3A_318, %dma_start3A_331] : memref<1000000x16xf32, #tpu.memory_space<hbm>> -> memref<1x16xf32, #tpu.memory_space<hbm>>
      %dma_start3A_333 = arith.constant 0 : i32
      %dma_start3A_334 = tpu.memref_slice %arg16[%add3A_328, %dma_start3A_333] : memref<128x16xf32, #tpu.memory_space<vmem>> -> memref<1x16xf32, #tpu.memory_space<vmem>>
      %dma_start3A_335 = arith.constant 0 : i32
      %dma_start3A_336 = tpu.memref_slice %arg5[%squeeze3A_318, %dma_start3A_335] : memref<1000000x16xf32, #tpu.memory_space<hbm>> -> memref<1x16xf32, #tpu.memory_space<hbm>>
      tpu.enqueue_dma source(%dma_start3A_336 : memref<1x16xf32, #tpu.memory_space<hbm>>) target(%dma_start3A_334 : memref<1x16xf32, #tpu.memory_space<vmem>>) target_semaphore(%arg20 : memref<!tpu.dma_semaphore, #tpu.memory_space<semaphore_mem>>)
      %dma_start3A_337 = arith.constant 0 : i32
      %dma_start3A_338 = tpu.memref_slice %arg17[%add3A_328, %dma_start3A_337] : memref<128x104xf32, #tpu.memory_space<vmem>> -> memref<1x104xf32, #tpu.memory_space<vmem>>
      %dma_start3A_339 = arith.constant 0 : i32
      %dma_start3A_340 = tpu.memref_slice %arg6[%squeeze3A_320, %dma_start3A_339] : memref<250000x104xf32, #tpu.memory_space<hbm>> -> memref<1x104xf32, #tpu.memory_space<hbm>>
      %dma_start3A_341 = arith.constant 0 : i32
      %dma_start3A_342 = tpu.memref_slice %arg17[%add3A_328, %dma_start3A_341] : memref<128x104xf32, #tpu.memory_space<vmem>> -> memref<1x104xf32, #tpu.memory_space<vmem>>
      %dma_start3A_343 = arith.constant 0 : i32
      %dma_start3A_344 = tpu.memref_slice %arg6[%squeeze3A_320, %dma_start3A_343] : memref<250000x104xf32, #tpu.memory_space<hbm>> -> memref<1x104xf32, #tpu.memory_space<hbm>>
      tpu.enqueue_dma source(%dma_start3A_344 : memref<1x104xf32, #tpu.memory_space<hbm>>) target(%dma_start3A_342 : memref<1x104xf32, #tpu.memory_space<vmem>>) target_semaphore(%arg21 : memref<!tpu.dma_semaphore, #tpu.memory_space<semaphore_mem>>)
      %dma_start3A_345 = arith.constant 0 : i32
      %dma_start3A_346 = tpu.memref_slice %arg18[%add3A_328, %dma_start3A_345] : memref<128x16xf32, #tpu.memory_space<vmem>> -> memref<1x16xf32, #tpu.memory_space<vmem>>
      %dma_start3A_347 = arith.constant 0 : i32
      %dma_start3A_348 = tpu.memref_slice %arg7[%squeeze3A_322, %dma_start3A_347] : memref<1000x16xf32, #tpu.memory_space<hbm>> -> memref<1x16xf32, #tpu.memory_space<hbm>>
      %dma_start3A_349 = arith.constant 0 : i32
      %dma_start3A_350 = tpu.memref_slice %arg18[%add3A_328, %dma_start3A_349] : memref<128x16xf32, #tpu.memory_space<vmem>> -> memref<1x16xf32, #tpu.memory_space<vmem>>
      %dma_start3A_351 = arith.constant 0 : i32
      %dma_start3A_352 = tpu.memref_slice %arg7[%squeeze3A_322, %dma_start3A_351] : memref<1000x16xf32, #tpu.memory_space<hbm>> -> memref<1x16xf32, #tpu.memory_space<hbm>>
      tpu.enqueue_dma source(%dma_start3A_352 : memref<1x16xf32, #tpu.memory_space<hbm>>) target(%dma_start3A_350 : memref<1x16xf32, #tpu.memory_space<vmem>>) target_semaphore(%arg22 : memref<!tpu.dma_semaphore, #tpu.memory_space<semaphore_mem>>)
      %dma_start3A_353 = arith.constant 0 : i32
      %dma_start3A_354 = tpu.memref_slice %arg19[%add3A_328, %dma_start3A_353] : memref<128x16xf32, #tpu.memory_space<vmem>> -> memref<1x16xf32, #tpu.memory_space<vmem>>
      %dma_start3A_355 = arith.constant 0 : i32
      %dma_start3A_356 = tpu.memref_slice %arg8[%squeeze3A_324, %dma_start3A_355] : memref<200x16xf32, #tpu.memory_space<hbm>> -> memref<1x16xf32, #tpu.memory_space<hbm>>
      %dma_start3A_357 = arith.constant 0 : i32
      %dma_start3A_358 = tpu.memref_slice %arg19[%add3A_328, %dma_start3A_357] : memref<128x16xf32, #tpu.memory_space<vmem>> -> memref<1x16xf32, #tpu.memory_space<vmem>>
      %dma_start3A_359 = arith.constant 0 : i32
      %dma_start3A_360 = tpu.memref_slice %arg8[%squeeze3A_324, %dma_start3A_359] : memref<200x16xf32, #tpu.memory_space<hbm>> -> memref<1x16xf32, #tpu.memory_space<hbm>>
      tpu.enqueue_dma source(%dma_start3A_360 : memref<1x16xf32, #tpu.memory_space<hbm>>) target(%dma_start3A_358 : memref<1x16xf32, #tpu.memory_space<vmem>>) target_semaphore(%arg23 : memref<!tpu.dma_semaphore, #tpu.memory_space<semaphore_mem>>)
      %slice3A_361 = vector.extract_strided_slice %get3A_135 {offsets = [5], sizes = [1], strides = [1]} : vector<16xi32> to vector<1xi32>
      %squeeze3A_362 = vector.extract %slice3A_361[0] : i32 from vector<1xi32>
      %slice3A_363 = vector.extract_strided_slice %shift_right_logical3A_143 {offsets = [5], sizes = [1], strides = [1]} : vector<16xi32> to vector<1xi32>
      %squeeze3A_364 = vector.extract %slice3A_363[0] : i32 from vector<1xi32>
      %slice3A_365 = vector.extract_strided_slice %get3A_138 {offsets = [5], sizes = [1], strides = [1]} : vector<16xi32> to vector<1xi32>
      %squeeze3A_366 = vector.extract %slice3A_365[0] : i32 from vector<1xi32>
      %slice3A_367 = vector.extract_strided_slice %get3A_141 {offsets = [5], sizes = [1], strides = [1]} : vector<16xi32> to vector<1xi32>
      %squeeze3A_368 = vector.extract %slice3A_367[0] : i32 from vector<1xi32>
      %mul3A_369 = arith.constant 16 : i32
      %mul3A_370 = arith.muli %scan3A_129, %mul3A_369 : i32
      %add3A_371 = arith.constant 5 : i32
      %add3A_372 = arith.addi %mul3A_370, %add3A_371 : i32
      %dma_start3A_373 = arith.constant 0 : i32
      %dma_start3A_374 = tpu.memref_slice %arg16[%add3A_372, %dma_start3A_373] : memref<128x16xf32, #tpu.memory_space<vmem>> -> memref<1x16xf32, #tpu.memory_space<vmem>>
      %dma_start3A_375 = arith.constant 0 : i32
      %dma_start3A_376 = tpu.memref_slice %arg5[%squeeze3A_362, %dma_start3A_375] : memref<1000000x16xf32, #tpu.memory_space<hbm>> -> memref<1x16xf32, #tpu.memory_space<hbm>>
      %dma_start3A_377 = arith.constant 0 : i32
      %dma_start3A_378 = tpu.memref_slice %arg16[%add3A_372, %dma_start3A_377] : memref<128x16xf32, #tpu.memory_space<vmem>> -> memref<1x16xf32, #tpu.memory_space<vmem>>
      %dma_start3A_379 = arith.constant 0 : i32
      %dma_start3A_380 = tpu.memref_slice %arg5[%squeeze3A_362, %dma_start3A_379] : memref<1000000x16xf32, #tpu.memory_space<hbm>> -> memref<1x16xf32, #tpu.memory_space<hbm>>
      tpu.enqueue_dma source(%dma_start3A_380 : memref<1x16xf32, #tpu.memory_space<hbm>>) target(%dma_start3A_378 : memref<1x16xf32, #tpu.memory_space<vmem>>) target_semaphore(%arg20 : memref<!tpu.dma_semaphore, #tpu.memory_space<semaphore_mem>>)
      %dma_start3A_381 = arith.constant 0 : i32
      %dma_start3A_382 = tpu.memref_slice %arg17[%add3A_372, %dma_start3A_381] : memref<128x104xf32, #tpu.memory_space<vmem>> -> memref<1x104xf32, #tpu.memory_space<vmem>>
      %dma_start3A_383 = arith.constant 0 : i32
      %dma_start3A_384 = tpu.memref_slice %arg6[%squeeze3A_364, %dma_start3A_383] : memref<250000x104xf32, #tpu.memory_space<hbm>> -> memref<1x104xf32, #tpu.memory_space<hbm>>
      %dma_start3A_385 = arith.constant 0 : i32
      %dma_start3A_386 = tpu.memref_slice %arg17[%add3A_372, %dma_start3A_385] : memref<128x104xf32, #tpu.memory_space<vmem>> -> memref<1x104xf32, #tpu.memory_space<vmem>>
      %dma_start3A_387 = arith.constant 0 : i32
      %dma_start3A_388 = tpu.memref_slice %arg6[%squeeze3A_364, %dma_start3A_387] : memref<250000x104xf32, #tpu.memory_space<hbm>> -> memref<1x104xf32, #tpu.memory_space<hbm>>
      tpu.enqueue_dma source(%dma_start3A_388 : memref<1x104xf32, #tpu.memory_space<hbm>>) target(%dma_start3A_386 : memref<1x104xf32, #tpu.memory_space<vmem>>) target_semaphore(%arg21 : memref<!tpu.dma_semaphore, #tpu.memory_space<semaphore_mem>>)
      %dma_start3A_389 = arith.constant 0 : i32
      %dma_start3A_390 = tpu.memref_slice %arg18[%add3A_372, %dma_start3A_389] : memref<128x16xf32, #tpu.memory_space<vmem>> -> memref<1x16xf32, #tpu.memory_space<vmem>>
      %dma_start3A_391 = arith.constant 0 : i32
      %dma_start3A_392 = tpu.memref_slice %arg7[%squeeze3A_366, %dma_start3A_391] : memref<1000x16xf32, #tpu.memory_space<hbm>> -> memref<1x16xf32, #tpu.memory_space<hbm>>
      %dma_start3A_393 = arith.constant 0 : i32
      %dma_start3A_394 = tpu.memref_slice %arg18[%add3A_372, %dma_start3A_393] : memref<128x16xf32, #tpu.memory_space<vmem>> -> memref<1x16xf32, #tpu.memory_space<vmem>>
      %dma_start3A_395 = arith.constant 0 : i32
      %dma_start3A_396 = tpu.memref_slice %arg7[%squeeze3A_366, %dma_start3A_395] : memref<1000x16xf32, #tpu.memory_space<hbm>> -> memref<1x16xf32, #tpu.memory_space<hbm>>
      tpu.enqueue_dma source(%dma_start3A_396 : memref<1x16xf32, #tpu.memory_space<hbm>>) target(%dma_start3A_394 : memref<1x16xf32, #tpu.memory_space<vmem>>) target_semaphore(%arg22 : memref<!tpu.dma_semaphore, #tpu.memory_space<semaphore_mem>>)
      %dma_start3A_397 = arith.constant 0 : i32
      %dma_start3A_398 = tpu.memref_slice %arg19[%add3A_372, %dma_start3A_397] : memref<128x16xf32, #tpu.memory_space<vmem>> -> memref<1x16xf32, #tpu.memory_space<vmem>>
      %dma_start3A_399 = arith.constant 0 : i32
      %dma_start3A_400 = tpu.memref_slice %arg8[%squeeze3A_368, %dma_start3A_399] : memref<200x16xf32, #tpu.memory_space<hbm>> -> memref<1x16xf32, #tpu.memory_space<hbm>>
      %dma_start3A_401 = arith.constant 0 : i32
      %dma_start3A_402 = tpu.memref_slice %arg19[%add3A_372, %dma_start3A_401] : memref<128x16xf32, #tpu.memory_space<vmem>> -> memref<1x16xf32, #tpu.memory_space<vmem>>
      %dma_start3A_403 = arith.constant 0 : i32
      %dma_start3A_404 = tpu.memref_slice %arg8[%squeeze3A_368, %dma_start3A_403] : memref<200x16xf32, #tpu.memory_space<hbm>> -> memref<1x16xf32, #tpu.memory_space<hbm>>
      tpu.enqueue_dma source(%dma_start3A_404 : memref<1x16xf32, #tpu.memory_space<hbm>>) target(%dma_start3A_402 : memref<1x16xf32, #tpu.memory_space<vmem>>) target_semaphore(%arg23 : memref<!tpu.dma_semaphore, #tpu.memory_space<semaphore_mem>>)
      %slice3A_405 = vector.extract_strided_slice %get3A_135 {offsets = [6], sizes = [1], strides = [1]} : vector<16xi32> to vector<1xi32>
      %squeeze3A_406 = vector.extract %slice3A_405[0] : i32 from vector<1xi32>
      %slice3A_407 = vector.extract_strided_slice %shift_right_logical3A_143 {offsets = [6], sizes = [1], strides = [1]} : vector<16xi32> to vector<1xi32>
      %squeeze3A_408 = vector.extract %slice3A_407[0] : i32 from vector<1xi32>
      %slice3A_409 = vector.extract_strided_slice %get3A_138 {offsets = [6], sizes = [1], strides = [1]} : vector<16xi32> to vector<1xi32>
      %squeeze3A_410 = vector.extract %slice3A_409[0] : i32 from vector<1xi32>
      %slice3A_411 = vector.extract_strided_slice %get3A_141 {offsets = [6], sizes = [1], strides = [1]} : vector<16xi32> to vector<1xi32>
      %squeeze3A_412 = vector.extract %slice3A_411[0] : i32 from vector<1xi32>
      %mul3A_413 = arith.constant 16 : i32
      %mul3A_414 = arith.muli %scan3A_129, %mul3A_413 : i32
      %add3A_415 = arith.constant 6 : i32
      %add3A_416 = arith.addi %mul3A_414, %add3A_415 : i32
      %dma_start3A_417 = arith.constant 0 : i32
      %dma_start3A_418 = tpu.memref_slice %arg16[%add3A_416, %dma_start3A_417] : memref<128x16xf32, #tpu.memory_space<vmem>> -> memref<1x16xf32, #tpu.memory_space<vmem>>
      %dma_start3A_419 = arith.constant 0 : i32
      %dma_start3A_420 = tpu.memref_slice %arg5[%squeeze3A_406, %dma_start3A_419] : memref<1000000x16xf32, #tpu.memory_space<hbm>> -> memref<1x16xf32, #tpu.memory_space<hbm>>
      %dma_start3A_421 = arith.constant 0 : i32
      %dma_start3A_422 = tpu.memref_slice %arg16[%add3A_416, %dma_start3A_421] : memref<128x16xf32, #tpu.memory_space<vmem>> -> memref<1x16xf32, #tpu.memory_space<vmem>>
      %dma_start3A_423 = arith.constant 0 : i32
      %dma_start3A_424 = tpu.memref_slice %arg5[%squeeze3A_406, %dma_start3A_423] : memref<1000000x16xf32, #tpu.memory_space<hbm>> -> memref<1x16xf32, #tpu.memory_space<hbm>>
      tpu.enqueue_dma source(%dma_start3A_424 : memref<1x16xf32, #tpu.memory_space<hbm>>) target(%dma_start3A_422 : memref<1x16xf32, #tpu.memory_space<vmem>>) target_semaphore(%arg20 : memref<!tpu.dma_semaphore, #tpu.memory_space<semaphore_mem>>)
      %dma_start3A_425 = arith.constant 0 : i32
      %dma_start3A_426 = tpu.memref_slice %arg17[%add3A_416, %dma_start3A_425] : memref<128x104xf32, #tpu.memory_space<vmem>> -> memref<1x104xf32, #tpu.memory_space<vmem>>
      %dma_start3A_427 = arith.constant 0 : i32
      %dma_start3A_428 = tpu.memref_slice %arg6[%squeeze3A_408, %dma_start3A_427] : memref<250000x104xf32, #tpu.memory_space<hbm>> -> memref<1x104xf32, #tpu.memory_space<hbm>>
      %dma_start3A_429 = arith.constant 0 : i32
      %dma_start3A_430 = tpu.memref_slice %arg17[%add3A_416, %dma_start3A_429] : memref<128x104xf32, #tpu.memory_space<vmem>> -> memref<1x104xf32, #tpu.memory_space<vmem>>
      %dma_start3A_431 = arith.constant 0 : i32
      %dma_start3A_432 = tpu.memref_slice %arg6[%squeeze3A_408, %dma_start3A_431] : memref<250000x104xf32, #tpu.memory_space<hbm>> -> memref<1x104xf32, #tpu.memory_space<hbm>>
      tpu.enqueue_dma source(%dma_start3A_432 : memref<1x104xf32, #tpu.memory_space<hbm>>) target(%dma_start3A_430 : memref<1x104xf32, #tpu.memory_space<vmem>>) target_semaphore(%arg21 : memref<!tpu.dma_semaphore, #tpu.memory_space<semaphore_mem>>)
      %dma_start3A_433 = arith.constant 0 : i32
      %dma_start3A_434 = tpu.memref_slice %arg18[%add3A_416, %dma_start3A_433] : memref<128x16xf32, #tpu.memory_space<vmem>> -> memref<1x16xf32, #tpu.memory_space<vmem>>
      %dma_start3A_435 = arith.constant 0 : i32
      %dma_start3A_436 = tpu.memref_slice %arg7[%squeeze3A_410, %dma_start3A_435] : memref<1000x16xf32, #tpu.memory_space<hbm>> -> memref<1x16xf32, #tpu.memory_space<hbm>>
      %dma_start3A_437 = arith.constant 0 : i32
      %dma_start3A_438 = tpu.memref_slice %arg18[%add3A_416, %dma_start3A_437] : memref<128x16xf32, #tpu.memory_space<vmem>> -> memref<1x16xf32, #tpu.memory_space<vmem>>
      %dma_start3A_439 = arith.constant 0 : i32
      %dma_start3A_440 = tpu.memref_slice %arg7[%squeeze3A_410, %dma_start3A_439] : memref<1000x16xf32, #tpu.memory_space<hbm>> -> memref<1x16xf32, #tpu.memory_space<hbm>>
      tpu.enqueue_dma source(%dma_start3A_440 : memref<1x16xf32, #tpu.memory_space<hbm>>) target(%dma_start3A_438 : memref<1x16xf32, #tpu.memory_space<vmem>>) target_semaphore(%arg22 : memref<!tpu.dma_semaphore, #tpu.memory_space<semaphore_mem>>)
      %dma_start3A_441 = arith.constant 0 : i32
      %dma_start3A_442 = tpu.memref_slice %arg19[%add3A_416, %dma_start3A_441] : memref<128x16xf32, #tpu.memory_space<vmem>> -> memref<1x16xf32, #tpu.memory_space<vmem>>
      %dma_start3A_443 = arith.constant 0 : i32
      %dma_start3A_444 = tpu.memref_slice %arg8[%squeeze3A_412, %dma_start3A_443] : memref<200x16xf32, #tpu.memory_space<hbm>> -> memref<1x16xf32, #tpu.memory_space<hbm>>
      %dma_start3A_445 = arith.constant 0 : i32
      %dma_start3A_446 = tpu.memref_slice %arg19[%add3A_416, %dma_start3A_445] : memref<128x16xf32, #tpu.memory_space<vmem>> -> memref<1x16xf32, #tpu.memory_space<vmem>>
      %dma_start3A_447 = arith.constant 0 : i32
      %dma_start3A_448 = tpu.memref_slice %arg8[%squeeze3A_412, %dma_start3A_447] : memref<200x16xf32, #tpu.memory_space<hbm>> -> memref<1x16xf32, #tpu.memory_space<hbm>>
      tpu.enqueue_dma source(%dma_start3A_448 : memref<1x16xf32, #tpu.memory_space<hbm>>) target(%dma_start3A_446 : memref<1x16xf32, #tpu.memory_space<vmem>>) target_semaphore(%arg23 : memref<!tpu.dma_semaphore, #tpu.memory_space<semaphore_mem>>)
      %slice3A_449 = vector.extract_strided_slice %get3A_135 {offsets = [7], sizes = [1], strides = [1]} : vector<16xi32> to vector<1xi32>
      %squeeze3A_450 = vector.extract %slice3A_449[0] : i32 from vector<1xi32>
      %slice3A_451 = vector.extract_strided_slice %shift_right_logical3A_143 {offsets = [7], sizes = [1], strides = [1]} : vector<16xi32> to vector<1xi32>
      %squeeze3A_452 = vector.extract %slice3A_451[0] : i32 from vector<1xi32>
      %slice3A_453 = vector.extract_strided_slice %get3A_138 {offsets = [7], sizes = [1], strides = [1]} : vector<16xi32> to vector<1xi32>
      %squeeze3A_454 = vector.extract %slice3A_453[0] : i32 from vector<1xi32>
      %slice3A_455 = vector.extract_strided_slice %get3A_141 {offsets = [7], sizes = [1], strides = [1]} : vector<16xi32> to vector<1xi32>
      %squeeze3A_456 = vector.extract %slice3A_455[0] : i32 from vector<1xi32>
      %mul3A_457 = arith.constant 16 : i32
      %mul3A_458 = arith.muli %scan3A_129, %mul3A_457 : i32
      %add3A_459 = arith.constant 7 : i32
      %add3A_460 = arith.addi %mul3A_458, %add3A_459 : i32
      %dma_start3A_461 = arith.constant 0 : i32
      %dma_start3A_462 = tpu.memref_slice %arg16[%add3A_460, %dma_start3A_461] : memref<128x16xf32, #tpu.memory_space<vmem>> -> memref<1x16xf32, #tpu.memory_space<vmem>>
      %dma_start3A_463 = arith.constant 0 : i32
      %dma_start3A_464 = tpu.memref_slice %arg5[%squeeze3A_450, %dma_start3A_463] : memref<1000000x16xf32, #tpu.memory_space<hbm>> -> memref<1x16xf32, #tpu.memory_space<hbm>>
      %dma_start3A_465 = arith.constant 0 : i32
      %dma_start3A_466 = tpu.memref_slice %arg16[%add3A_460, %dma_start3A_465] : memref<128x16xf32, #tpu.memory_space<vmem>> -> memref<1x16xf32, #tpu.memory_space<vmem>>
      %dma_start3A_467 = arith.constant 0 : i32
      %dma_start3A_468 = tpu.memref_slice %arg5[%squeeze3A_450, %dma_start3A_467] : memref<1000000x16xf32, #tpu.memory_space<hbm>> -> memref<1x16xf32, #tpu.memory_space<hbm>>
      tpu.enqueue_dma source(%dma_start3A_468 : memref<1x16xf32, #tpu.memory_space<hbm>>) target(%dma_start3A_466 : memref<1x16xf32, #tpu.memory_space<vmem>>) target_semaphore(%arg20 : memref<!tpu.dma_semaphore, #tpu.memory_space<semaphore_mem>>)
      %dma_start3A_469 = arith.constant 0 : i32
      %dma_start3A_470 = tpu.memref_slice %arg17[%add3A_460, %dma_start3A_469] : memref<128x104xf32, #tpu.memory_space<vmem>> -> memref<1x104xf32, #tpu.memory_space<vmem>>
      %dma_start3A_471 = arith.constant 0 : i32
      %dma_start3A_472 = tpu.memref_slice %arg6[%squeeze3A_452, %dma_start3A_471] : memref<250000x104xf32, #tpu.memory_space<hbm>> -> memref<1x104xf32, #tpu.memory_space<hbm>>
      %dma_start3A_473 = arith.constant 0 : i32
      %dma_start3A_474 = tpu.memref_slice %arg17[%add3A_460, %dma_start3A_473] : memref<128x104xf32, #tpu.memory_space<vmem>> -> memref<1x104xf32, #tpu.memory_space<vmem>>
      %dma_start3A_475 = arith.constant 0 : i32
      %dma_start3A_476 = tpu.memref_slice %arg6[%squeeze3A_452, %dma_start3A_475] : memref<250000x104xf32, #tpu.memory_space<hbm>> -> memref<1x104xf32, #tpu.memory_space<hbm>>
      tpu.enqueue_dma source(%dma_start3A_476 : memref<1x104xf32, #tpu.memory_space<hbm>>) target(%dma_start3A_474 : memref<1x104xf32, #tpu.memory_space<vmem>>) target_semaphore(%arg21 : memref<!tpu.dma_semaphore, #tpu.memory_space<semaphore_mem>>)
      %dma_start3A_477 = arith.constant 0 : i32
      %dma_start3A_478 = tpu.memref_slice %arg18[%add3A_460, %dma_start3A_477] : memref<128x16xf32, #tpu.memory_space<vmem>> -> memref<1x16xf32, #tpu.memory_space<vmem>>
      %dma_start3A_479 = arith.constant 0 : i32
      %dma_start3A_480 = tpu.memref_slice %arg7[%squeeze3A_454, %dma_start3A_479] : memref<1000x16xf32, #tpu.memory_space<hbm>> -> memref<1x16xf32, #tpu.memory_space<hbm>>
      %dma_start3A_481 = arith.constant 0 : i32
      %dma_start3A_482 = tpu.memref_slice %arg18[%add3A_460, %dma_start3A_481] : memref<128x16xf32, #tpu.memory_space<vmem>> -> memref<1x16xf32, #tpu.memory_space<vmem>>
      %dma_start3A_483 = arith.constant 0 : i32
      %dma_start3A_484 = tpu.memref_slice %arg7[%squeeze3A_454, %dma_start3A_483] : memref<1000x16xf32, #tpu.memory_space<hbm>> -> memref<1x16xf32, #tpu.memory_space<hbm>>
      tpu.enqueue_dma source(%dma_start3A_484 : memref<1x16xf32, #tpu.memory_space<hbm>>) target(%dma_start3A_482 : memref<1x16xf32, #tpu.memory_space<vmem>>) target_semaphore(%arg22 : memref<!tpu.dma_semaphore, #tpu.memory_space<semaphore_mem>>)
      %dma_start3A_485 = arith.constant 0 : i32
      %dma_start3A_486 = tpu.memref_slice %arg19[%add3A_460, %dma_start3A_485] : memref<128x16xf32, #tpu.memory_space<vmem>> -> memref<1x16xf32, #tpu.memory_space<vmem>>
      %dma_start3A_487 = arith.constant 0 : i32
      %dma_start3A_488 = tpu.memref_slice %arg8[%squeeze3A_456, %dma_start3A_487] : memref<200x16xf32, #tpu.memory_space<hbm>> -> memref<1x16xf32, #tpu.memory_space<hbm>>
      %dma_start3A_489 = arith.constant 0 : i32
      %dma_start3A_490 = tpu.memref_slice %arg19[%add3A_460, %dma_start3A_489] : memref<128x16xf32, #tpu.memory_space<vmem>> -> memref<1x16xf32, #tpu.memory_space<vmem>>
      %dma_start3A_491 = arith.constant 0 : i32
      %dma_start3A_492 = tpu.memref_slice %arg8[%squeeze3A_456, %dma_start3A_491] : memref<200x16xf32, #tpu.memory_space<hbm>> -> memref<1x16xf32, #tpu.memory_space<hbm>>
      tpu.enqueue_dma source(%dma_start3A_492 : memref<1x16xf32, #tpu.memory_space<hbm>>) target(%dma_start3A_490 : memref<1x16xf32, #tpu.memory_space<vmem>>) target_semaphore(%arg23 : memref<!tpu.dma_semaphore, #tpu.memory_space<semaphore_mem>>)
      %slice3A_493 = vector.extract_strided_slice %get3A_135 {offsets = [8], sizes = [1], strides = [1]} : vector<16xi32> to vector<1xi32>
      %squeeze3A_494 = vector.extract %slice3A_493[0] : i32 from vector<1xi32>
      %slice3A_495 = vector.extract_strided_slice %shift_right_logical3A_143 {offsets = [8], sizes = [1], strides = [1]} : vector<16xi32> to vector<1xi32>
      %squeeze3A_496 = vector.extract %slice3A_495[0] : i32 from vector<1xi32>
      %slice3A_497 = vector.extract_strided_slice %get3A_138 {offsets = [8], sizes = [1], strides = [1]} : vector<16xi32> to vector<1xi32>
      %squeeze3A_498 = vector.extract %slice3A_497[0] : i32 from vector<1xi32>
      %slice3A_499 = vector.extract_strided_slice %get3A_141 {offsets = [8], sizes = [1], strides = [1]} : vector<16xi32> to vector<1xi32>
      %squeeze3A_500 = vector.extract %slice3A_499[0] : i32 from vector<1xi32>
      %mul3A_501 = arith.constant 16 : i32
      %mul3A_502 = arith.muli %scan3A_129, %mul3A_501 : i32
      %add3A_503 = arith.constant 8 : i32
      %add3A_504 = arith.addi %mul3A_502, %add3A_503 : i32
      %dma_start3A_505 = arith.constant 0 : i32
      %dma_start3A_506 = tpu.memref_slice %arg16[%add3A_504, %dma_start3A_505] : memref<128x16xf32, #tpu.memory_space<vmem>> -> memref<1x16xf32, #tpu.memory_space<vmem>>
      %dma_start3A_507 = arith.constant 0 : i32
      %dma_start3A_508 = tpu.memref_slice %arg5[%squeeze3A_494, %dma_start3A_507] : memref<1000000x16xf32, #tpu.memory_space<hbm>> -> memref<1x16xf32, #tpu.memory_space<hbm>>
      %dma_start3A_509 = arith.constant 0 : i32
      %dma_start3A_510 = tpu.memref_slice %arg16[%add3A_504, %dma_start3A_509] : memref<128x16xf32, #tpu.memory_space<vmem>> -> memref<1x16xf32, #tpu.memory_space<vmem>>
      %dma_start3A_511 = arith.constant 0 : i32
      %dma_start3A_512 = tpu.memref_slice %arg5[%squeeze3A_494, %dma_start3A_511] : memref<1000000x16xf32, #tpu.memory_space<hbm>> -> memref<1x16xf32, #tpu.memory_space<hbm>>
      tpu.enqueue_dma source(%dma_start3A_512 : memref<1x16xf32, #tpu.memory_space<hbm>>) target(%dma_start3A_510 : memref<1x16xf32, #tpu.memory_space<vmem>>) target_semaphore(%arg20 : memref<!tpu.dma_semaphore, #tpu.memory_space<semaphore_mem>>)
      %dma_start3A_513 = arith.constant 0 : i32
      %dma_start3A_514 = tpu.memref_slice %arg17[%add3A_504, %dma_start3A_513] : memref<128x104xf32, #tpu.memory_space<vmem>> -> memref<1x104xf32, #tpu.memory_space<vmem>>
      %dma_start3A_515 = arith.constant 0 : i32
      %dma_start3A_516 = tpu.memref_slice %arg6[%squeeze3A_496, %dma_start3A_515] : memref<250000x104xf32, #tpu.memory_space<hbm>> -> memref<1x104xf32, #tpu.memory_space<hbm>>
      %dma_start3A_517 = arith.constant 0 : i32
      %dma_start3A_518 = tpu.memref_slice %arg17[%add3A_504, %dma_start3A_517] : memref<128x104xf32, #tpu.memory_space<vmem>> -> memref<1x104xf32, #tpu.memory_space<vmem>>
      %dma_start3A_519 = arith.constant 0 : i32
      %dma_start3A_520 = tpu.memref_slice %arg6[%squeeze3A_496, %dma_start3A_519] : memref<250000x104xf32, #tpu.memory_space<hbm>> -> memref<1x104xf32, #tpu.memory_space<hbm>>
      tpu.enqueue_dma source(%dma_start3A_520 : memref<1x104xf32, #tpu.memory_space<hbm>>) target(%dma_start3A_518 : memref<1x104xf32, #tpu.memory_space<vmem>>) target_semaphore(%arg21 : memref<!tpu.dma_semaphore, #tpu.memory_space<semaphore_mem>>)
      %dma_start3A_521 = arith.constant 0 : i32
      %dma_start3A_522 = tpu.memref_slice %arg18[%add3A_504, %dma_start3A_521] : memref<128x16xf32, #tpu.memory_space<vmem>> -> memref<1x16xf32, #tpu.memory_space<vmem>>
      %dma_start3A_523 = arith.constant 0 : i32
      %dma_start3A_524 = tpu.memref_slice %arg7[%squeeze3A_498, %dma_start3A_523] : memref<1000x16xf32, #tpu.memory_space<hbm>> -> memref<1x16xf32, #tpu.memory_space<hbm>>
      %dma_start3A_525 = arith.constant 0 : i32
      %dma_start3A_526 = tpu.memref_slice %arg18[%add3A_504, %dma_start3A_525] : memref<128x16xf32, #tpu.memory_space<vmem>> -> memref<1x16xf32, #tpu.memory_space<vmem>>
      %dma_start3A_527 = arith.constant 0 : i32
      %dma_start3A_528 = tpu.memref_slice %arg7[%squeeze3A_498, %dma_start3A_527] : memref<1000x16xf32, #tpu.memory_space<hbm>> -> memref<1x16xf32, #tpu.memory_space<hbm>>
      tpu.enqueue_dma source(%dma_start3A_528 : memref<1x16xf32, #tpu.memory_space<hbm>>) target(%dma_start3A_526 : memref<1x16xf32, #tpu.memory_space<vmem>>) target_semaphore(%arg22 : memref<!tpu.dma_semaphore, #tpu.memory_space<semaphore_mem>>)
      %dma_start3A_529 = arith.constant 0 : i32
      %dma_start3A_530 = tpu.memref_slice %arg19[%add3A_504, %dma_start3A_529] : memref<128x16xf32, #tpu.memory_space<vmem>> -> memref<1x16xf32, #tpu.memory_space<vmem>>
      %dma_start3A_531 = arith.constant 0 : i32
      %dma_start3A_532 = tpu.memref_slice %arg8[%squeeze3A_500, %dma_start3A_531] : memref<200x16xf32, #tpu.memory_space<hbm>> -> memref<1x16xf32, #tpu.memory_space<hbm>>
      %dma_start3A_533 = arith.constant 0 : i32
      %dma_start3A_534 = tpu.memref_slice %arg19[%add3A_504, %dma_start3A_533] : memref<128x16xf32, #tpu.memory_space<vmem>> -> memref<1x16xf32, #tpu.memory_space<vmem>>
      %dma_start3A_535 = arith.constant 0 : i32
      %dma_start3A_536 = tpu.memref_slice %arg8[%squeeze3A_500, %dma_start3A_535] : memref<200x16xf32, #tpu.memory_space<hbm>> -> memref<1x16xf32, #tpu.memory_space<hbm>>
      tpu.enqueue_dma source(%dma_start3A_536 : memref<1x16xf32, #tpu.memory_space<hbm>>) target(%dma_start3A_534 : memref<1x16xf32, #tpu.memory_space<vmem>>) target_semaphore(%arg23 : memref<!tpu.dma_semaphore, #tpu.memory_space<semaphore_mem>>)
      %slice3A_537 = vector.extract_strided_slice %get3A_135 {offsets = [9], sizes = [1], strides = [1]} : vector<16xi32> to vector<1xi32>
      %squeeze3A_538 = vector.extract %slice3A_537[0] : i32 from vector<1xi32>
      %slice3A_539 = vector.extract_strided_slice %shift_right_logical3A_143 {offsets = [9], sizes = [1], strides = [1]} : vector<16xi32> to vector<1xi32>
      %squeeze3A_540 = vector.extract %slice3A_539[0] : i32 from vector<1xi32>
      %slice3A_541 = vector.extract_strided_slice %get3A_138 {offsets = [9], sizes = [1], strides = [1]} : vector<16xi32> to vector<1xi32>
      %squeeze3A_542 = vector.extract %slice3A_541[0] : i32 from vector<1xi32>
      %slice3A_543 = vector.extract_strided_slice %get3A_141 {offsets = [9], sizes = [1], strides = [1]} : vector<16xi32> to vector<1xi32>
      %squeeze3A_544 = vector.extract %slice3A_543[0] : i32 from vector<1xi32>
      %mul3A_545 = arith.constant 16 : i32
      %mul3A_546 = arith.muli %scan3A_129, %mul3A_545 : i32
      %add3A_547 = arith.constant 9 : i32
      %add3A_548 = arith.addi %mul3A_546, %add3A_547 : i32
      %dma_start3A_549 = arith.constant 0 : i32
      %dma_start3A_550 = tpu.memref_slice %arg16[%add3A_548, %dma_start3A_549] : memref<128x16xf32, #tpu.memory_space<vmem>> -> memref<1x16xf32, #tpu.memory_space<vmem>>
      %dma_start3A_551 = arith.constant 0 : i32
      %dma_start3A_552 = tpu.memref_slice %arg5[%squeeze3A_538, %dma_start3A_551] : memref<1000000x16xf32, #tpu.memory_space<hbm>> -> memref<1x16xf32, #tpu.memory_space<hbm>>
      %dma_start3A_553 = arith.constant 0 : i32
      %dma_start3A_554 = tpu.memref_slice %arg16[%add3A_548, %dma_start3A_553] : memref<128x16xf32, #tpu.memory_space<vmem>> -> memref<1x16xf32, #tpu.memory_space<vmem>>
      %dma_start3A_555 = arith.constant 0 : i32
      %dma_start3A_556 = tpu.memref_slice %arg5[%squeeze3A_538, %dma_start3A_555] : memref<1000000x16xf32, #tpu.memory_space<hbm>> -> memref<1x16xf32, #tpu.memory_space<hbm>>
      tpu.enqueue_dma source(%dma_start3A_556 : memref<1x16xf32, #tpu.memory_space<hbm>>) target(%dma_start3A_554 : memref<1x16xf32, #tpu.memory_space<vmem>>) target_semaphore(%arg20 : memref<!tpu.dma_semaphore, #tpu.memory_space<semaphore_mem>>)
      %dma_start3A_557 = arith.constant 0 : i32
      %dma_start3A_558 = tpu.memref_slice %arg17[%add3A_548, %dma_start3A_557] : memref<128x104xf32, #tpu.memory_space<vmem>> -> memref<1x104xf32, #tpu.memory_space<vmem>>
      %dma_start3A_559 = arith.constant 0 : i32
      %dma_start3A_560 = tpu.memref_slice %arg6[%squeeze3A_540, %dma_start3A_559] : memref<250000x104xf32, #tpu.memory_space<hbm>> -> memref<1x104xf32, #tpu.memory_space<hbm>>
      %dma_start3A_561 = arith.constant 0 : i32
      %dma_start3A_562 = tpu.memref_slice %arg17[%add3A_548, %dma_start3A_561] : memref<128x104xf32, #tpu.memory_space<vmem>> -> memref<1x104xf32, #tpu.memory_space<vmem>>
      %dma_start3A_563 = arith.constant 0 : i32
      %dma_start3A_564 = tpu.memref_slice %arg6[%squeeze3A_540, %dma_start3A_563] : memref<250000x104xf32, #tpu.memory_space<hbm>> -> memref<1x104xf32, #tpu.memory_space<hbm>>
      tpu.enqueue_dma source(%dma_start3A_564 : memref<1x104xf32, #tpu.memory_space<hbm>>) target(%dma_start3A_562 : memref<1x104xf32, #tpu.memory_space<vmem>>) target_semaphore(%arg21 : memref<!tpu.dma_semaphore, #tpu.memory_space<semaphore_mem>>)
      %dma_start3A_565 = arith.constant 0 : i32
      %dma_start3A_566 = tpu.memref_slice %arg18[%add3A_548, %dma_start3A_565] : memref<128x16xf32, #tpu.memory_space<vmem>> -> memref<1x16xf32, #tpu.memory_space<vmem>>
      %dma_start3A_567 = arith.constant 0 : i32
      %dma_start3A_568 = tpu.memref_slice %arg7[%squeeze3A_542, %dma_start3A_567] : memref<1000x16xf32, #tpu.memory_space<hbm>> -> memref<1x16xf32, #tpu.memory_space<hbm>>
      %dma_start3A_569 = arith.constant 0 : i32
      %dma_start3A_570 = tpu.memref_slice %arg18[%add3A_548, %dma_start3A_569] : memref<128x16xf32, #tpu.memory_space<vmem>> -> memref<1x16xf32, #tpu.memory_space<vmem>>
      %dma_start3A_571 = arith.constant 0 : i32
      %dma_start3A_572 = tpu.memref_slice %arg7[%squeeze3A_542, %dma_start3A_571] : memref<1000x16xf32, #tpu.memory_space<hbm>> -> memref<1x16xf32, #tpu.memory_space<hbm>>
      tpu.enqueue_dma source(%dma_start3A_572 : memref<1x16xf32, #tpu.memory_space<hbm>>) target(%dma_start3A_570 : memref<1x16xf32, #tpu.memory_space<vmem>>) target_semaphore(%arg22 : memref<!tpu.dma_semaphore, #tpu.memory_space<semaphore_mem>>)
      %dma_start3A_573 = arith.constant 0 : i32
      %dma_start3A_574 = tpu.memref_slice %arg19[%add3A_548, %dma_start3A_573] : memref<128x16xf32, #tpu.memory_space<vmem>> -> memref<1x16xf32, #tpu.memory_space<vmem>>
      %dma_start3A_575 = arith.constant 0 : i32
      %dma_start3A_576 = tpu.memref_slice %arg8[%squeeze3A_544, %dma_start3A_575] : memref<200x16xf32, #tpu.memory_space<hbm>> -> memref<1x16xf32, #tpu.memory_space<hbm>>
      %dma_start3A_577 = arith.constant 0 : i32
      %dma_start3A_578 = tpu.memref_slice %arg19[%add3A_548, %dma_start3A_577] : memref<128x16xf32, #tpu.memory_space<vmem>> -> memref<1x16xf32, #tpu.memory_space<vmem>>
      %dma_start3A_579 = arith.constant 0 : i32
      %dma_start3A_580 = tpu.memref_slice %arg8[%squeeze3A_544, %dma_start3A_579] : memref<200x16xf32, #tpu.memory_space<hbm>> -> memref<1x16xf32, #tpu.memory_space<hbm>>
      tpu.enqueue_dma source(%dma_start3A_580 : memref<1x16xf32, #tpu.memory_space<hbm>>) target(%dma_start3A_578 : memref<1x16xf32, #tpu.memory_space<vmem>>) target_semaphore(%arg23 : memref<!tpu.dma_semaphore, #tpu.memory_space<semaphore_mem>>)
      %slice3A_581 = vector.extract_strided_slice %get3A_135 {offsets = [10], sizes = [1], strides = [1]} : vector<16xi32> to vector<1xi32>
      %squeeze3A_582 = vector.extract %slice3A_581[0] : i32 from vector<1xi32>
      %slice3A_583 = vector.extract_strided_slice %shift_right_logical3A_143 {offsets = [10], sizes = [1], strides = [1]} : vector<16xi32> to vector<1xi32>
      %squeeze3A_584 = vector.extract %slice3A_583[0] : i32 from vector<1xi32>
      %slice3A_585 = vector.extract_strided_slice %get3A_138 {offsets = [10], sizes = [1], strides = [1]} : vector<16xi32> to vector<1xi32>
      %squeeze3A_586 = vector.extract %slice3A_585[0] : i32 from vector<1xi32>
      %slice3A_587 = vector.extract_strided_slice %get3A_141 {offsets = [10], sizes = [1], strides = [1]} : vector<16xi32> to vector<1xi32>
      %squeeze3A_588 = vector.extract %slice3A_587[0] : i32 from vector<1xi32>
      %mul3A_589 = arith.constant 16 : i32
      %mul3A_590 = arith.muli %scan3A_129, %mul3A_589 : i32
      %add3A_591 = arith.constant 10 : i32
      %add3A_592 = arith.addi %mul3A_590, %add3A_591 : i32
      %dma_start3A_593 = arith.constant 0 : i32
      %dma_start3A_594 = tpu.memref_slice %arg16[%add3A_592, %dma_start3A_593] : memref<128x16xf32, #tpu.memory_space<vmem>> -> memref<1x16xf32, #tpu.memory_space<vmem>>
      %dma_start3A_595 = arith.constant 0 : i32
      %dma_start3A_596 = tpu.memref_slice %arg5[%squeeze3A_582, %dma_start3A_595] : memref<1000000x16xf32, #tpu.memory_space<hbm>> -> memref<1x16xf32, #tpu.memory_space<hbm>>
      %dma_start3A_597 = arith.constant 0 : i32
      %dma_start3A_598 = tpu.memref_slice %arg16[%add3A_592, %dma_start3A_597] : memref<128x16xf32, #tpu.memory_space<vmem>> -> memref<1x16xf32, #tpu.memory_space<vmem>>
      %dma_start3A_599 = arith.constant 0 : i32
      %dma_start3A_600 = tpu.memref_slice %arg5[%squeeze3A_582, %dma_start3A_599] : memref<1000000x16xf32, #tpu.memory_space<hbm>> -> memref<1x16xf32, #tpu.memory_space<hbm>>
      tpu.enqueue_dma source(%dma_start3A_600 : memref<1x16xf32, #tpu.memory_space<hbm>>) target(%dma_start3A_598 : memref<1x16xf32, #tpu.memory_space<vmem>>) target_semaphore(%arg20 : memref<!tpu.dma_semaphore, #tpu.memory_space<semaphore_mem>>)
      %dma_start3A_601 = arith.constant 0 : i32
      %dma_start3A_602 = tpu.memref_slice %arg17[%add3A_592, %dma_start3A_601] : memref<128x104xf32, #tpu.memory_space<vmem>> -> memref<1x104xf32, #tpu.memory_space<vmem>>
      %dma_start3A_603 = arith.constant 0 : i32
      %dma_start3A_604 = tpu.memref_slice %arg6[%squeeze3A_584, %dma_start3A_603] : memref<250000x104xf32, #tpu.memory_space<hbm>> -> memref<1x104xf32, #tpu.memory_space<hbm>>
      %dma_start3A_605 = arith.constant 0 : i32
      %dma_start3A_606 = tpu.memref_slice %arg17[%add3A_592, %dma_start3A_605] : memref<128x104xf32, #tpu.memory_space<vmem>> -> memref<1x104xf32, #tpu.memory_space<vmem>>
      %dma_start3A_607 = arith.constant 0 : i32
      %dma_start3A_608 = tpu.memref_slice %arg6[%squeeze3A_584, %dma_start3A_607] : memref<250000x104xf32, #tpu.memory_space<hbm>> -> memref<1x104xf32, #tpu.memory_space<hbm>>
      tpu.enqueue_dma source(%dma_start3A_608 : memref<1x104xf32, #tpu.memory_space<hbm>>) target(%dma_start3A_606 : memref<1x104xf32, #tpu.memory_space<vmem>>) target_semaphore(%arg21 : memref<!tpu.dma_semaphore, #tpu.memory_space<semaphore_mem>>)
      %dma_start3A_609 = arith.constant 0 : i32
      %dma_start3A_610 = tpu.memref_slice %arg18[%add3A_592, %dma_start3A_609] : memref<128x16xf32, #tpu.memory_space<vmem>> -> memref<1x16xf32, #tpu.memory_space<vmem>>
      %dma_start3A_611 = arith.constant 0 : i32
      %dma_start3A_612 = tpu.memref_slice %arg7[%squeeze3A_586, %dma_start3A_611] : memref<1000x16xf32, #tpu.memory_space<hbm>> -> memref<1x16xf32, #tpu.memory_space<hbm>>
      %dma_start3A_613 = arith.constant 0 : i32
      %dma_start3A_614 = tpu.memref_slice %arg18[%add3A_592, %dma_start3A_613] : memref<128x16xf32, #tpu.memory_space<vmem>> -> memref<1x16xf32, #tpu.memory_space<vmem>>
      %dma_start3A_615 = arith.constant 0 : i32
      %dma_start3A_616 = tpu.memref_slice %arg7[%squeeze3A_586, %dma_start3A_615] : memref<1000x16xf32, #tpu.memory_space<hbm>> -> memref<1x16xf32, #tpu.memory_space<hbm>>
      tpu.enqueue_dma source(%dma_start3A_616 : memref<1x16xf32, #tpu.memory_space<hbm>>) target(%dma_start3A_614 : memref<1x16xf32, #tpu.memory_space<vmem>>) target_semaphore(%arg22 : memref<!tpu.dma_semaphore, #tpu.memory_space<semaphore_mem>>)
      %dma_start3A_617 = arith.constant 0 : i32
      %dma_start3A_618 = tpu.memref_slice %arg19[%add3A_592, %dma_start3A_617] : memref<128x16xf32, #tpu.memory_space<vmem>> -> memref<1x16xf32, #tpu.memory_space<vmem>>
      %dma_start3A_619 = arith.constant 0 : i32
      %dma_start3A_620 = tpu.memref_slice %arg8[%squeeze3A_588, %dma_start3A_619] : memref<200x16xf32, #tpu.memory_space<hbm>> -> memref<1x16xf32, #tpu.memory_space<hbm>>
      %dma_start3A_621 = arith.constant 0 : i32
      %dma_start3A_622 = tpu.memref_slice %arg19[%add3A_592, %dma_start3A_621] : memref<128x16xf32, #tpu.memory_space<vmem>> -> memref<1x16xf32, #tpu.memory_space<vmem>>
      %dma_start3A_623 = arith.constant 0 : i32
      %dma_start3A_624 = tpu.memref_slice %arg8[%squeeze3A_588, %dma_start3A_623] : memref<200x16xf32, #tpu.memory_space<hbm>> -> memref<1x16xf32, #tpu.memory_space<hbm>>
      tpu.enqueue_dma source(%dma_start3A_624 : memref<1x16xf32, #tpu.memory_space<hbm>>) target(%dma_start3A_622 : memref<1x16xf32, #tpu.memory_space<vmem>>) target_semaphore(%arg23 : memref<!tpu.dma_semaphore, #tpu.memory_space<semaphore_mem>>)
      %slice3A_625 = vector.extract_strided_slice %get3A_135 {offsets = [11], sizes = [1], strides = [1]} : vector<16xi32> to vector<1xi32>
      %squeeze3A_626 = vector.extract %slice3A_625[0] : i32 from vector<1xi32>
      %slice3A_627 = vector.extract_strided_slice %shift_right_logical3A_143 {offsets = [11], sizes = [1], strides = [1]} : vector<16xi32> to vector<1xi32>
      %squeeze3A_628 = vector.extract %slice3A_627[0] : i32 from vector<1xi32>
      %slice3A_629 = vector.extract_strided_slice %get3A_138 {offsets = [11], sizes = [1], strides = [1]} : vector<16xi32> to vector<1xi32>
      %squeeze3A_630 = vector.extract %slice3A_629[0] : i32 from vector<1xi32>
      %slice3A_631 = vector.extract_strided_slice %get3A_141 {offsets = [11], sizes = [1], strides = [1]} : vector<16xi32> to vector<1xi32>
      %squeeze3A_632 = vector.extract %slice3A_631[0] : i32 from vector<1xi32>
      %mul3A_633 = arith.constant 16 : i32
      %mul3A_634 = arith.muli %scan3A_129, %mul3A_633 : i32
      %add3A_635 = arith.constant 11 : i32
      %add3A_636 = arith.addi %mul3A_634, %add3A_635 : i32
      %dma_start3A_637 = arith.constant 0 : i32
      %dma_start3A_638 = tpu.memref_slice %arg16[%add3A_636, %dma_start3A_637] : memref<128x16xf32, #tpu.memory_space<vmem>> -> memref<1x16xf32, #tpu.memory_space<vmem>>
      %dma_start3A_639 = arith.constant 0 : i32
      %dma_start3A_640 = tpu.memref_slice %arg5[%squeeze3A_626, %dma_start3A_639] : memref<1000000x16xf32, #tpu.memory_space<hbm>> -> memref<1x16xf32, #tpu.memory_space<hbm>>
      %dma_start3A_641 = arith.constant 0 : i32
      %dma_start3A_642 = tpu.memref_slice %arg16[%add3A_636, %dma_start3A_641] : memref<128x16xf32, #tpu.memory_space<vmem>> -> memref<1x16xf32, #tpu.memory_space<vmem>>
      %dma_start3A_643 = arith.constant 0 : i32
      %dma_start3A_644 = tpu.memref_slice %arg5[%squeeze3A_626, %dma_start3A_643] : memref<1000000x16xf32, #tpu.memory_space<hbm>> -> memref<1x16xf32, #tpu.memory_space<hbm>>
      tpu.enqueue_dma source(%dma_start3A_644 : memref<1x16xf32, #tpu.memory_space<hbm>>) target(%dma_start3A_642 : memref<1x16xf32, #tpu.memory_space<vmem>>) target_semaphore(%arg20 : memref<!tpu.dma_semaphore, #tpu.memory_space<semaphore_mem>>)
      %dma_start3A_645 = arith.constant 0 : i32
      %dma_start3A_646 = tpu.memref_slice %arg17[%add3A_636, %dma_start3A_645] : memref<128x104xf32, #tpu.memory_space<vmem>> -> memref<1x104xf32, #tpu.memory_space<vmem>>
      %dma_start3A_647 = arith.constant 0 : i32
      %dma_start3A_648 = tpu.memref_slice %arg6[%squeeze3A_628, %dma_start3A_647] : memref<250000x104xf32, #tpu.memory_space<hbm>> -> memref<1x104xf32, #tpu.memory_space<hbm>>
      %dma_start3A_649 = arith.constant 0 : i32
      %dma_start3A_650 = tpu.memref_slice %arg17[%add3A_636, %dma_start3A_649] : memref<128x104xf32, #tpu.memory_space<vmem>> -> memref<1x104xf32, #tpu.memory_space<vmem>>
      %dma_start3A_651 = arith.constant 0 : i32
      %dma_start3A_652 = tpu.memref_slice %arg6[%squeeze3A_628, %dma_start3A_651] : memref<250000x104xf32, #tpu.memory_space<hbm>> -> memref<1x104xf32, #tpu.memory_space<hbm>>
      tpu.enqueue_dma source(%dma_start3A_652 : memref<1x104xf32, #tpu.memory_space<hbm>>) target(%dma_start3A_650 : memref<1x104xf32, #tpu.memory_space<vmem>>) target_semaphore(%arg21 : memref<!tpu.dma_semaphore, #tpu.memory_space<semaphore_mem>>)
      %dma_start3A_653 = arith.constant 0 : i32
      %dma_start3A_654 = tpu.memref_slice %arg18[%add3A_636, %dma_start3A_653] : memref<128x16xf32, #tpu.memory_space<vmem>> -> memref<1x16xf32, #tpu.memory_space<vmem>>
      %dma_start3A_655 = arith.constant 0 : i32
      %dma_start3A_656 = tpu.memref_slice %arg7[%squeeze3A_630, %dma_start3A_655] : memref<1000x16xf32, #tpu.memory_space<hbm>> -> memref<1x16xf32, #tpu.memory_space<hbm>>
      %dma_start3A_657 = arith.constant 0 : i32
      %dma_start3A_658 = tpu.memref_slice %arg18[%add3A_636, %dma_start3A_657] : memref<128x16xf32, #tpu.memory_space<vmem>> -> memref<1x16xf32, #tpu.memory_space<vmem>>
      %dma_start3A_659 = arith.constant 0 : i32
      %dma_start3A_660 = tpu.memref_slice %arg7[%squeeze3A_630, %dma_start3A_659] : memref<1000x16xf32, #tpu.memory_space<hbm>> -> memref<1x16xf32, #tpu.memory_space<hbm>>
      tpu.enqueue_dma source(%dma_start3A_660 : memref<1x16xf32, #tpu.memory_space<hbm>>) target(%dma_start3A_658 : memref<1x16xf32, #tpu.memory_space<vmem>>) target_semaphore(%arg22 : memref<!tpu.dma_semaphore, #tpu.memory_space<semaphore_mem>>)
      %dma_start3A_661 = arith.constant 0 : i32
      %dma_start3A_662 = tpu.memref_slice %arg19[%add3A_636, %dma_start3A_661] : memref<128x16xf32, #tpu.memory_space<vmem>> -> memref<1x16xf32, #tpu.memory_space<vmem>>
      %dma_start3A_663 = arith.constant 0 : i32
      %dma_start3A_664 = tpu.memref_slice %arg8[%squeeze3A_632, %dma_start3A_663] : memref<200x16xf32, #tpu.memory_space<hbm>> -> memref<1x16xf32, #tpu.memory_space<hbm>>
      %dma_start3A_665 = arith.constant 0 : i32
      %dma_start3A_666 = tpu.memref_slice %arg19[%add3A_636, %dma_start3A_665] : memref<128x16xf32, #tpu.memory_space<vmem>> -> memref<1x16xf32, #tpu.memory_space<vmem>>
      %dma_start3A_667 = arith.constant 0 : i32
      %dma_start3A_668 = tpu.memref_slice %arg8[%squeeze3A_632, %dma_start3A_667] : memref<200x16xf32, #tpu.memory_space<hbm>> -> memref<1x16xf32, #tpu.memory_space<hbm>>
      tpu.enqueue_dma source(%dma_start3A_668 : memref<1x16xf32, #tpu.memory_space<hbm>>) target(%dma_start3A_666 : memref<1x16xf32, #tpu.memory_space<vmem>>) target_semaphore(%arg23 : memref<!tpu.dma_semaphore, #tpu.memory_space<semaphore_mem>>)
      %slice3A_669 = vector.extract_strided_slice %get3A_135 {offsets = [12], sizes = [1], strides = [1]} : vector<16xi32> to vector<1xi32>
      %squeeze3A_670 = vector.extract %slice3A_669[0] : i32 from vector<1xi32>
      %slice3A_671 = vector.extract_strided_slice %shift_right_logical3A_143 {offsets = [12], sizes = [1], strides = [1]} : vector<16xi32> to vector<1xi32>
      %squeeze3A_672 = vector.extract %slice3A_671[0] : i32 from vector<1xi32>
      %slice3A_673 = vector.extract_strided_slice %get3A_138 {offsets = [12], sizes = [1], strides = [1]} : vector<16xi32> to vector<1xi32>
      %squeeze3A_674 = vector.extract %slice3A_673[0] : i32 from vector<1xi32>
      %slice3A_675 = vector.extract_strided_slice %get3A_141 {offsets = [12], sizes = [1], strides = [1]} : vector<16xi32> to vector<1xi32>
      %squeeze3A_676 = vector.extract %slice3A_675[0] : i32 from vector<1xi32>
      %mul3A_677 = arith.constant 16 : i32
      %mul3A_678 = arith.muli %scan3A_129, %mul3A_677 : i32
      %add3A_679 = arith.constant 12 : i32
      %add3A_680 = arith.addi %mul3A_678, %add3A_679 : i32
      %dma_start3A_681 = arith.constant 0 : i32
      %dma_start3A_682 = tpu.memref_slice %arg16[%add3A_680, %dma_start3A_681] : memref<128x16xf32, #tpu.memory_space<vmem>> -> memref<1x16xf32, #tpu.memory_space<vmem>>
      %dma_start3A_683 = arith.constant 0 : i32
      %dma_start3A_684 = tpu.memref_slice %arg5[%squeeze3A_670, %dma_start3A_683] : memref<1000000x16xf32, #tpu.memory_space<hbm>> -> memref<1x16xf32, #tpu.memory_space<hbm>>
      %dma_start3A_685 = arith.constant 0 : i32
      %dma_start3A_686 = tpu.memref_slice %arg16[%add3A_680, %dma_start3A_685] : memref<128x16xf32, #tpu.memory_space<vmem>> -> memref<1x16xf32, #tpu.memory_space<vmem>>
      %dma_start3A_687 = arith.constant 0 : i32
      %dma_start3A_688 = tpu.memref_slice %arg5[%squeeze3A_670, %dma_start3A_687] : memref<1000000x16xf32, #tpu.memory_space<hbm>> -> memref<1x16xf32, #tpu.memory_space<hbm>>
      tpu.enqueue_dma source(%dma_start3A_688 : memref<1x16xf32, #tpu.memory_space<hbm>>) target(%dma_start3A_686 : memref<1x16xf32, #tpu.memory_space<vmem>>) target_semaphore(%arg20 : memref<!tpu.dma_semaphore, #tpu.memory_space<semaphore_mem>>)
      %dma_start3A_689 = arith.constant 0 : i32
      %dma_start3A_690 = tpu.memref_slice %arg17[%add3A_680, %dma_start3A_689] : memref<128x104xf32, #tpu.memory_space<vmem>> -> memref<1x104xf32, #tpu.memory_space<vmem>>
      %dma_start3A_691 = arith.constant 0 : i32
      %dma_start3A_692 = tpu.memref_slice %arg6[%squeeze3A_672, %dma_start3A_691] : memref<250000x104xf32, #tpu.memory_space<hbm>> -> memref<1x104xf32, #tpu.memory_space<hbm>>
      %dma_start3A_693 = arith.constant 0 : i32
      %dma_start3A_694 = tpu.memref_slice %arg17[%add3A_680, %dma_start3A_693] : memref<128x104xf32, #tpu.memory_space<vmem>> -> memref<1x104xf32, #tpu.memory_space<vmem>>
      %dma_start3A_695 = arith.constant 0 : i32
      %dma_start3A_696 = tpu.memref_slice %arg6[%squeeze3A_672, %dma_start3A_695] : memref<250000x104xf32, #tpu.memory_space<hbm>> -> memref<1x104xf32, #tpu.memory_space<hbm>>
      tpu.enqueue_dma source(%dma_start3A_696 : memref<1x104xf32, #tpu.memory_space<hbm>>) target(%dma_start3A_694 : memref<1x104xf32, #tpu.memory_space<vmem>>) target_semaphore(%arg21 : memref<!tpu.dma_semaphore, #tpu.memory_space<semaphore_mem>>)
      %dma_start3A_697 = arith.constant 0 : i32
      %dma_start3A_698 = tpu.memref_slice %arg18[%add3A_680, %dma_start3A_697] : memref<128x16xf32, #tpu.memory_space<vmem>> -> memref<1x16xf32, #tpu.memory_space<vmem>>
      %dma_start3A_699 = arith.constant 0 : i32
      %dma_start3A_700 = tpu.memref_slice %arg7[%squeeze3A_674, %dma_start3A_699] : memref<1000x16xf32, #tpu.memory_space<hbm>> -> memref<1x16xf32, #tpu.memory_space<hbm>>
      %dma_start3A_701 = arith.constant 0 : i32
      %dma_start3A_702 = tpu.memref_slice %arg18[%add3A_680, %dma_start3A_701] : memref<128x16xf32, #tpu.memory_space<vmem>> -> memref<1x16xf32, #tpu.memory_space<vmem>>
      %dma_start3A_703 = arith.constant 0 : i32
      %dma_start3A_704 = tpu.memref_slice %arg7[%squeeze3A_674, %dma_start3A_703] : memref<1000x16xf32, #tpu.memory_space<hbm>> -> memref<1x16xf32, #tpu.memory_space<hbm>>
      tpu.enqueue_dma source(%dma_start3A_704 : memref<1x16xf32, #tpu.memory_space<hbm>>) target(%dma_start3A_702 : memref<1x16xf32, #tpu.memory_space<vmem>>) target_semaphore(%arg22 : memref<!tpu.dma_semaphore, #tpu.memory_space<semaphore_mem>>)
      %dma_start3A_705 = arith.constant 0 : i32
      %dma_start3A_706 = tpu.memref_slice %arg19[%add3A_680, %dma_start3A_705] : memref<128x16xf32, #tpu.memory_space<vmem>> -> memref<1x16xf32, #tpu.memory_space<vmem>>
      %dma_start3A_707 = arith.constant 0 : i32
      %dma_start3A_708 = tpu.memref_slice %arg8[%squeeze3A_676, %dma_start3A_707] : memref<200x16xf32, #tpu.memory_space<hbm>> -> memref<1x16xf32, #tpu.memory_space<hbm>>
      %dma_start3A_709 = arith.constant 0 : i32
      %dma_start3A_710 = tpu.memref_slice %arg19[%add3A_680, %dma_start3A_709] : memref<128x16xf32, #tpu.memory_space<vmem>> -> memref<1x16xf32, #tpu.memory_space<vmem>>
      %dma_start3A_711 = arith.constant 0 : i32
      %dma_start3A_712 = tpu.memref_slice %arg8[%squeeze3A_676, %dma_start3A_711] : memref<200x16xf32, #tpu.memory_space<hbm>> -> memref<1x16xf32, #tpu.memory_space<hbm>>
      tpu.enqueue_dma source(%dma_start3A_712 : memref<1x16xf32, #tpu.memory_space<hbm>>) target(%dma_start3A_710 : memref<1x16xf32, #tpu.memory_space<vmem>>) target_semaphore(%arg23 : memref<!tpu.dma_semaphore, #tpu.memory_space<semaphore_mem>>)
      %slice3A_713 = vector.extract_strided_slice %get3A_135 {offsets = [13], sizes = [1], strides = [1]} : vector<16xi32> to vector<1xi32>
      %squeeze3A_714 = vector.extract %slice3A_713[0] : i32 from vector<1xi32>
      %slice3A_715 = vector.extract_strided_slice %shift_right_logical3A_143 {offsets = [13], sizes = [1], strides = [1]} : vector<16xi32> to vector<1xi32>
      %squeeze3A_716 = vector.extract %slice3A_715[0] : i32 from vector<1xi32>
      %slice3A_717 = vector.extract_strided_slice %get3A_138 {offsets = [13], sizes = [1], strides = [1]} : vector<16xi32> to vector<1xi32>
      %squeeze3A_718 = vector.extract %slice3A_717[0] : i32 from vector<1xi32>
      %slice3A_719 = vector.extract_strided_slice %get3A_141 {offsets = [13], sizes = [1], strides = [1]} : vector<16xi32> to vector<1xi32>
      %squeeze3A_720 = vector.extract %slice3A_719[0] : i32 from vector<1xi32>
      %mul3A_721 = arith.constant 16 : i32
      %mul3A_722 = arith.muli %scan3A_129, %mul3A_721 : i32
      %add3A_723 = arith.constant 13 : i32
      %add3A_724 = arith.addi %mul3A_722, %add3A_723 : i32
      %dma_start3A_725 = arith.constant 0 : i32
      %dma_start3A_726 = tpu.memref_slice %arg16[%add3A_724, %dma_start3A_725] : memref<128x16xf32, #tpu.memory_space<vmem>> -> memref<1x16xf32, #tpu.memory_space<vmem>>
      %dma_start3A_727 = arith.constant 0 : i32
      %dma_start3A_728 = tpu.memref_slice %arg5[%squeeze3A_714, %dma_start3A_727] : memref<1000000x16xf32, #tpu.memory_space<hbm>> -> memref<1x16xf32, #tpu.memory_space<hbm>>
      %dma_start3A_729 = arith.constant 0 : i32
      %dma_start3A_730 = tpu.memref_slice %arg16[%add3A_724, %dma_start3A_729] : memref<128x16xf32, #tpu.memory_space<vmem>> -> memref<1x16xf32, #tpu.memory_space<vmem>>
      %dma_start3A_731 = arith.constant 0 : i32
      %dma_start3A_732 = tpu.memref_slice %arg5[%squeeze3A_714, %dma_start3A_731] : memref<1000000x16xf32, #tpu.memory_space<hbm>> -> memref<1x16xf32, #tpu.memory_space<hbm>>
      tpu.enqueue_dma source(%dma_start3A_732 : memref<1x16xf32, #tpu.memory_space<hbm>>) target(%dma_start3A_730 : memref<1x16xf32, #tpu.memory_space<vmem>>) target_semaphore(%arg20 : memref<!tpu.dma_semaphore, #tpu.memory_space<semaphore_mem>>)
      %dma_start3A_733 = arith.constant 0 : i32
      %dma_start3A_734 = tpu.memref_slice %arg17[%add3A_724, %dma_start3A_733] : memref<128x104xf32, #tpu.memory_space<vmem>> -> memref<1x104xf32, #tpu.memory_space<vmem>>
      %dma_start3A_735 = arith.constant 0 : i32
      %dma_start3A_736 = tpu.memref_slice %arg6[%squeeze3A_716, %dma_start3A_735] : memref<250000x104xf32, #tpu.memory_space<hbm>> -> memref<1x104xf32, #tpu.memory_space<hbm>>
      %dma_start3A_737 = arith.constant 0 : i32
      %dma_start3A_738 = tpu.memref_slice %arg17[%add3A_724, %dma_start3A_737] : memref<128x104xf32, #tpu.memory_space<vmem>> -> memref<1x104xf32, #tpu.memory_space<vmem>>
      %dma_start3A_739 = arith.constant 0 : i32
      %dma_start3A_740 = tpu.memref_slice %arg6[%squeeze3A_716, %dma_start3A_739] : memref<250000x104xf32, #tpu.memory_space<hbm>> -> memref<1x104xf32, #tpu.memory_space<hbm>>
      tpu.enqueue_dma source(%dma_start3A_740 : memref<1x104xf32, #tpu.memory_space<hbm>>) target(%dma_start3A_738 : memref<1x104xf32, #tpu.memory_space<vmem>>) target_semaphore(%arg21 : memref<!tpu.dma_semaphore, #tpu.memory_space<semaphore_mem>>)
      %dma_start3A_741 = arith.constant 0 : i32
      %dma_start3A_742 = tpu.memref_slice %arg18[%add3A_724, %dma_start3A_741] : memref<128x16xf32, #tpu.memory_space<vmem>> -> memref<1x16xf32, #tpu.memory_space<vmem>>
      %dma_start3A_743 = arith.constant 0 : i32
      %dma_start3A_744 = tpu.memref_slice %arg7[%squeeze3A_718, %dma_start3A_743] : memref<1000x16xf32, #tpu.memory_space<hbm>> -> memref<1x16xf32, #tpu.memory_space<hbm>>
      %dma_start3A_745 = arith.constant 0 : i32
      %dma_start3A_746 = tpu.memref_slice %arg18[%add3A_724, %dma_start3A_745] : memref<128x16xf32, #tpu.memory_space<vmem>> -> memref<1x16xf32, #tpu.memory_space<vmem>>
      %dma_start3A_747 = arith.constant 0 : i32
      %dma_start3A_748 = tpu.memref_slice %arg7[%squeeze3A_718, %dma_start3A_747] : memref<1000x16xf32, #tpu.memory_space<hbm>> -> memref<1x16xf32, #tpu.memory_space<hbm>>
      tpu.enqueue_dma source(%dma_start3A_748 : memref<1x16xf32, #tpu.memory_space<hbm>>) target(%dma_start3A_746 : memref<1x16xf32, #tpu.memory_space<vmem>>) target_semaphore(%arg22 : memref<!tpu.dma_semaphore, #tpu.memory_space<semaphore_mem>>)
      %dma_start3A_749 = arith.constant 0 : i32
      %dma_start3A_750 = tpu.memref_slice %arg19[%add3A_724, %dma_start3A_749] : memref<128x16xf32, #tpu.memory_space<vmem>> -> memref<1x16xf32, #tpu.memory_space<vmem>>
      %dma_start3A_751 = arith.constant 0 : i32
      %dma_start3A_752 = tpu.memref_slice %arg8[%squeeze3A_720, %dma_start3A_751] : memref<200x16xf32, #tpu.memory_space<hbm>> -> memref<1x16xf32, #tpu.memory_space<hbm>>
      %dma_start3A_753 = arith.constant 0 : i32
      %dma_start3A_754 = tpu.memref_slice %arg19[%add3A_724, %dma_start3A_753] : memref<128x16xf32, #tpu.memory_space<vmem>> -> memref<1x16xf32, #tpu.memory_space<vmem>>
      %dma_start3A_755 = arith.constant 0 : i32
      %dma_start3A_756 = tpu.memref_slice %arg8[%squeeze3A_720, %dma_start3A_755] : memref<200x16xf32, #tpu.memory_space<hbm>> -> memref<1x16xf32, #tpu.memory_space<hbm>>
      tpu.enqueue_dma source(%dma_start3A_756 : memref<1x16xf32, #tpu.memory_space<hbm>>) target(%dma_start3A_754 : memref<1x16xf32, #tpu.memory_space<vmem>>) target_semaphore(%arg23 : memref<!tpu.dma_semaphore, #tpu.memory_space<semaphore_mem>>)
      %slice3A_757 = vector.extract_strided_slice %get3A_135 {offsets = [14], sizes = [1], strides = [1]} : vector<16xi32> to vector<1xi32>
      %squeeze3A_758 = vector.extract %slice3A_757[0] : i32 from vector<1xi32>
      %slice3A_759 = vector.extract_strided_slice %shift_right_logical3A_143 {offsets = [14], sizes = [1], strides = [1]} : vector<16xi32> to vector<1xi32>
      %squeeze3A_760 = vector.extract %slice3A_759[0] : i32 from vector<1xi32>
      %slice3A_761 = vector.extract_strided_slice %get3A_138 {offsets = [14], sizes = [1], strides = [1]} : vector<16xi32> to vector<1xi32>
      %squeeze3A_762 = vector.extract %slice3A_761[0] : i32 from vector<1xi32>
      %slice3A_763 = vector.extract_strided_slice %get3A_141 {offsets = [14], sizes = [1], strides = [1]} : vector<16xi32> to vector<1xi32>
      %squeeze3A_764 = vector.extract %slice3A_763[0] : i32 from vector<1xi32>
      %mul3A_765 = arith.constant 16 : i32
      %mul3A_766 = arith.muli %scan3A_129, %mul3A_765 : i32
      %add3A_767 = arith.constant 14 : i32
      %add3A_768 = arith.addi %mul3A_766, %add3A_767 : i32
      %dma_start3A_769 = arith.constant 0 : i32
      %dma_start3A_770 = tpu.memref_slice %arg16[%add3A_768, %dma_start3A_769] : memref<128x16xf32, #tpu.memory_space<vmem>> -> memref<1x16xf32, #tpu.memory_space<vmem>>
      %dma_start3A_771 = arith.constant 0 : i32
      %dma_start3A_772 = tpu.memref_slice %arg5[%squeeze3A_758, %dma_start3A_771] : memref<1000000x16xf32, #tpu.memory_space<hbm>> -> memref<1x16xf32, #tpu.memory_space<hbm>>
      %dma_start3A_773 = arith.constant 0 : i32
      %dma_start3A_774 = tpu.memref_slice %arg16[%add3A_768, %dma_start3A_773] : memref<128x16xf32, #tpu.memory_space<vmem>> -> memref<1x16xf32, #tpu.memory_space<vmem>>
      %dma_start3A_775 = arith.constant 0 : i32
      %dma_start3A_776 = tpu.memref_slice %arg5[%squeeze3A_758, %dma_start3A_775] : memref<1000000x16xf32, #tpu.memory_space<hbm>> -> memref<1x16xf32, #tpu.memory_space<hbm>>
      tpu.enqueue_dma source(%dma_start3A_776 : memref<1x16xf32, #tpu.memory_space<hbm>>) target(%dma_start3A_774 : memref<1x16xf32, #tpu.memory_space<vmem>>) target_semaphore(%arg20 : memref<!tpu.dma_semaphore, #tpu.memory_space<semaphore_mem>>)
      %dma_start3A_777 = arith.constant 0 : i32
      %dma_start3A_778 = tpu.memref_slice %arg17[%add3A_768, %dma_start3A_777] : memref<128x104xf32, #tpu.memory_space<vmem>> -> memref<1x104xf32, #tpu.memory_space<vmem>>
      %dma_start3A_779 = arith.constant 0 : i32
      %dma_start3A_780 = tpu.memref_slice %arg6[%squeeze3A_760, %dma_start3A_779] : memref<250000x104xf32, #tpu.memory_space<hbm>> -> memref<1x104xf32, #tpu.memory_space<hbm>>
      %dma_start3A_781 = arith.constant 0 : i32
      %dma_start3A_782 = tpu.memref_slice %arg17[%add3A_768, %dma_start3A_781] : memref<128x104xf32, #tpu.memory_space<vmem>> -> memref<1x104xf32, #tpu.memory_space<vmem>>
      %dma_start3A_783 = arith.constant 0 : i32
      %dma_start3A_784 = tpu.memref_slice %arg6[%squeeze3A_760, %dma_start3A_783] : memref<250000x104xf32, #tpu.memory_space<hbm>> -> memref<1x104xf32, #tpu.memory_space<hbm>>
      tpu.enqueue_dma source(%dma_start3A_784 : memref<1x104xf32, #tpu.memory_space<hbm>>) target(%dma_start3A_782 : memref<1x104xf32, #tpu.memory_space<vmem>>) target_semaphore(%arg21 : memref<!tpu.dma_semaphore, #tpu.memory_space<semaphore_mem>>)
      %dma_start3A_785 = arith.constant 0 : i32
      %dma_start3A_786 = tpu.memref_slice %arg18[%add3A_768, %dma_start3A_785] : memref<128x16xf32, #tpu.memory_space<vmem>> -> memref<1x16xf32, #tpu.memory_space<vmem>>
      %dma_start3A_787 = arith.constant 0 : i32
      %dma_start3A_788 = tpu.memref_slice %arg7[%squeeze3A_762, %dma_start3A_787] : memref<1000x16xf32, #tpu.memory_space<hbm>> -> memref<1x16xf32, #tpu.memory_space<hbm>>
      %dma_start3A_789 = arith.constant 0 : i32
      %dma_start3A_790 = tpu.memref_slice %arg18[%add3A_768, %dma_start3A_789] : memref<128x16xf32, #tpu.memory_space<vmem>> -> memref<1x16xf32, #tpu.memory_space<vmem>>
      %dma_start3A_791 = arith.constant 0 : i32
      %dma_start3A_792 = tpu.memref_slice %arg7[%squeeze3A_762, %dma_start3A_791] : memref<1000x16xf32, #tpu.memory_space<hbm>> -> memref<1x16xf32, #tpu.memory_space<hbm>>
      tpu.enqueue_dma source(%dma_start3A_792 : memref<1x16xf32, #tpu.memory_space<hbm>>) target(%dma_start3A_790 : memref<1x16xf32, #tpu.memory_space<vmem>>) target_semaphore(%arg22 : memref<!tpu.dma_semaphore, #tpu.memory_space<semaphore_mem>>)
      %dma_start3A_793 = arith.constant 0 : i32
      %dma_start3A_794 = tpu.memref_slice %arg19[%add3A_768, %dma_start3A_793] : memref<128x16xf32, #tpu.memory_space<vmem>> -> memref<1x16xf32, #tpu.memory_space<vmem>>
      %dma_start3A_795 = arith.constant 0 : i32
      %dma_start3A_796 = tpu.memref_slice %arg8[%squeeze3A_764, %dma_start3A_795] : memref<200x16xf32, #tpu.memory_space<hbm>> -> memref<1x16xf32, #tpu.memory_space<hbm>>
      %dma_start3A_797 = arith.constant 0 : i32
      %dma_start3A_798 = tpu.memref_slice %arg19[%add3A_768, %dma_start3A_797] : memref<128x16xf32, #tpu.memory_space<vmem>> -> memref<1x16xf32, #tpu.memory_space<vmem>>
      %dma_start3A_799 = arith.constant 0 : i32
      %dma_start3A_800 = tpu.memref_slice %arg8[%squeeze3A_764, %dma_start3A_799] : memref<200x16xf32, #tpu.memory_space<hbm>> -> memref<1x16xf32, #tpu.memory_space<hbm>>
      tpu.enqueue_dma source(%dma_start3A_800 : memref<1x16xf32, #tpu.memory_space<hbm>>) target(%dma_start3A_798 : memref<1x16xf32, #tpu.memory_space<vmem>>) target_semaphore(%arg23 : memref<!tpu.dma_semaphore, #tpu.memory_space<semaphore_mem>>)
      %slice3A_801 = vector.extract_strided_slice %get3A_135 {offsets = [15], sizes = [1], strides = [1]} : vector<16xi32> to vector<1xi32>
      %squeeze3A_802 = vector.extract %slice3A_801[0] : i32 from vector<1xi32>
      %slice3A_803 = vector.extract_strided_slice %shift_right_logical3A_143 {offsets = [15], sizes = [1], strides = [1]} : vector<16xi32> to vector<1xi32>
      %squeeze3A_804 = vector.extract %slice3A_803[0] : i32 from vector<1xi32>
      %slice3A_805 = vector.extract_strided_slice %get3A_138 {offsets = [15], sizes = [1], strides = [1]} : vector<16xi32> to vector<1xi32>
      %squeeze3A_806 = vector.extract %slice3A_805[0] : i32 from vector<1xi32>
      %slice3A_807 = vector.extract_strided_slice %get3A_141 {offsets = [15], sizes = [1], strides = [1]} : vector<16xi32> to vector<1xi32>
      %squeeze3A_808 = vector.extract %slice3A_807[0] : i32 from vector<1xi32>
      %mul3A_809 = arith.constant 16 : i32
      %mul3A_810 = arith.muli %scan3A_129, %mul3A_809 : i32
      %add3A_811 = arith.constant 15 : i32
      %add3A_812 = arith.addi %mul3A_810, %add3A_811 : i32
      %dma_start3A_813 = arith.constant 0 : i32
      %dma_start3A_814 = tpu.memref_slice %arg16[%add3A_812, %dma_start3A_813] : memref<128x16xf32, #tpu.memory_space<vmem>> -> memref<1x16xf32, #tpu.memory_space<vmem>>
      %dma_start3A_815 = arith.constant 0 : i32
      %dma_start3A_816 = tpu.memref_slice %arg5[%squeeze3A_802, %dma_start3A_815] : memref<1000000x16xf32, #tpu.memory_space<hbm>> -> memref<1x16xf32, #tpu.memory_space<hbm>>
      %dma_start3A_817 = arith.constant 0 : i32
      %dma_start3A_818 = tpu.memref_slice %arg16[%add3A_812, %dma_start3A_817] : memref<128x16xf32, #tpu.memory_space<vmem>> -> memref<1x16xf32, #tpu.memory_space<vmem>>
      %dma_start3A_819 = arith.constant 0 : i32
      %dma_start3A_820 = tpu.memref_slice %arg5[%squeeze3A_802, %dma_start3A_819] : memref<1000000x16xf32, #tpu.memory_space<hbm>> -> memref<1x16xf32, #tpu.memory_space<hbm>>
      tpu.enqueue_dma source(%dma_start3A_820 : memref<1x16xf32, #tpu.memory_space<hbm>>) target(%dma_start3A_818 : memref<1x16xf32, #tpu.memory_space<vmem>>) target_semaphore(%arg20 : memref<!tpu.dma_semaphore, #tpu.memory_space<semaphore_mem>>)
      %dma_start3A_821 = arith.constant 0 : i32
      %dma_start3A_822 = tpu.memref_slice %arg17[%add3A_812, %dma_start3A_821] : memref<128x104xf32, #tpu.memory_space<vmem>> -> memref<1x104xf32, #tpu.memory_space<vmem>>
      %dma_start3A_823 = arith.constant 0 : i32
      %dma_start3A_824 = tpu.memref_slice %arg6[%squeeze3A_804, %dma_start3A_823] : memref<250000x104xf32, #tpu.memory_space<hbm>> -> memref<1x104xf32, #tpu.memory_space<hbm>>
      %dma_start3A_825 = arith.constant 0 : i32
      %dma_start3A_826 = tpu.memref_slice %arg17[%add3A_812, %dma_start3A_825] : memref<128x104xf32, #tpu.memory_space<vmem>> -> memref<1x104xf32, #tpu.memory_space<vmem>>
      %dma_start3A_827 = arith.constant 0 : i32
      %dma_start3A_828 = tpu.memref_slice %arg6[%squeeze3A_804, %dma_start3A_827] : memref<250000x104xf32, #tpu.memory_space<hbm>> -> memref<1x104xf32, #tpu.memory_space<hbm>>
      tpu.enqueue_dma source(%dma_start3A_828 : memref<1x104xf32, #tpu.memory_space<hbm>>) target(%dma_start3A_826 : memref<1x104xf32, #tpu.memory_space<vmem>>) target_semaphore(%arg21 : memref<!tpu.dma_semaphore, #tpu.memory_space<semaphore_mem>>)
      %dma_start3A_829 = arith.constant 0 : i32
      %dma_start3A_830 = tpu.memref_slice %arg18[%add3A_812, %dma_start3A_829] : memref<128x16xf32, #tpu.memory_space<vmem>> -> memref<1x16xf32, #tpu.memory_space<vmem>>
      %dma_start3A_831 = arith.constant 0 : i32
      %dma_start3A_832 = tpu.memref_slice %arg7[%squeeze3A_806, %dma_start3A_831] : memref<1000x16xf32, #tpu.memory_space<hbm>> -> memref<1x16xf32, #tpu.memory_space<hbm>>
      %dma_start3A_833 = arith.constant 0 : i32
      %dma_start3A_834 = tpu.memref_slice %arg18[%add3A_812, %dma_start3A_833] : memref<128x16xf32, #tpu.memory_space<vmem>> -> memref<1x16xf32, #tpu.memory_space<vmem>>
      %dma_start3A_835 = arith.constant 0 : i32
      %dma_start3A_836 = tpu.memref_slice %arg7[%squeeze3A_806, %dma_start3A_835] : memref<1000x16xf32, #tpu.memory_space<hbm>> -> memref<1x16xf32, #tpu.memory_space<hbm>>
      tpu.enqueue_dma source(%dma_start3A_836 : memref<1x16xf32, #tpu.memory_space<hbm>>) target(%dma_start3A_834 : memref<1x16xf32, #tpu.memory_space<vmem>>) target_semaphore(%arg22 : memref<!tpu.dma_semaphore, #tpu.memory_space<semaphore_mem>>)
      %dma_start3A_837 = arith.constant 0 : i32
      %dma_start3A_838 = tpu.memref_slice %arg19[%add3A_812, %dma_start3A_837] : memref<128x16xf32, #tpu.memory_space<vmem>> -> memref<1x16xf32, #tpu.memory_space<vmem>>
      %dma_start3A_839 = arith.constant 0 : i32
      %dma_start3A_840 = tpu.memref_slice %arg8[%squeeze3A_808, %dma_start3A_839] : memref<200x16xf32, #tpu.memory_space<hbm>> -> memref<1x16xf32, #tpu.memory_space<hbm>>
      %dma_start3A_841 = arith.constant 0 : i32
      %dma_start3A_842 = tpu.memref_slice %arg19[%add3A_812, %dma_start3A_841] : memref<128x16xf32, #tpu.memory_space<vmem>> -> memref<1x16xf32, #tpu.memory_space<vmem>>
      %dma_start3A_843 = arith.constant 0 : i32
      %dma_start3A_844 = tpu.memref_slice %arg8[%squeeze3A_808, %dma_start3A_843] : memref<200x16xf32, #tpu.memory_space<hbm>> -> memref<1x16xf32, #tpu.memory_space<hbm>>
      tpu.enqueue_dma source(%dma_start3A_844 : memref<1x16xf32, #tpu.memory_space<hbm>>) target(%dma_start3A_842 : memref<1x16xf32, #tpu.memory_space<vmem>>) target_semaphore(%arg23 : memref<!tpu.dma_semaphore, #tpu.memory_space<semaphore_mem>>)
    }
    %scan3A_38 = arith.constant 8 : i32
    %dma_wait3A_39 = arith.constant 0 : i32
    %dma_wait3A_40 = arith.constant 0 : i32
    %dma_wait3A_41 = tpu.memref_slice %arg5[%dma_wait3A_39, %dma_wait3A_40] : memref<1000000x16xf32, #tpu.memory_space<hbm>> -> memref<128x16xf32, #tpu.memory_space<hbm>>
    %dma_wait3A_42 = arith.constant 0 : i32
    %dma_wait3A_43 = arith.constant 0 : i32
    %dma_wait3A_44 = tpu.memref_slice %arg5[%dma_wait3A_42, %dma_wait3A_43] : memref<1000000x16xf32, #tpu.memory_space<hbm>> -> memref<128x16xf32, #tpu.memory_space<hbm>>
    tpu.wait_dma2 semaphore(%arg20 : memref<!tpu.dma_semaphore, #tpu.memory_space<semaphore_mem>>) src(%dma_wait3A_44 : memref<128x16xf32, #tpu.memory_space<hbm>>) dst(%arg16 : memref<128x16xf32, #tpu.memory_space<vmem>>)
    %dma_wait3A_45 = arith.constant 0 : i32
    %dma_wait3A_46 = arith.constant 0 : i32
    %dma_wait3A_47 = tpu.memref_slice %arg6[%dma_wait3A_45, %dma_wait3A_46] : memref<250000x104xf32, #tpu.memory_space<hbm>> -> memref<128x104xf32, #tpu.memory_space<hbm>>
    %dma_wait3A_48 = arith.constant 0 : i32
    %dma_wait3A_49 = arith.constant 0 : i32
    %dma_wait3A_50 = tpu.memref_slice %arg6[%dma_wait3A_48, %dma_wait3A_49] : memref<250000x104xf32, #tpu.memory_space<hbm>> -> memref<128x104xf32, #tpu.memory_space<hbm>>
    tpu.wait_dma2 semaphore(%arg21 : memref<!tpu.dma_semaphore, #tpu.memory_space<semaphore_mem>>) src(%dma_wait3A_50 : memref<128x104xf32, #tpu.memory_space<hbm>>) dst(%arg17 : memref<128x104xf32, #tpu.memory_space<vmem>>)
    %dma_wait3A_51 = arith.constant 0 : i32
    %dma_wait3A_52 = arith.constant 0 : i32
    %dma_wait3A_53 = tpu.memref_slice %arg7[%dma_wait3A_51, %dma_wait3A_52] : memref<1000x16xf32, #tpu.memory_space<hbm>> -> memref<128x16xf32, #tpu.memory_space<hbm>>
    %dma_wait3A_54 = arith.constant 0 : i32
    %dma_wait3A_55 = arith.constant 0 : i32
    %dma_wait3A_56 = tpu.memref_slice %arg7[%dma_wait3A_54, %dma_wait3A_55] : memref<1000x16xf32, #tpu.memory_space<hbm>> -> memref<128x16xf32, #tpu.memory_space<hbm>>
    tpu.wait_dma2 semaphore(%arg22 : memref<!tpu.dma_semaphore, #tpu.memory_space<semaphore_mem>>) src(%dma_wait3A_56 : memref<128x16xf32, #tpu.memory_space<hbm>>) dst(%arg18 : memref<128x16xf32, #tpu.memory_space<vmem>>)
    %dma_wait3A_57 = arith.constant 0 : i32
    %dma_wait3A_58 = arith.constant 0 : i32
    %dma_wait3A_59 = tpu.memref_slice %arg8[%dma_wait3A_57, %dma_wait3A_58] : memref<200x16xf32, #tpu.memory_space<hbm>> -> memref<128x16xf32, #tpu.memory_space<hbm>>
    %dma_wait3A_60 = arith.constant 0 : i32
    %dma_wait3A_61 = arith.constant 0 : i32
    %dma_wait3A_62 = tpu.memref_slice %arg8[%dma_wait3A_60, %dma_wait3A_61] : memref<200x16xf32, #tpu.memory_space<hbm>> -> memref<128x16xf32, #tpu.memory_space<hbm>>
    tpu.wait_dma2 semaphore(%arg23 : memref<!tpu.dma_semaphore, #tpu.memory_space<semaphore_mem>>) src(%dma_wait3A_62 : memref<128x16xf32, #tpu.memory_space<hbm>>) dst(%arg19 : memref<128x16xf32, #tpu.memory_space<vmem>>)
    %add3A_63 = arith.constant 128 : i32
    %add3A_64 = arith.addi %mul3A_2, %add3A_63 : i32
    "tpu.region"() ({
      %run_scoped3A = tpu.sem_alloc : memref<!tpu.dma_semaphore, #tpu.memory_space<semaphore_mem>>
      %dma_start3A = arith.constant 0 : i32
      %dma_start3A_129 = tpu.memref_slice %arg9[%add3A_64, %dma_start3A] : memref<16384x16xf32, #tpu.memory_space<hbm>> -> memref<128x16xf32, #tpu.memory_space<hbm>>
      %dma_start3A_130 = arith.constant 0 : i32
      %dma_start3A_131 = tpu.memref_slice %arg9[%add3A_64, %dma_start3A_130] : memref<16384x16xf32, #tpu.memory_space<hbm>> -> memref<128x16xf32, #tpu.memory_space<hbm>>
      tpu.enqueue_dma source(%arg16 : memref<128x16xf32, #tpu.memory_space<vmem>>) target(%dma_start3A_131 : memref<128x16xf32, #tpu.memory_space<hbm>>) target_semaphore(%run_scoped3A : memref<!tpu.dma_semaphore, #tpu.memory_space<semaphore_mem>>)
      %dma_wait3A_132 = arith.constant 0 : i32
      %dma_wait3A_133 = tpu.memref_slice %arg9[%add3A_64, %dma_wait3A_132] : memref<16384x16xf32, #tpu.memory_space<hbm>> -> memref<128x16xf32, #tpu.memory_space<hbm>>
      %dma_wait3A_134 = arith.constant 0 : i32
      %dma_wait3A_135 = tpu.memref_slice %arg9[%add3A_64, %dma_wait3A_134] : memref<16384x16xf32, #tpu.memory_space<hbm>> -> memref<128x16xf32, #tpu.memory_space<hbm>>
      tpu.wait_dma2 semaphore(%run_scoped3A : memref<!tpu.dma_semaphore, #tpu.memory_space<semaphore_mem>>) src(%arg16 : memref<128x16xf32, #tpu.memory_space<vmem>>) dst(%dma_wait3A_135 : memref<128x16xf32, #tpu.memory_space<hbm>>)
      tpu.yield
    }) : () -> ()
    "tpu.region"() ({
      %run_scoped3A = tpu.sem_alloc : memref<!tpu.dma_semaphore, #tpu.memory_space<semaphore_mem>>
      %dma_start3A = arith.constant 0 : i32
      %dma_start3A_129 = tpu.memref_slice %arg10[%add3A_64, %dma_start3A] : memref<16384x104xf32, #tpu.memory_space<hbm>> -> memref<128x104xf32, #tpu.memory_space<hbm>>
      %dma_start3A_130 = arith.constant 0 : i32
      %dma_start3A_131 = tpu.memref_slice %arg10[%add3A_64, %dma_start3A_130] : memref<16384x104xf32, #tpu.memory_space<hbm>> -> memref<128x104xf32, #tpu.memory_space<hbm>>
      tpu.enqueue_dma source(%arg17 : memref<128x104xf32, #tpu.memory_space<vmem>>) target(%dma_start3A_131 : memref<128x104xf32, #tpu.memory_space<hbm>>) target_semaphore(%run_scoped3A : memref<!tpu.dma_semaphore, #tpu.memory_space<semaphore_mem>>)
      %dma_wait3A_132 = arith.constant 0 : i32
      %dma_wait3A_133 = tpu.memref_slice %arg10[%add3A_64, %dma_wait3A_132] : memref<16384x104xf32, #tpu.memory_space<hbm>> -> memref<128x104xf32, #tpu.memory_space<hbm>>
      %dma_wait3A_134 = arith.constant 0 : i32
      %dma_wait3A_135 = tpu.memref_slice %arg10[%add3A_64, %dma_wait3A_134] : memref<16384x104xf32, #tpu.memory_space<hbm>> -> memref<128x104xf32, #tpu.memory_space<hbm>>
      tpu.wait_dma2 semaphore(%run_scoped3A : memref<!tpu.dma_semaphore, #tpu.memory_space<semaphore_mem>>) src(%arg17 : memref<128x104xf32, #tpu.memory_space<vmem>>) dst(%dma_wait3A_135 : memref<128x104xf32, #tpu.memory_space<hbm>>)
      tpu.yield
    }) : () -> ()
    "tpu.region"() ({
      %run_scoped3A = tpu.sem_alloc : memref<!tpu.dma_semaphore, #tpu.memory_space<semaphore_mem>>
      %dma_start3A = arith.constant 0 : i32
      %dma_start3A_129 = tpu.memref_slice %arg11[%add3A_64, %dma_start3A] : memref<16384x16xf32, #tpu.memory_space<hbm>> -> memref<128x16xf32, #tpu.memory_space<hbm>>
      %dma_start3A_130 = arith.constant 0 : i32
      %dma_start3A_131 = tpu.memref_slice %arg11[%add3A_64, %dma_start3A_130] : memref<16384x16xf32, #tpu.memory_space<hbm>> -> memref<128x16xf32, #tpu.memory_space<hbm>>
      tpu.enqueue_dma source(%arg18 : memref<128x16xf32, #tpu.memory_space<vmem>>) target(%dma_start3A_131 : memref<128x16xf32, #tpu.memory_space<hbm>>) target_semaphore(%run_scoped3A : memref<!tpu.dma_semaphore, #tpu.memory_space<semaphore_mem>>)
      %dma_wait3A_132 = arith.constant 0 : i32
      %dma_wait3A_133 = tpu.memref_slice %arg11[%add3A_64, %dma_wait3A_132] : memref<16384x16xf32, #tpu.memory_space<hbm>> -> memref<128x16xf32, #tpu.memory_space<hbm>>
      %dma_wait3A_134 = arith.constant 0 : i32
      %dma_wait3A_135 = tpu.memref_slice %arg11[%add3A_64, %dma_wait3A_134] : memref<16384x16xf32, #tpu.memory_space<hbm>> -> memref<128x16xf32, #tpu.memory_space<hbm>>
      tpu.wait_dma2 semaphore(%run_scoped3A : memref<!tpu.dma_semaphore, #tpu.memory_space<semaphore_mem>>) src(%arg18 : memref<128x16xf32, #tpu.memory_space<vmem>>) dst(%dma_wait3A_135 : memref<128x16xf32, #tpu.memory_space<hbm>>)
      tpu.yield
    }) : () -> ()
    "tpu.region"() ({
      %run_scoped3A = tpu.sem_alloc : memref<!tpu.dma_semaphore, #tpu.memory_space<semaphore_mem>>
      %dma_start3A = arith.constant 0 : i32
      %dma_start3A_129 = tpu.memref_slice %arg12[%add3A_64, %dma_start3A] : memref<16384x16xf32, #tpu.memory_space<hbm>> -> memref<128x16xf32, #tpu.memory_space<hbm>>
      %dma_start3A_130 = arith.constant 0 : i32
      %dma_start3A_131 = tpu.memref_slice %arg12[%add3A_64, %dma_start3A_130] : memref<16384x16xf32, #tpu.memory_space<hbm>> -> memref<128x16xf32, #tpu.memory_space<hbm>>
      tpu.enqueue_dma source(%arg19 : memref<128x16xf32, #tpu.memory_space<vmem>>) target(%dma_start3A_131 : memref<128x16xf32, #tpu.memory_space<hbm>>) target_semaphore(%run_scoped3A : memref<!tpu.dma_semaphore, #tpu.memory_space<semaphore_mem>>)
      %dma_wait3A_132 = arith.constant 0 : i32
      %dma_wait3A_133 = tpu.memref_slice %arg12[%add3A_64, %dma_wait3A_132] : memref<16384x16xf32, #tpu.memory_space<hbm>> -> memref<128x16xf32, #tpu.memory_space<hbm>>
      %dma_wait3A_134 = arith.constant 0 : i32
      %dma_wait3A_135 = tpu.memref_slice %arg12[%add3A_64, %dma_wait3A_134] : memref<16384x16xf32, #tpu.memory_space<hbm>> -> memref<128x16xf32, #tpu.memory_space<hbm>>
      tpu.wait_dma2 semaphore(%run_scoped3A : memref<!tpu.dma_semaphore, #tpu.memory_space<semaphore_mem>>) src(%arg19 : memref<128x16xf32, #tpu.memory_space<vmem>>) dst(%dma_wait3A_135 : memref<128x16xf32, #tpu.memory_space<hbm>>)
      tpu.yield
    }) : () -> ()
    %scan3A_65 = arith.constant 0 : i32
    %scan3A_66 = arith.constant 0 : i32
    %scan3A_67 = arith.constant 8 : i32
    %scan3A_68 = arith.addi %scan3A_66, %scan3A_67 : i32
    %scan3A_69 = arith.constant 1 : i32
    scf.for %scan3A_129 = %scan3A_66 to %scan3A_68 step %scan3A_69  : i32 {
      %mul3A_130 = arith.constant 16 : i32
      %mul3A_131 = arith.muli %scan3A_129, %mul3A_130 : i32
      %add3A_132 = arith.constant 256 : i32
      %add3A_133 = arith.addi %add3A_132, %mul3A_131 : i32
      %get3A = arith.index_cast %add3A_133 : i32 to index
      %get3A_134 = tpu.vector_load %arg13[%get3A] {strides = array<i32>} : memref<512xi32, #tpu.memory_space<vmem>>, vector<16xi32>,
      %get3A_135 = vector.shape_cast %get3A_134 : vector<16xi32> to vector<16xi32>
      %get3A_136 = arith.index_cast %add3A_133 : i32 to index
      %get3A_137 = tpu.vector_load %arg14[%get3A_136] {strides = array<i32>} : memref<512xi32, #tpu.memory_space<vmem>>, vector<16xi32>,
      %get3A_138 = vector.shape_cast %get3A_137 : vector<16xi32> to vector<16xi32>
      %get3A_139 = arith.index_cast %add3A_133 : i32 to index
      %get3A_140 = tpu.vector_load %arg15[%get3A_139] {strides = array<i32>} : memref<512xi32, #tpu.memory_space<vmem>>, vector<16xi32>,
      %get3A_141 = vector.shape_cast %get3A_140 : vector<16xi32> to vector<16xi32>
      %shift_right_logical3A = arith.constant 2 : i32
      %shift_right_logical3A_142 = vector.broadcast %shift_right_logical3A : i32 to vector<16xi32>
      %shift_right_logical3A_143 = arith.shrui %get3A_135, %shift_right_logical3A_142 : vector<16xi32>
      %slice3A = vector.extract_strided_slice %get3A_135 {offsets = [0], sizes = [1], strides = [1]} : vector<16xi32> to vector<1xi32>
      %squeeze3A = vector.extract %slice3A[0] : i32 from vector<1xi32>
      %slice3A_144 = vector.extract_strided_slice %shift_right_logical3A_143 {offsets = [0], sizes = [1], strides = [1]} : vector<16xi32> to vector<1xi32>
      %squeeze3A_145 = vector.extract %slice3A_144[0] : i32 from vector<1xi32>
      %slice3A_146 = vector.extract_strided_slice %get3A_138 {offsets = [0], sizes = [1], strides = [1]} : vector<16xi32> to vector<1xi32>
      %squeeze3A_147 = vector.extract %slice3A_146[0] : i32 from vector<1xi32>
      %slice3A_148 = vector.extract_strided_slice %get3A_141 {offsets = [0], sizes = [1], strides = [1]} : vector<16xi32> to vector<1xi32>
      %squeeze3A_149 = vector.extract %slice3A_148[0] : i32 from vector<1xi32>
      %mul3A_150 = arith.constant 16 : i32
      %mul3A_151 = arith.muli %scan3A_129, %mul3A_150 : i32
      %add3A_152 = arith.constant 0 : i32
      %add3A_153 = arith.addi %mul3A_151, %add3A_152 : i32
      %dma_start3A = arith.constant 0 : i32
      %dma_start3A_154 = tpu.memref_slice %arg16[%add3A_153, %dma_start3A] : memref<128x16xf32, #tpu.memory_space<vmem>> -> memref<1x16xf32, #tpu.memory_space<vmem>>
      %dma_start3A_155 = arith.constant 0 : i32
      %dma_start3A_156 = tpu.memref_slice %arg5[%squeeze3A, %dma_start3A_155] : memref<1000000x16xf32, #tpu.memory_space<hbm>> -> memref<1x16xf32, #tpu.memory_space<hbm>>
      %dma_start3A_157 = arith.constant 0 : i32
      %dma_start3A_158 = tpu.memref_slice %arg16[%add3A_153, %dma_start3A_157] : memref<128x16xf32, #tpu.memory_space<vmem>> -> memref<1x16xf32, #tpu.memory_space<vmem>>
      %dma_start3A_159 = arith.constant 0 : i32
      %dma_start3A_160 = tpu.memref_slice %arg5[%squeeze3A, %dma_start3A_159] : memref<1000000x16xf32, #tpu.memory_space<hbm>> -> memref<1x16xf32, #tpu.memory_space<hbm>>
      tpu.enqueue_dma source(%dma_start3A_160 : memref<1x16xf32, #tpu.memory_space<hbm>>) target(%dma_start3A_158 : memref<1x16xf32, #tpu.memory_space<vmem>>) target_semaphore(%arg20 : memref<!tpu.dma_semaphore, #tpu.memory_space<semaphore_mem>>)
      %dma_start3A_161 = arith.constant 0 : i32
      %dma_start3A_162 = tpu.memref_slice %arg17[%add3A_153, %dma_start3A_161] : memref<128x104xf32, #tpu.memory_space<vmem>> -> memref<1x104xf32, #tpu.memory_space<vmem>>
      %dma_start3A_163 = arith.constant 0 : i32
      %dma_start3A_164 = tpu.memref_slice %arg6[%squeeze3A_145, %dma_start3A_163] : memref<250000x104xf32, #tpu.memory_space<hbm>> -> memref<1x104xf32, #tpu.memory_space<hbm>>
      %dma_start3A_165 = arith.constant 0 : i32
      %dma_start3A_166 = tpu.memref_slice %arg17[%add3A_153, %dma_start3A_165] : memref<128x104xf32, #tpu.memory_space<vmem>> -> memref<1x104xf32, #tpu.memory_space<vmem>>
      %dma_start3A_167 = arith.constant 0 : i32
      %dma_start3A_168 = tpu.memref_slice %arg6[%squeeze3A_145, %dma_start3A_167] : memref<250000x104xf32, #tpu.memory_space<hbm>> -> memref<1x104xf32, #tpu.memory_space<hbm>>
      tpu.enqueue_dma source(%dma_start3A_168 : memref<1x104xf32, #tpu.memory_space<hbm>>) target(%dma_start3A_166 : memref<1x104xf32, #tpu.memory_space<vmem>>) target_semaphore(%arg21 : memref<!tpu.dma_semaphore, #tpu.memory_space<semaphore_mem>>)
      %dma_start3A_169 = arith.constant 0 : i32
      %dma_start3A_170 = tpu.memref_slice %arg18[%add3A_153, %dma_start3A_169] : memref<128x16xf32, #tpu.memory_space<vmem>> -> memref<1x16xf32, #tpu.memory_space<vmem>>
      %dma_start3A_171 = arith.constant 0 : i32
      %dma_start3A_172 = tpu.memref_slice %arg7[%squeeze3A_147, %dma_start3A_171] : memref<1000x16xf32, #tpu.memory_space<hbm>> -> memref<1x16xf32, #tpu.memory_space<hbm>>
      %dma_start3A_173 = arith.constant 0 : i32
      %dma_start3A_174 = tpu.memref_slice %arg18[%add3A_153, %dma_start3A_173] : memref<128x16xf32, #tpu.memory_space<vmem>> -> memref<1x16xf32, #tpu.memory_space<vmem>>
      %dma_start3A_175 = arith.constant 0 : i32
      %dma_start3A_176 = tpu.memref_slice %arg7[%squeeze3A_147, %dma_start3A_175] : memref<1000x16xf32, #tpu.memory_space<hbm>> -> memref<1x16xf32, #tpu.memory_space<hbm>>
      tpu.enqueue_dma source(%dma_start3A_176 : memref<1x16xf32, #tpu.memory_space<hbm>>) target(%dma_start3A_174 : memref<1x16xf32, #tpu.memory_space<vmem>>) target_semaphore(%arg22 : memref<!tpu.dma_semaphore, #tpu.memory_space<semaphore_mem>>)
      %dma_start3A_177 = arith.constant 0 : i32
      %dma_start3A_178 = tpu.memref_slice %arg19[%add3A_153, %dma_start3A_177] : memref<128x16xf32, #tpu.memory_space<vmem>> -> memref<1x16xf32, #tpu.memory_space<vmem>>
      %dma_start3A_179 = arith.constant 0 : i32
      %dma_start3A_180 = tpu.memref_slice %arg8[%squeeze3A_149, %dma_start3A_179] : memref<200x16xf32, #tpu.memory_space<hbm>> -> memref<1x16xf32, #tpu.memory_space<hbm>>
      %dma_start3A_181 = arith.constant 0 : i32
      %dma_start3A_182 = tpu.memref_slice %arg19[%add3A_153, %dma_start3A_181] : memref<128x16xf32, #tpu.memory_space<vmem>> -> memref<1x16xf32, #tpu.memory_space<vmem>>
      %dma_start3A_183 = arith.constant 0 : i32
      %dma_start3A_184 = tpu.memref_slice %arg8[%squeeze3A_149, %dma_start3A_183] : memref<200x16xf32, #tpu.memory_space<hbm>> -> memref<1x16xf32, #tpu.memory_space<hbm>>
      tpu.enqueue_dma source(%dma_start3A_184 : memref<1x16xf32, #tpu.memory_space<hbm>>) target(%dma_start3A_182 : memref<1x16xf32, #tpu.memory_space<vmem>>) target_semaphore(%arg23 : memref<!tpu.dma_semaphore, #tpu.memory_space<semaphore_mem>>)
      %slice3A_185 = vector.extract_strided_slice %get3A_135 {offsets = [1], sizes = [1], strides = [1]} : vector<16xi32> to vector<1xi32>
      %squeeze3A_186 = vector.extract %slice3A_185[0] : i32 from vector<1xi32>
      %slice3A_187 = vector.extract_strided_slice %shift_right_logical3A_143 {offsets = [1], sizes = [1], strides = [1]} : vector<16xi32> to vector<1xi32>
      %squeeze3A_188 = vector.extract %slice3A_187[0] : i32 from vector<1xi32>
      %slice3A_189 = vector.extract_strided_slice %get3A_138 {offsets = [1], sizes = [1], strides = [1]} : vector<16xi32> to vector<1xi32>
      %squeeze3A_190 = vector.extract %slice3A_189[0] : i32 from vector<1xi32>
      %slice3A_191 = vector.extract_strided_slice %get3A_141 {offsets = [1], sizes = [1], strides = [1]} : vector<16xi32> to vector<1xi32>
      %squeeze3A_192 = vector.extract %slice3A_191[0] : i32 from vector<1xi32>
      %mul3A_193 = arith.constant 16 : i32
      %mul3A_194 = arith.muli %scan3A_129, %mul3A_193 : i32
      %add3A_195 = arith.constant 1 : i32
      %add3A_196 = arith.addi %mul3A_194, %add3A_195 : i32
      %dma_start3A_197 = arith.constant 0 : i32
      %dma_start3A_198 = tpu.memref_slice %arg16[%add3A_196, %dma_start3A_197] : memref<128x16xf32, #tpu.memory_space<vmem>> -> memref<1x16xf32, #tpu.memory_space<vmem>>
      %dma_start3A_199 = arith.constant 0 : i32
      %dma_start3A_200 = tpu.memref_slice %arg5[%squeeze3A_186, %dma_start3A_199] : memref<1000000x16xf32, #tpu.memory_space<hbm>> -> memref<1x16xf32, #tpu.memory_space<hbm>>
      %dma_start3A_201 = arith.constant 0 : i32
      %dma_start3A_202 = tpu.memref_slice %arg16[%add3A_196, %dma_start3A_201] : memref<128x16xf32, #tpu.memory_space<vmem>> -> memref<1x16xf32, #tpu.memory_space<vmem>>
      %dma_start3A_203 = arith.constant 0 : i32
      %dma_start3A_204 = tpu.memref_slice %arg5[%squeeze3A_186, %dma_start3A_203] : memref<1000000x16xf32, #tpu.memory_space<hbm>> -> memref<1x16xf32, #tpu.memory_space<hbm>>
      tpu.enqueue_dma source(%dma_start3A_204 : memref<1x16xf32, #tpu.memory_space<hbm>>) target(%dma_start3A_202 : memref<1x16xf32, #tpu.memory_space<vmem>>) target_semaphore(%arg20 : memref<!tpu.dma_semaphore, #tpu.memory_space<semaphore_mem>>)
      %dma_start3A_205 = arith.constant 0 : i32
      %dma_start3A_206 = tpu.memref_slice %arg17[%add3A_196, %dma_start3A_205] : memref<128x104xf32, #tpu.memory_space<vmem>> -> memref<1x104xf32, #tpu.memory_space<vmem>>
      %dma_start3A_207 = arith.constant 0 : i32
      %dma_start3A_208 = tpu.memref_slice %arg6[%squeeze3A_188, %dma_start3A_207] : memref<250000x104xf32, #tpu.memory_space<hbm>> -> memref<1x104xf32, #tpu.memory_space<hbm>>
      %dma_start3A_209 = arith.constant 0 : i32
      %dma_start3A_210 = tpu.memref_slice %arg17[%add3A_196, %dma_start3A_209] : memref<128x104xf32, #tpu.memory_space<vmem>> -> memref<1x104xf32, #tpu.memory_space<vmem>>
      %dma_start3A_211 = arith.constant 0 : i32
      %dma_start3A_212 = tpu.memref_slice %arg6[%squeeze3A_188, %dma_start3A_211] : memref<250000x104xf32, #tpu.memory_space<hbm>> -> memref<1x104xf32, #tpu.memory_space<hbm>>
      tpu.enqueue_dma source(%dma_start3A_212 : memref<1x104xf32, #tpu.memory_space<hbm>>) target(%dma_start3A_210 : memref<1x104xf32, #tpu.memory_space<vmem>>) target_semaphore(%arg21 : memref<!tpu.dma_semaphore, #tpu.memory_space<semaphore_mem>>)
      %dma_start3A_213 = arith.constant 0 : i32
      %dma_start3A_214 = tpu.memref_slice %arg18[%add3A_196, %dma_start3A_213] : memref<128x16xf32, #tpu.memory_space<vmem>> -> memref<1x16xf32, #tpu.memory_space<vmem>>
      %dma_start3A_215 = arith.constant 0 : i32
      %dma_start3A_216 = tpu.memref_slice %arg7[%squeeze3A_190, %dma_start3A_215] : memref<1000x16xf32, #tpu.memory_space<hbm>> -> memref<1x16xf32, #tpu.memory_space<hbm>>
      %dma_start3A_217 = arith.constant 0 : i32
      %dma_start3A_218 = tpu.memref_slice %arg18[%add3A_196, %dma_start3A_217] : memref<128x16xf32, #tpu.memory_space<vmem>> -> memref<1x16xf32, #tpu.memory_space<vmem>>
      %dma_start3A_219 = arith.constant 0 : i32
      %dma_start3A_220 = tpu.memref_slice %arg7[%squeeze3A_190, %dma_start3A_219] : memref<1000x16xf32, #tpu.memory_space<hbm>> -> memref<1x16xf32, #tpu.memory_space<hbm>>
      tpu.enqueue_dma source(%dma_start3A_220 : memref<1x16xf32, #tpu.memory_space<hbm>>) target(%dma_start3A_218 : memref<1x16xf32, #tpu.memory_space<vmem>>) target_semaphore(%arg22 : memref<!tpu.dma_semaphore, #tpu.memory_space<semaphore_mem>>)
      %dma_start3A_221 = arith.constant 0 : i32
      %dma_start3A_222 = tpu.memref_slice %arg19[%add3A_196, %dma_start3A_221] : memref<128x16xf32, #tpu.memory_space<vmem>> -> memref<1x16xf32, #tpu.memory_space<vmem>>
      %dma_start3A_223 = arith.constant 0 : i32
      %dma_start3A_224 = tpu.memref_slice %arg8[%squeeze3A_192, %dma_start3A_223] : memref<200x16xf32, #tpu.memory_space<hbm>> -> memref<1x16xf32, #tpu.memory_space<hbm>>
      %dma_start3A_225 = arith.constant 0 : i32
      %dma_start3A_226 = tpu.memref_slice %arg19[%add3A_196, %dma_start3A_225] : memref<128x16xf32, #tpu.memory_space<vmem>> -> memref<1x16xf32, #tpu.memory_space<vmem>>
      %dma_start3A_227 = arith.constant 0 : i32
      %dma_start3A_228 = tpu.memref_slice %arg8[%squeeze3A_192, %dma_start3A_227] : memref<200x16xf32, #tpu.memory_space<hbm>> -> memref<1x16xf32, #tpu.memory_space<hbm>>
      tpu.enqueue_dma source(%dma_start3A_228 : memref<1x16xf32, #tpu.memory_space<hbm>>) target(%dma_start3A_226 : memref<1x16xf32, #tpu.memory_space<vmem>>) target_semaphore(%arg23 : memref<!tpu.dma_semaphore, #tpu.memory_space<semaphore_mem>>)
      %slice3A_229 = vector.extract_strided_slice %get3A_135 {offsets = [2], sizes = [1], strides = [1]} : vector<16xi32> to vector<1xi32>
      %squeeze3A_230 = vector.extract %slice3A_229[0] : i32 from vector<1xi32>
      %slice3A_231 = vector.extract_strided_slice %shift_right_logical3A_143 {offsets = [2], sizes = [1], strides = [1]} : vector<16xi32> to vector<1xi32>
      %squeeze3A_232 = vector.extract %slice3A_231[0] : i32 from vector<1xi32>
      %slice3A_233 = vector.extract_strided_slice %get3A_138 {offsets = [2], sizes = [1], strides = [1]} : vector<16xi32> to vector<1xi32>
      %squeeze3A_234 = vector.extract %slice3A_233[0] : i32 from vector<1xi32>
      %slice3A_235 = vector.extract_strided_slice %get3A_141 {offsets = [2], sizes = [1], strides = [1]} : vector<16xi32> to vector<1xi32>
      %squeeze3A_236 = vector.extract %slice3A_235[0] : i32 from vector<1xi32>
      %mul3A_237 = arith.constant 16 : i32
      %mul3A_238 = arith.muli %scan3A_129, %mul3A_237 : i32
      %add3A_239 = arith.constant 2 : i32
      %add3A_240 = arith.addi %mul3A_238, %add3A_239 : i32
      %dma_start3A_241 = arith.constant 0 : i32
      %dma_start3A_242 = tpu.memref_slice %arg16[%add3A_240, %dma_start3A_241] : memref<128x16xf32, #tpu.memory_space<vmem>> -> memref<1x16xf32, #tpu.memory_space<vmem>>
      %dma_start3A_243 = arith.constant 0 : i32
      %dma_start3A_244 = tpu.memref_slice %arg5[%squeeze3A_230, %dma_start3A_243] : memref<1000000x16xf32, #tpu.memory_space<hbm>> -> memref<1x16xf32, #tpu.memory_space<hbm>>
      %dma_start3A_245 = arith.constant 0 : i32
      %dma_start3A_246 = tpu.memref_slice %arg16[%add3A_240, %dma_start3A_245] : memref<128x16xf32, #tpu.memory_space<vmem>> -> memref<1x16xf32, #tpu.memory_space<vmem>>
      %dma_start3A_247 = arith.constant 0 : i32
      %dma_start3A_248 = tpu.memref_slice %arg5[%squeeze3A_230, %dma_start3A_247] : memref<1000000x16xf32, #tpu.memory_space<hbm>> -> memref<1x16xf32, #tpu.memory_space<hbm>>
      tpu.enqueue_dma source(%dma_start3A_248 : memref<1x16xf32, #tpu.memory_space<hbm>>) target(%dma_start3A_246 : memref<1x16xf32, #tpu.memory_space<vmem>>) target_semaphore(%arg20 : memref<!tpu.dma_semaphore, #tpu.memory_space<semaphore_mem>>)
      %dma_start3A_249 = arith.constant 0 : i32
      %dma_start3A_250 = tpu.memref_slice %arg17[%add3A_240, %dma_start3A_249] : memref<128x104xf32, #tpu.memory_space<vmem>> -> memref<1x104xf32, #tpu.memory_space<vmem>>
      %dma_start3A_251 = arith.constant 0 : i32
      %dma_start3A_252 = tpu.memref_slice %arg6[%squeeze3A_232, %dma_start3A_251] : memref<250000x104xf32, #tpu.memory_space<hbm>> -> memref<1x104xf32, #tpu.memory_space<hbm>>
      %dma_start3A_253 = arith.constant 0 : i32
      %dma_start3A_254 = tpu.memref_slice %arg17[%add3A_240, %dma_start3A_253] : memref<128x104xf32, #tpu.memory_space<vmem>> -> memref<1x104xf32, #tpu.memory_space<vmem>>
      %dma_start3A_255 = arith.constant 0 : i32
      %dma_start3A_256 = tpu.memref_slice %arg6[%squeeze3A_232, %dma_start3A_255] : memref<250000x104xf32, #tpu.memory_space<hbm>> -> memref<1x104xf32, #tpu.memory_space<hbm>>
      tpu.enqueue_dma source(%dma_start3A_256 : memref<1x104xf32, #tpu.memory_space<hbm>>) target(%dma_start3A_254 : memref<1x104xf32, #tpu.memory_space<vmem>>) target_semaphore(%arg21 : memref<!tpu.dma_semaphore, #tpu.memory_space<semaphore_mem>>)
      %dma_start3A_257 = arith.constant 0 : i32
      %dma_start3A_258 = tpu.memref_slice %arg18[%add3A_240, %dma_start3A_257] : memref<128x16xf32, #tpu.memory_space<vmem>> -> memref<1x16xf32, #tpu.memory_space<vmem>>
      %dma_start3A_259 = arith.constant 0 : i32
      %dma_start3A_260 = tpu.memref_slice %arg7[%squeeze3A_234, %dma_start3A_259] : memref<1000x16xf32, #tpu.memory_space<hbm>> -> memref<1x16xf32, #tpu.memory_space<hbm>>
      %dma_start3A_261 = arith.constant 0 : i32
      %dma_start3A_262 = tpu.memref_slice %arg18[%add3A_240, %dma_start3A_261] : memref<128x16xf32, #tpu.memory_space<vmem>> -> memref<1x16xf32, #tpu.memory_space<vmem>>
      %dma_start3A_263 = arith.constant 0 : i32
      %dma_start3A_264 = tpu.memref_slice %arg7[%squeeze3A_234, %dma_start3A_263] : memref<1000x16xf32, #tpu.memory_space<hbm>> -> memref<1x16xf32, #tpu.memory_space<hbm>>
      tpu.enqueue_dma source(%dma_start3A_264 : memref<1x16xf32, #tpu.memory_space<hbm>>) target(%dma_start3A_262 : memref<1x16xf32, #tpu.memory_space<vmem>>) target_semaphore(%arg22 : memref<!tpu.dma_semaphore, #tpu.memory_space<semaphore_mem>>)
      %dma_start3A_265 = arith.constant 0 : i32
      %dma_start3A_266 = tpu.memref_slice %arg19[%add3A_240, %dma_start3A_265] : memref<128x16xf32, #tpu.memory_space<vmem>> -> memref<1x16xf32, #tpu.memory_space<vmem>>
      %dma_start3A_267 = arith.constant 0 : i32
      %dma_start3A_268 = tpu.memref_slice %arg8[%squeeze3A_236, %dma_start3A_267] : memref<200x16xf32, #tpu.memory_space<hbm>> -> memref<1x16xf32, #tpu.memory_space<hbm>>
      %dma_start3A_269 = arith.constant 0 : i32
      %dma_start3A_270 = tpu.memref_slice %arg19[%add3A_240, %dma_start3A_269] : memref<128x16xf32, #tpu.memory_space<vmem>> -> memref<1x16xf32, #tpu.memory_space<vmem>>
      %dma_start3A_271 = arith.constant 0 : i32
      %dma_start3A_272 = tpu.memref_slice %arg8[%squeeze3A_236, %dma_start3A_271] : memref<200x16xf32, #tpu.memory_space<hbm>> -> memref<1x16xf32, #tpu.memory_space<hbm>>
      tpu.enqueue_dma source(%dma_start3A_272 : memref<1x16xf32, #tpu.memory_space<hbm>>) target(%dma_start3A_270 : memref<1x16xf32, #tpu.memory_space<vmem>>) target_semaphore(%arg23 : memref<!tpu.dma_semaphore, #tpu.memory_space<semaphore_mem>>)
      %slice3A_273 = vector.extract_strided_slice %get3A_135 {offsets = [3], sizes = [1], strides = [1]} : vector<16xi32> to vector<1xi32>
      %squeeze3A_274 = vector.extract %slice3A_273[0] : i32 from vector<1xi32>
      %slice3A_275 = vector.extract_strided_slice %shift_right_logical3A_143 {offsets = [3], sizes = [1], strides = [1]} : vector<16xi32> to vector<1xi32>
      %squeeze3A_276 = vector.extract %slice3A_275[0] : i32 from vector<1xi32>
      %slice3A_277 = vector.extract_strided_slice %get3A_138 {offsets = [3], sizes = [1], strides = [1]} : vector<16xi32> to vector<1xi32>
      %squeeze3A_278 = vector.extract %slice3A_277[0] : i32 from vector<1xi32>
      %slice3A_279 = vector.extract_strided_slice %get3A_141 {offsets = [3], sizes = [1], strides = [1]} : vector<16xi32> to vector<1xi32>
      %squeeze3A_280 = vector.extract %slice3A_279[0] : i32 from vector<1xi32>
      %mul3A_281 = arith.constant 16 : i32
      %mul3A_282 = arith.muli %scan3A_129, %mul3A_281 : i32
      %add3A_283 = arith.constant 3 : i32
      %add3A_284 = arith.addi %mul3A_282, %add3A_283 : i32
      %dma_start3A_285 = arith.constant 0 : i32
      %dma_start3A_286 = tpu.memref_slice %arg16[%add3A_284, %dma_start3A_285] : memref<128x16xf32, #tpu.memory_space<vmem>> -> memref<1x16xf32, #tpu.memory_space<vmem>>
      %dma_start3A_287 = arith.constant 0 : i32
      %dma_start3A_288 = tpu.memref_slice %arg5[%squeeze3A_274, %dma_start3A_287] : memref<1000000x16xf32, #tpu.memory_space<hbm>> -> memref<1x16xf32, #tpu.memory_space<hbm>>
      %dma_start3A_289 = arith.constant 0 : i32
      %dma_start3A_290 = tpu.memref_slice %arg16[%add3A_284, %dma_start3A_289] : memref<128x16xf32, #tpu.memory_space<vmem>> -> memref<1x16xf32, #tpu.memory_space<vmem>>
      %dma_start3A_291 = arith.constant 0 : i32
      %dma_start3A_292 = tpu.memref_slice %arg5[%squeeze3A_274, %dma_start3A_291] : memref<1000000x16xf32, #tpu.memory_space<hbm>> -> memref<1x16xf32, #tpu.memory_space<hbm>>
      tpu.enqueue_dma source(%dma_start3A_292 : memref<1x16xf32, #tpu.memory_space<hbm>>) target(%dma_start3A_290 : memref<1x16xf32, #tpu.memory_space<vmem>>) target_semaphore(%arg20 : memref<!tpu.dma_semaphore, #tpu.memory_space<semaphore_mem>>)
      %dma_start3A_293 = arith.constant 0 : i32
      %dma_start3A_294 = tpu.memref_slice %arg17[%add3A_284, %dma_start3A_293] : memref<128x104xf32, #tpu.memory_space<vmem>> -> memref<1x104xf32, #tpu.memory_space<vmem>>
      %dma_start3A_295 = arith.constant 0 : i32
      %dma_start3A_296 = tpu.memref_slice %arg6[%squeeze3A_276, %dma_start3A_295] : memref<250000x104xf32, #tpu.memory_space<hbm>> -> memref<1x104xf32, #tpu.memory_space<hbm>>
      %dma_start3A_297 = arith.constant 0 : i32
      %dma_start3A_298 = tpu.memref_slice %arg17[%add3A_284, %dma_start3A_297] : memref<128x104xf32, #tpu.memory_space<vmem>> -> memref<1x104xf32, #tpu.memory_space<vmem>>
      %dma_start3A_299 = arith.constant 0 : i32
      %dma_start3A_300 = tpu.memref_slice %arg6[%squeeze3A_276, %dma_start3A_299] : memref<250000x104xf32, #tpu.memory_space<hbm>> -> memref<1x104xf32, #tpu.memory_space<hbm>>
      tpu.enqueue_dma source(%dma_start3A_300 : memref<1x104xf32, #tpu.memory_space<hbm>>) target(%dma_start3A_298 : memref<1x104xf32, #tpu.memory_space<vmem>>) target_semaphore(%arg21 : memref<!tpu.dma_semaphore, #tpu.memory_space<semaphore_mem>>)
      %dma_start3A_301 = arith.constant 0 : i32
      %dma_start3A_302 = tpu.memref_slice %arg18[%add3A_284, %dma_start3A_301] : memref<128x16xf32, #tpu.memory_space<vmem>> -> memref<1x16xf32, #tpu.memory_space<vmem>>
      %dma_start3A_303 = arith.constant 0 : i32
      %dma_start3A_304 = tpu.memref_slice %arg7[%squeeze3A_278, %dma_start3A_303] : memref<1000x16xf32, #tpu.memory_space<hbm>> -> memref<1x16xf32, #tpu.memory_space<hbm>>
      %dma_start3A_305 = arith.constant 0 : i32
      %dma_start3A_306 = tpu.memref_slice %arg18[%add3A_284, %dma_start3A_305] : memref<128x16xf32, #tpu.memory_space<vmem>> -> memref<1x16xf32, #tpu.memory_space<vmem>>
      %dma_start3A_307 = arith.constant 0 : i32
      %dma_start3A_308 = tpu.memref_slice %arg7[%squeeze3A_278, %dma_start3A_307] : memref<1000x16xf32, #tpu.memory_space<hbm>> -> memref<1x16xf32, #tpu.memory_space<hbm>>
      tpu.enqueue_dma source(%dma_start3A_308 : memref<1x16xf32, #tpu.memory_space<hbm>>) target(%dma_start3A_306 : memref<1x16xf32, #tpu.memory_space<vmem>>) target_semaphore(%arg22 : memref<!tpu.dma_semaphore, #tpu.memory_space<semaphore_mem>>)
      %dma_start3A_309 = arith.constant 0 : i32
      %dma_start3A_310 = tpu.memref_slice %arg19[%add3A_284, %dma_start3A_309] : memref<128x16xf32, #tpu.memory_space<vmem>> -> memref<1x16xf32, #tpu.memory_space<vmem>>
      %dma_start3A_311 = arith.constant 0 : i32
      %dma_start3A_312 = tpu.memref_slice %arg8[%squeeze3A_280, %dma_start3A_311] : memref<200x16xf32, #tpu.memory_space<hbm>> -> memref<1x16xf32, #tpu.memory_space<hbm>>
      %dma_start3A_313 = arith.constant 0 : i32
      %dma_start3A_314 = tpu.memref_slice %arg19[%add3A_284, %dma_start3A_313] : memref<128x16xf32, #tpu.memory_space<vmem>> -> memref<1x16xf32, #tpu.memory_space<vmem>>
      %dma_start3A_315 = arith.constant 0 : i32
      %dma_start3A_316 = tpu.memref_slice %arg8[%squeeze3A_280, %dma_start3A_315] : memref<200x16xf32, #tpu.memory_space<hbm>> -> memref<1x16xf32, #tpu.memory_space<hbm>>
      tpu.enqueue_dma source(%dma_start3A_316 : memref<1x16xf32, #tpu.memory_space<hbm>>) target(%dma_start3A_314 : memref<1x16xf32, #tpu.memory_space<vmem>>) target_semaphore(%arg23 : memref<!tpu.dma_semaphore, #tpu.memory_space<semaphore_mem>>)
      %slice3A_317 = vector.extract_strided_slice %get3A_135 {offsets = [4], sizes = [1], strides = [1]} : vector<16xi32> to vector<1xi32>
      %squeeze3A_318 = vector.extract %slice3A_317[0] : i32 from vector<1xi32>
      %slice3A_319 = vector.extract_strided_slice %shift_right_logical3A_143 {offsets = [4], sizes = [1], strides = [1]} : vector<16xi32> to vector<1xi32>
      %squeeze3A_320 = vector.extract %slice3A_319[0] : i32 from vector<1xi32>
      %slice3A_321 = vector.extract_strided_slice %get3A_138 {offsets = [4], sizes = [1], strides = [1]} : vector<16xi32> to vector<1xi32>
      %squeeze3A_322 = vector.extract %slice3A_321[0] : i32 from vector<1xi32>
      %slice3A_323 = vector.extract_strided_slice %get3A_141 {offsets = [4], sizes = [1], strides = [1]} : vector<16xi32> to vector<1xi32>
      %squeeze3A_324 = vector.extract %slice3A_323[0] : i32 from vector<1xi32>
      %mul3A_325 = arith.constant 16 : i32
      %mul3A_326 = arith.muli %scan3A_129, %mul3A_325 : i32
      %add3A_327 = arith.constant 4 : i32
      %add3A_328 = arith.addi %mul3A_326, %add3A_327 : i32
      %dma_start3A_329 = arith.constant 0 : i32
      %dma_start3A_330 = tpu.memref_slice %arg16[%add3A_328, %dma_start3A_329] : memref<128x16xf32, #tpu.memory_space<vmem>> -> memref<1x16xf32, #tpu.memory_space<vmem>>
      %dma_start3A_331 = arith.constant 0 : i32
      %dma_start3A_332 = tpu.memref_slice %arg5[%squeeze3A_318, %dma_start3A_331] : memref<1000000x16xf32, #tpu.memory_space<hbm>> -> memref<1x16xf32, #tpu.memory_space<hbm>>
      %dma_start3A_333 = arith.constant 0 : i32
      %dma_start3A_334 = tpu.memref_slice %arg16[%add3A_328, %dma_start3A_333] : memref<128x16xf32, #tpu.memory_space<vmem>> -> memref<1x16xf32, #tpu.memory_space<vmem>>
      %dma_start3A_335 = arith.constant 0 : i32
      %dma_start3A_336 = tpu.memref_slice %arg5[%squeeze3A_318, %dma_start3A_335] : memref<1000000x16xf32, #tpu.memory_space<hbm>> -> memref<1x16xf32, #tpu.memory_space<hbm>>
      tpu.enqueue_dma source(%dma_start3A_336 : memref<1x16xf32, #tpu.memory_space<hbm>>) target(%dma_start3A_334 : memref<1x16xf32, #tpu.memory_space<vmem>>) target_semaphore(%arg20 : memref<!tpu.dma_semaphore, #tpu.memory_space<semaphore_mem>>)
      %dma_start3A_337 = arith.constant 0 : i32
      %dma_start3A_338 = tpu.memref_slice %arg17[%add3A_328, %dma_start3A_337] : memref<128x104xf32, #tpu.memory_space<vmem>> -> memref<1x104xf32, #tpu.memory_space<vmem>>
      %dma_start3A_339 = arith.constant 0 : i32
      %dma_start3A_340 = tpu.memref_slice %arg6[%squeeze3A_320, %dma_start3A_339] : memref<250000x104xf32, #tpu.memory_space<hbm>> -> memref<1x104xf32, #tpu.memory_space<hbm>>
      %dma_start3A_341 = arith.constant 0 : i32
      %dma_start3A_342 = tpu.memref_slice %arg17[%add3A_328, %dma_start3A_341] : memref<128x104xf32, #tpu.memory_space<vmem>> -> memref<1x104xf32, #tpu.memory_space<vmem>>
      %dma_start3A_343 = arith.constant 0 : i32
      %dma_start3A_344 = tpu.memref_slice %arg6[%squeeze3A_320, %dma_start3A_343] : memref<250000x104xf32, #tpu.memory_space<hbm>> -> memref<1x104xf32, #tpu.memory_space<hbm>>
      tpu.enqueue_dma source(%dma_start3A_344 : memref<1x104xf32, #tpu.memory_space<hbm>>) target(%dma_start3A_342 : memref<1x104xf32, #tpu.memory_space<vmem>>) target_semaphore(%arg21 : memref<!tpu.dma_semaphore, #tpu.memory_space<semaphore_mem>>)
      %dma_start3A_345 = arith.constant 0 : i32
      %dma_start3A_346 = tpu.memref_slice %arg18[%add3A_328, %dma_start3A_345] : memref<128x16xf32, #tpu.memory_space<vmem>> -> memref<1x16xf32, #tpu.memory_space<vmem>>
      %dma_start3A_347 = arith.constant 0 : i32
      %dma_start3A_348 = tpu.memref_slice %arg7[%squeeze3A_322, %dma_start3A_347] : memref<1000x16xf32, #tpu.memory_space<hbm>> -> memref<1x16xf32, #tpu.memory_space<hbm>>
      %dma_start3A_349 = arith.constant 0 : i32
      %dma_start3A_350 = tpu.memref_slice %arg18[%add3A_328, %dma_start3A_349] : memref<128x16xf32, #tpu.memory_space<vmem>> -> memref<1x16xf32, #tpu.memory_space<vmem>>
      %dma_start3A_351 = arith.constant 0 : i32
      %dma_start3A_352 = tpu.memref_slice %arg7[%squeeze3A_322, %dma_start3A_351] : memref<1000x16xf32, #tpu.memory_space<hbm>> -> memref<1x16xf32, #tpu.memory_space<hbm>>
      tpu.enqueue_dma source(%dma_start3A_352 : memref<1x16xf32, #tpu.memory_space<hbm>>) target(%dma_start3A_350 : memref<1x16xf32, #tpu.memory_space<vmem>>) target_semaphore(%arg22 : memref<!tpu.dma_semaphore, #tpu.memory_space<semaphore_mem>>)
      %dma_start3A_353 = arith.constant 0 : i32
      %dma_start3A_354 = tpu.memref_slice %arg19[%add3A_328, %dma_start3A_353] : memref<128x16xf32, #tpu.memory_space<vmem>> -> memref<1x16xf32, #tpu.memory_space<vmem>>
      %dma_start3A_355 = arith.constant 0 : i32
      %dma_start3A_356 = tpu.memref_slice %arg8[%squeeze3A_324, %dma_start3A_355] : memref<200x16xf32, #tpu.memory_space<hbm>> -> memref<1x16xf32, #tpu.memory_space<hbm>>
      %dma_start3A_357 = arith.constant 0 : i32
      %dma_start3A_358 = tpu.memref_slice %arg19[%add3A_328, %dma_start3A_357] : memref<128x16xf32, #tpu.memory_space<vmem>> -> memref<1x16xf32, #tpu.memory_space<vmem>>
      %dma_start3A_359 = arith.constant 0 : i32
      %dma_start3A_360 = tpu.memref_slice %arg8[%squeeze3A_324, %dma_start3A_359] : memref<200x16xf32, #tpu.memory_space<hbm>> -> memref<1x16xf32, #tpu.memory_space<hbm>>
      tpu.enqueue_dma source(%dma_start3A_360 : memref<1x16xf32, #tpu.memory_space<hbm>>) target(%dma_start3A_358 : memref<1x16xf32, #tpu.memory_space<vmem>>) target_semaphore(%arg23 : memref<!tpu.dma_semaphore, #tpu.memory_space<semaphore_mem>>)
      %slice3A_361 = vector.extract_strided_slice %get3A_135 {offsets = [5], sizes = [1], strides = [1]} : vector<16xi32> to vector<1xi32>
      %squeeze3A_362 = vector.extract %slice3A_361[0] : i32 from vector<1xi32>
      %slice3A_363 = vector.extract_strided_slice %shift_right_logical3A_143 {offsets = [5], sizes = [1], strides = [1]} : vector<16xi32> to vector<1xi32>
      %squeeze3A_364 = vector.extract %slice3A_363[0] : i32 from vector<1xi32>
      %slice3A_365 = vector.extract_strided_slice %get3A_138 {offsets = [5], sizes = [1], strides = [1]} : vector<16xi32> to vector<1xi32>
      %squeeze3A_366 = vector.extract %slice3A_365[0] : i32 from vector<1xi32>
      %slice3A_367 = vector.extract_strided_slice %get3A_141 {offsets = [5], sizes = [1], strides = [1]} : vector<16xi32> to vector<1xi32>
      %squeeze3A_368 = vector.extract %slice3A_367[0] : i32 from vector<1xi32>
      %mul3A_369 = arith.constant 16 : i32
      %mul3A_370 = arith.muli %scan3A_129, %mul3A_369 : i32
      %add3A_371 = arith.constant 5 : i32
      %add3A_372 = arith.addi %mul3A_370, %add3A_371 : i32
      %dma_start3A_373 = arith.constant 0 : i32
      %dma_start3A_374 = tpu.memref_slice %arg16[%add3A_372, %dma_start3A_373] : memref<128x16xf32, #tpu.memory_space<vmem>> -> memref<1x16xf32, #tpu.memory_space<vmem>>
      %dma_start3A_375 = arith.constant 0 : i32
      %dma_start3A_376 = tpu.memref_slice %arg5[%squeeze3A_362, %dma_start3A_375] : memref<1000000x16xf32, #tpu.memory_space<hbm>> -> memref<1x16xf32, #tpu.memory_space<hbm>>
      %dma_start3A_377 = arith.constant 0 : i32
      %dma_start3A_378 = tpu.memref_slice %arg16[%add3A_372, %dma_start3A_377] : memref<128x16xf32, #tpu.memory_space<vmem>> -> memref<1x16xf32, #tpu.memory_space<vmem>>
      %dma_start3A_379 = arith.constant 0 : i32
      %dma_start3A_380 = tpu.memref_slice %arg5[%squeeze3A_362, %dma_start3A_379] : memref<1000000x16xf32, #tpu.memory_space<hbm>> -> memref<1x16xf32, #tpu.memory_space<hbm>>
      tpu.enqueue_dma source(%dma_start3A_380 : memref<1x16xf32, #tpu.memory_space<hbm>>) target(%dma_start3A_378 : memref<1x16xf32, #tpu.memory_space<vmem>>) target_semaphore(%arg20 : memref<!tpu.dma_semaphore, #tpu.memory_space<semaphore_mem>>)
      %dma_start3A_381 = arith.constant 0 : i32
      %dma_start3A_382 = tpu.memref_slice %arg17[%add3A_372, %dma_start3A_381] : memref<128x104xf32, #tpu.memory_space<vmem>> -> memref<1x104xf32, #tpu.memory_space<vmem>>
      %dma_start3A_383 = arith.constant 0 : i32
      %dma_start3A_384 = tpu.memref_slice %arg6[%squeeze3A_364, %dma_start3A_383] : memref<250000x104xf32, #tpu.memory_space<hbm>> -> memref<1x104xf32, #tpu.memory_space<hbm>>
      %dma_start3A_385 = arith.constant 0 : i32
      %dma_start3A_386 = tpu.memref_slice %arg17[%add3A_372, %dma_start3A_385] : memref<128x104xf32, #tpu.memory_space<vmem>> -> memref<1x104xf32, #tpu.memory_space<vmem>>
      %dma_start3A_387 = arith.constant 0 : i32
      %dma_start3A_388 = tpu.memref_slice %arg6[%squeeze3A_364, %dma_start3A_387] : memref<250000x104xf32, #tpu.memory_space<hbm>> -> memref<1x104xf32, #tpu.memory_space<hbm>>
      tpu.enqueue_dma source(%dma_start3A_388 : memref<1x104xf32, #tpu.memory_space<hbm>>) target(%dma_start3A_386 : memref<1x104xf32, #tpu.memory_space<vmem>>) target_semaphore(%arg21 : memref<!tpu.dma_semaphore, #tpu.memory_space<semaphore_mem>>)
      %dma_start3A_389 = arith.constant 0 : i32
      %dma_start3A_390 = tpu.memref_slice %arg18[%add3A_372, %dma_start3A_389] : memref<128x16xf32, #tpu.memory_space<vmem>> -> memref<1x16xf32, #tpu.memory_space<vmem>>
      %dma_start3A_391 = arith.constant 0 : i32
      %dma_start3A_392 = tpu.memref_slice %arg7[%squeeze3A_366, %dma_start3A_391] : memref<1000x16xf32, #tpu.memory_space<hbm>> -> memref<1x16xf32, #tpu.memory_space<hbm>>
      %dma_start3A_393 = arith.constant 0 : i32
      %dma_start3A_394 = tpu.memref_slice %arg18[%add3A_372, %dma_start3A_393] : memref<128x16xf32, #tpu.memory_space<vmem>> -> memref<1x16xf32, #tpu.memory_space<vmem>>
      %dma_start3A_395 = arith.constant 0 : i32
      %dma_start3A_396 = tpu.memref_slice %arg7[%squeeze3A_366, %dma_start3A_395] : memref<1000x16xf32, #tpu.memory_space<hbm>> -> memref<1x16xf32, #tpu.memory_space<hbm>>
      tpu.enqueue_dma source(%dma_start3A_396 : memref<1x16xf32, #tpu.memory_space<hbm>>) target(%dma_start3A_394 : memref<1x16xf32, #tpu.memory_space<vmem>>) target_semaphore(%arg22 : memref<!tpu.dma_semaphore, #tpu.memory_space<semaphore_mem>>)
      %dma_start3A_397 = arith.constant 0 : i32
      %dma_start3A_398 = tpu.memref_slice %arg19[%add3A_372, %dma_start3A_397] : memref<128x16xf32, #tpu.memory_space<vmem>> -> memref<1x16xf32, #tpu.memory_space<vmem>>
      %dma_start3A_399 = arith.constant 0 : i32
      %dma_start3A_400 = tpu.memref_slice %arg8[%squeeze3A_368, %dma_start3A_399] : memref<200x16xf32, #tpu.memory_space<hbm>> -> memref<1x16xf32, #tpu.memory_space<hbm>>
      %dma_start3A_401 = arith.constant 0 : i32
      %dma_start3A_402 = tpu.memref_slice %arg19[%add3A_372, %dma_start3A_401] : memref<128x16xf32, #tpu.memory_space<vmem>> -> memref<1x16xf32, #tpu.memory_space<vmem>>
      %dma_start3A_403 = arith.constant 0 : i32
      %dma_start3A_404 = tpu.memref_slice %arg8[%squeeze3A_368, %dma_start3A_403] : memref<200x16xf32, #tpu.memory_space<hbm>> -> memref<1x16xf32, #tpu.memory_space<hbm>>
      tpu.enqueue_dma source(%dma_start3A_404 : memref<1x16xf32, #tpu.memory_space<hbm>>) target(%dma_start3A_402 : memref<1x16xf32, #tpu.memory_space<vmem>>) target_semaphore(%arg23 : memref<!tpu.dma_semaphore, #tpu.memory_space<semaphore_mem>>)
      %slice3A_405 = vector.extract_strided_slice %get3A_135 {offsets = [6], sizes = [1], strides = [1]} : vector<16xi32> to vector<1xi32>
      %squeeze3A_406 = vector.extract %slice3A_405[0] : i32 from vector<1xi32>
      %slice3A_407 = vector.extract_strided_slice %shift_right_logical3A_143 {offsets = [6], sizes = [1], strides = [1]} : vector<16xi32> to vector<1xi32>
      %squeeze3A_408 = vector.extract %slice3A_407[0] : i32 from vector<1xi32>
      %slice3A_409 = vector.extract_strided_slice %get3A_138 {offsets = [6], sizes = [1], strides = [1]} : vector<16xi32> to vector<1xi32>
      %squeeze3A_410 = vector.extract %slice3A_409[0] : i32 from vector<1xi32>
      %slice3A_411 = vector.extract_strided_slice %get3A_141 {offsets = [6], sizes = [1], strides = [1]} : vector<16xi32> to vector<1xi32>
      %squeeze3A_412 = vector.extract %slice3A_411[0] : i32 from vector<1xi32>
      %mul3A_413 = arith.constant 16 : i32
      %mul3A_414 = arith.muli %scan3A_129, %mul3A_413 : i32
      %add3A_415 = arith.constant 6 : i32
      %add3A_416 = arith.addi %mul3A_414, %add3A_415 : i32
      %dma_start3A_417 = arith.constant 0 : i32
      %dma_start3A_418 = tpu.memref_slice %arg16[%add3A_416, %dma_start3A_417] : memref<128x16xf32, #tpu.memory_space<vmem>> -> memref<1x16xf32, #tpu.memory_space<vmem>>
      %dma_start3A_419 = arith.constant 0 : i32
      %dma_start3A_420 = tpu.memref_slice %arg5[%squeeze3A_406, %dma_start3A_419] : memref<1000000x16xf32, #tpu.memory_space<hbm>> -> memref<1x16xf32, #tpu.memory_space<hbm>>
      %dma_start3A_421 = arith.constant 0 : i32
      %dma_start3A_422 = tpu.memref_slice %arg16[%add3A_416, %dma_start3A_421] : memref<128x16xf32, #tpu.memory_space<vmem>> -> memref<1x16xf32, #tpu.memory_space<vmem>>
      %dma_start3A_423 = arith.constant 0 : i32
      %dma_start3A_424 = tpu.memref_slice %arg5[%squeeze3A_406, %dma_start3A_423] : memref<1000000x16xf32, #tpu.memory_space<hbm>> -> memref<1x16xf32, #tpu.memory_space<hbm>>
      tpu.enqueue_dma source(%dma_start3A_424 : memref<1x16xf32, #tpu.memory_space<hbm>>) target(%dma_start3A_422 : memref<1x16xf32, #tpu.memory_space<vmem>>) target_semaphore(%arg20 : memref<!tpu.dma_semaphore, #tpu.memory_space<semaphore_mem>>)
      %dma_start3A_425 = arith.constant 0 : i32
      %dma_start3A_426 = tpu.memref_slice %arg17[%add3A_416, %dma_start3A_425] : memref<128x104xf32, #tpu.memory_space<vmem>> -> memref<1x104xf32, #tpu.memory_space<vmem>>
      %dma_start3A_427 = arith.constant 0 : i32
      %dma_start3A_428 = tpu.memref_slice %arg6[%squeeze3A_408, %dma_start3A_427] : memref<250000x104xf32, #tpu.memory_space<hbm>> -> memref<1x104xf32, #tpu.memory_space<hbm>>
      %dma_start3A_429 = arith.constant 0 : i32
      %dma_start3A_430 = tpu.memref_slice %arg17[%add3A_416, %dma_start3A_429] : memref<128x104xf32, #tpu.memory_space<vmem>> -> memref<1x104xf32, #tpu.memory_space<vmem>>
      %dma_start3A_431 = arith.constant 0 : i32
      %dma_start3A_432 = tpu.memref_slice %arg6[%squeeze3A_408, %dma_start3A_431] : memref<250000x104xf32, #tpu.memory_space<hbm>> -> memref<1x104xf32, #tpu.memory_space<hbm>>
      tpu.enqueue_dma source(%dma_start3A_432 : memref<1x104xf32, #tpu.memory_space<hbm>>) target(%dma_start3A_430 : memref<1x104xf32, #tpu.memory_space<vmem>>) target_semaphore(%arg21 : memref<!tpu.dma_semaphore, #tpu.memory_space<semaphore_mem>>)
      %dma_start3A_433 = arith.constant 0 : i32
      %dma_start3A_434 = tpu.memref_slice %arg18[%add3A_416, %dma_start3A_433] : memref<128x16xf32, #tpu.memory_space<vmem>> -> memref<1x16xf32, #tpu.memory_space<vmem>>
      %dma_start3A_435 = arith.constant 0 : i32
      %dma_start3A_436 = tpu.memref_slice %arg7[%squeeze3A_410, %dma_start3A_435] : memref<1000x16xf32, #tpu.memory_space<hbm>> -> memref<1x16xf32, #tpu.memory_space<hbm>>
      %dma_start3A_437 = arith.constant 0 : i32
      %dma_start3A_438 = tpu.memref_slice %arg18[%add3A_416, %dma_start3A_437] : memref<128x16xf32, #tpu.memory_space<vmem>> -> memref<1x16xf32, #tpu.memory_space<vmem>>
      %dma_start3A_439 = arith.constant 0 : i32
      %dma_start3A_440 = tpu.memref_slice %arg7[%squeeze3A_410, %dma_start3A_439] : memref<1000x16xf32, #tpu.memory_space<hbm>> -> memref<1x16xf32, #tpu.memory_space<hbm>>
      tpu.enqueue_dma source(%dma_start3A_440 : memref<1x16xf32, #tpu.memory_space<hbm>>) target(%dma_start3A_438 : memref<1x16xf32, #tpu.memory_space<vmem>>) target_semaphore(%arg22 : memref<!tpu.dma_semaphore, #tpu.memory_space<semaphore_mem>>)
      %dma_start3A_441 = arith.constant 0 : i32
      %dma_start3A_442 = tpu.memref_slice %arg19[%add3A_416, %dma_start3A_441] : memref<128x16xf32, #tpu.memory_space<vmem>> -> memref<1x16xf32, #tpu.memory_space<vmem>>
      %dma_start3A_443 = arith.constant 0 : i32
      %dma_start3A_444 = tpu.memref_slice %arg8[%squeeze3A_412, %dma_start3A_443] : memref<200x16xf32, #tpu.memory_space<hbm>> -> memref<1x16xf32, #tpu.memory_space<hbm>>
      %dma_start3A_445 = arith.constant 0 : i32
      %dma_start3A_446 = tpu.memref_slice %arg19[%add3A_416, %dma_start3A_445] : memref<128x16xf32, #tpu.memory_space<vmem>> -> memref<1x16xf32, #tpu.memory_space<vmem>>
      %dma_start3A_447 = arith.constant 0 : i32
      %dma_start3A_448 = tpu.memref_slice %arg8[%squeeze3A_412, %dma_start3A_447] : memref<200x16xf32, #tpu.memory_space<hbm>> -> memref<1x16xf32, #tpu.memory_space<hbm>>
      tpu.enqueue_dma source(%dma_start3A_448 : memref<1x16xf32, #tpu.memory_space<hbm>>) target(%dma_start3A_446 : memref<1x16xf32, #tpu.memory_space<vmem>>) target_semaphore(%arg23 : memref<!tpu.dma_semaphore, #tpu.memory_space<semaphore_mem>>)
      %slice3A_449 = vector.extract_strided_slice %get3A_135 {offsets = [7], sizes = [1], strides = [1]} : vector<16xi32> to vector<1xi32>
      %squeeze3A_450 = vector.extract %slice3A_449[0] : i32 from vector<1xi32>
      %slice3A_451 = vector.extract_strided_slice %shift_right_logical3A_143 {offsets = [7], sizes = [1], strides = [1]} : vector<16xi32> to vector<1xi32>
      %squeeze3A_452 = vector.extract %slice3A_451[0] : i32 from vector<1xi32>
      %slice3A_453 = vector.extract_strided_slice %get3A_138 {offsets = [7], sizes = [1], strides = [1]} : vector<16xi32> to vector<1xi32>
      %squeeze3A_454 = vector.extract %slice3A_453[0] : i32 from vector<1xi32>
      %slice3A_455 = vector.extract_strided_slice %get3A_141 {offsets = [7], sizes = [1], strides = [1]} : vector<16xi32> to vector<1xi32>
      %squeeze3A_456 = vector.extract %slice3A_455[0] : i32 from vector<1xi32>
      %mul3A_457 = arith.constant 16 : i32
      %mul3A_458 = arith.muli %scan3A_129, %mul3A_457 : i32
      %add3A_459 = arith.constant 7 : i32
      %add3A_460 = arith.addi %mul3A_458, %add3A_459 : i32
      %dma_start3A_461 = arith.constant 0 : i32
      %dma_start3A_462 = tpu.memref_slice %arg16[%add3A_460, %dma_start3A_461] : memref<128x16xf32, #tpu.memory_space<vmem>> -> memref<1x16xf32, #tpu.memory_space<vmem>>
      %dma_start3A_463 = arith.constant 0 : i32
      %dma_start3A_464 = tpu.memref_slice %arg5[%squeeze3A_450, %dma_start3A_463] : memref<1000000x16xf32, #tpu.memory_space<hbm>> -> memref<1x16xf32, #tpu.memory_space<hbm>>
      %dma_start3A_465 = arith.constant 0 : i32
      %dma_start3A_466 = tpu.memref_slice %arg16[%add3A_460, %dma_start3A_465] : memref<128x16xf32, #tpu.memory_space<vmem>> -> memref<1x16xf32, #tpu.memory_space<vmem>>
      %dma_start3A_467 = arith.constant 0 : i32
      %dma_start3A_468 = tpu.memref_slice %arg5[%squeeze3A_450, %dma_start3A_467] : memref<1000000x16xf32, #tpu.memory_space<hbm>> -> memref<1x16xf32, #tpu.memory_space<hbm>>
      tpu.enqueue_dma source(%dma_start3A_468 : memref<1x16xf32, #tpu.memory_space<hbm>>) target(%dma_start3A_466 : memref<1x16xf32, #tpu.memory_space<vmem>>) target_semaphore(%arg20 : memref<!tpu.dma_semaphore, #tpu.memory_space<semaphore_mem>>)
      %dma_start3A_469 = arith.constant 0 : i32
      %dma_start3A_470 = tpu.memref_slice %arg17[%add3A_460, %dma_start3A_469] : memref<128x104xf32, #tpu.memory_space<vmem>> -> memref<1x104xf32, #tpu.memory_space<vmem>>
      %dma_start3A_471 = arith.constant 0 : i32
      %dma_start3A_472 = tpu.memref_slice %arg6[%squeeze3A_452, %dma_start3A_471] : memref<250000x104xf32, #tpu.memory_space<hbm>> -> memref<1x104xf32, #tpu.memory_space<hbm>>
      %dma_start3A_473 = arith.constant 0 : i32
      %dma_start3A_474 = tpu.memref_slice %arg17[%add3A_460, %dma_start3A_473] : memref<128x104xf32, #tpu.memory_space<vmem>> -> memref<1x104xf32, #tpu.memory_space<vmem>>
      %dma_start3A_475 = arith.constant 0 : i32
      %dma_start3A_476 = tpu.memref_slice %arg6[%squeeze3A_452, %dma_start3A_475] : memref<250000x104xf32, #tpu.memory_space<hbm>> -> memref<1x104xf32, #tpu.memory_space<hbm>>
      tpu.enqueue_dma source(%dma_start3A_476 : memref<1x104xf32, #tpu.memory_space<hbm>>) target(%dma_start3A_474 : memref<1x104xf32, #tpu.memory_space<vmem>>) target_semaphore(%arg21 : memref<!tpu.dma_semaphore, #tpu.memory_space<semaphore_mem>>)
      %dma_start3A_477 = arith.constant 0 : i32
      %dma_start3A_478 = tpu.memref_slice %arg18[%add3A_460, %dma_start3A_477] : memref<128x16xf32, #tpu.memory_space<vmem>> -> memref<1x16xf32, #tpu.memory_space<vmem>>
      %dma_start3A_479 = arith.constant 0 : i32
      %dma_start3A_480 = tpu.memref_slice %arg7[%squeeze3A_454, %dma_start3A_479] : memref<1000x16xf32, #tpu.memory_space<hbm>> -> memref<1x16xf32, #tpu.memory_space<hbm>>
      %dma_start3A_481 = arith.constant 0 : i32
      %dma_start3A_482 = tpu.memref_slice %arg18[%add3A_460, %dma_start3A_481] : memref<128x16xf32, #tpu.memory_space<vmem>> -> memref<1x16xf32, #tpu.memory_space<vmem>>
      %dma_start3A_483 = arith.constant 0 : i32
      %dma_start3A_484 = tpu.memref_slice %arg7[%squeeze3A_454, %dma_start3A_483] : memref<1000x16xf32, #tpu.memory_space<hbm>> -> memref<1x16xf32, #tpu.memory_space<hbm>>
      tpu.enqueue_dma source(%dma_start3A_484 : memref<1x16xf32, #tpu.memory_space<hbm>>) target(%dma_start3A_482 : memref<1x16xf32, #tpu.memory_space<vmem>>) target_semaphore(%arg22 : memref<!tpu.dma_semaphore, #tpu.memory_space<semaphore_mem>>)
      %dma_start3A_485 = arith.constant 0 : i32
      %dma_start3A_486 = tpu.memref_slice %arg19[%add3A_460, %dma_start3A_485] : memref<128x16xf32, #tpu.memory_space<vmem>> -> memref<1x16xf32, #tpu.memory_space<vmem>>
      %dma_start3A_487 = arith.constant 0 : i32
      %dma_start3A_488 = tpu.memref_slice %arg8[%squeeze3A_456, %dma_start3A_487] : memref<200x16xf32, #tpu.memory_space<hbm>> -> memref<1x16xf32, #tpu.memory_space<hbm>>
      %dma_start3A_489 = arith.constant 0 : i32
      %dma_start3A_490 = tpu.memref_slice %arg19[%add3A_460, %dma_start3A_489] : memref<128x16xf32, #tpu.memory_space<vmem>> -> memref<1x16xf32, #tpu.memory_space<vmem>>
      %dma_start3A_491 = arith.constant 0 : i32
      %dma_start3A_492 = tpu.memref_slice %arg8[%squeeze3A_456, %dma_start3A_491] : memref<200x16xf32, #tpu.memory_space<hbm>> -> memref<1x16xf32, #tpu.memory_space<hbm>>
      tpu.enqueue_dma source(%dma_start3A_492 : memref<1x16xf32, #tpu.memory_space<hbm>>) target(%dma_start3A_490 : memref<1x16xf32, #tpu.memory_space<vmem>>) target_semaphore(%arg23 : memref<!tpu.dma_semaphore, #tpu.memory_space<semaphore_mem>>)
      %slice3A_493 = vector.extract_strided_slice %get3A_135 {offsets = [8], sizes = [1], strides = [1]} : vector<16xi32> to vector<1xi32>
      %squeeze3A_494 = vector.extract %slice3A_493[0] : i32 from vector<1xi32>
      %slice3A_495 = vector.extract_strided_slice %shift_right_logical3A_143 {offsets = [8], sizes = [1], strides = [1]} : vector<16xi32> to vector<1xi32>
      %squeeze3A_496 = vector.extract %slice3A_495[0] : i32 from vector<1xi32>
      %slice3A_497 = vector.extract_strided_slice %get3A_138 {offsets = [8], sizes = [1], strides = [1]} : vector<16xi32> to vector<1xi32>
      %squeeze3A_498 = vector.extract %slice3A_497[0] : i32 from vector<1xi32>
      %slice3A_499 = vector.extract_strided_slice %get3A_141 {offsets = [8], sizes = [1], strides = [1]} : vector<16xi32> to vector<1xi32>
      %squeeze3A_500 = vector.extract %slice3A_499[0] : i32 from vector<1xi32>
      %mul3A_501 = arith.constant 16 : i32
      %mul3A_502 = arith.muli %scan3A_129, %mul3A_501 : i32
      %add3A_503 = arith.constant 8 : i32
      %add3A_504 = arith.addi %mul3A_502, %add3A_503 : i32
      %dma_start3A_505 = arith.constant 0 : i32
      %dma_start3A_506 = tpu.memref_slice %arg16[%add3A_504, %dma_start3A_505] : memref<128x16xf32, #tpu.memory_space<vmem>> -> memref<1x16xf32, #tpu.memory_space<vmem>>
      %dma_start3A_507 = arith.constant 0 : i32
      %dma_start3A_508 = tpu.memref_slice %arg5[%squeeze3A_494, %dma_start3A_507] : memref<1000000x16xf32, #tpu.memory_space<hbm>> -> memref<1x16xf32, #tpu.memory_space<hbm>>
      %dma_start3A_509 = arith.constant 0 : i32
      %dma_start3A_510 = tpu.memref_slice %arg16[%add3A_504, %dma_start3A_509] : memref<128x16xf32, #tpu.memory_space<vmem>> -> memref<1x16xf32, #tpu.memory_space<vmem>>
      %dma_start3A_511 = arith.constant 0 : i32
      %dma_start3A_512 = tpu.memref_slice %arg5[%squeeze3A_494, %dma_start3A_511] : memref<1000000x16xf32, #tpu.memory_space<hbm>> -> memref<1x16xf32, #tpu.memory_space<hbm>>
      tpu.enqueue_dma source(%dma_start3A_512 : memref<1x16xf32, #tpu.memory_space<hbm>>) target(%dma_start3A_510 : memref<1x16xf32, #tpu.memory_space<vmem>>) target_semaphore(%arg20 : memref<!tpu.dma_semaphore, #tpu.memory_space<semaphore_mem>>)
      %dma_start3A_513 = arith.constant 0 : i32
      %dma_start3A_514 = tpu.memref_slice %arg17[%add3A_504, %dma_start3A_513] : memref<128x104xf32, #tpu.memory_space<vmem>> -> memref<1x104xf32, #tpu.memory_space<vmem>>
      %dma_start3A_515 = arith.constant 0 : i32
      %dma_start3A_516 = tpu.memref_slice %arg6[%squeeze3A_496, %dma_start3A_515] : memref<250000x104xf32, #tpu.memory_space<hbm>> -> memref<1x104xf32, #tpu.memory_space<hbm>>
      %dma_start3A_517 = arith.constant 0 : i32
      %dma_start3A_518 = tpu.memref_slice %arg17[%add3A_504, %dma_start3A_517] : memref<128x104xf32, #tpu.memory_space<vmem>> -> memref<1x104xf32, #tpu.memory_space<vmem>>
      %dma_start3A_519 = arith.constant 0 : i32
      %dma_start3A_520 = tpu.memref_slice %arg6[%squeeze3A_496, %dma_start3A_519] : memref<250000x104xf32, #tpu.memory_space<hbm>> -> memref<1x104xf32, #tpu.memory_space<hbm>>
      tpu.enqueue_dma source(%dma_start3A_520 : memref<1x104xf32, #tpu.memory_space<hbm>>) target(%dma_start3A_518 : memref<1x104xf32, #tpu.memory_space<vmem>>) target_semaphore(%arg21 : memref<!tpu.dma_semaphore, #tpu.memory_space<semaphore_mem>>)
      %dma_start3A_521 = arith.constant 0 : i32
      %dma_start3A_522 = tpu.memref_slice %arg18[%add3A_504, %dma_start3A_521] : memref<128x16xf32, #tpu.memory_space<vmem>> -> memref<1x16xf32, #tpu.memory_space<vmem>>
      %dma_start3A_523 = arith.constant 0 : i32
      %dma_start3A_524 = tpu.memref_slice %arg7[%squeeze3A_498, %dma_start3A_523] : memref<1000x16xf32, #tpu.memory_space<hbm>> -> memref<1x16xf32, #tpu.memory_space<hbm>>
      %dma_start3A_525 = arith.constant 0 : i32
      %dma_start3A_526 = tpu.memref_slice %arg18[%add3A_504, %dma_start3A_525] : memref<128x16xf32, #tpu.memory_space<vmem>> -> memref<1x16xf32, #tpu.memory_space<vmem>>
      %dma_start3A_527 = arith.constant 0 : i32
      %dma_start3A_528 = tpu.memref_slice %arg7[%squeeze3A_498, %dma_start3A_527] : memref<1000x16xf32, #tpu.memory_space<hbm>> -> memref<1x16xf32, #tpu.memory_space<hbm>>
      tpu.enqueue_dma source(%dma_start3A_528 : memref<1x16xf32, #tpu.memory_space<hbm>>) target(%dma_start3A_526 : memref<1x16xf32, #tpu.memory_space<vmem>>) target_semaphore(%arg22 : memref<!tpu.dma_semaphore, #tpu.memory_space<semaphore_mem>>)
      %dma_start3A_529 = arith.constant 0 : i32
      %dma_start3A_530 = tpu.memref_slice %arg19[%add3A_504, %dma_start3A_529] : memref<128x16xf32, #tpu.memory_space<vmem>> -> memref<1x16xf32, #tpu.memory_space<vmem>>
      %dma_start3A_531 = arith.constant 0 : i32
      %dma_start3A_532 = tpu.memref_slice %arg8[%squeeze3A_500, %dma_start3A_531] : memref<200x16xf32, #tpu.memory_space<hbm>> -> memref<1x16xf32, #tpu.memory_space<hbm>>
      %dma_start3A_533 = arith.constant 0 : i32
      %dma_start3A_534 = tpu.memref_slice %arg19[%add3A_504, %dma_start3A_533] : memref<128x16xf32, #tpu.memory_space<vmem>> -> memref<1x16xf32, #tpu.memory_space<vmem>>
      %dma_start3A_535 = arith.constant 0 : i32
      %dma_start3A_536 = tpu.memref_slice %arg8[%squeeze3A_500, %dma_start3A_535] : memref<200x16xf32, #tpu.memory_space<hbm>> -> memref<1x16xf32, #tpu.memory_space<hbm>>
      tpu.enqueue_dma source(%dma_start3A_536 : memref<1x16xf32, #tpu.memory_space<hbm>>) target(%dma_start3A_534 : memref<1x16xf32, #tpu.memory_space<vmem>>) target_semaphore(%arg23 : memref<!tpu.dma_semaphore, #tpu.memory_space<semaphore_mem>>)
      %slice3A_537 = vector.extract_strided_slice %get3A_135 {offsets = [9], sizes = [1], strides = [1]} : vector<16xi32> to vector<1xi32>
      %squeeze3A_538 = vector.extract %slice3A_537[0] : i32 from vector<1xi32>
      %slice3A_539 = vector.extract_strided_slice %shift_right_logical3A_143 {offsets = [9], sizes = [1], strides = [1]} : vector<16xi32> to vector<1xi32>
      %squeeze3A_540 = vector.extract %slice3A_539[0] : i32 from vector<1xi32>
      %slice3A_541 = vector.extract_strided_slice %get3A_138 {offsets = [9], sizes = [1], strides = [1]} : vector<16xi32> to vector<1xi32>
      %squeeze3A_542 = vector.extract %slice3A_541[0] : i32 from vector<1xi32>
      %slice3A_543 = vector.extract_strided_slice %get3A_141 {offsets = [9], sizes = [1], strides = [1]} : vector<16xi32> to vector<1xi32>
      %squeeze3A_544 = vector.extract %slice3A_543[0] : i32 from vector<1xi32>
      %mul3A_545 = arith.constant 16 : i32
      %mul3A_546 = arith.muli %scan3A_129, %mul3A_545 : i32
      %add3A_547 = arith.constant 9 : i32
      %add3A_548 = arith.addi %mul3A_546, %add3A_547 : i32
      %dma_start3A_549 = arith.constant 0 : i32
      %dma_start3A_550 = tpu.memref_slice %arg16[%add3A_548, %dma_start3A_549] : memref<128x16xf32, #tpu.memory_space<vmem>> -> memref<1x16xf32, #tpu.memory_space<vmem>>
      %dma_start3A_551 = arith.constant 0 : i32
      %dma_start3A_552 = tpu.memref_slice %arg5[%squeeze3A_538, %dma_start3A_551] : memref<1000000x16xf32, #tpu.memory_space<hbm>> -> memref<1x16xf32, #tpu.memory_space<hbm>>
      %dma_start3A_553 = arith.constant 0 : i32
      %dma_start3A_554 = tpu.memref_slice %arg16[%add3A_548, %dma_start3A_553] : memref<128x16xf32, #tpu.memory_space<vmem>> -> memref<1x16xf32, #tpu.memory_space<vmem>>
      %dma_start3A_555 = arith.constant 0 : i32
      %dma_start3A_556 = tpu.memref_slice %arg5[%squeeze3A_538, %dma_start3A_555] : memref<1000000x16xf32, #tpu.memory_space<hbm>> -> memref<1x16xf32, #tpu.memory_space<hbm>>
      tpu.enqueue_dma source(%dma_start3A_556 : memref<1x16xf32, #tpu.memory_space<hbm>>) target(%dma_start3A_554 : memref<1x16xf32, #tpu.memory_space<vmem>>) target_semaphore(%arg20 : memref<!tpu.dma_semaphore, #tpu.memory_space<semaphore_mem>>)
      %dma_start3A_557 = arith.constant 0 : i32
      %dma_start3A_558 = tpu.memref_slice %arg17[%add3A_548, %dma_start3A_557] : memref<128x104xf32, #tpu.memory_space<vmem>> -> memref<1x104xf32, #tpu.memory_space<vmem>>
      %dma_start3A_559 = arith.constant 0 : i32
      %dma_start3A_560 = tpu.memref_slice %arg6[%squeeze3A_540, %dma_start3A_559] : memref<250000x104xf32, #tpu.memory_space<hbm>> -> memref<1x104xf32, #tpu.memory_space<hbm>>
      %dma_start3A_561 = arith.constant 0 : i32
      %dma_start3A_562 = tpu.memref_slice %arg17[%add3A_548, %dma_start3A_561] : memref<128x104xf32, #tpu.memory_space<vmem>> -> memref<1x104xf32, #tpu.memory_space<vmem>>
      %dma_start3A_563 = arith.constant 0 : i32
      %dma_start3A_564 = tpu.memref_slice %arg6[%squeeze3A_540, %dma_start3A_563] : memref<250000x104xf32, #tpu.memory_space<hbm>> -> memref<1x104xf32, #tpu.memory_space<hbm>>
      tpu.enqueue_dma source(%dma_start3A_564 : memref<1x104xf32, #tpu.memory_space<hbm>>) target(%dma_start3A_562 : memref<1x104xf32, #tpu.memory_space<vmem>>) target_semaphore(%arg21 : memref<!tpu.dma_semaphore, #tpu.memory_space<semaphore_mem>>)
      %dma_start3A_565 = arith.constant 0 : i32
      %dma_start3A_566 = tpu.memref_slice %arg18[%add3A_548, %dma_start3A_565] : memref<128x16xf32, #tpu.memory_space<vmem>> -> memref<1x16xf32, #tpu.memory_space<vmem>>
      %dma_start3A_567 = arith.constant 0 : i32
      %dma_start3A_568 = tpu.memref_slice %arg7[%squeeze3A_542, %dma_start3A_567] : memref<1000x16xf32, #tpu.memory_space<hbm>> -> memref<1x16xf32, #tpu.memory_space<hbm>>
      %dma_start3A_569 = arith.constant 0 : i32
      %dma_start3A_570 = tpu.memref_slice %arg18[%add3A_548, %dma_start3A_569] : memref<128x16xf32, #tpu.memory_space<vmem>> -> memref<1x16xf32, #tpu.memory_space<vmem>>
      %dma_start3A_571 = arith.constant 0 : i32
      %dma_start3A_572 = tpu.memref_slice %arg7[%squeeze3A_542, %dma_start3A_571] : memref<1000x16xf32, #tpu.memory_space<hbm>> -> memref<1x16xf32, #tpu.memory_space<hbm>>
      tpu.enqueue_dma source(%dma_start3A_572 : memref<1x16xf32, #tpu.memory_space<hbm>>) target(%dma_start3A_570 : memref<1x16xf32, #tpu.memory_space<vmem>>) target_semaphore(%arg22 : memref<!tpu.dma_semaphore, #tpu.memory_space<semaphore_mem>>)
      %dma_start3A_573 = arith.constant 0 : i32
      %dma_start3A_574 = tpu.memref_slice %arg19[%add3A_548, %dma_start3A_573] : memref<128x16xf32, #tpu.memory_space<vmem>> -> memref<1x16xf32, #tpu.memory_space<vmem>>
      %dma_start3A_575 = arith.constant 0 : i32
      %dma_start3A_576 = tpu.memref_slice %arg8[%squeeze3A_544, %dma_start3A_575] : memref<200x16xf32, #tpu.memory_space<hbm>> -> memref<1x16xf32, #tpu.memory_space<hbm>>
      %dma_start3A_577 = arith.constant 0 : i32
      %dma_start3A_578 = tpu.memref_slice %arg19[%add3A_548, %dma_start3A_577] : memref<128x16xf32, #tpu.memory_space<vmem>> -> memref<1x16xf32, #tpu.memory_space<vmem>>
      %dma_start3A_579 = arith.constant 0 : i32
      %dma_start3A_580 = tpu.memref_slice %arg8[%squeeze3A_544, %dma_start3A_579] : memref<200x16xf32, #tpu.memory_space<hbm>> -> memref<1x16xf32, #tpu.memory_space<hbm>>
      tpu.enqueue_dma source(%dma_start3A_580 : memref<1x16xf32, #tpu.memory_space<hbm>>) target(%dma_start3A_578 : memref<1x16xf32, #tpu.memory_space<vmem>>) target_semaphore(%arg23 : memref<!tpu.dma_semaphore, #tpu.memory_space<semaphore_mem>>)
      %slice3A_581 = vector.extract_strided_slice %get3A_135 {offsets = [10], sizes = [1], strides = [1]} : vector<16xi32> to vector<1xi32>
      %squeeze3A_582 = vector.extract %slice3A_581[0] : i32 from vector<1xi32>
      %slice3A_583 = vector.extract_strided_slice %shift_right_logical3A_143 {offsets = [10], sizes = [1], strides = [1]} : vector<16xi32> to vector<1xi32>
      %squeeze3A_584 = vector.extract %slice3A_583[0] : i32 from vector<1xi32>
      %slice3A_585 = vector.extract_strided_slice %get3A_138 {offsets = [10], sizes = [1], strides = [1]} : vector<16xi32> to vector<1xi32>
      %squeeze3A_586 = vector.extract %slice3A_585[0] : i32 from vector<1xi32>
      %slice3A_587 = vector.extract_strided_slice %get3A_141 {offsets = [10], sizes = [1], strides = [1]} : vector<16xi32> to vector<1xi32>
      %squeeze3A_588 = vector.extract %slice3A_587[0] : i32 from vector<1xi32>
      %mul3A_589 = arith.constant 16 : i32
      %mul3A_590 = arith.muli %scan3A_129, %mul3A_589 : i32
      %add3A_591 = arith.constant 10 : i32
      %add3A_592 = arith.addi %mul3A_590, %add3A_591 : i32
      %dma_start3A_593 = arith.constant 0 : i32
      %dma_start3A_594 = tpu.memref_slice %arg16[%add3A_592, %dma_start3A_593] : memref<128x16xf32, #tpu.memory_space<vmem>> -> memref<1x16xf32, #tpu.memory_space<vmem>>
      %dma_start3A_595 = arith.constant 0 : i32
      %dma_start3A_596 = tpu.memref_slice %arg5[%squeeze3A_582, %dma_start3A_595] : memref<1000000x16xf32, #tpu.memory_space<hbm>> -> memref<1x16xf32, #tpu.memory_space<hbm>>
      %dma_start3A_597 = arith.constant 0 : i32
      %dma_start3A_598 = tpu.memref_slice %arg16[%add3A_592, %dma_start3A_597] : memref<128x16xf32, #tpu.memory_space<vmem>> -> memref<1x16xf32, #tpu.memory_space<vmem>>
      %dma_start3A_599 = arith.constant 0 : i32
      %dma_start3A_600 = tpu.memref_slice %arg5[%squeeze3A_582, %dma_start3A_599] : memref<1000000x16xf32, #tpu.memory_space<hbm>> -> memref<1x16xf32, #tpu.memory_space<hbm>>
      tpu.enqueue_dma source(%dma_start3A_600 : memref<1x16xf32, #tpu.memory_space<hbm>>) target(%dma_start3A_598 : memref<1x16xf32, #tpu.memory_space<vmem>>) target_semaphore(%arg20 : memref<!tpu.dma_semaphore, #tpu.memory_space<semaphore_mem>>)
      %dma_start3A_601 = arith.constant 0 : i32
      %dma_start3A_602 = tpu.memref_slice %arg17[%add3A_592, %dma_start3A_601] : memref<128x104xf32, #tpu.memory_space<vmem>> -> memref<1x104xf32, #tpu.memory_space<vmem>>
      %dma_start3A_603 = arith.constant 0 : i32
      %dma_start3A_604 = tpu.memref_slice %arg6[%squeeze3A_584, %dma_start3A_603] : memref<250000x104xf32, #tpu.memory_space<hbm>> -> memref<1x104xf32, #tpu.memory_space<hbm>>
      %dma_start3A_605 = arith.constant 0 : i32
      %dma_start3A_606 = tpu.memref_slice %arg17[%add3A_592, %dma_start3A_605] : memref<128x104xf32, #tpu.memory_space<vmem>> -> memref<1x104xf32, #tpu.memory_space<vmem>>
      %dma_start3A_607 = arith.constant 0 : i32
      %dma_start3A_608 = tpu.memref_slice %arg6[%squeeze3A_584, %dma_start3A_607] : memref<250000x104xf32, #tpu.memory_space<hbm>> -> memref<1x104xf32, #tpu.memory_space<hbm>>
      tpu.enqueue_dma source(%dma_start3A_608 : memref<1x104xf32, #tpu.memory_space<hbm>>) target(%dma_start3A_606 : memref<1x104xf32, #tpu.memory_space<vmem>>) target_semaphore(%arg21 : memref<!tpu.dma_semaphore, #tpu.memory_space<semaphore_mem>>)
      %dma_start3A_609 = arith.constant 0 : i32
      %dma_start3A_610 = tpu.memref_slice %arg18[%add3A_592, %dma_start3A_609] : memref<128x16xf32, #tpu.memory_space<vmem>> -> memref<1x16xf32, #tpu.memory_space<vmem>>
      %dma_start3A_611 = arith.constant 0 : i32
      %dma_start3A_612 = tpu.memref_slice %arg7[%squeeze3A_586, %dma_start3A_611] : memref<1000x16xf32, #tpu.memory_space<hbm>> -> memref<1x16xf32, #tpu.memory_space<hbm>>
      %dma_start3A_613 = arith.constant 0 : i32
      %dma_start3A_614 = tpu.memref_slice %arg18[%add3A_592, %dma_start3A_613] : memref<128x16xf32, #tpu.memory_space<vmem>> -> memref<1x16xf32, #tpu.memory_space<vmem>>
      %dma_start3A_615 = arith.constant 0 : i32
      %dma_start3A_616 = tpu.memref_slice %arg7[%squeeze3A_586, %dma_start3A_615] : memref<1000x16xf32, #tpu.memory_space<hbm>> -> memref<1x16xf32, #tpu.memory_space<hbm>>
      tpu.enqueue_dma source(%dma_start3A_616 : memref<1x16xf32, #tpu.memory_space<hbm>>) target(%dma_start3A_614 : memref<1x16xf32, #tpu.memory_space<vmem>>) target_semaphore(%arg22 : memref<!tpu.dma_semaphore, #tpu.memory_space<semaphore_mem>>)
      %dma_start3A_617 = arith.constant 0 : i32
      %dma_start3A_618 = tpu.memref_slice %arg19[%add3A_592, %dma_start3A_617] : memref<128x16xf32, #tpu.memory_space<vmem>> -> memref<1x16xf32, #tpu.memory_space<vmem>>
      %dma_start3A_619 = arith.constant 0 : i32
      %dma_start3A_620 = tpu.memref_slice %arg8[%squeeze3A_588, %dma_start3A_619] : memref<200x16xf32, #tpu.memory_space<hbm>> -> memref<1x16xf32, #tpu.memory_space<hbm>>
      %dma_start3A_621 = arith.constant 0 : i32
      %dma_start3A_622 = tpu.memref_slice %arg19[%add3A_592, %dma_start3A_621] : memref<128x16xf32, #tpu.memory_space<vmem>> -> memref<1x16xf32, #tpu.memory_space<vmem>>
      %dma_start3A_623 = arith.constant 0 : i32
      %dma_start3A_624 = tpu.memref_slice %arg8[%squeeze3A_588, %dma_start3A_623] : memref<200x16xf32, #tpu.memory_space<hbm>> -> memref<1x16xf32, #tpu.memory_space<hbm>>
      tpu.enqueue_dma source(%dma_start3A_624 : memref<1x16xf32, #tpu.memory_space<hbm>>) target(%dma_start3A_622 : memref<1x16xf32, #tpu.memory_space<vmem>>) target_semaphore(%arg23 : memref<!tpu.dma_semaphore, #tpu.memory_space<semaphore_mem>>)
      %slice3A_625 = vector.extract_strided_slice %get3A_135 {offsets = [11], sizes = [1], strides = [1]} : vector<16xi32> to vector<1xi32>
      %squeeze3A_626 = vector.extract %slice3A_625[0] : i32 from vector<1xi32>
      %slice3A_627 = vector.extract_strided_slice %shift_right_logical3A_143 {offsets = [11], sizes = [1], strides = [1]} : vector<16xi32> to vector<1xi32>
      %squeeze3A_628 = vector.extract %slice3A_627[0] : i32 from vector<1xi32>
      %slice3A_629 = vector.extract_strided_slice %get3A_138 {offsets = [11], sizes = [1], strides = [1]} : vector<16xi32> to vector<1xi32>
      %squeeze3A_630 = vector.extract %slice3A_629[0] : i32 from vector<1xi32>
      %slice3A_631 = vector.extract_strided_slice %get3A_141 {offsets = [11], sizes = [1], strides = [1]} : vector<16xi32> to vector<1xi32>
      %squeeze3A_632 = vector.extract %slice3A_631[0] : i32 from vector<1xi32>
      %mul3A_633 = arith.constant 16 : i32
      %mul3A_634 = arith.muli %scan3A_129, %mul3A_633 : i32
      %add3A_635 = arith.constant 11 : i32
      %add3A_636 = arith.addi %mul3A_634, %add3A_635 : i32
      %dma_start3A_637 = arith.constant 0 : i32
      %dma_start3A_638 = tpu.memref_slice %arg16[%add3A_636, %dma_start3A_637] : memref<128x16xf32, #tpu.memory_space<vmem>> -> memref<1x16xf32, #tpu.memory_space<vmem>>
      %dma_start3A_639 = arith.constant 0 : i32
      %dma_start3A_640 = tpu.memref_slice %arg5[%squeeze3A_626, %dma_start3A_639] : memref<1000000x16xf32, #tpu.memory_space<hbm>> -> memref<1x16xf32, #tpu.memory_space<hbm>>
      %dma_start3A_641 = arith.constant 0 : i32
      %dma_start3A_642 = tpu.memref_slice %arg16[%add3A_636, %dma_start3A_641] : memref<128x16xf32, #tpu.memory_space<vmem>> -> memref<1x16xf32, #tpu.memory_space<vmem>>
      %dma_start3A_643 = arith.constant 0 : i32
      %dma_start3A_644 = tpu.memref_slice %arg5[%squeeze3A_626, %dma_start3A_643] : memref<1000000x16xf32, #tpu.memory_space<hbm>> -> memref<1x16xf32, #tpu.memory_space<hbm>>
      tpu.enqueue_dma source(%dma_start3A_644 : memref<1x16xf32, #tpu.memory_space<hbm>>) target(%dma_start3A_642 : memref<1x16xf32, #tpu.memory_space<vmem>>) target_semaphore(%arg20 : memref<!tpu.dma_semaphore, #tpu.memory_space<semaphore_mem>>)
      %dma_start3A_645 = arith.constant 0 : i32
      %dma_start3A_646 = tpu.memref_slice %arg17[%add3A_636, %dma_start3A_645] : memref<128x104xf32, #tpu.memory_space<vmem>> -> memref<1x104xf32, #tpu.memory_space<vmem>>
      %dma_start3A_647 = arith.constant 0 : i32
      %dma_start3A_648 = tpu.memref_slice %arg6[%squeeze3A_628, %dma_start3A_647] : memref<250000x104xf32, #tpu.memory_space<hbm>> -> memref<1x104xf32, #tpu.memory_space<hbm>>
      %dma_start3A_649 = arith.constant 0 : i32
      %dma_start3A_650 = tpu.memref_slice %arg17[%add3A_636, %dma_start3A_649] : memref<128x104xf32, #tpu.memory_space<vmem>> -> memref<1x104xf32, #tpu.memory_space<vmem>>
      %dma_start3A_651 = arith.constant 0 : i32
      %dma_start3A_652 = tpu.memref_slice %arg6[%squeeze3A_628, %dma_start3A_651] : memref<250000x104xf32, #tpu.memory_space<hbm>> -> memref<1x104xf32, #tpu.memory_space<hbm>>
      tpu.enqueue_dma source(%dma_start3A_652 : memref<1x104xf32, #tpu.memory_space<hbm>>) target(%dma_start3A_650 : memref<1x104xf32, #tpu.memory_space<vmem>>) target_semaphore(%arg21 : memref<!tpu.dma_semaphore, #tpu.memory_space<semaphore_mem>>)
      %dma_start3A_653 = arith.constant 0 : i32
      %dma_start3A_654 = tpu.memref_slice %arg18[%add3A_636, %dma_start3A_653] : memref<128x16xf32, #tpu.memory_space<vmem>> -> memref<1x16xf32, #tpu.memory_space<vmem>>
      %dma_start3A_655 = arith.constant 0 : i32
      %dma_start3A_656 = tpu.memref_slice %arg7[%squeeze3A_630, %dma_start3A_655] : memref<1000x16xf32, #tpu.memory_space<hbm>> -> memref<1x16xf32, #tpu.memory_space<hbm>>
      %dma_start3A_657 = arith.constant 0 : i32
      %dma_start3A_658 = tpu.memref_slice %arg18[%add3A_636, %dma_start3A_657] : memref<128x16xf32, #tpu.memory_space<vmem>> -> memref<1x16xf32, #tpu.memory_space<vmem>>
      %dma_start3A_659 = arith.constant 0 : i32
      %dma_start3A_660 = tpu.memref_slice %arg7[%squeeze3A_630, %dma_start3A_659] : memref<1000x16xf32, #tpu.memory_space<hbm>> -> memref<1x16xf32, #tpu.memory_space<hbm>>
      tpu.enqueue_dma source(%dma_start3A_660 : memref<1x16xf32, #tpu.memory_space<hbm>>) target(%dma_start3A_658 : memref<1x16xf32, #tpu.memory_space<vmem>>) target_semaphore(%arg22 : memref<!tpu.dma_semaphore, #tpu.memory_space<semaphore_mem>>)
      %dma_start3A_661 = arith.constant 0 : i32
      %dma_start3A_662 = tpu.memref_slice %arg19[%add3A_636, %dma_start3A_661] : memref<128x16xf32, #tpu.memory_space<vmem>> -> memref<1x16xf32, #tpu.memory_space<vmem>>
      %dma_start3A_663 = arith.constant 0 : i32
      %dma_start3A_664 = tpu.memref_slice %arg8[%squeeze3A_632, %dma_start3A_663] : memref<200x16xf32, #tpu.memory_space<hbm>> -> memref<1x16xf32, #tpu.memory_space<hbm>>
      %dma_start3A_665 = arith.constant 0 : i32
      %dma_start3A_666 = tpu.memref_slice %arg19[%add3A_636, %dma_start3A_665] : memref<128x16xf32, #tpu.memory_space<vmem>> -> memref<1x16xf32, #tpu.memory_space<vmem>>
      %dma_start3A_667 = arith.constant 0 : i32
      %dma_start3A_668 = tpu.memref_slice %arg8[%squeeze3A_632, %dma_start3A_667] : memref<200x16xf32, #tpu.memory_space<hbm>> -> memref<1x16xf32, #tpu.memory_space<hbm>>
      tpu.enqueue_dma source(%dma_start3A_668 : memref<1x16xf32, #tpu.memory_space<hbm>>) target(%dma_start3A_666 : memref<1x16xf32, #tpu.memory_space<vmem>>) target_semaphore(%arg23 : memref<!tpu.dma_semaphore, #tpu.memory_space<semaphore_mem>>)
      %slice3A_669 = vector.extract_strided_slice %get3A_135 {offsets = [12], sizes = [1], strides = [1]} : vector<16xi32> to vector<1xi32>
      %squeeze3A_670 = vector.extract %slice3A_669[0] : i32 from vector<1xi32>
      %slice3A_671 = vector.extract_strided_slice %shift_right_logical3A_143 {offsets = [12], sizes = [1], strides = [1]} : vector<16xi32> to vector<1xi32>
      %squeeze3A_672 = vector.extract %slice3A_671[0] : i32 from vector<1xi32>
      %slice3A_673 = vector.extract_strided_slice %get3A_138 {offsets = [12], sizes = [1], strides = [1]} : vector<16xi32> to vector<1xi32>
      %squeeze3A_674 = vector.extract %slice3A_673[0] : i32 from vector<1xi32>
      %slice3A_675 = vector.extract_strided_slice %get3A_141 {offsets = [12], sizes = [1], strides = [1]} : vector<16xi32> to vector<1xi32>
      %squeeze3A_676 = vector.extract %slice3A_675[0] : i32 from vector<1xi32>
      %mul3A_677 = arith.constant 16 : i32
      %mul3A_678 = arith.muli %scan3A_129, %mul3A_677 : i32
      %add3A_679 = arith.constant 12 : i32
      %add3A_680 = arith.addi %mul3A_678, %add3A_679 : i32
      %dma_start3A_681 = arith.constant 0 : i32
      %dma_start3A_682 = tpu.memref_slice %arg16[%add3A_680, %dma_start3A_681] : memref<128x16xf32, #tpu.memory_space<vmem>> -> memref<1x16xf32, #tpu.memory_space<vmem>>
      %dma_start3A_683 = arith.constant 0 : i32
      %dma_start3A_684 = tpu.memref_slice %arg5[%squeeze3A_670, %dma_start3A_683] : memref<1000000x16xf32, #tpu.memory_space<hbm>> -> memref<1x16xf32, #tpu.memory_space<hbm>>
      %dma_start3A_685 = arith.constant 0 : i32
      %dma_start3A_686 = tpu.memref_slice %arg16[%add3A_680, %dma_start3A_685] : memref<128x16xf32, #tpu.memory_space<vmem>> -> memref<1x16xf32, #tpu.memory_space<vmem>>
      %dma_start3A_687 = arith.constant 0 : i32
      %dma_start3A_688 = tpu.memref_slice %arg5[%squeeze3A_670, %dma_start3A_687] : memref<1000000x16xf32, #tpu.memory_space<hbm>> -> memref<1x16xf32, #tpu.memory_space<hbm>>
      tpu.enqueue_dma source(%dma_start3A_688 : memref<1x16xf32, #tpu.memory_space<hbm>>) target(%dma_start3A_686 : memref<1x16xf32, #tpu.memory_space<vmem>>) target_semaphore(%arg20 : memref<!tpu.dma_semaphore, #tpu.memory_space<semaphore_mem>>)
      %dma_start3A_689 = arith.constant 0 : i32
      %dma_start3A_690 = tpu.memref_slice %arg17[%add3A_680, %dma_start3A_689] : memref<128x104xf32, #tpu.memory_space<vmem>> -> memref<1x104xf32, #tpu.memory_space<vmem>>
      %dma_start3A_691 = arith.constant 0 : i32
      %dma_start3A_692 = tpu.memref_slice %arg6[%squeeze3A_672, %dma_start3A_691] : memref<250000x104xf32, #tpu.memory_space<hbm>> -> memref<1x104xf32, #tpu.memory_space<hbm>>
      %dma_start3A_693 = arith.constant 0 : i32
      %dma_start3A_694 = tpu.memref_slice %arg17[%add3A_680, %dma_start3A_693] : memref<128x104xf32, #tpu.memory_space<vmem>> -> memref<1x104xf32, #tpu.memory_space<vmem>>
      %dma_start3A_695 = arith.constant 0 : i32
      %dma_start3A_696 = tpu.memref_slice %arg6[%squeeze3A_672, %dma_start3A_695] : memref<250000x104xf32, #tpu.memory_space<hbm>> -> memref<1x104xf32, #tpu.memory_space<hbm>>
      tpu.enqueue_dma source(%dma_start3A_696 : memref<1x104xf32, #tpu.memory_space<hbm>>) target(%dma_start3A_694 : memref<1x104xf32, #tpu.memory_space<vmem>>) target_semaphore(%arg21 : memref<!tpu.dma_semaphore, #tpu.memory_space<semaphore_mem>>)
      %dma_start3A_697 = arith.constant 0 : i32
      %dma_start3A_698 = tpu.memref_slice %arg18[%add3A_680, %dma_start3A_697] : memref<128x16xf32, #tpu.memory_space<vmem>> -> memref<1x16xf32, #tpu.memory_space<vmem>>
      %dma_start3A_699 = arith.constant 0 : i32
      %dma_start3A_700 = tpu.memref_slice %arg7[%squeeze3A_674, %dma_start3A_699] : memref<1000x16xf32, #tpu.memory_space<hbm>> -> memref<1x16xf32, #tpu.memory_space<hbm>>
      %dma_start3A_701 = arith.constant 0 : i32
      %dma_start3A_702 = tpu.memref_slice %arg18[%add3A_680, %dma_start3A_701] : memref<128x16xf32, #tpu.memory_space<vmem>> -> memref<1x16xf32, #tpu.memory_space<vmem>>
      %dma_start3A_703 = arith.constant 0 : i32
      %dma_start3A_704 = tpu.memref_slice %arg7[%squeeze3A_674, %dma_start3A_703] : memref<1000x16xf32, #tpu.memory_space<hbm>> -> memref<1x16xf32, #tpu.memory_space<hbm>>
      tpu.enqueue_dma source(%dma_start3A_704 : memref<1x16xf32, #tpu.memory_space<hbm>>) target(%dma_start3A_702 : memref<1x16xf32, #tpu.memory_space<vmem>>) target_semaphore(%arg22 : memref<!tpu.dma_semaphore, #tpu.memory_space<semaphore_mem>>)
      %dma_start3A_705 = arith.constant 0 : i32
      %dma_start3A_706 = tpu.memref_slice %arg19[%add3A_680, %dma_start3A_705] : memref<128x16xf32, #tpu.memory_space<vmem>> -> memref<1x16xf32, #tpu.memory_space<vmem>>
      %dma_start3A_707 = arith.constant 0 : i32
      %dma_start3A_708 = tpu.memref_slice %arg8[%squeeze3A_676, %dma_start3A_707] : memref<200x16xf32, #tpu.memory_space<hbm>> -> memref<1x16xf32, #tpu.memory_space<hbm>>
      %dma_start3A_709 = arith.constant 0 : i32
      %dma_start3A_710 = tpu.memref_slice %arg19[%add3A_680, %dma_start3A_709] : memref<128x16xf32, #tpu.memory_space<vmem>> -> memref<1x16xf32, #tpu.memory_space<vmem>>
      %dma_start3A_711 = arith.constant 0 : i32
      %dma_start3A_712 = tpu.memref_slice %arg8[%squeeze3A_676, %dma_start3A_711] : memref<200x16xf32, #tpu.memory_space<hbm>> -> memref<1x16xf32, #tpu.memory_space<hbm>>
      tpu.enqueue_dma source(%dma_start3A_712 : memref<1x16xf32, #tpu.memory_space<hbm>>) target(%dma_start3A_710 : memref<1x16xf32, #tpu.memory_space<vmem>>) target_semaphore(%arg23 : memref<!tpu.dma_semaphore, #tpu.memory_space<semaphore_mem>>)
      %slice3A_713 = vector.extract_strided_slice %get3A_135 {offsets = [13], sizes = [1], strides = [1]} : vector<16xi32> to vector<1xi32>
      %squeeze3A_714 = vector.extract %slice3A_713[0] : i32 from vector<1xi32>
      %slice3A_715 = vector.extract_strided_slice %shift_right_logical3A_143 {offsets = [13], sizes = [1], strides = [1]} : vector<16xi32> to vector<1xi32>
      %squeeze3A_716 = vector.extract %slice3A_715[0] : i32 from vector<1xi32>
      %slice3A_717 = vector.extract_strided_slice %get3A_138 {offsets = [13], sizes = [1], strides = [1]} : vector<16xi32> to vector<1xi32>
      %squeeze3A_718 = vector.extract %slice3A_717[0] : i32 from vector<1xi32>
      %slice3A_719 = vector.extract_strided_slice %get3A_141 {offsets = [13], sizes = [1], strides = [1]} : vector<16xi32> to vector<1xi32>
      %squeeze3A_720 = vector.extract %slice3A_719[0] : i32 from vector<1xi32>
      %mul3A_721 = arith.constant 16 : i32
      %mul3A_722 = arith.muli %scan3A_129, %mul3A_721 : i32
      %add3A_723 = arith.constant 13 : i32
      %add3A_724 = arith.addi %mul3A_722, %add3A_723 : i32
      %dma_start3A_725 = arith.constant 0 : i32
      %dma_start3A_726 = tpu.memref_slice %arg16[%add3A_724, %dma_start3A_725] : memref<128x16xf32, #tpu.memory_space<vmem>> -> memref<1x16xf32, #tpu.memory_space<vmem>>
      %dma_start3A_727 = arith.constant 0 : i32
      %dma_start3A_728 = tpu.memref_slice %arg5[%squeeze3A_714, %dma_start3A_727] : memref<1000000x16xf32, #tpu.memory_space<hbm>> -> memref<1x16xf32, #tpu.memory_space<hbm>>
      %dma_start3A_729 = arith.constant 0 : i32
      %dma_start3A_730 = tpu.memref_slice %arg16[%add3A_724, %dma_start3A_729] : memref<128x16xf32, #tpu.memory_space<vmem>> -> memref<1x16xf32, #tpu.memory_space<vmem>>
      %dma_start3A_731 = arith.constant 0 : i32
      %dma_start3A_732 = tpu.memref_slice %arg5[%squeeze3A_714, %dma_start3A_731] : memref<1000000x16xf32, #tpu.memory_space<hbm>> -> memref<1x16xf32, #tpu.memory_space<hbm>>
      tpu.enqueue_dma source(%dma_start3A_732 : memref<1x16xf32, #tpu.memory_space<hbm>>) target(%dma_start3A_730 : memref<1x16xf32, #tpu.memory_space<vmem>>) target_semaphore(%arg20 : memref<!tpu.dma_semaphore, #tpu.memory_space<semaphore_mem>>)
      %dma_start3A_733 = arith.constant 0 : i32
      %dma_start3A_734 = tpu.memref_slice %arg17[%add3A_724, %dma_start3A_733] : memref<128x104xf32, #tpu.memory_space<vmem>> -> memref<1x104xf32, #tpu.memory_space<vmem>>
      %dma_start3A_735 = arith.constant 0 : i32
      %dma_start3A_736 = tpu.memref_slice %arg6[%squeeze3A_716, %dma_start3A_735] : memref<250000x104xf32, #tpu.memory_space<hbm>> -> memref<1x104xf32, #tpu.memory_space<hbm>>
      %dma_start3A_737 = arith.constant 0 : i32
      %dma_start3A_738 = tpu.memref_slice %arg17[%add3A_724, %dma_start3A_737] : memref<128x104xf32, #tpu.memory_space<vmem>> -> memref<1x104xf32, #tpu.memory_space<vmem>>
      %dma_start3A_739 = arith.constant 0 : i32
      %dma_start3A_740 = tpu.memref_slice %arg6[%squeeze3A_716, %dma_start3A_739] : memref<250000x104xf32, #tpu.memory_space<hbm>> -> memref<1x104xf32, #tpu.memory_space<hbm>>
      tpu.enqueue_dma source(%dma_start3A_740 : memref<1x104xf32, #tpu.memory_space<hbm>>) target(%dma_start3A_738 : memref<1x104xf32, #tpu.memory_space<vmem>>) target_semaphore(%arg21 : memref<!tpu.dma_semaphore, #tpu.memory_space<semaphore_mem>>)
      %dma_start3A_741 = arith.constant 0 : i32
      %dma_start3A_742 = tpu.memref_slice %arg18[%add3A_724, %dma_start3A_741] : memref<128x16xf32, #tpu.memory_space<vmem>> -> memref<1x16xf32, #tpu.memory_space<vmem>>
      %dma_start3A_743 = arith.constant 0 : i32
      %dma_start3A_744 = tpu.memref_slice %arg7[%squeeze3A_718, %dma_start3A_743] : memref<1000x16xf32, #tpu.memory_space<hbm>> -> memref<1x16xf32, #tpu.memory_space<hbm>>
      %dma_start3A_745 = arith.constant 0 : i32
      %dma_start3A_746 = tpu.memref_slice %arg18[%add3A_724, %dma_start3A_745] : memref<128x16xf32, #tpu.memory_space<vmem>> -> memref<1x16xf32, #tpu.memory_space<vmem>>
      %dma_start3A_747 = arith.constant 0 : i32
      %dma_start3A_748 = tpu.memref_slice %arg7[%squeeze3A_718, %dma_start3A_747] : memref<1000x16xf32, #tpu.memory_space<hbm>> -> memref<1x16xf32, #tpu.memory_space<hbm>>
      tpu.enqueue_dma source(%dma_start3A_748 : memref<1x16xf32, #tpu.memory_space<hbm>>) target(%dma_start3A_746 : memref<1x16xf32, #tpu.memory_space<vmem>>) target_semaphore(%arg22 : memref<!tpu.dma_semaphore, #tpu.memory_space<semaphore_mem>>)
      %dma_start3A_749 = arith.constant 0 : i32
      %dma_start3A_750 = tpu.memref_slice %arg19[%add3A_724, %dma_start3A_749] : memref<128x16xf32, #tpu.memory_space<vmem>> -> memref<1x16xf32, #tpu.memory_space<vmem>>
      %dma_start3A_751 = arith.constant 0 : i32
      %dma_start3A_752 = tpu.memref_slice %arg8[%squeeze3A_720, %dma_start3A_751] : memref<200x16xf32, #tpu.memory_space<hbm>> -> memref<1x16xf32, #tpu.memory_space<hbm>>
      %dma_start3A_753 = arith.constant 0 : i32
      %dma_start3A_754 = tpu.memref_slice %arg19[%add3A_724, %dma_start3A_753] : memref<128x16xf32, #tpu.memory_space<vmem>> -> memref<1x16xf32, #tpu.memory_space<vmem>>
      %dma_start3A_755 = arith.constant 0 : i32
      %dma_start3A_756 = tpu.memref_slice %arg8[%squeeze3A_720, %dma_start3A_755] : memref<200x16xf32, #tpu.memory_space<hbm>> -> memref<1x16xf32, #tpu.memory_space<hbm>>
      tpu.enqueue_dma source(%dma_start3A_756 : memref<1x16xf32, #tpu.memory_space<hbm>>) target(%dma_start3A_754 : memref<1x16xf32, #tpu.memory_space<vmem>>) target_semaphore(%arg23 : memref<!tpu.dma_semaphore, #tpu.memory_space<semaphore_mem>>)
      %slice3A_757 = vector.extract_strided_slice %get3A_135 {offsets = [14], sizes = [1], strides = [1]} : vector<16xi32> to vector<1xi32>
      %squeeze3A_758 = vector.extract %slice3A_757[0] : i32 from vector<1xi32>
      %slice3A_759 = vector.extract_strided_slice %shift_right_logical3A_143 {offsets = [14], sizes = [1], strides = [1]} : vector<16xi32> to vector<1xi32>
      %squeeze3A_760 = vector.extract %slice3A_759[0] : i32 from vector<1xi32>
      %slice3A_761 = vector.extract_strided_slice %get3A_138 {offsets = [14], sizes = [1], strides = [1]} : vector<16xi32> to vector<1xi32>
      %squeeze3A_762 = vector.extract %slice3A_761[0] : i32 from vector<1xi32>
      %slice3A_763 = vector.extract_strided_slice %get3A_141 {offsets = [14], sizes = [1], strides = [1]} : vector<16xi32> to vector<1xi32>
      %squeeze3A_764 = vector.extract %slice3A_763[0] : i32 from vector<1xi32>
      %mul3A_765 = arith.constant 16 : i32
      %mul3A_766 = arith.muli %scan3A_129, %mul3A_765 : i32
      %add3A_767 = arith.constant 14 : i32
      %add3A_768 = arith.addi %mul3A_766, %add3A_767 : i32
      %dma_start3A_769 = arith.constant 0 : i32
      %dma_start3A_770 = tpu.memref_slice %arg16[%add3A_768, %dma_start3A_769] : memref<128x16xf32, #tpu.memory_space<vmem>> -> memref<1x16xf32, #tpu.memory_space<vmem>>
      %dma_start3A_771 = arith.constant 0 : i32
      %dma_start3A_772 = tpu.memref_slice %arg5[%squeeze3A_758, %dma_start3A_771] : memref<1000000x16xf32, #tpu.memory_space<hbm>> -> memref<1x16xf32, #tpu.memory_space<hbm>>
      %dma_start3A_773 = arith.constant 0 : i32
      %dma_start3A_774 = tpu.memref_slice %arg16[%add3A_768, %dma_start3A_773] : memref<128x16xf32, #tpu.memory_space<vmem>> -> memref<1x16xf32, #tpu.memory_space<vmem>>
      %dma_start3A_775 = arith.constant 0 : i32
      %dma_start3A_776 = tpu.memref_slice %arg5[%squeeze3A_758, %dma_start3A_775] : memref<1000000x16xf32, #tpu.memory_space<hbm>> -> memref<1x16xf32, #tpu.memory_space<hbm>>
      tpu.enqueue_dma source(%dma_start3A_776 : memref<1x16xf32, #tpu.memory_space<hbm>>) target(%dma_start3A_774 : memref<1x16xf32, #tpu.memory_space<vmem>>) target_semaphore(%arg20 : memref<!tpu.dma_semaphore, #tpu.memory_space<semaphore_mem>>)
      %dma_start3A_777 = arith.constant 0 : i32
      %dma_start3A_778 = tpu.memref_slice %arg17[%add3A_768, %dma_start3A_777] : memref<128x104xf32, #tpu.memory_space<vmem>> -> memref<1x104xf32, #tpu.memory_space<vmem>>
      %dma_start3A_779 = arith.constant 0 : i32
      %dma_start3A_780 = tpu.memref_slice %arg6[%squeeze3A_760, %dma_start3A_779] : memref<250000x104xf32, #tpu.memory_space<hbm>> -> memref<1x104xf32, #tpu.memory_space<hbm>>
      %dma_start3A_781 = arith.constant 0 : i32
      %dma_start3A_782 = tpu.memref_slice %arg17[%add3A_768, %dma_start3A_781] : memref<128x104xf32, #tpu.memory_space<vmem>> -> memref<1x104xf32, #tpu.memory_space<vmem>>
      %dma_start3A_783 = arith.constant 0 : i32
      %dma_start3A_784 = tpu.memref_slice %arg6[%squeeze3A_760, %dma_start3A_783] : memref<250000x104xf32, #tpu.memory_space<hbm>> -> memref<1x104xf32, #tpu.memory_space<hbm>>
      tpu.enqueue_dma source(%dma_start3A_784 : memref<1x104xf32, #tpu.memory_space<hbm>>) target(%dma_start3A_782 : memref<1x104xf32, #tpu.memory_space<vmem>>) target_semaphore(%arg21 : memref<!tpu.dma_semaphore, #tpu.memory_space<semaphore_mem>>)
      %dma_start3A_785 = arith.constant 0 : i32
      %dma_start3A_786 = tpu.memref_slice %arg18[%add3A_768, %dma_start3A_785] : memref<128x16xf32, #tpu.memory_space<vmem>> -> memref<1x16xf32, #tpu.memory_space<vmem>>
      %dma_start3A_787 = arith.constant 0 : i32
      %dma_start3A_788 = tpu.memref_slice %arg7[%squeeze3A_762, %dma_start3A_787] : memref<1000x16xf32, #tpu.memory_space<hbm>> -> memref<1x16xf32, #tpu.memory_space<hbm>>
      %dma_start3A_789 = arith.constant 0 : i32
      %dma_start3A_790 = tpu.memref_slice %arg18[%add3A_768, %dma_start3A_789] : memref<128x16xf32, #tpu.memory_space<vmem>> -> memref<1x16xf32, #tpu.memory_space<vmem>>
      %dma_start3A_791 = arith.constant 0 : i32
      %dma_start3A_792 = tpu.memref_slice %arg7[%squeeze3A_762, %dma_start3A_791] : memref<1000x16xf32, #tpu.memory_space<hbm>> -> memref<1x16xf32, #tpu.memory_space<hbm>>
      tpu.enqueue_dma source(%dma_start3A_792 : memref<1x16xf32, #tpu.memory_space<hbm>>) target(%dma_start3A_790 : memref<1x16xf32, #tpu.memory_space<vmem>>) target_semaphore(%arg22 : memref<!tpu.dma_semaphore, #tpu.memory_space<semaphore_mem>>)
      %dma_start3A_793 = arith.constant 0 : i32
      %dma_start3A_794 = tpu.memref_slice %arg19[%add3A_768, %dma_start3A_793] : memref<128x16xf32, #tpu.memory_space<vmem>> -> memref<1x16xf32, #tpu.memory_space<vmem>>
      %dma_start3A_795 = arith.constant 0 : i32
      %dma_start3A_796 = tpu.memref_slice %arg8[%squeeze3A_764, %dma_start3A_795] : memref<200x16xf32, #tpu.memory_space<hbm>> -> memref<1x16xf32, #tpu.memory_space<hbm>>
      %dma_start3A_797 = arith.constant 0 : i32
      %dma_start3A_798 = tpu.memref_slice %arg19[%add3A_768, %dma_start3A_797] : memref<128x16xf32, #tpu.memory_space<vmem>> -> memref<1x16xf32, #tpu.memory_space<vmem>>
      %dma_start3A_799 = arith.constant 0 : i32
      %dma_start3A_800 = tpu.memref_slice %arg8[%squeeze3A_764, %dma_start3A_799] : memref<200x16xf32, #tpu.memory_space<hbm>> -> memref<1x16xf32, #tpu.memory_space<hbm>>
      tpu.enqueue_dma source(%dma_start3A_800 : memref<1x16xf32, #tpu.memory_space<hbm>>) target(%dma_start3A_798 : memref<1x16xf32, #tpu.memory_space<vmem>>) target_semaphore(%arg23 : memref<!tpu.dma_semaphore, #tpu.memory_space<semaphore_mem>>)
      %slice3A_801 = vector.extract_strided_slice %get3A_135 {offsets = [15], sizes = [1], strides = [1]} : vector<16xi32> to vector<1xi32>
      %squeeze3A_802 = vector.extract %slice3A_801[0] : i32 from vector<1xi32>
      %slice3A_803 = vector.extract_strided_slice %shift_right_logical3A_143 {offsets = [15], sizes = [1], strides = [1]} : vector<16xi32> to vector<1xi32>
      %squeeze3A_804 = vector.extract %slice3A_803[0] : i32 from vector<1xi32>
      %slice3A_805 = vector.extract_strided_slice %get3A_138 {offsets = [15], sizes = [1], strides = [1]} : vector<16xi32> to vector<1xi32>
      %squeeze3A_806 = vector.extract %slice3A_805[0] : i32 from vector<1xi32>
      %slice3A_807 = vector.extract_strided_slice %get3A_141 {offsets = [15], sizes = [1], strides = [1]} : vector<16xi32> to vector<1xi32>
      %squeeze3A_808 = vector.extract %slice3A_807[0] : i32 from vector<1xi32>
      %mul3A_809 = arith.constant 16 : i32
      %mul3A_810 = arith.muli %scan3A_129, %mul3A_809 : i32
      %add3A_811 = arith.constant 15 : i32
      %add3A_812 = arith.addi %mul3A_810, %add3A_811 : i32
      %dma_start3A_813 = arith.constant 0 : i32
      %dma_start3A_814 = tpu.memref_slice %arg16[%add3A_812, %dma_start3A_813] : memref<128x16xf32, #tpu.memory_space<vmem>> -> memref<1x16xf32, #tpu.memory_space<vmem>>
      %dma_start3A_815 = arith.constant 0 : i32
      %dma_start3A_816 = tpu.memref_slice %arg5[%squeeze3A_802, %dma_start3A_815] : memref<1000000x16xf32, #tpu.memory_space<hbm>> -> memref<1x16xf32, #tpu.memory_space<hbm>>
      %dma_start3A_817 = arith.constant 0 : i32
      %dma_start3A_818 = tpu.memref_slice %arg16[%add3A_812, %dma_start3A_817] : memref<128x16xf32, #tpu.memory_space<vmem>> -> memref<1x16xf32, #tpu.memory_space<vmem>>
      %dma_start3A_819 = arith.constant 0 : i32
      %dma_start3A_820 = tpu.memref_slice %arg5[%squeeze3A_802, %dma_start3A_819] : memref<1000000x16xf32, #tpu.memory_space<hbm>> -> memref<1x16xf32, #tpu.memory_space<hbm>>
      tpu.enqueue_dma source(%dma_start3A_820 : memref<1x16xf32, #tpu.memory_space<hbm>>) target(%dma_start3A_818 : memref<1x16xf32, #tpu.memory_space<vmem>>) target_semaphore(%arg20 : memref<!tpu.dma_semaphore, #tpu.memory_space<semaphore_mem>>)
      %dma_start3A_821 = arith.constant 0 : i32
      %dma_start3A_822 = tpu.memref_slice %arg17[%add3A_812, %dma_start3A_821] : memref<128x104xf32, #tpu.memory_space<vmem>> -> memref<1x104xf32, #tpu.memory_space<vmem>>
      %dma_start3A_823 = arith.constant 0 : i32
      %dma_start3A_824 = tpu.memref_slice %arg6[%squeeze3A_804, %dma_start3A_823] : memref<250000x104xf32, #tpu.memory_space<hbm>> -> memref<1x104xf32, #tpu.memory_space<hbm>>
      %dma_start3A_825 = arith.constant 0 : i32
      %dma_start3A_826 = tpu.memref_slice %arg17[%add3A_812, %dma_start3A_825] : memref<128x104xf32, #tpu.memory_space<vmem>> -> memref<1x104xf32, #tpu.memory_space<vmem>>
      %dma_start3A_827 = arith.constant 0 : i32
      %dma_start3A_828 = tpu.memref_slice %arg6[%squeeze3A_804, %dma_start3A_827] : memref<250000x104xf32, #tpu.memory_space<hbm>> -> memref<1x104xf32, #tpu.memory_space<hbm>>
      tpu.enqueue_dma source(%dma_start3A_828 : memref<1x104xf32, #tpu.memory_space<hbm>>) target(%dma_start3A_826 : memref<1x104xf32, #tpu.memory_space<vmem>>) target_semaphore(%arg21 : memref<!tpu.dma_semaphore, #tpu.memory_space<semaphore_mem>>)
      %dma_start3A_829 = arith.constant 0 : i32
      %dma_start3A_830 = tpu.memref_slice %arg18[%add3A_812, %dma_start3A_829] : memref<128x16xf32, #tpu.memory_space<vmem>> -> memref<1x16xf32, #tpu.memory_space<vmem>>
      %dma_start3A_831 = arith.constant 0 : i32
      %dma_start3A_832 = tpu.memref_slice %arg7[%squeeze3A_806, %dma_start3A_831] : memref<1000x16xf32, #tpu.memory_space<hbm>> -> memref<1x16xf32, #tpu.memory_space<hbm>>
      %dma_start3A_833 = arith.constant 0 : i32
      %dma_start3A_834 = tpu.memref_slice %arg18[%add3A_812, %dma_start3A_833] : memref<128x16xf32, #tpu.memory_space<vmem>> -> memref<1x16xf32, #tpu.memory_space<vmem>>
      %dma_start3A_835 = arith.constant 0 : i32
      %dma_start3A_836 = tpu.memref_slice %arg7[%squeeze3A_806, %dma_start3A_835] : memref<1000x16xf32, #tpu.memory_space<hbm>> -> memref<1x16xf32, #tpu.memory_space<hbm>>
      tpu.enqueue_dma source(%dma_start3A_836 : memref<1x16xf32, #tpu.memory_space<hbm>>) target(%dma_start3A_834 : memref<1x16xf32, #tpu.memory_space<vmem>>) target_semaphore(%arg22 : memref<!tpu.dma_semaphore, #tpu.memory_space<semaphore_mem>>)
      %dma_start3A_837 = arith.constant 0 : i32
      %dma_start3A_838 = tpu.memref_slice %arg19[%add3A_812, %dma_start3A_837] : memref<128x16xf32, #tpu.memory_space<vmem>> -> memref<1x16xf32, #tpu.memory_space<vmem>>
      %dma_start3A_839 = arith.constant 0 : i32
      %dma_start3A_840 = tpu.memref_slice %arg8[%squeeze3A_808, %dma_start3A_839] : memref<200x16xf32, #tpu.memory_space<hbm>> -> memref<1x16xf32, #tpu.memory_space<hbm>>
      %dma_start3A_841 = arith.constant 0 : i32
      %dma_start3A_842 = tpu.memref_slice %arg19[%add3A_812, %dma_start3A_841] : memref<128x16xf32, #tpu.memory_space<vmem>> -> memref<1x16xf32, #tpu.memory_space<vmem>>
      %dma_start3A_843 = arith.constant 0 : i32
      %dma_start3A_844 = tpu.memref_slice %arg8[%squeeze3A_808, %dma_start3A_843] : memref<200x16xf32, #tpu.memory_space<hbm>> -> memref<1x16xf32, #tpu.memory_space<hbm>>
      tpu.enqueue_dma source(%dma_start3A_844 : memref<1x16xf32, #tpu.memory_space<hbm>>) target(%dma_start3A_842 : memref<1x16xf32, #tpu.memory_space<vmem>>) target_semaphore(%arg23 : memref<!tpu.dma_semaphore, #tpu.memory_space<semaphore_mem>>)
    }
    %scan3A_70 = arith.constant 8 : i32
    %dma_wait3A_71 = arith.constant 0 : i32
    %dma_wait3A_72 = arith.constant 0 : i32
    %dma_wait3A_73 = tpu.memref_slice %arg5[%dma_wait3A_71, %dma_wait3A_72] : memref<1000000x16xf32, #tpu.memory_space<hbm>> -> memref<128x16xf32, #tpu.memory_space<hbm>>
    %dma_wait3A_74 = arith.constant 0 : i32
    %dma_wait3A_75 = arith.constant 0 : i32
    %dma_wait3A_76 = tpu.memref_slice %arg5[%dma_wait3A_74, %dma_wait3A_75] : memref<1000000x16xf32, #tpu.memory_space<hbm>> -> memref<128x16xf32, #tpu.memory_space<hbm>>
    tpu.wait_dma2 semaphore(%arg20 : memref<!tpu.dma_semaphore, #tpu.memory_space<semaphore_mem>>) src(%dma_wait3A_76 : memref<128x16xf32, #tpu.memory_space<hbm>>) dst(%arg16 : memref<128x16xf32, #tpu.memory_space<vmem>>)
    %dma_wait3A_77 = arith.constant 0 : i32
    %dma_wait3A_78 = arith.constant 0 : i32
    %dma_wait3A_79 = tpu.memref_slice %arg6[%dma_wait3A_77, %dma_wait3A_78] : memref<250000x104xf32, #tpu.memory_space<hbm>> -> memref<128x104xf32, #tpu.memory_space<hbm>>
    %dma_wait3A_80 = arith.constant 0 : i32
    %dma_wait3A_81 = arith.constant 0 : i32
    %dma_wait3A_82 = tpu.memref_slice %arg6[%dma_wait3A_80, %dma_wait3A_81] : memref<250000x104xf32, #tpu.memory_space<hbm>> -> memref<128x104xf32, #tpu.memory_space<hbm>>
    tpu.wait_dma2 semaphore(%arg21 : memref<!tpu.dma_semaphore, #tpu.memory_space<semaphore_mem>>) src(%dma_wait3A_82 : memref<128x104xf32, #tpu.memory_space<hbm>>) dst(%arg17 : memref<128x104xf32, #tpu.memory_space<vmem>>)
    %dma_wait3A_83 = arith.constant 0 : i32
    %dma_wait3A_84 = arith.constant 0 : i32
    %dma_wait3A_85 = tpu.memref_slice %arg7[%dma_wait3A_83, %dma_wait3A_84] : memref<1000x16xf32, #tpu.memory_space<hbm>> -> memref<128x16xf32, #tpu.memory_space<hbm>>
    %dma_wait3A_86 = arith.constant 0 : i32
    %dma_wait3A_87 = arith.constant 0 : i32
    %dma_wait3A_88 = tpu.memref_slice %arg7[%dma_wait3A_86, %dma_wait3A_87] : memref<1000x16xf32, #tpu.memory_space<hbm>> -> memref<128x16xf32, #tpu.memory_space<hbm>>
    tpu.wait_dma2 semaphore(%arg22 : memref<!tpu.dma_semaphore, #tpu.memory_space<semaphore_mem>>) src(%dma_wait3A_88 : memref<128x16xf32, #tpu.memory_space<hbm>>) dst(%arg18 : memref<128x16xf32, #tpu.memory_space<vmem>>)
    %dma_wait3A_89 = arith.constant 0 : i32
    %dma_wait3A_90 = arith.constant 0 : i32
    %dma_wait3A_91 = tpu.memref_slice %arg8[%dma_wait3A_89, %dma_wait3A_90] : memref<200x16xf32, #tpu.memory_space<hbm>> -> memref<128x16xf32, #tpu.memory_space<hbm>>
    %dma_wait3A_92 = arith.constant 0 : i32
    %dma_wait3A_93 = arith.constant 0 : i32
    %dma_wait3A_94 = tpu.memref_slice %arg8[%dma_wait3A_92, %dma_wait3A_93] : memref<200x16xf32, #tpu.memory_space<hbm>> -> memref<128x16xf32, #tpu.memory_space<hbm>>
    tpu.wait_dma2 semaphore(%arg23 : memref<!tpu.dma_semaphore, #tpu.memory_space<semaphore_mem>>) src(%dma_wait3A_94 : memref<128x16xf32, #tpu.memory_space<hbm>>) dst(%arg19 : memref<128x16xf32, #tpu.memory_space<vmem>>)
    %add3A_95 = arith.constant 256 : i32
    %add3A_96 = arith.addi %mul3A_2, %add3A_95 : i32
    "tpu.region"() ({
      %run_scoped3A = tpu.sem_alloc : memref<!tpu.dma_semaphore, #tpu.memory_space<semaphore_mem>>
      %dma_start3A = arith.constant 0 : i32
      %dma_start3A_129 = tpu.memref_slice %arg9[%add3A_96, %dma_start3A] : memref<16384x16xf32, #tpu.memory_space<hbm>> -> memref<128x16xf32, #tpu.memory_space<hbm>>
      %dma_start3A_130 = arith.constant 0 : i32
      %dma_start3A_131 = tpu.memref_slice %arg9[%add3A_96, %dma_start3A_130] : memref<16384x16xf32, #tpu.memory_space<hbm>> -> memref<128x16xf32, #tpu.memory_space<hbm>>
      tpu.enqueue_dma source(%arg16 : memref<128x16xf32, #tpu.memory_space<vmem>>) target(%dma_start3A_131 : memref<128x16xf32, #tpu.memory_space<hbm>>) target_semaphore(%run_scoped3A : memref<!tpu.dma_semaphore, #tpu.memory_space<semaphore_mem>>)
      %dma_wait3A_132 = arith.constant 0 : i32
      %dma_wait3A_133 = tpu.memref_slice %arg9[%add3A_96, %dma_wait3A_132] : memref<16384x16xf32, #tpu.memory_space<hbm>> -> memref<128x16xf32, #tpu.memory_space<hbm>>
      %dma_wait3A_134 = arith.constant 0 : i32
      %dma_wait3A_135 = tpu.memref_slice %arg9[%add3A_96, %dma_wait3A_134] : memref<16384x16xf32, #tpu.memory_space<hbm>> -> memref<128x16xf32, #tpu.memory_space<hbm>>
      tpu.wait_dma2 semaphore(%run_scoped3A : memref<!tpu.dma_semaphore, #tpu.memory_space<semaphore_mem>>) src(%arg16 : memref<128x16xf32, #tpu.memory_space<vmem>>) dst(%dma_wait3A_135 : memref<128x16xf32, #tpu.memory_space<hbm>>)
      tpu.yield
    }) : () -> ()
    "tpu.region"() ({
      %run_scoped3A = tpu.sem_alloc : memref<!tpu.dma_semaphore, #tpu.memory_space<semaphore_mem>>
      %dma_start3A = arith.constant 0 : i32
      %dma_start3A_129 = tpu.memref_slice %arg10[%add3A_96, %dma_start3A] : memref<16384x104xf32, #tpu.memory_space<hbm>> -> memref<128x104xf32, #tpu.memory_space<hbm>>
      %dma_start3A_130 = arith.constant 0 : i32
      %dma_start3A_131 = tpu.memref_slice %arg10[%add3A_96, %dma_start3A_130] : memref<16384x104xf32, #tpu.memory_space<hbm>> -> memref<128x104xf32, #tpu.memory_space<hbm>>
      tpu.enqueue_dma source(%arg17 : memref<128x104xf32, #tpu.memory_space<vmem>>) target(%dma_start3A_131 : memref<128x104xf32, #tpu.memory_space<hbm>>) target_semaphore(%run_scoped3A : memref<!tpu.dma_semaphore, #tpu.memory_space<semaphore_mem>>)
      %dma_wait3A_132 = arith.constant 0 : i32
      %dma_wait3A_133 = tpu.memref_slice %arg10[%add3A_96, %dma_wait3A_132] : memref<16384x104xf32, #tpu.memory_space<hbm>> -> memref<128x104xf32, #tpu.memory_space<hbm>>
      %dma_wait3A_134 = arith.constant 0 : i32
      %dma_wait3A_135 = tpu.memref_slice %arg10[%add3A_96, %dma_wait3A_134] : memref<16384x104xf32, #tpu.memory_space<hbm>> -> memref<128x104xf32, #tpu.memory_space<hbm>>
      tpu.wait_dma2 semaphore(%run_scoped3A : memref<!tpu.dma_semaphore, #tpu.memory_space<semaphore_mem>>) src(%arg17 : memref<128x104xf32, #tpu.memory_space<vmem>>) dst(%dma_wait3A_135 : memref<128x104xf32, #tpu.memory_space<hbm>>)
      tpu.yield
    }) : () -> ()
    "tpu.region"() ({
      %run_scoped3A = tpu.sem_alloc : memref<!tpu.dma_semaphore, #tpu.memory_space<semaphore_mem>>
      %dma_start3A = arith.constant 0 : i32
      %dma_start3A_129 = tpu.memref_slice %arg11[%add3A_96, %dma_start3A] : memref<16384x16xf32, #tpu.memory_space<hbm>> -> memref<128x16xf32, #tpu.memory_space<hbm>>
      %dma_start3A_130 = arith.constant 0 : i32
      %dma_start3A_131 = tpu.memref_slice %arg11[%add3A_96, %dma_start3A_130] : memref<16384x16xf32, #tpu.memory_space<hbm>> -> memref<128x16xf32, #tpu.memory_space<hbm>>
      tpu.enqueue_dma source(%arg18 : memref<128x16xf32, #tpu.memory_space<vmem>>) target(%dma_start3A_131 : memref<128x16xf32, #tpu.memory_space<hbm>>) target_semaphore(%run_scoped3A : memref<!tpu.dma_semaphore, #tpu.memory_space<semaphore_mem>>)
      %dma_wait3A_132 = arith.constant 0 : i32
      %dma_wait3A_133 = tpu.memref_slice %arg11[%add3A_96, %dma_wait3A_132] : memref<16384x16xf32, #tpu.memory_space<hbm>> -> memref<128x16xf32, #tpu.memory_space<hbm>>
      %dma_wait3A_134 = arith.constant 0 : i32
      %dma_wait3A_135 = tpu.memref_slice %arg11[%add3A_96, %dma_wait3A_134] : memref<16384x16xf32, #tpu.memory_space<hbm>> -> memref<128x16xf32, #tpu.memory_space<hbm>>
      tpu.wait_dma2 semaphore(%run_scoped3A : memref<!tpu.dma_semaphore, #tpu.memory_space<semaphore_mem>>) src(%arg18 : memref<128x16xf32, #tpu.memory_space<vmem>>) dst(%dma_wait3A_135 : memref<128x16xf32, #tpu.memory_space<hbm>>)
      tpu.yield
    }) : () -> ()
    "tpu.region"() ({
      %run_scoped3A = tpu.sem_alloc : memref<!tpu.dma_semaphore, #tpu.memory_space<semaphore_mem>>
      %dma_start3A = arith.constant 0 : i32
      %dma_start3A_129 = tpu.memref_slice %arg12[%add3A_96, %dma_start3A] : memref<16384x16xf32, #tpu.memory_space<hbm>> -> memref<128x16xf32, #tpu.memory_space<hbm>>
      %dma_start3A_130 = arith.constant 0 : i32
      %dma_start3A_131 = tpu.memref_slice %arg12[%add3A_96, %dma_start3A_130] : memref<16384x16xf32, #tpu.memory_space<hbm>> -> memref<128x16xf32, #tpu.memory_space<hbm>>
      tpu.enqueue_dma source(%arg19 : memref<128x16xf32, #tpu.memory_space<vmem>>) target(%dma_start3A_131 : memref<128x16xf32, #tpu.memory_space<hbm>>) target_semaphore(%run_scoped3A : memref<!tpu.dma_semaphore, #tpu.memory_space<semaphore_mem>>)
      %dma_wait3A_132 = arith.constant 0 : i32
      %dma_wait3A_133 = tpu.memref_slice %arg12[%add3A_96, %dma_wait3A_132] : memref<16384x16xf32, #tpu.memory_space<hbm>> -> memref<128x16xf32, #tpu.memory_space<hbm>>
      %dma_wait3A_134 = arith.constant 0 : i32
      %dma_wait3A_135 = tpu.memref_slice %arg12[%add3A_96, %dma_wait3A_134] : memref<16384x16xf32, #tpu.memory_space<hbm>> -> memref<128x16xf32, #tpu.memory_space<hbm>>
      tpu.wait_dma2 semaphore(%run_scoped3A : memref<!tpu.dma_semaphore, #tpu.memory_space<semaphore_mem>>) src(%arg19 : memref<128x16xf32, #tpu.memory_space<vmem>>) dst(%dma_wait3A_135 : memref<128x16xf32, #tpu.memory_space<hbm>>)
      tpu.yield
    }) : () -> ()
    %scan3A_97 = arith.constant 0 : i32
    %scan3A_98 = arith.constant 0 : i32
    %scan3A_99 = arith.constant 8 : i32
    %scan3A_100 = arith.addi %scan3A_98, %scan3A_99 : i32
    %scan3A_101 = arith.constant 1 : i32
    scf.for %scan3A_129 = %scan3A_98 to %scan3A_100 step %scan3A_101  : i32 {
      %mul3A_130 = arith.constant 16 : i32
      %mul3A_131 = arith.muli %scan3A_129, %mul3A_130 : i32
      %add3A_132 = arith.constant 384 : i32
      %add3A_133 = arith.addi %add3A_132, %mul3A_131 : i32
      %get3A = arith.index_cast %add3A_133 : i32 to index
      %get3A_134 = tpu.vector_load %arg13[%get3A] {strides = array<i32>} : memref<512xi32, #tpu.memory_space<vmem>>, vector<16xi32>,
      %get3A_135 = vector.shape_cast %get3A_134 : vector<16xi32> to vector<16xi32>
      %get3A_136 = arith.index_cast %add3A_133 : i32 to index
      %get3A_137 = tpu.vector_load %arg14[%get3A_136] {strides = array<i32>} : memref<512xi32, #tpu.memory_space<vmem>>, vector<16xi32>,
      %get3A_138 = vector.shape_cast %get3A_137 : vector<16xi32> to vector<16xi32>
      %get3A_139 = arith.index_cast %add3A_133 : i32 to index
      %get3A_140 = tpu.vector_load %arg15[%get3A_139] {strides = array<i32>} : memref<512xi32, #tpu.memory_space<vmem>>, vector<16xi32>,
      %get3A_141 = vector.shape_cast %get3A_140 : vector<16xi32> to vector<16xi32>
      %shift_right_logical3A = arith.constant 2 : i32
      %shift_right_logical3A_142 = vector.broadcast %shift_right_logical3A : i32 to vector<16xi32>
      %shift_right_logical3A_143 = arith.shrui %get3A_135, %shift_right_logical3A_142 : vector<16xi32>
      %slice3A = vector.extract_strided_slice %get3A_135 {offsets = [0], sizes = [1], strides = [1]} : vector<16xi32> to vector<1xi32>
      %squeeze3A = vector.extract %slice3A[0] : i32 from vector<1xi32>
      %slice3A_144 = vector.extract_strided_slice %shift_right_logical3A_143 {offsets = [0], sizes = [1], strides = [1]} : vector<16xi32> to vector<1xi32>
      %squeeze3A_145 = vector.extract %slice3A_144[0] : i32 from vector<1xi32>
      %slice3A_146 = vector.extract_strided_slice %get3A_138 {offsets = [0], sizes = [1], strides = [1]} : vector<16xi32> to vector<1xi32>
      %squeeze3A_147 = vector.extract %slice3A_146[0] : i32 from vector<1xi32>
      %slice3A_148 = vector.extract_strided_slice %get3A_141 {offsets = [0], sizes = [1], strides = [1]} : vector<16xi32> to vector<1xi32>
      %squeeze3A_149 = vector.extract %slice3A_148[0] : i32 from vector<1xi32>
      %mul3A_150 = arith.constant 16 : i32
      %mul3A_151 = arith.muli %scan3A_129, %mul3A_150 : i32
      %add3A_152 = arith.constant 0 : i32
      %add3A_153 = arith.addi %mul3A_151, %add3A_152 : i32
      %dma_start3A = arith.constant 0 : i32
      %dma_start3A_154 = tpu.memref_slice %arg16[%add3A_153, %dma_start3A] : memref<128x16xf32, #tpu.memory_space<vmem>> -> memref<1x16xf32, #tpu.memory_space<vmem>>
      %dma_start3A_155 = arith.constant 0 : i32
      %dma_start3A_156 = tpu.memref_slice %arg5[%squeeze3A, %dma_start3A_155] : memref<1000000x16xf32, #tpu.memory_space<hbm>> -> memref<1x16xf32, #tpu.memory_space<hbm>>
      %dma_start3A_157 = arith.constant 0 : i32
      %dma_start3A_158 = tpu.memref_slice %arg16[%add3A_153, %dma_start3A_157] : memref<128x16xf32, #tpu.memory_space<vmem>> -> memref<1x16xf32, #tpu.memory_space<vmem>>
      %dma_start3A_159 = arith.constant 0 : i32
      %dma_start3A_160 = tpu.memref_slice %arg5[%squeeze3A, %dma_start3A_159] : memref<1000000x16xf32, #tpu.memory_space<hbm>> -> memref<1x16xf32, #tpu.memory_space<hbm>>
      tpu.enqueue_dma source(%dma_start3A_160 : memref<1x16xf32, #tpu.memory_space<hbm>>) target(%dma_start3A_158 : memref<1x16xf32, #tpu.memory_space<vmem>>) target_semaphore(%arg20 : memref<!tpu.dma_semaphore, #tpu.memory_space<semaphore_mem>>)
      %dma_start3A_161 = arith.constant 0 : i32
      %dma_start3A_162 = tpu.memref_slice %arg17[%add3A_153, %dma_start3A_161] : memref<128x104xf32, #tpu.memory_space<vmem>> -> memref<1x104xf32, #tpu.memory_space<vmem>>
      %dma_start3A_163 = arith.constant 0 : i32
      %dma_start3A_164 = tpu.memref_slice %arg6[%squeeze3A_145, %dma_start3A_163] : memref<250000x104xf32, #tpu.memory_space<hbm>> -> memref<1x104xf32, #tpu.memory_space<hbm>>
      %dma_start3A_165 = arith.constant 0 : i32
      %dma_start3A_166 = tpu.memref_slice %arg17[%add3A_153, %dma_start3A_165] : memref<128x104xf32, #tpu.memory_space<vmem>> -> memref<1x104xf32, #tpu.memory_space<vmem>>
      %dma_start3A_167 = arith.constant 0 : i32
      %dma_start3A_168 = tpu.memref_slice %arg6[%squeeze3A_145, %dma_start3A_167] : memref<250000x104xf32, #tpu.memory_space<hbm>> -> memref<1x104xf32, #tpu.memory_space<hbm>>
      tpu.enqueue_dma source(%dma_start3A_168 : memref<1x104xf32, #tpu.memory_space<hbm>>) target(%dma_start3A_166 : memref<1x104xf32, #tpu.memory_space<vmem>>) target_semaphore(%arg21 : memref<!tpu.dma_semaphore, #tpu.memory_space<semaphore_mem>>)
      %dma_start3A_169 = arith.constant 0 : i32
      %dma_start3A_170 = tpu.memref_slice %arg18[%add3A_153, %dma_start3A_169] : memref<128x16xf32, #tpu.memory_space<vmem>> -> memref<1x16xf32, #tpu.memory_space<vmem>>
      %dma_start3A_171 = arith.constant 0 : i32
      %dma_start3A_172 = tpu.memref_slice %arg7[%squeeze3A_147, %dma_start3A_171] : memref<1000x16xf32, #tpu.memory_space<hbm>> -> memref<1x16xf32, #tpu.memory_space<hbm>>
      %dma_start3A_173 = arith.constant 0 : i32
      %dma_start3A_174 = tpu.memref_slice %arg18[%add3A_153, %dma_start3A_173] : memref<128x16xf32, #tpu.memory_space<vmem>> -> memref<1x16xf32, #tpu.memory_space<vmem>>
      %dma_start3A_175 = arith.constant 0 : i32
      %dma_start3A_176 = tpu.memref_slice %arg7[%squeeze3A_147, %dma_start3A_175] : memref<1000x16xf32, #tpu.memory_space<hbm>> -> memref<1x16xf32, #tpu.memory_space<hbm>>
      tpu.enqueue_dma source(%dma_start3A_176 : memref<1x16xf32, #tpu.memory_space<hbm>>) target(%dma_start3A_174 : memref<1x16xf32, #tpu.memory_space<vmem>>) target_semaphore(%arg22 : memref<!tpu.dma_semaphore, #tpu.memory_space<semaphore_mem>>)
      %dma_start3A_177 = arith.constant 0 : i32
      %dma_start3A_178 = tpu.memref_slice %arg19[%add3A_153, %dma_start3A_177] : memref<128x16xf32, #tpu.memory_space<vmem>> -> memref<1x16xf32, #tpu.memory_space<vmem>>
      %dma_start3A_179 = arith.constant 0 : i32
      %dma_start3A_180 = tpu.memref_slice %arg8[%squeeze3A_149, %dma_start3A_179] : memref<200x16xf32, #tpu.memory_space<hbm>> -> memref<1x16xf32, #tpu.memory_space<hbm>>
      %dma_start3A_181 = arith.constant 0 : i32
      %dma_start3A_182 = tpu.memref_slice %arg19[%add3A_153, %dma_start3A_181] : memref<128x16xf32, #tpu.memory_space<vmem>> -> memref<1x16xf32, #tpu.memory_space<vmem>>
      %dma_start3A_183 = arith.constant 0 : i32
      %dma_start3A_184 = tpu.memref_slice %arg8[%squeeze3A_149, %dma_start3A_183] : memref<200x16xf32, #tpu.memory_space<hbm>> -> memref<1x16xf32, #tpu.memory_space<hbm>>
      tpu.enqueue_dma source(%dma_start3A_184 : memref<1x16xf32, #tpu.memory_space<hbm>>) target(%dma_start3A_182 : memref<1x16xf32, #tpu.memory_space<vmem>>) target_semaphore(%arg23 : memref<!tpu.dma_semaphore, #tpu.memory_space<semaphore_mem>>)
      %slice3A_185 = vector.extract_strided_slice %get3A_135 {offsets = [1], sizes = [1], strides = [1]} : vector<16xi32> to vector<1xi32>
      %squeeze3A_186 = vector.extract %slice3A_185[0] : i32 from vector<1xi32>
      %slice3A_187 = vector.extract_strided_slice %shift_right_logical3A_143 {offsets = [1], sizes = [1], strides = [1]} : vector<16xi32> to vector<1xi32>
      %squeeze3A_188 = vector.extract %slice3A_187[0] : i32 from vector<1xi32>
      %slice3A_189 = vector.extract_strided_slice %get3A_138 {offsets = [1], sizes = [1], strides = [1]} : vector<16xi32> to vector<1xi32>
      %squeeze3A_190 = vector.extract %slice3A_189[0] : i32 from vector<1xi32>
      %slice3A_191 = vector.extract_strided_slice %get3A_141 {offsets = [1], sizes = [1], strides = [1]} : vector<16xi32> to vector<1xi32>
      %squeeze3A_192 = vector.extract %slice3A_191[0] : i32 from vector<1xi32>
      %mul3A_193 = arith.constant 16 : i32
      %mul3A_194 = arith.muli %scan3A_129, %mul3A_193 : i32
      %add3A_195 = arith.constant 1 : i32
      %add3A_196 = arith.addi %mul3A_194, %add3A_195 : i32
      %dma_start3A_197 = arith.constant 0 : i32
      %dma_start3A_198 = tpu.memref_slice %arg16[%add3A_196, %dma_start3A_197] : memref<128x16xf32, #tpu.memory_space<vmem>> -> memref<1x16xf32, #tpu.memory_space<vmem>>
      %dma_start3A_199 = arith.constant 0 : i32
      %dma_start3A_200 = tpu.memref_slice %arg5[%squeeze3A_186, %dma_start3A_199] : memref<1000000x16xf32, #tpu.memory_space<hbm>> -> memref<1x16xf32, #tpu.memory_space<hbm>>
      %dma_start3A_201 = arith.constant 0 : i32
      %dma_start3A_202 = tpu.memref_slice %arg16[%add3A_196, %dma_start3A_201] : memref<128x16xf32, #tpu.memory_space<vmem>> -> memref<1x16xf32, #tpu.memory_space<vmem>>
      %dma_start3A_203 = arith.constant 0 : i32
      %dma_start3A_204 = tpu.memref_slice %arg5[%squeeze3A_186, %dma_start3A_203] : memref<1000000x16xf32, #tpu.memory_space<hbm>> -> memref<1x16xf32, #tpu.memory_space<hbm>>
      tpu.enqueue_dma source(%dma_start3A_204 : memref<1x16xf32, #tpu.memory_space<hbm>>) target(%dma_start3A_202 : memref<1x16xf32, #tpu.memory_space<vmem>>) target_semaphore(%arg20 : memref<!tpu.dma_semaphore, #tpu.memory_space<semaphore_mem>>)
      %dma_start3A_205 = arith.constant 0 : i32
      %dma_start3A_206 = tpu.memref_slice %arg17[%add3A_196, %dma_start3A_205] : memref<128x104xf32, #tpu.memory_space<vmem>> -> memref<1x104xf32, #tpu.memory_space<vmem>>
      %dma_start3A_207 = arith.constant 0 : i32
      %dma_start3A_208 = tpu.memref_slice %arg6[%squeeze3A_188, %dma_start3A_207] : memref<250000x104xf32, #tpu.memory_space<hbm>> -> memref<1x104xf32, #tpu.memory_space<hbm>>
      %dma_start3A_209 = arith.constant 0 : i32
      %dma_start3A_210 = tpu.memref_slice %arg17[%add3A_196, %dma_start3A_209] : memref<128x104xf32, #tpu.memory_space<vmem>> -> memref<1x104xf32, #tpu.memory_space<vmem>>
      %dma_start3A_211 = arith.constant 0 : i32
      %dma_start3A_212 = tpu.memref_slice %arg6[%squeeze3A_188, %dma_start3A_211] : memref<250000x104xf32, #tpu.memory_space<hbm>> -> memref<1x104xf32, #tpu.memory_space<hbm>>
      tpu.enqueue_dma source(%dma_start3A_212 : memref<1x104xf32, #tpu.memory_space<hbm>>) target(%dma_start3A_210 : memref<1x104xf32, #tpu.memory_space<vmem>>) target_semaphore(%arg21 : memref<!tpu.dma_semaphore, #tpu.memory_space<semaphore_mem>>)
      %dma_start3A_213 = arith.constant 0 : i32
      %dma_start3A_214 = tpu.memref_slice %arg18[%add3A_196, %dma_start3A_213] : memref<128x16xf32, #tpu.memory_space<vmem>> -> memref<1x16xf32, #tpu.memory_space<vmem>>
      %dma_start3A_215 = arith.constant 0 : i32
      %dma_start3A_216 = tpu.memref_slice %arg7[%squeeze3A_190, %dma_start3A_215] : memref<1000x16xf32, #tpu.memory_space<hbm>> -> memref<1x16xf32, #tpu.memory_space<hbm>>
      %dma_start3A_217 = arith.constant 0 : i32
      %dma_start3A_218 = tpu.memref_slice %arg18[%add3A_196, %dma_start3A_217] : memref<128x16xf32, #tpu.memory_space<vmem>> -> memref<1x16xf32, #tpu.memory_space<vmem>>
      %dma_start3A_219 = arith.constant 0 : i32
      %dma_start3A_220 = tpu.memref_slice %arg7[%squeeze3A_190, %dma_start3A_219] : memref<1000x16xf32, #tpu.memory_space<hbm>> -> memref<1x16xf32, #tpu.memory_space<hbm>>
      tpu.enqueue_dma source(%dma_start3A_220 : memref<1x16xf32, #tpu.memory_space<hbm>>) target(%dma_start3A_218 : memref<1x16xf32, #tpu.memory_space<vmem>>) target_semaphore(%arg22 : memref<!tpu.dma_semaphore, #tpu.memory_space<semaphore_mem>>)
      %dma_start3A_221 = arith.constant 0 : i32
      %dma_start3A_222 = tpu.memref_slice %arg19[%add3A_196, %dma_start3A_221] : memref<128x16xf32, #tpu.memory_space<vmem>> -> memref<1x16xf32, #tpu.memory_space<vmem>>
      %dma_start3A_223 = arith.constant 0 : i32
      %dma_start3A_224 = tpu.memref_slice %arg8[%squeeze3A_192, %dma_start3A_223] : memref<200x16xf32, #tpu.memory_space<hbm>> -> memref<1x16xf32, #tpu.memory_space<hbm>>
      %dma_start3A_225 = arith.constant 0 : i32
      %dma_start3A_226 = tpu.memref_slice %arg19[%add3A_196, %dma_start3A_225] : memref<128x16xf32, #tpu.memory_space<vmem>> -> memref<1x16xf32, #tpu.memory_space<vmem>>
      %dma_start3A_227 = arith.constant 0 : i32
      %dma_start3A_228 = tpu.memref_slice %arg8[%squeeze3A_192, %dma_start3A_227] : memref<200x16xf32, #tpu.memory_space<hbm>> -> memref<1x16xf32, #tpu.memory_space<hbm>>
      tpu.enqueue_dma source(%dma_start3A_228 : memref<1x16xf32, #tpu.memory_space<hbm>>) target(%dma_start3A_226 : memref<1x16xf32, #tpu.memory_space<vmem>>) target_semaphore(%arg23 : memref<!tpu.dma_semaphore, #tpu.memory_space<semaphore_mem>>)
      %slice3A_229 = vector.extract_strided_slice %get3A_135 {offsets = [2], sizes = [1], strides = [1]} : vector<16xi32> to vector<1xi32>
      %squeeze3A_230 = vector.extract %slice3A_229[0] : i32 from vector<1xi32>
      %slice3A_231 = vector.extract_strided_slice %shift_right_logical3A_143 {offsets = [2], sizes = [1], strides = [1]} : vector<16xi32> to vector<1xi32>
      %squeeze3A_232 = vector.extract %slice3A_231[0] : i32 from vector<1xi32>
      %slice3A_233 = vector.extract_strided_slice %get3A_138 {offsets = [2], sizes = [1], strides = [1]} : vector<16xi32> to vector<1xi32>
      %squeeze3A_234 = vector.extract %slice3A_233[0] : i32 from vector<1xi32>
      %slice3A_235 = vector.extract_strided_slice %get3A_141 {offsets = [2], sizes = [1], strides = [1]} : vector<16xi32> to vector<1xi32>
      %squeeze3A_236 = vector.extract %slice3A_235[0] : i32 from vector<1xi32>
      %mul3A_237 = arith.constant 16 : i32
      %mul3A_238 = arith.muli %scan3A_129, %mul3A_237 : i32
      %add3A_239 = arith.constant 2 : i32
      %add3A_240 = arith.addi %mul3A_238, %add3A_239 : i32
      %dma_start3A_241 = arith.constant 0 : i32
      %dma_start3A_242 = tpu.memref_slice %arg16[%add3A_240, %dma_start3A_241] : memref<128x16xf32, #tpu.memory_space<vmem>> -> memref<1x16xf32, #tpu.memory_space<vmem>>
      %dma_start3A_243 = arith.constant 0 : i32
      %dma_start3A_244 = tpu.memref_slice %arg5[%squeeze3A_230, %dma_start3A_243] : memref<1000000x16xf32, #tpu.memory_space<hbm>> -> memref<1x16xf32, #tpu.memory_space<hbm>>
      %dma_start3A_245 = arith.constant 0 : i32
      %dma_start3A_246 = tpu.memref_slice %arg16[%add3A_240, %dma_start3A_245] : memref<128x16xf32, #tpu.memory_space<vmem>> -> memref<1x16xf32, #tpu.memory_space<vmem>>
      %dma_start3A_247 = arith.constant 0 : i32
      %dma_start3A_248 = tpu.memref_slice %arg5[%squeeze3A_230, %dma_start3A_247] : memref<1000000x16xf32, #tpu.memory_space<hbm>> -> memref<1x16xf32, #tpu.memory_space<hbm>>
      tpu.enqueue_dma source(%dma_start3A_248 : memref<1x16xf32, #tpu.memory_space<hbm>>) target(%dma_start3A_246 : memref<1x16xf32, #tpu.memory_space<vmem>>) target_semaphore(%arg20 : memref<!tpu.dma_semaphore, #tpu.memory_space<semaphore_mem>>)
      %dma_start3A_249 = arith.constant 0 : i32
      %dma_start3A_250 = tpu.memref_slice %arg17[%add3A_240, %dma_start3A_249] : memref<128x104xf32, #tpu.memory_space<vmem>> -> memref<1x104xf32, #tpu.memory_space<vmem>>
      %dma_start3A_251 = arith.constant 0 : i32
      %dma_start3A_252 = tpu.memref_slice %arg6[%squeeze3A_232, %dma_start3A_251] : memref<250000x104xf32, #tpu.memory_space<hbm>> -> memref<1x104xf32, #tpu.memory_space<hbm>>
      %dma_start3A_253 = arith.constant 0 : i32
      %dma_start3A_254 = tpu.memref_slice %arg17[%add3A_240, %dma_start3A_253] : memref<128x104xf32, #tpu.memory_space<vmem>> -> memref<1x104xf32, #tpu.memory_space<vmem>>
      %dma_start3A_255 = arith.constant 0 : i32
      %dma_start3A_256 = tpu.memref_slice %arg6[%squeeze3A_232, %dma_start3A_255] : memref<250000x104xf32, #tpu.memory_space<hbm>> -> memref<1x104xf32, #tpu.memory_space<hbm>>
      tpu.enqueue_dma source(%dma_start3A_256 : memref<1x104xf32, #tpu.memory_space<hbm>>) target(%dma_start3A_254 : memref<1x104xf32, #tpu.memory_space<vmem>>) target_semaphore(%arg21 : memref<!tpu.dma_semaphore, #tpu.memory_space<semaphore_mem>>)
      %dma_start3A_257 = arith.constant 0 : i32
      %dma_start3A_258 = tpu.memref_slice %arg18[%add3A_240, %dma_start3A_257] : memref<128x16xf32, #tpu.memory_space<vmem>> -> memref<1x16xf32, #tpu.memory_space<vmem>>
      %dma_start3A_259 = arith.constant 0 : i32
      %dma_start3A_260 = tpu.memref_slice %arg7[%squeeze3A_234, %dma_start3A_259] : memref<1000x16xf32, #tpu.memory_space<hbm>> -> memref<1x16xf32, #tpu.memory_space<hbm>>
      %dma_start3A_261 = arith.constant 0 : i32
      %dma_start3A_262 = tpu.memref_slice %arg18[%add3A_240, %dma_start3A_261] : memref<128x16xf32, #tpu.memory_space<vmem>> -> memref<1x16xf32, #tpu.memory_space<vmem>>
      %dma_start3A_263 = arith.constant 0 : i32
      %dma_start3A_264 = tpu.memref_slice %arg7[%squeeze3A_234, %dma_start3A_263] : memref<1000x16xf32, #tpu.memory_space<hbm>> -> memref<1x16xf32, #tpu.memory_space<hbm>>
      tpu.enqueue_dma source(%dma_start3A_264 : memref<1x16xf32, #tpu.memory_space<hbm>>) target(%dma_start3A_262 : memref<1x16xf32, #tpu.memory_space<vmem>>) target_semaphore(%arg22 : memref<!tpu.dma_semaphore, #tpu.memory_space<semaphore_mem>>)
      %dma_start3A_265 = arith.constant 0 : i32
      %dma_start3A_266 = tpu.memref_slice %arg19[%add3A_240, %dma_start3A_265] : memref<128x16xf32, #tpu.memory_space<vmem>> -> memref<1x16xf32, #tpu.memory_space<vmem>>
      %dma_start3A_267 = arith.constant 0 : i32
      %dma_start3A_268 = tpu.memref_slice %arg8[%squeeze3A_236, %dma_start3A_267] : memref<200x16xf32, #tpu.memory_space<hbm>> -> memref<1x16xf32, #tpu.memory_space<hbm>>
      %dma_start3A_269 = arith.constant 0 : i32
      %dma_start3A_270 = tpu.memref_slice %arg19[%add3A_240, %dma_start3A_269] : memref<128x16xf32, #tpu.memory_space<vmem>> -> memref<1x16xf32, #tpu.memory_space<vmem>>
      %dma_start3A_271 = arith.constant 0 : i32
      %dma_start3A_272 = tpu.memref_slice %arg8[%squeeze3A_236, %dma_start3A_271] : memref<200x16xf32, #tpu.memory_space<hbm>> -> memref<1x16xf32, #tpu.memory_space<hbm>>
      tpu.enqueue_dma source(%dma_start3A_272 : memref<1x16xf32, #tpu.memory_space<hbm>>) target(%dma_start3A_270 : memref<1x16xf32, #tpu.memory_space<vmem>>) target_semaphore(%arg23 : memref<!tpu.dma_semaphore, #tpu.memory_space<semaphore_mem>>)
      %slice3A_273 = vector.extract_strided_slice %get3A_135 {offsets = [3], sizes = [1], strides = [1]} : vector<16xi32> to vector<1xi32>
      %squeeze3A_274 = vector.extract %slice3A_273[0] : i32 from vector<1xi32>
      %slice3A_275 = vector.extract_strided_slice %shift_right_logical3A_143 {offsets = [3], sizes = [1], strides = [1]} : vector<16xi32> to vector<1xi32>
      %squeeze3A_276 = vector.extract %slice3A_275[0] : i32 from vector<1xi32>
      %slice3A_277 = vector.extract_strided_slice %get3A_138 {offsets = [3], sizes = [1], strides = [1]} : vector<16xi32> to vector<1xi32>
      %squeeze3A_278 = vector.extract %slice3A_277[0] : i32 from vector<1xi32>
      %slice3A_279 = vector.extract_strided_slice %get3A_141 {offsets = [3], sizes = [1], strides = [1]} : vector<16xi32> to vector<1xi32>
      %squeeze3A_280 = vector.extract %slice3A_279[0] : i32 from vector<1xi32>
      %mul3A_281 = arith.constant 16 : i32
      %mul3A_282 = arith.muli %scan3A_129, %mul3A_281 : i32
      %add3A_283 = arith.constant 3 : i32
      %add3A_284 = arith.addi %mul3A_282, %add3A_283 : i32
      %dma_start3A_285 = arith.constant 0 : i32
      %dma_start3A_286 = tpu.memref_slice %arg16[%add3A_284, %dma_start3A_285] : memref<128x16xf32, #tpu.memory_space<vmem>> -> memref<1x16xf32, #tpu.memory_space<vmem>>
      %dma_start3A_287 = arith.constant 0 : i32
      %dma_start3A_288 = tpu.memref_slice %arg5[%squeeze3A_274, %dma_start3A_287] : memref<1000000x16xf32, #tpu.memory_space<hbm>> -> memref<1x16xf32, #tpu.memory_space<hbm>>
      %dma_start3A_289 = arith.constant 0 : i32
      %dma_start3A_290 = tpu.memref_slice %arg16[%add3A_284, %dma_start3A_289] : memref<128x16xf32, #tpu.memory_space<vmem>> -> memref<1x16xf32, #tpu.memory_space<vmem>>
      %dma_start3A_291 = arith.constant 0 : i32
      %dma_start3A_292 = tpu.memref_slice %arg5[%squeeze3A_274, %dma_start3A_291] : memref<1000000x16xf32, #tpu.memory_space<hbm>> -> memref<1x16xf32, #tpu.memory_space<hbm>>
      tpu.enqueue_dma source(%dma_start3A_292 : memref<1x16xf32, #tpu.memory_space<hbm>>) target(%dma_start3A_290 : memref<1x16xf32, #tpu.memory_space<vmem>>) target_semaphore(%arg20 : memref<!tpu.dma_semaphore, #tpu.memory_space<semaphore_mem>>)
      %dma_start3A_293 = arith.constant 0 : i32
      %dma_start3A_294 = tpu.memref_slice %arg17[%add3A_284, %dma_start3A_293] : memref<128x104xf32, #tpu.memory_space<vmem>> -> memref<1x104xf32, #tpu.memory_space<vmem>>
      %dma_start3A_295 = arith.constant 0 : i32
      %dma_start3A_296 = tpu.memref_slice %arg6[%squeeze3A_276, %dma_start3A_295] : memref<250000x104xf32, #tpu.memory_space<hbm>> -> memref<1x104xf32, #tpu.memory_space<hbm>>
      %dma_start3A_297 = arith.constant 0 : i32
      %dma_start3A_298 = tpu.memref_slice %arg17[%add3A_284, %dma_start3A_297] : memref<128x104xf32, #tpu.memory_space<vmem>> -> memref<1x104xf32, #tpu.memory_space<vmem>>
      %dma_start3A_299 = arith.constant 0 : i32
      %dma_start3A_300 = tpu.memref_slice %arg6[%squeeze3A_276, %dma_start3A_299] : memref<250000x104xf32, #tpu.memory_space<hbm>> -> memref<1x104xf32, #tpu.memory_space<hbm>>
      tpu.enqueue_dma source(%dma_start3A_300 : memref<1x104xf32, #tpu.memory_space<hbm>>) target(%dma_start3A_298 : memref<1x104xf32, #tpu.memory_space<vmem>>) target_semaphore(%arg21 : memref<!tpu.dma_semaphore, #tpu.memory_space<semaphore_mem>>)
      %dma_start3A_301 = arith.constant 0 : i32
      %dma_start3A_302 = tpu.memref_slice %arg18[%add3A_284, %dma_start3A_301] : memref<128x16xf32, #tpu.memory_space<vmem>> -> memref<1x16xf32, #tpu.memory_space<vmem>>
      %dma_start3A_303 = arith.constant 0 : i32
      %dma_start3A_304 = tpu.memref_slice %arg7[%squeeze3A_278, %dma_start3A_303] : memref<1000x16xf32, #tpu.memory_space<hbm>> -> memref<1x16xf32, #tpu.memory_space<hbm>>
      %dma_start3A_305 = arith.constant 0 : i32
      %dma_start3A_306 = tpu.memref_slice %arg18[%add3A_284, %dma_start3A_305] : memref<128x16xf32, #tpu.memory_space<vmem>> -> memref<1x16xf32, #tpu.memory_space<vmem>>
      %dma_start3A_307 = arith.constant 0 : i32
      %dma_start3A_308 = tpu.memref_slice %arg7[%squeeze3A_278, %dma_start3A_307] : memref<1000x16xf32, #tpu.memory_space<hbm>> -> memref<1x16xf32, #tpu.memory_space<hbm>>
      tpu.enqueue_dma source(%dma_start3A_308 : memref<1x16xf32, #tpu.memory_space<hbm>>) target(%dma_start3A_306 : memref<1x16xf32, #tpu.memory_space<vmem>>) target_semaphore(%arg22 : memref<!tpu.dma_semaphore, #tpu.memory_space<semaphore_mem>>)
      %dma_start3A_309 = arith.constant 0 : i32
      %dma_start3A_310 = tpu.memref_slice %arg19[%add3A_284, %dma_start3A_309] : memref<128x16xf32, #tpu.memory_space<vmem>> -> memref<1x16xf32, #tpu.memory_space<vmem>>
      %dma_start3A_311 = arith.constant 0 : i32
      %dma_start3A_312 = tpu.memref_slice %arg8[%squeeze3A_280, %dma_start3A_311] : memref<200x16xf32, #tpu.memory_space<hbm>> -> memref<1x16xf32, #tpu.memory_space<hbm>>
      %dma_start3A_313 = arith.constant 0 : i32
      %dma_start3A_314 = tpu.memref_slice %arg19[%add3A_284, %dma_start3A_313] : memref<128x16xf32, #tpu.memory_space<vmem>> -> memref<1x16xf32, #tpu.memory_space<vmem>>
      %dma_start3A_315 = arith.constant 0 : i32
      %dma_start3A_316 = tpu.memref_slice %arg8[%squeeze3A_280, %dma_start3A_315] : memref<200x16xf32, #tpu.memory_space<hbm>> -> memref<1x16xf32, #tpu.memory_space<hbm>>
      tpu.enqueue_dma source(%dma_start3A_316 : memref<1x16xf32, #tpu.memory_space<hbm>>) target(%dma_start3A_314 : memref<1x16xf32, #tpu.memory_space<vmem>>) target_semaphore(%arg23 : memref<!tpu.dma_semaphore, #tpu.memory_space<semaphore_mem>>)
      %slice3A_317 = vector.extract_strided_slice %get3A_135 {offsets = [4], sizes = [1], strides = [1]} : vector<16xi32> to vector<1xi32>
      %squeeze3A_318 = vector.extract %slice3A_317[0] : i32 from vector<1xi32>
      %slice3A_319 = vector.extract_strided_slice %shift_right_logical3A_143 {offsets = [4], sizes = [1], strides = [1]} : vector<16xi32> to vector<1xi32>
      %squeeze3A_320 = vector.extract %slice3A_319[0] : i32 from vector<1xi32>
      %slice3A_321 = vector.extract_strided_slice %get3A_138 {offsets = [4], sizes = [1], strides = [1]} : vector<16xi32> to vector<1xi32>
      %squeeze3A_322 = vector.extract %slice3A_321[0] : i32 from vector<1xi32>
      %slice3A_323 = vector.extract_strided_slice %get3A_141 {offsets = [4], sizes = [1], strides = [1]} : vector<16xi32> to vector<1xi32>
      %squeeze3A_324 = vector.extract %slice3A_323[0] : i32 from vector<1xi32>
      %mul3A_325 = arith.constant 16 : i32
      %mul3A_326 = arith.muli %scan3A_129, %mul3A_325 : i32
      %add3A_327 = arith.constant 4 : i32
      %add3A_328 = arith.addi %mul3A_326, %add3A_327 : i32
      %dma_start3A_329 = arith.constant 0 : i32
      %dma_start3A_330 = tpu.memref_slice %arg16[%add3A_328, %dma_start3A_329] : memref<128x16xf32, #tpu.memory_space<vmem>> -> memref<1x16xf32, #tpu.memory_space<vmem>>
      %dma_start3A_331 = arith.constant 0 : i32
      %dma_start3A_332 = tpu.memref_slice %arg5[%squeeze3A_318, %dma_start3A_331] : memref<1000000x16xf32, #tpu.memory_space<hbm>> -> memref<1x16xf32, #tpu.memory_space<hbm>>
      %dma_start3A_333 = arith.constant 0 : i32
      %dma_start3A_334 = tpu.memref_slice %arg16[%add3A_328, %dma_start3A_333] : memref<128x16xf32, #tpu.memory_space<vmem>> -> memref<1x16xf32, #tpu.memory_space<vmem>>
      %dma_start3A_335 = arith.constant 0 : i32
      %dma_start3A_336 = tpu.memref_slice %arg5[%squeeze3A_318, %dma_start3A_335] : memref<1000000x16xf32, #tpu.memory_space<hbm>> -> memref<1x16xf32, #tpu.memory_space<hbm>>
      tpu.enqueue_dma source(%dma_start3A_336 : memref<1x16xf32, #tpu.memory_space<hbm>>) target(%dma_start3A_334 : memref<1x16xf32, #tpu.memory_space<vmem>>) target_semaphore(%arg20 : memref<!tpu.dma_semaphore, #tpu.memory_space<semaphore_mem>>)
      %dma_start3A_337 = arith.constant 0 : i32
      %dma_start3A_338 = tpu.memref_slice %arg17[%add3A_328, %dma_start3A_337] : memref<128x104xf32, #tpu.memory_space<vmem>> -> memref<1x104xf32, #tpu.memory_space<vmem>>
      %dma_start3A_339 = arith.constant 0 : i32
      %dma_start3A_340 = tpu.memref_slice %arg6[%squeeze3A_320, %dma_start3A_339] : memref<250000x104xf32, #tpu.memory_space<hbm>> -> memref<1x104xf32, #tpu.memory_space<hbm>>
      %dma_start3A_341 = arith.constant 0 : i32
      %dma_start3A_342 = tpu.memref_slice %arg17[%add3A_328, %dma_start3A_341] : memref<128x104xf32, #tpu.memory_space<vmem>> -> memref<1x104xf32, #tpu.memory_space<vmem>>
      %dma_start3A_343 = arith.constant 0 : i32
      %dma_start3A_344 = tpu.memref_slice %arg6[%squeeze3A_320, %dma_start3A_343] : memref<250000x104xf32, #tpu.memory_space<hbm>> -> memref<1x104xf32, #tpu.memory_space<hbm>>
      tpu.enqueue_dma source(%dma_start3A_344 : memref<1x104xf32, #tpu.memory_space<hbm>>) target(%dma_start3A_342 : memref<1x104xf32, #tpu.memory_space<vmem>>) target_semaphore(%arg21 : memref<!tpu.dma_semaphore, #tpu.memory_space<semaphore_mem>>)
      %dma_start3A_345 = arith.constant 0 : i32
      %dma_start3A_346 = tpu.memref_slice %arg18[%add3A_328, %dma_start3A_345] : memref<128x16xf32, #tpu.memory_space<vmem>> -> memref<1x16xf32, #tpu.memory_space<vmem>>
      %dma_start3A_347 = arith.constant 0 : i32
      %dma_start3A_348 = tpu.memref_slice %arg7[%squeeze3A_322, %dma_start3A_347] : memref<1000x16xf32, #tpu.memory_space<hbm>> -> memref<1x16xf32, #tpu.memory_space<hbm>>
      %dma_start3A_349 = arith.constant 0 : i32
      %dma_start3A_350 = tpu.memref_slice %arg18[%add3A_328, %dma_start3A_349] : memref<128x16xf32, #tpu.memory_space<vmem>> -> memref<1x16xf32, #tpu.memory_space<vmem>>
      %dma_start3A_351 = arith.constant 0 : i32
      %dma_start3A_352 = tpu.memref_slice %arg7[%squeeze3A_322, %dma_start3A_351] : memref<1000x16xf32, #tpu.memory_space<hbm>> -> memref<1x16xf32, #tpu.memory_space<hbm>>
      tpu.enqueue_dma source(%dma_start3A_352 : memref<1x16xf32, #tpu.memory_space<hbm>>) target(%dma_start3A_350 : memref<1x16xf32, #tpu.memory_space<vmem>>) target_semaphore(%arg22 : memref<!tpu.dma_semaphore, #tpu.memory_space<semaphore_mem>>)
      %dma_start3A_353 = arith.constant 0 : i32
      %dma_start3A_354 = tpu.memref_slice %arg19[%add3A_328, %dma_start3A_353] : memref<128x16xf32, #tpu.memory_space<vmem>> -> memref<1x16xf32, #tpu.memory_space<vmem>>
      %dma_start3A_355 = arith.constant 0 : i32
      %dma_start3A_356 = tpu.memref_slice %arg8[%squeeze3A_324, %dma_start3A_355] : memref<200x16xf32, #tpu.memory_space<hbm>> -> memref<1x16xf32, #tpu.memory_space<hbm>>
      %dma_start3A_357 = arith.constant 0 : i32
      %dma_start3A_358 = tpu.memref_slice %arg19[%add3A_328, %dma_start3A_357] : memref<128x16xf32, #tpu.memory_space<vmem>> -> memref<1x16xf32, #tpu.memory_space<vmem>>
      %dma_start3A_359 = arith.constant 0 : i32
      %dma_start3A_360 = tpu.memref_slice %arg8[%squeeze3A_324, %dma_start3A_359] : memref<200x16xf32, #tpu.memory_space<hbm>> -> memref<1x16xf32, #tpu.memory_space<hbm>>
      tpu.enqueue_dma source(%dma_start3A_360 : memref<1x16xf32, #tpu.memory_space<hbm>>) target(%dma_start3A_358 : memref<1x16xf32, #tpu.memory_space<vmem>>) target_semaphore(%arg23 : memref<!tpu.dma_semaphore, #tpu.memory_space<semaphore_mem>>)
      %slice3A_361 = vector.extract_strided_slice %get3A_135 {offsets = [5], sizes = [1], strides = [1]} : vector<16xi32> to vector<1xi32>
      %squeeze3A_362 = vector.extract %slice3A_361[0] : i32 from vector<1xi32>
      %slice3A_363 = vector.extract_strided_slice %shift_right_logical3A_143 {offsets = [5], sizes = [1], strides = [1]} : vector<16xi32> to vector<1xi32>
      %squeeze3A_364 = vector.extract %slice3A_363[0] : i32 from vector<1xi32>
      %slice3A_365 = vector.extract_strided_slice %get3A_138 {offsets = [5], sizes = [1], strides = [1]} : vector<16xi32> to vector<1xi32>
      %squeeze3A_366 = vector.extract %slice3A_365[0] : i32 from vector<1xi32>
      %slice3A_367 = vector.extract_strided_slice %get3A_141 {offsets = [5], sizes = [1], strides = [1]} : vector<16xi32> to vector<1xi32>
      %squeeze3A_368 = vector.extract %slice3A_367[0] : i32 from vector<1xi32>
      %mul3A_369 = arith.constant 16 : i32
      %mul3A_370 = arith.muli %scan3A_129, %mul3A_369 : i32
      %add3A_371 = arith.constant 5 : i32
      %add3A_372 = arith.addi %mul3A_370, %add3A_371 : i32
      %dma_start3A_373 = arith.constant 0 : i32
      %dma_start3A_374 = tpu.memref_slice %arg16[%add3A_372, %dma_start3A_373] : memref<128x16xf32, #tpu.memory_space<vmem>> -> memref<1x16xf32, #tpu.memory_space<vmem>>
      %dma_start3A_375 = arith.constant 0 : i32
      %dma_start3A_376 = tpu.memref_slice %arg5[%squeeze3A_362, %dma_start3A_375] : memref<1000000x16xf32, #tpu.memory_space<hbm>> -> memref<1x16xf32, #tpu.memory_space<hbm>>
      %dma_start3A_377 = arith.constant 0 : i32
      %dma_start3A_378 = tpu.memref_slice %arg16[%add3A_372, %dma_start3A_377] : memref<128x16xf32, #tpu.memory_space<vmem>> -> memref<1x16xf32, #tpu.memory_space<vmem>>
      %dma_start3A_379 = arith.constant 0 : i32
      %dma_start3A_380 = tpu.memref_slice %arg5[%squeeze3A_362, %dma_start3A_379] : memref<1000000x16xf32, #tpu.memory_space<hbm>> -> memref<1x16xf32, #tpu.memory_space<hbm>>
      tpu.enqueue_dma source(%dma_start3A_380 : memref<1x16xf32, #tpu.memory_space<hbm>>) target(%dma_start3A_378 : memref<1x16xf32, #tpu.memory_space<vmem>>) target_semaphore(%arg20 : memref<!tpu.dma_semaphore, #tpu.memory_space<semaphore_mem>>)
      %dma_start3A_381 = arith.constant 0 : i32
      %dma_start3A_382 = tpu.memref_slice %arg17[%add3A_372, %dma_start3A_381] : memref<128x104xf32, #tpu.memory_space<vmem>> -> memref<1x104xf32, #tpu.memory_space<vmem>>
      %dma_start3A_383 = arith.constant 0 : i32
      %dma_start3A_384 = tpu.memref_slice %arg6[%squeeze3A_364, %dma_start3A_383] : memref<250000x104xf32, #tpu.memory_space<hbm>> -> memref<1x104xf32, #tpu.memory_space<hbm>>
      %dma_start3A_385 = arith.constant 0 : i32
      %dma_start3A_386 = tpu.memref_slice %arg17[%add3A_372, %dma_start3A_385] : memref<128x104xf32, #tpu.memory_space<vmem>> -> memref<1x104xf32, #tpu.memory_space<vmem>>
      %dma_start3A_387 = arith.constant 0 : i32
      %dma_start3A_388 = tpu.memref_slice %arg6[%squeeze3A_364, %dma_start3A_387] : memref<250000x104xf32, #tpu.memory_space<hbm>> -> memref<1x104xf32, #tpu.memory_space<hbm>>
      tpu.enqueue_dma source(%dma_start3A_388 : memref<1x104xf32, #tpu.memory_space<hbm>>) target(%dma_start3A_386 : memref<1x104xf32, #tpu.memory_space<vmem>>) target_semaphore(%arg21 : memref<!tpu.dma_semaphore, #tpu.memory_space<semaphore_mem>>)
      %dma_start3A_389 = arith.constant 0 : i32
      %dma_start3A_390 = tpu.memref_slice %arg18[%add3A_372, %dma_start3A_389] : memref<128x16xf32, #tpu.memory_space<vmem>> -> memref<1x16xf32, #tpu.memory_space<vmem>>
      %dma_start3A_391 = arith.constant 0 : i32
      %dma_start3A_392 = tpu.memref_slice %arg7[%squeeze3A_366, %dma_start3A_391] : memref<1000x16xf32, #tpu.memory_space<hbm>> -> memref<1x16xf32, #tpu.memory_space<hbm>>
      %dma_start3A_393 = arith.constant 0 : i32
      %dma_start3A_394 = tpu.memref_slice %arg18[%add3A_372, %dma_start3A_393] : memref<128x16xf32, #tpu.memory_space<vmem>> -> memref<1x16xf32, #tpu.memory_space<vmem>>
      %dma_start3A_395 = arith.constant 0 : i32
      %dma_start3A_396 = tpu.memref_slice %arg7[%squeeze3A_366, %dma_start3A_395] : memref<1000x16xf32, #tpu.memory_space<hbm>> -> memref<1x16xf32, #tpu.memory_space<hbm>>
      tpu.enqueue_dma source(%dma_start3A_396 : memref<1x16xf32, #tpu.memory_space<hbm>>) target(%dma_start3A_394 : memref<1x16xf32, #tpu.memory_space<vmem>>) target_semaphore(%arg22 : memref<!tpu.dma_semaphore, #tpu.memory_space<semaphore_mem>>)
      %dma_start3A_397 = arith.constant 0 : i32
      %dma_start3A_398 = tpu.memref_slice %arg19[%add3A_372, %dma_start3A_397] : memref<128x16xf32, #tpu.memory_space<vmem>> -> memref<1x16xf32, #tpu.memory_space<vmem>>
      %dma_start3A_399 = arith.constant 0 : i32
      %dma_start3A_400 = tpu.memref_slice %arg8[%squeeze3A_368, %dma_start3A_399] : memref<200x16xf32, #tpu.memory_space<hbm>> -> memref<1x16xf32, #tpu.memory_space<hbm>>
      %dma_start3A_401 = arith.constant 0 : i32
      %dma_start3A_402 = tpu.memref_slice %arg19[%add3A_372, %dma_start3A_401] : memref<128x16xf32, #tpu.memory_space<vmem>> -> memref<1x16xf32, #tpu.memory_space<vmem>>
      %dma_start3A_403 = arith.constant 0 : i32
      %dma_start3A_404 = tpu.memref_slice %arg8[%squeeze3A_368, %dma_start3A_403] : memref<200x16xf32, #tpu.memory_space<hbm>> -> memref<1x16xf32, #tpu.memory_space<hbm>>
      tpu.enqueue_dma source(%dma_start3A_404 : memref<1x16xf32, #tpu.memory_space<hbm>>) target(%dma_start3A_402 : memref<1x16xf32, #tpu.memory_space<vmem>>) target_semaphore(%arg23 : memref<!tpu.dma_semaphore, #tpu.memory_space<semaphore_mem>>)
      %slice3A_405 = vector.extract_strided_slice %get3A_135 {offsets = [6], sizes = [1], strides = [1]} : vector<16xi32> to vector<1xi32>
      %squeeze3A_406 = vector.extract %slice3A_405[0] : i32 from vector<1xi32>
      %slice3A_407 = vector.extract_strided_slice %shift_right_logical3A_143 {offsets = [6], sizes = [1], strides = [1]} : vector<16xi32> to vector<1xi32>
      %squeeze3A_408 = vector.extract %slice3A_407[0] : i32 from vector<1xi32>
      %slice3A_409 = vector.extract_strided_slice %get3A_138 {offsets = [6], sizes = [1], strides = [1]} : vector<16xi32> to vector<1xi32>
      %squeeze3A_410 = vector.extract %slice3A_409[0] : i32 from vector<1xi32>
      %slice3A_411 = vector.extract_strided_slice %get3A_141 {offsets = [6], sizes = [1], strides = [1]} : vector<16xi32> to vector<1xi32>
      %squeeze3A_412 = vector.extract %slice3A_411[0] : i32 from vector<1xi32>
      %mul3A_413 = arith.constant 16 : i32
      %mul3A_414 = arith.muli %scan3A_129, %mul3A_413 : i32
      %add3A_415 = arith.constant 6 : i32
      %add3A_416 = arith.addi %mul3A_414, %add3A_415 : i32
      %dma_start3A_417 = arith.constant 0 : i32
      %dma_start3A_418 = tpu.memref_slice %arg16[%add3A_416, %dma_start3A_417] : memref<128x16xf32, #tpu.memory_space<vmem>> -> memref<1x16xf32, #tpu.memory_space<vmem>>
      %dma_start3A_419 = arith.constant 0 : i32
      %dma_start3A_420 = tpu.memref_slice %arg5[%squeeze3A_406, %dma_start3A_419] : memref<1000000x16xf32, #tpu.memory_space<hbm>> -> memref<1x16xf32, #tpu.memory_space<hbm>>
      %dma_start3A_421 = arith.constant 0 : i32
      %dma_start3A_422 = tpu.memref_slice %arg16[%add3A_416, %dma_start3A_421] : memref<128x16xf32, #tpu.memory_space<vmem>> -> memref<1x16xf32, #tpu.memory_space<vmem>>
      %dma_start3A_423 = arith.constant 0 : i32
      %dma_start3A_424 = tpu.memref_slice %arg5[%squeeze3A_406, %dma_start3A_423] : memref<1000000x16xf32, #tpu.memory_space<hbm>> -> memref<1x16xf32, #tpu.memory_space<hbm>>
      tpu.enqueue_dma source(%dma_start3A_424 : memref<1x16xf32, #tpu.memory_space<hbm>>) target(%dma_start3A_422 : memref<1x16xf32, #tpu.memory_space<vmem>>) target_semaphore(%arg20 : memref<!tpu.dma_semaphore, #tpu.memory_space<semaphore_mem>>)
      %dma_start3A_425 = arith.constant 0 : i32
      %dma_start3A_426 = tpu.memref_slice %arg17[%add3A_416, %dma_start3A_425] : memref<128x104xf32, #tpu.memory_space<vmem>> -> memref<1x104xf32, #tpu.memory_space<vmem>>
      %dma_start3A_427 = arith.constant 0 : i32
      %dma_start3A_428 = tpu.memref_slice %arg6[%squeeze3A_408, %dma_start3A_427] : memref<250000x104xf32, #tpu.memory_space<hbm>> -> memref<1x104xf32, #tpu.memory_space<hbm>>
      %dma_start3A_429 = arith.constant 0 : i32
      %dma_start3A_430 = tpu.memref_slice %arg17[%add3A_416, %dma_start3A_429] : memref<128x104xf32, #tpu.memory_space<vmem>> -> memref<1x104xf32, #tpu.memory_space<vmem>>
      %dma_start3A_431 = arith.constant 0 : i32
      %dma_start3A_432 = tpu.memref_slice %arg6[%squeeze3A_408, %dma_start3A_431] : memref<250000x104xf32, #tpu.memory_space<hbm>> -> memref<1x104xf32, #tpu.memory_space<hbm>>
      tpu.enqueue_dma source(%dma_start3A_432 : memref<1x104xf32, #tpu.memory_space<hbm>>) target(%dma_start3A_430 : memref<1x104xf32, #tpu.memory_space<vmem>>) target_semaphore(%arg21 : memref<!tpu.dma_semaphore, #tpu.memory_space<semaphore_mem>>)
      %dma_start3A_433 = arith.constant 0 : i32
      %dma_start3A_434 = tpu.memref_slice %arg18[%add3A_416, %dma_start3A_433] : memref<128x16xf32, #tpu.memory_space<vmem>> -> memref<1x16xf32, #tpu.memory_space<vmem>>
      %dma_start3A_435 = arith.constant 0 : i32
      %dma_start3A_436 = tpu.memref_slice %arg7[%squeeze3A_410, %dma_start3A_435] : memref<1000x16xf32, #tpu.memory_space<hbm>> -> memref<1x16xf32, #tpu.memory_space<hbm>>
      %dma_start3A_437 = arith.constant 0 : i32
      %dma_start3A_438 = tpu.memref_slice %arg18[%add3A_416, %dma_start3A_437] : memref<128x16xf32, #tpu.memory_space<vmem>> -> memref<1x16xf32, #tpu.memory_space<vmem>>
      %dma_start3A_439 = arith.constant 0 : i32
      %dma_start3A_440 = tpu.memref_slice %arg7[%squeeze3A_410, %dma_start3A_439] : memref<1000x16xf32, #tpu.memory_space<hbm>> -> memref<1x16xf32, #tpu.memory_space<hbm>>
      tpu.enqueue_dma source(%dma_start3A_440 : memref<1x16xf32, #tpu.memory_space<hbm>>) target(%dma_start3A_438 : memref<1x16xf32, #tpu.memory_space<vmem>>) target_semaphore(%arg22 : memref<!tpu.dma_semaphore, #tpu.memory_space<semaphore_mem>>)
      %dma_start3A_441 = arith.constant 0 : i32
      %dma_start3A_442 = tpu.memref_slice %arg19[%add3A_416, %dma_start3A_441] : memref<128x16xf32, #tpu.memory_space<vmem>> -> memref<1x16xf32, #tpu.memory_space<vmem>>
      %dma_start3A_443 = arith.constant 0 : i32
      %dma_start3A_444 = tpu.memref_slice %arg8[%squeeze3A_412, %dma_start3A_443] : memref<200x16xf32, #tpu.memory_space<hbm>> -> memref<1x16xf32, #tpu.memory_space<hbm>>
      %dma_start3A_445 = arith.constant 0 : i32
      %dma_start3A_446 = tpu.memref_slice %arg19[%add3A_416, %dma_start3A_445] : memref<128x16xf32, #tpu.memory_space<vmem>> -> memref<1x16xf32, #tpu.memory_space<vmem>>
      %dma_start3A_447 = arith.constant 0 : i32
      %dma_start3A_448 = tpu.memref_slice %arg8[%squeeze3A_412, %dma_start3A_447] : memref<200x16xf32, #tpu.memory_space<hbm>> -> memref<1x16xf32, #tpu.memory_space<hbm>>
      tpu.enqueue_dma source(%dma_start3A_448 : memref<1x16xf32, #tpu.memory_space<hbm>>) target(%dma_start3A_446 : memref<1x16xf32, #tpu.memory_space<vmem>>) target_semaphore(%arg23 : memref<!tpu.dma_semaphore, #tpu.memory_space<semaphore_mem>>)
      %slice3A_449 = vector.extract_strided_slice %get3A_135 {offsets = [7], sizes = [1], strides = [1]} : vector<16xi32> to vector<1xi32>
      %squeeze3A_450 = vector.extract %slice3A_449[0] : i32 from vector<1xi32>
      %slice3A_451 = vector.extract_strided_slice %shift_right_logical3A_143 {offsets = [7], sizes = [1], strides = [1]} : vector<16xi32> to vector<1xi32>
      %squeeze3A_452 = vector.extract %slice3A_451[0] : i32 from vector<1xi32>
      %slice3A_453 = vector.extract_strided_slice %get3A_138 {offsets = [7], sizes = [1], strides = [1]} : vector<16xi32> to vector<1xi32>
      %squeeze3A_454 = vector.extract %slice3A_453[0] : i32 from vector<1xi32>
      %slice3A_455 = vector.extract_strided_slice %get3A_141 {offsets = [7], sizes = [1], strides = [1]} : vector<16xi32> to vector<1xi32>
      %squeeze3A_456 = vector.extract %slice3A_455[0] : i32 from vector<1xi32>
      %mul3A_457 = arith.constant 16 : i32
      %mul3A_458 = arith.muli %scan3A_129, %mul3A_457 : i32
      %add3A_459 = arith.constant 7 : i32
      %add3A_460 = arith.addi %mul3A_458, %add3A_459 : i32
      %dma_start3A_461 = arith.constant 0 : i32
      %dma_start3A_462 = tpu.memref_slice %arg16[%add3A_460, %dma_start3A_461] : memref<128x16xf32, #tpu.memory_space<vmem>> -> memref<1x16xf32, #tpu.memory_space<vmem>>
      %dma_start3A_463 = arith.constant 0 : i32
      %dma_start3A_464 = tpu.memref_slice %arg5[%squeeze3A_450, %dma_start3A_463] : memref<1000000x16xf32, #tpu.memory_space<hbm>> -> memref<1x16xf32, #tpu.memory_space<hbm>>
      %dma_start3A_465 = arith.constant 0 : i32
      %dma_start3A_466 = tpu.memref_slice %arg16[%add3A_460, %dma_start3A_465] : memref<128x16xf32, #tpu.memory_space<vmem>> -> memref<1x16xf32, #tpu.memory_space<vmem>>
      %dma_start3A_467 = arith.constant 0 : i32
      %dma_start3A_468 = tpu.memref_slice %arg5[%squeeze3A_450, %dma_start3A_467] : memref<1000000x16xf32, #tpu.memory_space<hbm>> -> memref<1x16xf32, #tpu.memory_space<hbm>>
      tpu.enqueue_dma source(%dma_start3A_468 : memref<1x16xf32, #tpu.memory_space<hbm>>) target(%dma_start3A_466 : memref<1x16xf32, #tpu.memory_space<vmem>>) target_semaphore(%arg20 : memref<!tpu.dma_semaphore, #tpu.memory_space<semaphore_mem>>)
      %dma_start3A_469 = arith.constant 0 : i32
      %dma_start3A_470 = tpu.memref_slice %arg17[%add3A_460, %dma_start3A_469] : memref<128x104xf32, #tpu.memory_space<vmem>> -> memref<1x104xf32, #tpu.memory_space<vmem>>
      %dma_start3A_471 = arith.constant 0 : i32
      %dma_start3A_472 = tpu.memref_slice %arg6[%squeeze3A_452, %dma_start3A_471] : memref<250000x104xf32, #tpu.memory_space<hbm>> -> memref<1x104xf32, #tpu.memory_space<hbm>>
      %dma_start3A_473 = arith.constant 0 : i32
      %dma_start3A_474 = tpu.memref_slice %arg17[%add3A_460, %dma_start3A_473] : memref<128x104xf32, #tpu.memory_space<vmem>> -> memref<1x104xf32, #tpu.memory_space<vmem>>
      %dma_start3A_475 = arith.constant 0 : i32
      %dma_start3A_476 = tpu.memref_slice %arg6[%squeeze3A_452, %dma_start3A_475] : memref<250000x104xf32, #tpu.memory_space<hbm>> -> memref<1x104xf32, #tpu.memory_space<hbm>>
      tpu.enqueue_dma source(%dma_start3A_476 : memref<1x104xf32, #tpu.memory_space<hbm>>) target(%dma_start3A_474 : memref<1x104xf32, #tpu.memory_space<vmem>>) target_semaphore(%arg21 : memref<!tpu.dma_semaphore, #tpu.memory_space<semaphore_mem>>)
      %dma_start3A_477 = arith.constant 0 : i32
      %dma_start3A_478 = tpu.memref_slice %arg18[%add3A_460, %dma_start3A_477] : memref<128x16xf32, #tpu.memory_space<vmem>> -> memref<1x16xf32, #tpu.memory_space<vmem>>
      %dma_start3A_479 = arith.constant 0 : i32
      %dma_start3A_480 = tpu.memref_slice %arg7[%squeeze3A_454, %dma_start3A_479] : memref<1000x16xf32, #tpu.memory_space<hbm>> -> memref<1x16xf32, #tpu.memory_space<hbm>>
      %dma_start3A_481 = arith.constant 0 : i32
      %dma_start3A_482 = tpu.memref_slice %arg18[%add3A_460, %dma_start3A_481] : memref<128x16xf32, #tpu.memory_space<vmem>> -> memref<1x16xf32, #tpu.memory_space<vmem>>
      %dma_start3A_483 = arith.constant 0 : i32
      %dma_start3A_484 = tpu.memref_slice %arg7[%squeeze3A_454, %dma_start3A_483] : memref<1000x16xf32, #tpu.memory_space<hbm>> -> memref<1x16xf32, #tpu.memory_space<hbm>>
      tpu.enqueue_dma source(%dma_start3A_484 : memref<1x16xf32, #tpu.memory_space<hbm>>) target(%dma_start3A_482 : memref<1x16xf32, #tpu.memory_space<vmem>>) target_semaphore(%arg22 : memref<!tpu.dma_semaphore, #tpu.memory_space<semaphore_mem>>)
      %dma_start3A_485 = arith.constant 0 : i32
      %dma_start3A_486 = tpu.memref_slice %arg19[%add3A_460, %dma_start3A_485] : memref<128x16xf32, #tpu.memory_space<vmem>> -> memref<1x16xf32, #tpu.memory_space<vmem>>
      %dma_start3A_487 = arith.constant 0 : i32
      %dma_start3A_488 = tpu.memref_slice %arg8[%squeeze3A_456, %dma_start3A_487] : memref<200x16xf32, #tpu.memory_space<hbm>> -> memref<1x16xf32, #tpu.memory_space<hbm>>
      %dma_start3A_489 = arith.constant 0 : i32
      %dma_start3A_490 = tpu.memref_slice %arg19[%add3A_460, %dma_start3A_489] : memref<128x16xf32, #tpu.memory_space<vmem>> -> memref<1x16xf32, #tpu.memory_space<vmem>>
      %dma_start3A_491 = arith.constant 0 : i32
      %dma_start3A_492 = tpu.memref_slice %arg8[%squeeze3A_456, %dma_start3A_491] : memref<200x16xf32, #tpu.memory_space<hbm>> -> memref<1x16xf32, #tpu.memory_space<hbm>>
      tpu.enqueue_dma source(%dma_start3A_492 : memref<1x16xf32, #tpu.memory_space<hbm>>) target(%dma_start3A_490 : memref<1x16xf32, #tpu.memory_space<vmem>>) target_semaphore(%arg23 : memref<!tpu.dma_semaphore, #tpu.memory_space<semaphore_mem>>)
      %slice3A_493 = vector.extract_strided_slice %get3A_135 {offsets = [8], sizes = [1], strides = [1]} : vector<16xi32> to vector<1xi32>
      %squeeze3A_494 = vector.extract %slice3A_493[0] : i32 from vector<1xi32>
      %slice3A_495 = vector.extract_strided_slice %shift_right_logical3A_143 {offsets = [8], sizes = [1], strides = [1]} : vector<16xi32> to vector<1xi32>
      %squeeze3A_496 = vector.extract %slice3A_495[0] : i32 from vector<1xi32>
      %slice3A_497 = vector.extract_strided_slice %get3A_138 {offsets = [8], sizes = [1], strides = [1]} : vector<16xi32> to vector<1xi32>
      %squeeze3A_498 = vector.extract %slice3A_497[0] : i32 from vector<1xi32>
      %slice3A_499 = vector.extract_strided_slice %get3A_141 {offsets = [8], sizes = [1], strides = [1]} : vector<16xi32> to vector<1xi32>
      %squeeze3A_500 = vector.extract %slice3A_499[0] : i32 from vector<1xi32>
      %mul3A_501 = arith.constant 16 : i32
      %mul3A_502 = arith.muli %scan3A_129, %mul3A_501 : i32
      %add3A_503 = arith.constant 8 : i32
      %add3A_504 = arith.addi %mul3A_502, %add3A_503 : i32
      %dma_start3A_505 = arith.constant 0 : i32
      %dma_start3A_506 = tpu.memref_slice %arg16[%add3A_504, %dma_start3A_505] : memref<128x16xf32, #tpu.memory_space<vmem>> -> memref<1x16xf32, #tpu.memory_space<vmem>>
      %dma_start3A_507 = arith.constant 0 : i32
      %dma_start3A_508 = tpu.memref_slice %arg5[%squeeze3A_494, %dma_start3A_507] : memref<1000000x16xf32, #tpu.memory_space<hbm>> -> memref<1x16xf32, #tpu.memory_space<hbm>>
      %dma_start3A_509 = arith.constant 0 : i32
      %dma_start3A_510 = tpu.memref_slice %arg16[%add3A_504, %dma_start3A_509] : memref<128x16xf32, #tpu.memory_space<vmem>> -> memref<1x16xf32, #tpu.memory_space<vmem>>
      %dma_start3A_511 = arith.constant 0 : i32
      %dma_start3A_512 = tpu.memref_slice %arg5[%squeeze3A_494, %dma_start3A_511] : memref<1000000x16xf32, #tpu.memory_space<hbm>> -> memref<1x16xf32, #tpu.memory_space<hbm>>
      tpu.enqueue_dma source(%dma_start3A_512 : memref<1x16xf32, #tpu.memory_space<hbm>>) target(%dma_start3A_510 : memref<1x16xf32, #tpu.memory_space<vmem>>) target_semaphore(%arg20 : memref<!tpu.dma_semaphore, #tpu.memory_space<semaphore_mem>>)
      %dma_start3A_513 = arith.constant 0 : i32
      %dma_start3A_514 = tpu.memref_slice %arg17[%add3A_504, %dma_start3A_513] : memref<128x104xf32, #tpu.memory_space<vmem>> -> memref<1x104xf32, #tpu.memory_space<vmem>>
      %dma_start3A_515 = arith.constant 0 : i32
      %dma_start3A_516 = tpu.memref_slice %arg6[%squeeze3A_496, %dma_start3A_515] : memref<250000x104xf32, #tpu.memory_space<hbm>> -> memref<1x104xf32, #tpu.memory_space<hbm>>
      %dma_start3A_517 = arith.constant 0 : i32
      %dma_start3A_518 = tpu.memref_slice %arg17[%add3A_504, %dma_start3A_517] : memref<128x104xf32, #tpu.memory_space<vmem>> -> memref<1x104xf32, #tpu.memory_space<vmem>>
      %dma_start3A_519 = arith.constant 0 : i32
      %dma_start3A_520 = tpu.memref_slice %arg6[%squeeze3A_496, %dma_start3A_519] : memref<250000x104xf32, #tpu.memory_space<hbm>> -> memref<1x104xf32, #tpu.memory_space<hbm>>
      tpu.enqueue_dma source(%dma_start3A_520 : memref<1x104xf32, #tpu.memory_space<hbm>>) target(%dma_start3A_518 : memref<1x104xf32, #tpu.memory_space<vmem>>) target_semaphore(%arg21 : memref<!tpu.dma_semaphore, #tpu.memory_space<semaphore_mem>>)
      %dma_start3A_521 = arith.constant 0 : i32
      %dma_start3A_522 = tpu.memref_slice %arg18[%add3A_504, %dma_start3A_521] : memref<128x16xf32, #tpu.memory_space<vmem>> -> memref<1x16xf32, #tpu.memory_space<vmem>>
      %dma_start3A_523 = arith.constant 0 : i32
      %dma_start3A_524 = tpu.memref_slice %arg7[%squeeze3A_498, %dma_start3A_523] : memref<1000x16xf32, #tpu.memory_space<hbm>> -> memref<1x16xf32, #tpu.memory_space<hbm>>
      %dma_start3A_525 = arith.constant 0 : i32
      %dma_start3A_526 = tpu.memref_slice %arg18[%add3A_504, %dma_start3A_525] : memref<128x16xf32, #tpu.memory_space<vmem>> -> memref<1x16xf32, #tpu.memory_space<vmem>>
      %dma_start3A_527 = arith.constant 0 : i32
      %dma_start3A_528 = tpu.memref_slice %arg7[%squeeze3A_498, %dma_start3A_527] : memref<1000x16xf32, #tpu.memory_space<hbm>> -> memref<1x16xf32, #tpu.memory_space<hbm>>
      tpu.enqueue_dma source(%dma_start3A_528 : memref<1x16xf32, #tpu.memory_space<hbm>>) target(%dma_start3A_526 : memref<1x16xf32, #tpu.memory_space<vmem>>) target_semaphore(%arg22 : memref<!tpu.dma_semaphore, #tpu.memory_space<semaphore_mem>>)
      %dma_start3A_529 = arith.constant 0 : i32
      %dma_start3A_530 = tpu.memref_slice %arg19[%add3A_504, %dma_start3A_529] : memref<128x16xf32, #tpu.memory_space<vmem>> -> memref<1x16xf32, #tpu.memory_space<vmem>>
      %dma_start3A_531 = arith.constant 0 : i32
      %dma_start3A_532 = tpu.memref_slice %arg8[%squeeze3A_500, %dma_start3A_531] : memref<200x16xf32, #tpu.memory_space<hbm>> -> memref<1x16xf32, #tpu.memory_space<hbm>>
      %dma_start3A_533 = arith.constant 0 : i32
      %dma_start3A_534 = tpu.memref_slice %arg19[%add3A_504, %dma_start3A_533] : memref<128x16xf32, #tpu.memory_space<vmem>> -> memref<1x16xf32, #tpu.memory_space<vmem>>
      %dma_start3A_535 = arith.constant 0 : i32
      %dma_start3A_536 = tpu.memref_slice %arg8[%squeeze3A_500, %dma_start3A_535] : memref<200x16xf32, #tpu.memory_space<hbm>> -> memref<1x16xf32, #tpu.memory_space<hbm>>
      tpu.enqueue_dma source(%dma_start3A_536 : memref<1x16xf32, #tpu.memory_space<hbm>>) target(%dma_start3A_534 : memref<1x16xf32, #tpu.memory_space<vmem>>) target_semaphore(%arg23 : memref<!tpu.dma_semaphore, #tpu.memory_space<semaphore_mem>>)
      %slice3A_537 = vector.extract_strided_slice %get3A_135 {offsets = [9], sizes = [1], strides = [1]} : vector<16xi32> to vector<1xi32>
      %squeeze3A_538 = vector.extract %slice3A_537[0] : i32 from vector<1xi32>
      %slice3A_539 = vector.extract_strided_slice %shift_right_logical3A_143 {offsets = [9], sizes = [1], strides = [1]} : vector<16xi32> to vector<1xi32>
      %squeeze3A_540 = vector.extract %slice3A_539[0] : i32 from vector<1xi32>
      %slice3A_541 = vector.extract_strided_slice %get3A_138 {offsets = [9], sizes = [1], strides = [1]} : vector<16xi32> to vector<1xi32>
      %squeeze3A_542 = vector.extract %slice3A_541[0] : i32 from vector<1xi32>
      %slice3A_543 = vector.extract_strided_slice %get3A_141 {offsets = [9], sizes = [1], strides = [1]} : vector<16xi32> to vector<1xi32>
      %squeeze3A_544 = vector.extract %slice3A_543[0] : i32 from vector<1xi32>
      %mul3A_545 = arith.constant 16 : i32
      %mul3A_546 = arith.muli %scan3A_129, %mul3A_545 : i32
      %add3A_547 = arith.constant 9 : i32
      %add3A_548 = arith.addi %mul3A_546, %add3A_547 : i32
      %dma_start3A_549 = arith.constant 0 : i32
      %dma_start3A_550 = tpu.memref_slice %arg16[%add3A_548, %dma_start3A_549] : memref<128x16xf32, #tpu.memory_space<vmem>> -> memref<1x16xf32, #tpu.memory_space<vmem>>
      %dma_start3A_551 = arith.constant 0 : i32
      %dma_start3A_552 = tpu.memref_slice %arg5[%squeeze3A_538, %dma_start3A_551] : memref<1000000x16xf32, #tpu.memory_space<hbm>> -> memref<1x16xf32, #tpu.memory_space<hbm>>
      %dma_start3A_553 = arith.constant 0 : i32
      %dma_start3A_554 = tpu.memref_slice %arg16[%add3A_548, %dma_start3A_553] : memref<128x16xf32, #tpu.memory_space<vmem>> -> memref<1x16xf32, #tpu.memory_space<vmem>>
      %dma_start3A_555 = arith.constant 0 : i32
      %dma_start3A_556 = tpu.memref_slice %arg5[%squeeze3A_538, %dma_start3A_555] : memref<1000000x16xf32, #tpu.memory_space<hbm>> -> memref<1x16xf32, #tpu.memory_space<hbm>>
      tpu.enqueue_dma source(%dma_start3A_556 : memref<1x16xf32, #tpu.memory_space<hbm>>) target(%dma_start3A_554 : memref<1x16xf32, #tpu.memory_space<vmem>>) target_semaphore(%arg20 : memref<!tpu.dma_semaphore, #tpu.memory_space<semaphore_mem>>)
      %dma_start3A_557 = arith.constant 0 : i32
      %dma_start3A_558 = tpu.memref_slice %arg17[%add3A_548, %dma_start3A_557] : memref<128x104xf32, #tpu.memory_space<vmem>> -> memref<1x104xf32, #tpu.memory_space<vmem>>
      %dma_start3A_559 = arith.constant 0 : i32
      %dma_start3A_560 = tpu.memref_slice %arg6[%squeeze3A_540, %dma_start3A_559] : memref<250000x104xf32, #tpu.memory_space<hbm>> -> memref<1x104xf32, #tpu.memory_space<hbm>>
      %dma_start3A_561 = arith.constant 0 : i32
      %dma_start3A_562 = tpu.memref_slice %arg17[%add3A_548, %dma_start3A_561] : memref<128x104xf32, #tpu.memory_space<vmem>> -> memref<1x104xf32, #tpu.memory_space<vmem>>
      %dma_start3A_563 = arith.constant 0 : i32
      %dma_start3A_564 = tpu.memref_slice %arg6[%squeeze3A_540, %dma_start3A_563] : memref<250000x104xf32, #tpu.memory_space<hbm>> -> memref<1x104xf32, #tpu.memory_space<hbm>>
      tpu.enqueue_dma source(%dma_start3A_564 : memref<1x104xf32, #tpu.memory_space<hbm>>) target(%dma_start3A_562 : memref<1x104xf32, #tpu.memory_space<vmem>>) target_semaphore(%arg21 : memref<!tpu.dma_semaphore, #tpu.memory_space<semaphore_mem>>)
      %dma_start3A_565 = arith.constant 0 : i32
      %dma_start3A_566 = tpu.memref_slice %arg18[%add3A_548, %dma_start3A_565] : memref<128x16xf32, #tpu.memory_space<vmem>> -> memref<1x16xf32, #tpu.memory_space<vmem>>
      %dma_start3A_567 = arith.constant 0 : i32
      %dma_start3A_568 = tpu.memref_slice %arg7[%squeeze3A_542, %dma_start3A_567] : memref<1000x16xf32, #tpu.memory_space<hbm>> -> memref<1x16xf32, #tpu.memory_space<hbm>>
      %dma_start3A_569 = arith.constant 0 : i32
      %dma_start3A_570 = tpu.memref_slice %arg18[%add3A_548, %dma_start3A_569] : memref<128x16xf32, #tpu.memory_space<vmem>> -> memref<1x16xf32, #tpu.memory_space<vmem>>
      %dma_start3A_571 = arith.constant 0 : i32
      %dma_start3A_572 = tpu.memref_slice %arg7[%squeeze3A_542, %dma_start3A_571] : memref<1000x16xf32, #tpu.memory_space<hbm>> -> memref<1x16xf32, #tpu.memory_space<hbm>>
      tpu.enqueue_dma source(%dma_start3A_572 : memref<1x16xf32, #tpu.memory_space<hbm>>) target(%dma_start3A_570 : memref<1x16xf32, #tpu.memory_space<vmem>>) target_semaphore(%arg22 : memref<!tpu.dma_semaphore, #tpu.memory_space<semaphore_mem>>)
      %dma_start3A_573 = arith.constant 0 : i32
      %dma_start3A_574 = tpu.memref_slice %arg19[%add3A_548, %dma_start3A_573] : memref<128x16xf32, #tpu.memory_space<vmem>> -> memref<1x16xf32, #tpu.memory_space<vmem>>
      %dma_start3A_575 = arith.constant 0 : i32
      %dma_start3A_576 = tpu.memref_slice %arg8[%squeeze3A_544, %dma_start3A_575] : memref<200x16xf32, #tpu.memory_space<hbm>> -> memref<1x16xf32, #tpu.memory_space<hbm>>
      %dma_start3A_577 = arith.constant 0 : i32
      %dma_start3A_578 = tpu.memref_slice %arg19[%add3A_548, %dma_start3A_577] : memref<128x16xf32, #tpu.memory_space<vmem>> -> memref<1x16xf32, #tpu.memory_space<vmem>>
      %dma_start3A_579 = arith.constant 0 : i32
      %dma_start3A_580 = tpu.memref_slice %arg8[%squeeze3A_544, %dma_start3A_579] : memref<200x16xf32, #tpu.memory_space<hbm>> -> memref<1x16xf32, #tpu.memory_space<hbm>>
      tpu.enqueue_dma source(%dma_start3A_580 : memref<1x16xf32, #tpu.memory_space<hbm>>) target(%dma_start3A_578 : memref<1x16xf32, #tpu.memory_space<vmem>>) target_semaphore(%arg23 : memref<!tpu.dma_semaphore, #tpu.memory_space<semaphore_mem>>)
      %slice3A_581 = vector.extract_strided_slice %get3A_135 {offsets = [10], sizes = [1], strides = [1]} : vector<16xi32> to vector<1xi32>
      %squeeze3A_582 = vector.extract %slice3A_581[0] : i32 from vector<1xi32>
      %slice3A_583 = vector.extract_strided_slice %shift_right_logical3A_143 {offsets = [10], sizes = [1], strides = [1]} : vector<16xi32> to vector<1xi32>
      %squeeze3A_584 = vector.extract %slice3A_583[0] : i32 from vector<1xi32>
      %slice3A_585 = vector.extract_strided_slice %get3A_138 {offsets = [10], sizes = [1], strides = [1]} : vector<16xi32> to vector<1xi32>
      %squeeze3A_586 = vector.extract %slice3A_585[0] : i32 from vector<1xi32>
      %slice3A_587 = vector.extract_strided_slice %get3A_141 {offsets = [10], sizes = [1], strides = [1]} : vector<16xi32> to vector<1xi32>
      %squeeze3A_588 = vector.extract %slice3A_587[0] : i32 from vector<1xi32>
      %mul3A_589 = arith.constant 16 : i32
      %mul3A_590 = arith.muli %scan3A_129, %mul3A_589 : i32
      %add3A_591 = arith.constant 10 : i32
      %add3A_592 = arith.addi %mul3A_590, %add3A_591 : i32
      %dma_start3A_593 = arith.constant 0 : i32
      %dma_start3A_594 = tpu.memref_slice %arg16[%add3A_592, %dma_start3A_593] : memref<128x16xf32, #tpu.memory_space<vmem>> -> memref<1x16xf32, #tpu.memory_space<vmem>>
      %dma_start3A_595 = arith.constant 0 : i32
      %dma_start3A_596 = tpu.memref_slice %arg5[%squeeze3A_582, %dma_start3A_595] : memref<1000000x16xf32, #tpu.memory_space<hbm>> -> memref<1x16xf32, #tpu.memory_space<hbm>>
      %dma_start3A_597 = arith.constant 0 : i32
      %dma_start3A_598 = tpu.memref_slice %arg16[%add3A_592, %dma_start3A_597] : memref<128x16xf32, #tpu.memory_space<vmem>> -> memref<1x16xf32, #tpu.memory_space<vmem>>
      %dma_start3A_599 = arith.constant 0 : i32
      %dma_start3A_600 = tpu.memref_slice %arg5[%squeeze3A_582, %dma_start3A_599] : memref<1000000x16xf32, #tpu.memory_space<hbm>> -> memref<1x16xf32, #tpu.memory_space<hbm>>
      tpu.enqueue_dma source(%dma_start3A_600 : memref<1x16xf32, #tpu.memory_space<hbm>>) target(%dma_start3A_598 : memref<1x16xf32, #tpu.memory_space<vmem>>) target_semaphore(%arg20 : memref<!tpu.dma_semaphore, #tpu.memory_space<semaphore_mem>>)
      %dma_start3A_601 = arith.constant 0 : i32
      %dma_start3A_602 = tpu.memref_slice %arg17[%add3A_592, %dma_start3A_601] : memref<128x104xf32, #tpu.memory_space<vmem>> -> memref<1x104xf32, #tpu.memory_space<vmem>>
      %dma_start3A_603 = arith.constant 0 : i32
      %dma_start3A_604 = tpu.memref_slice %arg6[%squeeze3A_584, %dma_start3A_603] : memref<250000x104xf32, #tpu.memory_space<hbm>> -> memref<1x104xf32, #tpu.memory_space<hbm>>
      %dma_start3A_605 = arith.constant 0 : i32
      %dma_start3A_606 = tpu.memref_slice %arg17[%add3A_592, %dma_start3A_605] : memref<128x104xf32, #tpu.memory_space<vmem>> -> memref<1x104xf32, #tpu.memory_space<vmem>>
      %dma_start3A_607 = arith.constant 0 : i32
      %dma_start3A_608 = tpu.memref_slice %arg6[%squeeze3A_584, %dma_start3A_607] : memref<250000x104xf32, #tpu.memory_space<hbm>> -> memref<1x104xf32, #tpu.memory_space<hbm>>
      tpu.enqueue_dma source(%dma_start3A_608 : memref<1x104xf32, #tpu.memory_space<hbm>>) target(%dma_start3A_606 : memref<1x104xf32, #tpu.memory_space<vmem>>) target_semaphore(%arg21 : memref<!tpu.dma_semaphore, #tpu.memory_space<semaphore_mem>>)
      %dma_start3A_609 = arith.constant 0 : i32
      %dma_start3A_610 = tpu.memref_slice %arg18[%add3A_592, %dma_start3A_609] : memref<128x16xf32, #tpu.memory_space<vmem>> -> memref<1x16xf32, #tpu.memory_space<vmem>>
      %dma_start3A_611 = arith.constant 0 : i32
      %dma_start3A_612 = tpu.memref_slice %arg7[%squeeze3A_586, %dma_start3A_611] : memref<1000x16xf32, #tpu.memory_space<hbm>> -> memref<1x16xf32, #tpu.memory_space<hbm>>
      %dma_start3A_613 = arith.constant 0 : i32
      %dma_start3A_614 = tpu.memref_slice %arg18[%add3A_592, %dma_start3A_613] : memref<128x16xf32, #tpu.memory_space<vmem>> -> memref<1x16xf32, #tpu.memory_space<vmem>>
      %dma_start3A_615 = arith.constant 0 : i32
      %dma_start3A_616 = tpu.memref_slice %arg7[%squeeze3A_586, %dma_start3A_615] : memref<1000x16xf32, #tpu.memory_space<hbm>> -> memref<1x16xf32, #tpu.memory_space<hbm>>
      tpu.enqueue_dma source(%dma_start3A_616 : memref<1x16xf32, #tpu.memory_space<hbm>>) target(%dma_start3A_614 : memref<1x16xf32, #tpu.memory_space<vmem>>) target_semaphore(%arg22 : memref<!tpu.dma_semaphore, #tpu.memory_space<semaphore_mem>>)
      %dma_start3A_617 = arith.constant 0 : i32
      %dma_start3A_618 = tpu.memref_slice %arg19[%add3A_592, %dma_start3A_617] : memref<128x16xf32, #tpu.memory_space<vmem>> -> memref<1x16xf32, #tpu.memory_space<vmem>>
      %dma_start3A_619 = arith.constant 0 : i32
      %dma_start3A_620 = tpu.memref_slice %arg8[%squeeze3A_588, %dma_start3A_619] : memref<200x16xf32, #tpu.memory_space<hbm>> -> memref<1x16xf32, #tpu.memory_space<hbm>>
      %dma_start3A_621 = arith.constant 0 : i32
      %dma_start3A_622 = tpu.memref_slice %arg19[%add3A_592, %dma_start3A_621] : memref<128x16xf32, #tpu.memory_space<vmem>> -> memref<1x16xf32, #tpu.memory_space<vmem>>
      %dma_start3A_623 = arith.constant 0 : i32
      %dma_start3A_624 = tpu.memref_slice %arg8[%squeeze3A_588, %dma_start3A_623] : memref<200x16xf32, #tpu.memory_space<hbm>> -> memref<1x16xf32, #tpu.memory_space<hbm>>
      tpu.enqueue_dma source(%dma_start3A_624 : memref<1x16xf32, #tpu.memory_space<hbm>>) target(%dma_start3A_622 : memref<1x16xf32, #tpu.memory_space<vmem>>) target_semaphore(%arg23 : memref<!tpu.dma_semaphore, #tpu.memory_space<semaphore_mem>>)
      %slice3A_625 = vector.extract_strided_slice %get3A_135 {offsets = [11], sizes = [1], strides = [1]} : vector<16xi32> to vector<1xi32>
      %squeeze3A_626 = vector.extract %slice3A_625[0] : i32 from vector<1xi32>
      %slice3A_627 = vector.extract_strided_slice %shift_right_logical3A_143 {offsets = [11], sizes = [1], strides = [1]} : vector<16xi32> to vector<1xi32>
      %squeeze3A_628 = vector.extract %slice3A_627[0] : i32 from vector<1xi32>
      %slice3A_629 = vector.extract_strided_slice %get3A_138 {offsets = [11], sizes = [1], strides = [1]} : vector<16xi32> to vector<1xi32>
      %squeeze3A_630 = vector.extract %slice3A_629[0] : i32 from vector<1xi32>
      %slice3A_631 = vector.extract_strided_slice %get3A_141 {offsets = [11], sizes = [1], strides = [1]} : vector<16xi32> to vector<1xi32>
      %squeeze3A_632 = vector.extract %slice3A_631[0] : i32 from vector<1xi32>
      %mul3A_633 = arith.constant 16 : i32
      %mul3A_634 = arith.muli %scan3A_129, %mul3A_633 : i32
      %add3A_635 = arith.constant 11 : i32
      %add3A_636 = arith.addi %mul3A_634, %add3A_635 : i32
      %dma_start3A_637 = arith.constant 0 : i32
      %dma_start3A_638 = tpu.memref_slice %arg16[%add3A_636, %dma_start3A_637] : memref<128x16xf32, #tpu.memory_space<vmem>> -> memref<1x16xf32, #tpu.memory_space<vmem>>
      %dma_start3A_639 = arith.constant 0 : i32
      %dma_start3A_640 = tpu.memref_slice %arg5[%squeeze3A_626, %dma_start3A_639] : memref<1000000x16xf32, #tpu.memory_space<hbm>> -> memref<1x16xf32, #tpu.memory_space<hbm>>
      %dma_start3A_641 = arith.constant 0 : i32
      %dma_start3A_642 = tpu.memref_slice %arg16[%add3A_636, %dma_start3A_641] : memref<128x16xf32, #tpu.memory_space<vmem>> -> memref<1x16xf32, #tpu.memory_space<vmem>>
      %dma_start3A_643 = arith.constant 0 : i32
      %dma_start3A_644 = tpu.memref_slice %arg5[%squeeze3A_626, %dma_start3A_643] : memref<1000000x16xf32, #tpu.memory_space<hbm>> -> memref<1x16xf32, #tpu.memory_space<hbm>>
      tpu.enqueue_dma source(%dma_start3A_644 : memref<1x16xf32, #tpu.memory_space<hbm>>) target(%dma_start3A_642 : memref<1x16xf32, #tpu.memory_space<vmem>>) target_semaphore(%arg20 : memref<!tpu.dma_semaphore, #tpu.memory_space<semaphore_mem>>)
      %dma_start3A_645 = arith.constant 0 : i32
      %dma_start3A_646 = tpu.memref_slice %arg17[%add3A_636, %dma_start3A_645] : memref<128x104xf32, #tpu.memory_space<vmem>> -> memref<1x104xf32, #tpu.memory_space<vmem>>
      %dma_start3A_647 = arith.constant 0 : i32
      %dma_start3A_648 = tpu.memref_slice %arg6[%squeeze3A_628, %dma_start3A_647] : memref<250000x104xf32, #tpu.memory_space<hbm>> -> memref<1x104xf32, #tpu.memory_space<hbm>>
      %dma_start3A_649 = arith.constant 0 : i32
      %dma_start3A_650 = tpu.memref_slice %arg17[%add3A_636, %dma_start3A_649] : memref<128x104xf32, #tpu.memory_space<vmem>> -> memref<1x104xf32, #tpu.memory_space<vmem>>
      %dma_start3A_651 = arith.constant 0 : i32
      %dma_start3A_652 = tpu.memref_slice %arg6[%squeeze3A_628, %dma_start3A_651] : memref<250000x104xf32, #tpu.memory_space<hbm>> -> memref<1x104xf32, #tpu.memory_space<hbm>>
      tpu.enqueue_dma source(%dma_start3A_652 : memref<1x104xf32, #tpu.memory_space<hbm>>) target(%dma_start3A_650 : memref<1x104xf32, #tpu.memory_space<vmem>>) target_semaphore(%arg21 : memref<!tpu.dma_semaphore, #tpu.memory_space<semaphore_mem>>)
      %dma_start3A_653 = arith.constant 0 : i32
      %dma_start3A_654 = tpu.memref_slice %arg18[%add3A_636, %dma_start3A_653] : memref<128x16xf32, #tpu.memory_space<vmem>> -> memref<1x16xf32, #tpu.memory_space<vmem>>
      %dma_start3A_655 = arith.constant 0 : i32
      %dma_start3A_656 = tpu.memref_slice %arg7[%squeeze3A_630, %dma_start3A_655] : memref<1000x16xf32, #tpu.memory_space<hbm>> -> memref<1x16xf32, #tpu.memory_space<hbm>>
      %dma_start3A_657 = arith.constant 0 : i32
      %dma_start3A_658 = tpu.memref_slice %arg18[%add3A_636, %dma_start3A_657] : memref<128x16xf32, #tpu.memory_space<vmem>> -> memref<1x16xf32, #tpu.memory_space<vmem>>
      %dma_start3A_659 = arith.constant 0 : i32
      %dma_start3A_660 = tpu.memref_slice %arg7[%squeeze3A_630, %dma_start3A_659] : memref<1000x16xf32, #tpu.memory_space<hbm>> -> memref<1x16xf32, #tpu.memory_space<hbm>>
      tpu.enqueue_dma source(%dma_start3A_660 : memref<1x16xf32, #tpu.memory_space<hbm>>) target(%dma_start3A_658 : memref<1x16xf32, #tpu.memory_space<vmem>>) target_semaphore(%arg22 : memref<!tpu.dma_semaphore, #tpu.memory_space<semaphore_mem>>)
      %dma_start3A_661 = arith.constant 0 : i32
      %dma_start3A_662 = tpu.memref_slice %arg19[%add3A_636, %dma_start3A_661] : memref<128x16xf32, #tpu.memory_space<vmem>> -> memref<1x16xf32, #tpu.memory_space<vmem>>
      %dma_start3A_663 = arith.constant 0 : i32
      %dma_start3A_664 = tpu.memref_slice %arg8[%squeeze3A_632, %dma_start3A_663] : memref<200x16xf32, #tpu.memory_space<hbm>> -> memref<1x16xf32, #tpu.memory_space<hbm>>
      %dma_start3A_665 = arith.constant 0 : i32
      %dma_start3A_666 = tpu.memref_slice %arg19[%add3A_636, %dma_start3A_665] : memref<128x16xf32, #tpu.memory_space<vmem>> -> memref<1x16xf32, #tpu.memory_space<vmem>>
      %dma_start3A_667 = arith.constant 0 : i32
      %dma_start3A_668 = tpu.memref_slice %arg8[%squeeze3A_632, %dma_start3A_667] : memref<200x16xf32, #tpu.memory_space<hbm>> -> memref<1x16xf32, #tpu.memory_space<hbm>>
      tpu.enqueue_dma source(%dma_start3A_668 : memref<1x16xf32, #tpu.memory_space<hbm>>) target(%dma_start3A_666 : memref<1x16xf32, #tpu.memory_space<vmem>>) target_semaphore(%arg23 : memref<!tpu.dma_semaphore, #tpu.memory_space<semaphore_mem>>)
      %slice3A_669 = vector.extract_strided_slice %get3A_135 {offsets = [12], sizes = [1], strides = [1]} : vector<16xi32> to vector<1xi32>
      %squeeze3A_670 = vector.extract %slice3A_669[0] : i32 from vector<1xi32>
      %slice3A_671 = vector.extract_strided_slice %shift_right_logical3A_143 {offsets = [12], sizes = [1], strides = [1]} : vector<16xi32> to vector<1xi32>
      %squeeze3A_672 = vector.extract %slice3A_671[0] : i32 from vector<1xi32>
      %slice3A_673 = vector.extract_strided_slice %get3A_138 {offsets = [12], sizes = [1], strides = [1]} : vector<16xi32> to vector<1xi32>
      %squeeze3A_674 = vector.extract %slice3A_673[0] : i32 from vector<1xi32>
      %slice3A_675 = vector.extract_strided_slice %get3A_141 {offsets = [12], sizes = [1], strides = [1]} : vector<16xi32> to vector<1xi32>
      %squeeze3A_676 = vector.extract %slice3A_675[0] : i32 from vector<1xi32>
      %mul3A_677 = arith.constant 16 : i32
      %mul3A_678 = arith.muli %scan3A_129, %mul3A_677 : i32
      %add3A_679 = arith.constant 12 : i32
      %add3A_680 = arith.addi %mul3A_678, %add3A_679 : i32
      %dma_start3A_681 = arith.constant 0 : i32
      %dma_start3A_682 = tpu.memref_slice %arg16[%add3A_680, %dma_start3A_681] : memref<128x16xf32, #tpu.memory_space<vmem>> -> memref<1x16xf32, #tpu.memory_space<vmem>>
      %dma_start3A_683 = arith.constant 0 : i32
      %dma_start3A_684 = tpu.memref_slice %arg5[%squeeze3A_670, %dma_start3A_683] : memref<1000000x16xf32, #tpu.memory_space<hbm>> -> memref<1x16xf32, #tpu.memory_space<hbm>>
      %dma_start3A_685 = arith.constant 0 : i32
      %dma_start3A_686 = tpu.memref_slice %arg16[%add3A_680, %dma_start3A_685] : memref<128x16xf32, #tpu.memory_space<vmem>> -> memref<1x16xf32, #tpu.memory_space<vmem>>
      %dma_start3A_687 = arith.constant 0 : i32
      %dma_start3A_688 = tpu.memref_slice %arg5[%squeeze3A_670, %dma_start3A_687] : memref<1000000x16xf32, #tpu.memory_space<hbm>> -> memref<1x16xf32, #tpu.memory_space<hbm>>
      tpu.enqueue_dma source(%dma_start3A_688 : memref<1x16xf32, #tpu.memory_space<hbm>>) target(%dma_start3A_686 : memref<1x16xf32, #tpu.memory_space<vmem>>) target_semaphore(%arg20 : memref<!tpu.dma_semaphore, #tpu.memory_space<semaphore_mem>>)
      %dma_start3A_689 = arith.constant 0 : i32
      %dma_start3A_690 = tpu.memref_slice %arg17[%add3A_680, %dma_start3A_689] : memref<128x104xf32, #tpu.memory_space<vmem>> -> memref<1x104xf32, #tpu.memory_space<vmem>>
      %dma_start3A_691 = arith.constant 0 : i32
      %dma_start3A_692 = tpu.memref_slice %arg6[%squeeze3A_672, %dma_start3A_691] : memref<250000x104xf32, #tpu.memory_space<hbm>> -> memref<1x104xf32, #tpu.memory_space<hbm>>
      %dma_start3A_693 = arith.constant 0 : i32
      %dma_start3A_694 = tpu.memref_slice %arg17[%add3A_680, %dma_start3A_693] : memref<128x104xf32, #tpu.memory_space<vmem>> -> memref<1x104xf32, #tpu.memory_space<vmem>>
      %dma_start3A_695 = arith.constant 0 : i32
      %dma_start3A_696 = tpu.memref_slice %arg6[%squeeze3A_672, %dma_start3A_695] : memref<250000x104xf32, #tpu.memory_space<hbm>> -> memref<1x104xf32, #tpu.memory_space<hbm>>
      tpu.enqueue_dma source(%dma_start3A_696 : memref<1x104xf32, #tpu.memory_space<hbm>>) target(%dma_start3A_694 : memref<1x104xf32, #tpu.memory_space<vmem>>) target_semaphore(%arg21 : memref<!tpu.dma_semaphore, #tpu.memory_space<semaphore_mem>>)
      %dma_start3A_697 = arith.constant 0 : i32
      %dma_start3A_698 = tpu.memref_slice %arg18[%add3A_680, %dma_start3A_697] : memref<128x16xf32, #tpu.memory_space<vmem>> -> memref<1x16xf32, #tpu.memory_space<vmem>>
      %dma_start3A_699 = arith.constant 0 : i32
      %dma_start3A_700 = tpu.memref_slice %arg7[%squeeze3A_674, %dma_start3A_699] : memref<1000x16xf32, #tpu.memory_space<hbm>> -> memref<1x16xf32, #tpu.memory_space<hbm>>
      %dma_start3A_701 = arith.constant 0 : i32
      %dma_start3A_702 = tpu.memref_slice %arg18[%add3A_680, %dma_start3A_701] : memref<128x16xf32, #tpu.memory_space<vmem>> -> memref<1x16xf32, #tpu.memory_space<vmem>>
      %dma_start3A_703 = arith.constant 0 : i32
      %dma_start3A_704 = tpu.memref_slice %arg7[%squeeze3A_674, %dma_start3A_703] : memref<1000x16xf32, #tpu.memory_space<hbm>> -> memref<1x16xf32, #tpu.memory_space<hbm>>
      tpu.enqueue_dma source(%dma_start3A_704 : memref<1x16xf32, #tpu.memory_space<hbm>>) target(%dma_start3A_702 : memref<1x16xf32, #tpu.memory_space<vmem>>) target_semaphore(%arg22 : memref<!tpu.dma_semaphore, #tpu.memory_space<semaphore_mem>>)
      %dma_start3A_705 = arith.constant 0 : i32
      %dma_start3A_706 = tpu.memref_slice %arg19[%add3A_680, %dma_start3A_705] : memref<128x16xf32, #tpu.memory_space<vmem>> -> memref<1x16xf32, #tpu.memory_space<vmem>>
      %dma_start3A_707 = arith.constant 0 : i32
      %dma_start3A_708 = tpu.memref_slice %arg8[%squeeze3A_676, %dma_start3A_707] : memref<200x16xf32, #tpu.memory_space<hbm>> -> memref<1x16xf32, #tpu.memory_space<hbm>>
      %dma_start3A_709 = arith.constant 0 : i32
      %dma_start3A_710 = tpu.memref_slice %arg19[%add3A_680, %dma_start3A_709] : memref<128x16xf32, #tpu.memory_space<vmem>> -> memref<1x16xf32, #tpu.memory_space<vmem>>
      %dma_start3A_711 = arith.constant 0 : i32
      %dma_start3A_712 = tpu.memref_slice %arg8[%squeeze3A_676, %dma_start3A_711] : memref<200x16xf32, #tpu.memory_space<hbm>> -> memref<1x16xf32, #tpu.memory_space<hbm>>
      tpu.enqueue_dma source(%dma_start3A_712 : memref<1x16xf32, #tpu.memory_space<hbm>>) target(%dma_start3A_710 : memref<1x16xf32, #tpu.memory_space<vmem>>) target_semaphore(%arg23 : memref<!tpu.dma_semaphore, #tpu.memory_space<semaphore_mem>>)
      %slice3A_713 = vector.extract_strided_slice %get3A_135 {offsets = [13], sizes = [1], strides = [1]} : vector<16xi32> to vector<1xi32>
      %squeeze3A_714 = vector.extract %slice3A_713[0] : i32 from vector<1xi32>
      %slice3A_715 = vector.extract_strided_slice %shift_right_logical3A_143 {offsets = [13], sizes = [1], strides = [1]} : vector<16xi32> to vector<1xi32>
      %squeeze3A_716 = vector.extract %slice3A_715[0] : i32 from vector<1xi32>
      %slice3A_717 = vector.extract_strided_slice %get3A_138 {offsets = [13], sizes = [1], strides = [1]} : vector<16xi32> to vector<1xi32>
      %squeeze3A_718 = vector.extract %slice3A_717[0] : i32 from vector<1xi32>
      %slice3A_719 = vector.extract_strided_slice %get3A_141 {offsets = [13], sizes = [1], strides = [1]} : vector<16xi32> to vector<1xi32>
      %squeeze3A_720 = vector.extract %slice3A_719[0] : i32 from vector<1xi32>
      %mul3A_721 = arith.constant 16 : i32
      %mul3A_722 = arith.muli %scan3A_129, %mul3A_721 : i32
      %add3A_723 = arith.constant 13 : i32
      %add3A_724 = arith.addi %mul3A_722, %add3A_723 : i32
      %dma_start3A_725 = arith.constant 0 : i32
      %dma_start3A_726 = tpu.memref_slice %arg16[%add3A_724, %dma_start3A_725] : memref<128x16xf32, #tpu.memory_space<vmem>> -> memref<1x16xf32, #tpu.memory_space<vmem>>
      %dma_start3A_727 = arith.constant 0 : i32
      %dma_start3A_728 = tpu.memref_slice %arg5[%squeeze3A_714, %dma_start3A_727] : memref<1000000x16xf32, #tpu.memory_space<hbm>> -> memref<1x16xf32, #tpu.memory_space<hbm>>
      %dma_start3A_729 = arith.constant 0 : i32
      %dma_start3A_730 = tpu.memref_slice %arg16[%add3A_724, %dma_start3A_729] : memref<128x16xf32, #tpu.memory_space<vmem>> -> memref<1x16xf32, #tpu.memory_space<vmem>>
      %dma_start3A_731 = arith.constant 0 : i32
      %dma_start3A_732 = tpu.memref_slice %arg5[%squeeze3A_714, %dma_start3A_731] : memref<1000000x16xf32, #tpu.memory_space<hbm>> -> memref<1x16xf32, #tpu.memory_space<hbm>>
      tpu.enqueue_dma source(%dma_start3A_732 : memref<1x16xf32, #tpu.memory_space<hbm>>) target(%dma_start3A_730 : memref<1x16xf32, #tpu.memory_space<vmem>>) target_semaphore(%arg20 : memref<!tpu.dma_semaphore, #tpu.memory_space<semaphore_mem>>)
      %dma_start3A_733 = arith.constant 0 : i32
      %dma_start3A_734 = tpu.memref_slice %arg17[%add3A_724, %dma_start3A_733] : memref<128x104xf32, #tpu.memory_space<vmem>> -> memref<1x104xf32, #tpu.memory_space<vmem>>
      %dma_start3A_735 = arith.constant 0 : i32
      %dma_start3A_736 = tpu.memref_slice %arg6[%squeeze3A_716, %dma_start3A_735] : memref<250000x104xf32, #tpu.memory_space<hbm>> -> memref<1x104xf32, #tpu.memory_space<hbm>>
      %dma_start3A_737 = arith.constant 0 : i32
      %dma_start3A_738 = tpu.memref_slice %arg17[%add3A_724, %dma_start3A_737] : memref<128x104xf32, #tpu.memory_space<vmem>> -> memref<1x104xf32, #tpu.memory_space<vmem>>
      %dma_start3A_739 = arith.constant 0 : i32
      %dma_start3A_740 = tpu.memref_slice %arg6[%squeeze3A_716, %dma_start3A_739] : memref<250000x104xf32, #tpu.memory_space<hbm>> -> memref<1x104xf32, #tpu.memory_space<hbm>>
      tpu.enqueue_dma source(%dma_start3A_740 : memref<1x104xf32, #tpu.memory_space<hbm>>) target(%dma_start3A_738 : memref<1x104xf32, #tpu.memory_space<vmem>>) target_semaphore(%arg21 : memref<!tpu.dma_semaphore, #tpu.memory_space<semaphore_mem>>)
      %dma_start3A_741 = arith.constant 0 : i32
      %dma_start3A_742 = tpu.memref_slice %arg18[%add3A_724, %dma_start3A_741] : memref<128x16xf32, #tpu.memory_space<vmem>> -> memref<1x16xf32, #tpu.memory_space<vmem>>
      %dma_start3A_743 = arith.constant 0 : i32
      %dma_start3A_744 = tpu.memref_slice %arg7[%squeeze3A_718, %dma_start3A_743] : memref<1000x16xf32, #tpu.memory_space<hbm>> -> memref<1x16xf32, #tpu.memory_space<hbm>>
      %dma_start3A_745 = arith.constant 0 : i32
      %dma_start3A_746 = tpu.memref_slice %arg18[%add3A_724, %dma_start3A_745] : memref<128x16xf32, #tpu.memory_space<vmem>> -> memref<1x16xf32, #tpu.memory_space<vmem>>
      %dma_start3A_747 = arith.constant 0 : i32
      %dma_start3A_748 = tpu.memref_slice %arg7[%squeeze3A_718, %dma_start3A_747] : memref<1000x16xf32, #tpu.memory_space<hbm>> -> memref<1x16xf32, #tpu.memory_space<hbm>>
      tpu.enqueue_dma source(%dma_start3A_748 : memref<1x16xf32, #tpu.memory_space<hbm>>) target(%dma_start3A_746 : memref<1x16xf32, #tpu.memory_space<vmem>>) target_semaphore(%arg22 : memref<!tpu.dma_semaphore, #tpu.memory_space<semaphore_mem>>)
      %dma_start3A_749 = arith.constant 0 : i32
      %dma_start3A_750 = tpu.memref_slice %arg19[%add3A_724, %dma_start3A_749] : memref<128x16xf32, #tpu.memory_space<vmem>> -> memref<1x16xf32, #tpu.memory_space<vmem>>
      %dma_start3A_751 = arith.constant 0 : i32
      %dma_start3A_752 = tpu.memref_slice %arg8[%squeeze3A_720, %dma_start3A_751] : memref<200x16xf32, #tpu.memory_space<hbm>> -> memref<1x16xf32, #tpu.memory_space<hbm>>
      %dma_start3A_753 = arith.constant 0 : i32
      %dma_start3A_754 = tpu.memref_slice %arg19[%add3A_724, %dma_start3A_753] : memref<128x16xf32, #tpu.memory_space<vmem>> -> memref<1x16xf32, #tpu.memory_space<vmem>>
      %dma_start3A_755 = arith.constant 0 : i32
      %dma_start3A_756 = tpu.memref_slice %arg8[%squeeze3A_720, %dma_start3A_755] : memref<200x16xf32, #tpu.memory_space<hbm>> -> memref<1x16xf32, #tpu.memory_space<hbm>>
      tpu.enqueue_dma source(%dma_start3A_756 : memref<1x16xf32, #tpu.memory_space<hbm>>) target(%dma_start3A_754 : memref<1x16xf32, #tpu.memory_space<vmem>>) target_semaphore(%arg23 : memref<!tpu.dma_semaphore, #tpu.memory_space<semaphore_mem>>)
      %slice3A_757 = vector.extract_strided_slice %get3A_135 {offsets = [14], sizes = [1], strides = [1]} : vector<16xi32> to vector<1xi32>
      %squeeze3A_758 = vector.extract %slice3A_757[0] : i32 from vector<1xi32>
      %slice3A_759 = vector.extract_strided_slice %shift_right_logical3A_143 {offsets = [14], sizes = [1], strides = [1]} : vector<16xi32> to vector<1xi32>
      %squeeze3A_760 = vector.extract %slice3A_759[0] : i32 from vector<1xi32>
      %slice3A_761 = vector.extract_strided_slice %get3A_138 {offsets = [14], sizes = [1], strides = [1]} : vector<16xi32> to vector<1xi32>
      %squeeze3A_762 = vector.extract %slice3A_761[0] : i32 from vector<1xi32>
      %slice3A_763 = vector.extract_strided_slice %get3A_141 {offsets = [14], sizes = [1], strides = [1]} : vector<16xi32> to vector<1xi32>
      %squeeze3A_764 = vector.extract %slice3A_763[0] : i32 from vector<1xi32>
      %mul3A_765 = arith.constant 16 : i32
      %mul3A_766 = arith.muli %scan3A_129, %mul3A_765 : i32
      %add3A_767 = arith.constant 14 : i32
      %add3A_768 = arith.addi %mul3A_766, %add3A_767 : i32
      %dma_start3A_769 = arith.constant 0 : i32
      %dma_start3A_770 = tpu.memref_slice %arg16[%add3A_768, %dma_start3A_769] : memref<128x16xf32, #tpu.memory_space<vmem>> -> memref<1x16xf32, #tpu.memory_space<vmem>>
      %dma_start3A_771 = arith.constant 0 : i32
      %dma_start3A_772 = tpu.memref_slice %arg5[%squeeze3A_758, %dma_start3A_771] : memref<1000000x16xf32, #tpu.memory_space<hbm>> -> memref<1x16xf32, #tpu.memory_space<hbm>>
      %dma_start3A_773 = arith.constant 0 : i32
      %dma_start3A_774 = tpu.memref_slice %arg16[%add3A_768, %dma_start3A_773] : memref<128x16xf32, #tpu.memory_space<vmem>> -> memref<1x16xf32, #tpu.memory_space<vmem>>
      %dma_start3A_775 = arith.constant 0 : i32
      %dma_start3A_776 = tpu.memref_slice %arg5[%squeeze3A_758, %dma_start3A_775] : memref<1000000x16xf32, #tpu.memory_space<hbm>> -> memref<1x16xf32, #tpu.memory_space<hbm>>
      tpu.enqueue_dma source(%dma_start3A_776 : memref<1x16xf32, #tpu.memory_space<hbm>>) target(%dma_start3A_774 : memref<1x16xf32, #tpu.memory_space<vmem>>) target_semaphore(%arg20 : memref<!tpu.dma_semaphore, #tpu.memory_space<semaphore_mem>>)
      %dma_start3A_777 = arith.constant 0 : i32
      %dma_start3A_778 = tpu.memref_slice %arg17[%add3A_768, %dma_start3A_777] : memref<128x104xf32, #tpu.memory_space<vmem>> -> memref<1x104xf32, #tpu.memory_space<vmem>>
      %dma_start3A_779 = arith.constant 0 : i32
      %dma_start3A_780 = tpu.memref_slice %arg6[%squeeze3A_760, %dma_start3A_779] : memref<250000x104xf32, #tpu.memory_space<hbm>> -> memref<1x104xf32, #tpu.memory_space<hbm>>
      %dma_start3A_781 = arith.constant 0 : i32
      %dma_start3A_782 = tpu.memref_slice %arg17[%add3A_768, %dma_start3A_781] : memref<128x104xf32, #tpu.memory_space<vmem>> -> memref<1x104xf32, #tpu.memory_space<vmem>>
      %dma_start3A_783 = arith.constant 0 : i32
      %dma_start3A_784 = tpu.memref_slice %arg6[%squeeze3A_760, %dma_start3A_783] : memref<250000x104xf32, #tpu.memory_space<hbm>> -> memref<1x104xf32, #tpu.memory_space<hbm>>
      tpu.enqueue_dma source(%dma_start3A_784 : memref<1x104xf32, #tpu.memory_space<hbm>>) target(%dma_start3A_782 : memref<1x104xf32, #tpu.memory_space<vmem>>) target_semaphore(%arg21 : memref<!tpu.dma_semaphore, #tpu.memory_space<semaphore_mem>>)
      %dma_start3A_785 = arith.constant 0 : i32
      %dma_start3A_786 = tpu.memref_slice %arg18[%add3A_768, %dma_start3A_785] : memref<128x16xf32, #tpu.memory_space<vmem>> -> memref<1x16xf32, #tpu.memory_space<vmem>>
      %dma_start3A_787 = arith.constant 0 : i32
      %dma_start3A_788 = tpu.memref_slice %arg7[%squeeze3A_762, %dma_start3A_787] : memref<1000x16xf32, #tpu.memory_space<hbm>> -> memref<1x16xf32, #tpu.memory_space<hbm>>
      %dma_start3A_789 = arith.constant 0 : i32
      %dma_start3A_790 = tpu.memref_slice %arg18[%add3A_768, %dma_start3A_789] : memref<128x16xf32, #tpu.memory_space<vmem>> -> memref<1x16xf32, #tpu.memory_space<vmem>>
      %dma_start3A_791 = arith.constant 0 : i32
      %dma_start3A_792 = tpu.memref_slice %arg7[%squeeze3A_762, %dma_start3A_791] : memref<1000x16xf32, #tpu.memory_space<hbm>> -> memref<1x16xf32, #tpu.memory_space<hbm>>
      tpu.enqueue_dma source(%dma_start3A_792 : memref<1x16xf32, #tpu.memory_space<hbm>>) target(%dma_start3A_790 : memref<1x16xf32, #tpu.memory_space<vmem>>) target_semaphore(%arg22 : memref<!tpu.dma_semaphore, #tpu.memory_space<semaphore_mem>>)
      %dma_start3A_793 = arith.constant 0 : i32
      %dma_start3A_794 = tpu.memref_slice %arg19[%add3A_768, %dma_start3A_793] : memref<128x16xf32, #tpu.memory_space<vmem>> -> memref<1x16xf32, #tpu.memory_space<vmem>>
      %dma_start3A_795 = arith.constant 0 : i32
      %dma_start3A_796 = tpu.memref_slice %arg8[%squeeze3A_764, %dma_start3A_795] : memref<200x16xf32, #tpu.memory_space<hbm>> -> memref<1x16xf32, #tpu.memory_space<hbm>>
      %dma_start3A_797 = arith.constant 0 : i32
      %dma_start3A_798 = tpu.memref_slice %arg19[%add3A_768, %dma_start3A_797] : memref<128x16xf32, #tpu.memory_space<vmem>> -> memref<1x16xf32, #tpu.memory_space<vmem>>
      %dma_start3A_799 = arith.constant 0 : i32
      %dma_start3A_800 = tpu.memref_slice %arg8[%squeeze3A_764, %dma_start3A_799] : memref<200x16xf32, #tpu.memory_space<hbm>> -> memref<1x16xf32, #tpu.memory_space<hbm>>
      tpu.enqueue_dma source(%dma_start3A_800 : memref<1x16xf32, #tpu.memory_space<hbm>>) target(%dma_start3A_798 : memref<1x16xf32, #tpu.memory_space<vmem>>) target_semaphore(%arg23 : memref<!tpu.dma_semaphore, #tpu.memory_space<semaphore_mem>>)
      %slice3A_801 = vector.extract_strided_slice %get3A_135 {offsets = [15], sizes = [1], strides = [1]} : vector<16xi32> to vector<1xi32>
      %squeeze3A_802 = vector.extract %slice3A_801[0] : i32 from vector<1xi32>
      %slice3A_803 = vector.extract_strided_slice %shift_right_logical3A_143 {offsets = [15], sizes = [1], strides = [1]} : vector<16xi32> to vector<1xi32>
      %squeeze3A_804 = vector.extract %slice3A_803[0] : i32 from vector<1xi32>
      %slice3A_805 = vector.extract_strided_slice %get3A_138 {offsets = [15], sizes = [1], strides = [1]} : vector<16xi32> to vector<1xi32>
      %squeeze3A_806 = vector.extract %slice3A_805[0] : i32 from vector<1xi32>
      %slice3A_807 = vector.extract_strided_slice %get3A_141 {offsets = [15], sizes = [1], strides = [1]} : vector<16xi32> to vector<1xi32>
      %squeeze3A_808 = vector.extract %slice3A_807[0] : i32 from vector<1xi32>
      %mul3A_809 = arith.constant 16 : i32
      %mul3A_810 = arith.muli %scan3A_129, %mul3A_809 : i32
      %add3A_811 = arith.constant 15 : i32
      %add3A_812 = arith.addi %mul3A_810, %add3A_811 : i32
      %dma_start3A_813 = arith.constant 0 : i32
      %dma_start3A_814 = tpu.memref_slice %arg16[%add3A_812, %dma_start3A_813] : memref<128x16xf32, #tpu.memory_space<vmem>> -> memref<1x16xf32, #tpu.memory_space<vmem>>
      %dma_start3A_815 = arith.constant 0 : i32
      %dma_start3A_816 = tpu.memref_slice %arg5[%squeeze3A_802, %dma_start3A_815] : memref<1000000x16xf32, #tpu.memory_space<hbm>> -> memref<1x16xf32, #tpu.memory_space<hbm>>
      %dma_start3A_817 = arith.constant 0 : i32
      %dma_start3A_818 = tpu.memref_slice %arg16[%add3A_812, %dma_start3A_817] : memref<128x16xf32, #tpu.memory_space<vmem>> -> memref<1x16xf32, #tpu.memory_space<vmem>>
      %dma_start3A_819 = arith.constant 0 : i32
      %dma_start3A_820 = tpu.memref_slice %arg5[%squeeze3A_802, %dma_start3A_819] : memref<1000000x16xf32, #tpu.memory_space<hbm>> -> memref<1x16xf32, #tpu.memory_space<hbm>>
      tpu.enqueue_dma source(%dma_start3A_820 : memref<1x16xf32, #tpu.memory_space<hbm>>) target(%dma_start3A_818 : memref<1x16xf32, #tpu.memory_space<vmem>>) target_semaphore(%arg20 : memref<!tpu.dma_semaphore, #tpu.memory_space<semaphore_mem>>)
      %dma_start3A_821 = arith.constant 0 : i32
      %dma_start3A_822 = tpu.memref_slice %arg17[%add3A_812, %dma_start3A_821] : memref<128x104xf32, #tpu.memory_space<vmem>> -> memref<1x104xf32, #tpu.memory_space<vmem>>
      %dma_start3A_823 = arith.constant 0 : i32
      %dma_start3A_824 = tpu.memref_slice %arg6[%squeeze3A_804, %dma_start3A_823] : memref<250000x104xf32, #tpu.memory_space<hbm>> -> memref<1x104xf32, #tpu.memory_space<hbm>>
      %dma_start3A_825 = arith.constant 0 : i32
      %dma_start3A_826 = tpu.memref_slice %arg17[%add3A_812, %dma_start3A_825] : memref<128x104xf32, #tpu.memory_space<vmem>> -> memref<1x104xf32, #tpu.memory_space<vmem>>
      %dma_start3A_827 = arith.constant 0 : i32
      %dma_start3A_828 = tpu.memref_slice %arg6[%squeeze3A_804, %dma_start3A_827] : memref<250000x104xf32, #tpu.memory_space<hbm>> -> memref<1x104xf32, #tpu.memory_space<hbm>>
      tpu.enqueue_dma source(%dma_start3A_828 : memref<1x104xf32, #tpu.memory_space<hbm>>) target(%dma_start3A_826 : memref<1x104xf32, #tpu.memory_space<vmem>>) target_semaphore(%arg21 : memref<!tpu.dma_semaphore, #tpu.memory_space<semaphore_mem>>)
      %dma_start3A_829 = arith.constant 0 : i32
      %dma_start3A_830 = tpu.memref_slice %arg18[%add3A_812, %dma_start3A_829] : memref<128x16xf32, #tpu.memory_space<vmem>> -> memref<1x16xf32, #tpu.memory_space<vmem>>
      %dma_start3A_831 = arith.constant 0 : i32
      %dma_start3A_832 = tpu.memref_slice %arg7[%squeeze3A_806, %dma_start3A_831] : memref<1000x16xf32, #tpu.memory_space<hbm>> -> memref<1x16xf32, #tpu.memory_space<hbm>>
      %dma_start3A_833 = arith.constant 0 : i32
      %dma_start3A_834 = tpu.memref_slice %arg18[%add3A_812, %dma_start3A_833] : memref<128x16xf32, #tpu.memory_space<vmem>> -> memref<1x16xf32, #tpu.memory_space<vmem>>
      %dma_start3A_835 = arith.constant 0 : i32
      %dma_start3A_836 = tpu.memref_slice %arg7[%squeeze3A_806, %dma_start3A_835] : memref<1000x16xf32, #tpu.memory_space<hbm>> -> memref<1x16xf32, #tpu.memory_space<hbm>>
      tpu.enqueue_dma source(%dma_start3A_836 : memref<1x16xf32, #tpu.memory_space<hbm>>) target(%dma_start3A_834 : memref<1x16xf32, #tpu.memory_space<vmem>>) target_semaphore(%arg22 : memref<!tpu.dma_semaphore, #tpu.memory_space<semaphore_mem>>)
      %dma_start3A_837 = arith.constant 0 : i32
      %dma_start3A_838 = tpu.memref_slice %arg19[%add3A_812, %dma_start3A_837] : memref<128x16xf32, #tpu.memory_space<vmem>> -> memref<1x16xf32, #tpu.memory_space<vmem>>
      %dma_start3A_839 = arith.constant 0 : i32
      %dma_start3A_840 = tpu.memref_slice %arg8[%squeeze3A_808, %dma_start3A_839] : memref<200x16xf32, #tpu.memory_space<hbm>> -> memref<1x16xf32, #tpu.memory_space<hbm>>
      %dma_start3A_841 = arith.constant 0 : i32
      %dma_start3A_842 = tpu.memref_slice %arg19[%add3A_812, %dma_start3A_841] : memref<128x16xf32, #tpu.memory_space<vmem>> -> memref<1x16xf32, #tpu.memory_space<vmem>>
      %dma_start3A_843 = arith.constant 0 : i32
      %dma_start3A_844 = tpu.memref_slice %arg8[%squeeze3A_808, %dma_start3A_843] : memref<200x16xf32, #tpu.memory_space<hbm>> -> memref<1x16xf32, #tpu.memory_space<hbm>>
      tpu.enqueue_dma source(%dma_start3A_844 : memref<1x16xf32, #tpu.memory_space<hbm>>) target(%dma_start3A_842 : memref<1x16xf32, #tpu.memory_space<vmem>>) target_semaphore(%arg23 : memref<!tpu.dma_semaphore, #tpu.memory_space<semaphore_mem>>)
    }
    %scan3A_102 = arith.constant 8 : i32
    %dma_wait3A_103 = arith.constant 0 : i32
    %dma_wait3A_104 = arith.constant 0 : i32
    %dma_wait3A_105 = tpu.memref_slice %arg5[%dma_wait3A_103, %dma_wait3A_104] : memref<1000000x16xf32, #tpu.memory_space<hbm>> -> memref<128x16xf32, #tpu.memory_space<hbm>>
    %dma_wait3A_106 = arith.constant 0 : i32
    %dma_wait3A_107 = arith.constant 0 : i32
    %dma_wait3A_108 = tpu.memref_slice %arg5[%dma_wait3A_106, %dma_wait3A_107] : memref<1000000x16xf32, #tpu.memory_space<hbm>> -> memref<128x16xf32, #tpu.memory_space<hbm>>
    tpu.wait_dma2 semaphore(%arg20 : memref<!tpu.dma_semaphore, #tpu.memory_space<semaphore_mem>>) src(%dma_wait3A_108 : memref<128x16xf32, #tpu.memory_space<hbm>>) dst(%arg16 : memref<128x16xf32, #tpu.memory_space<vmem>>)
    %dma_wait3A_109 = arith.constant 0 : i32
    %dma_wait3A_110 = arith.constant 0 : i32
    %dma_wait3A_111 = tpu.memref_slice %arg6[%dma_wait3A_109, %dma_wait3A_110] : memref<250000x104xf32, #tpu.memory_space<hbm>> -> memref<128x104xf32, #tpu.memory_space<hbm>>
    %dma_wait3A_112 = arith.constant 0 : i32
    %dma_wait3A_113 = arith.constant 0 : i32
    %dma_wait3A_114 = tpu.memref_slice %arg6[%dma_wait3A_112, %dma_wait3A_113] : memref<250000x104xf32, #tpu.memory_space<hbm>> -> memref<128x104xf32, #tpu.memory_space<hbm>>
    tpu.wait_dma2 semaphore(%arg21 : memref<!tpu.dma_semaphore, #tpu.memory_space<semaphore_mem>>) src(%dma_wait3A_114 : memref<128x104xf32, #tpu.memory_space<hbm>>) dst(%arg17 : memref<128x104xf32, #tpu.memory_space<vmem>>)
    %dma_wait3A_115 = arith.constant 0 : i32
    %dma_wait3A_116 = arith.constant 0 : i32
    %dma_wait3A_117 = tpu.memref_slice %arg7[%dma_wait3A_115, %dma_wait3A_116] : memref<1000x16xf32, #tpu.memory_space<hbm>> -> memref<128x16xf32, #tpu.memory_space<hbm>>
    %dma_wait3A_118 = arith.constant 0 : i32
    %dma_wait3A_119 = arith.constant 0 : i32
    %dma_wait3A_120 = tpu.memref_slice %arg7[%dma_wait3A_118, %dma_wait3A_119] : memref<1000x16xf32, #tpu.memory_space<hbm>> -> memref<128x16xf32, #tpu.memory_space<hbm>>
    tpu.wait_dma2 semaphore(%arg22 : memref<!tpu.dma_semaphore, #tpu.memory_space<semaphore_mem>>) src(%dma_wait3A_120 : memref<128x16xf32, #tpu.memory_space<hbm>>) dst(%arg18 : memref<128x16xf32, #tpu.memory_space<vmem>>)
    %dma_wait3A_121 = arith.constant 0 : i32
    %dma_wait3A_122 = arith.constant 0 : i32
    %dma_wait3A_123 = tpu.memref_slice %arg8[%dma_wait3A_121, %dma_wait3A_122] : memref<200x16xf32, #tpu.memory_space<hbm>> -> memref<128x16xf32, #tpu.memory_space<hbm>>
    %dma_wait3A_124 = arith.constant 0 : i32
    %dma_wait3A_125 = arith.constant 0 : i32
    %dma_wait3A_126 = tpu.memref_slice %arg8[%dma_wait3A_124, %dma_wait3A_125] : memref<200x16xf32, #tpu.memory_space<hbm>> -> memref<128x16xf32, #tpu.memory_space<hbm>>
    tpu.wait_dma2 semaphore(%arg23 : memref<!tpu.dma_semaphore, #tpu.memory_space<semaphore_mem>>) src(%dma_wait3A_126 : memref<128x16xf32, #tpu.memory_space<hbm>>) dst(%arg19 : memref<128x16xf32, #tpu.memory_space<vmem>>)
    %add3A_127 = arith.constant 384 : i32
    %add3A_128 = arith.addi %mul3A_2, %add3A_127 : i32
    "tpu.region"() ({
      %run_scoped3A = tpu.sem_alloc : memref<!tpu.dma_semaphore, #tpu.memory_space<semaphore_mem>>
      %dma_start3A = arith.constant 0 : i32
      %dma_start3A_129 = tpu.memref_slice %arg9[%add3A_128, %dma_start3A] : memref<16384x16xf32, #tpu.memory_space<hbm>> -> memref<128x16xf32, #tpu.memory_space<hbm>>
      %dma_start3A_130 = arith.constant 0 : i32
      %dma_start3A_131 = tpu.memref_slice %arg9[%add3A_128, %dma_start3A_130] : memref<16384x16xf32, #tpu.memory_space<hbm>> -> memref<128x16xf32, #tpu.memory_space<hbm>>
      tpu.enqueue_dma source(%arg16 : memref<128x16xf32, #tpu.memory_space<vmem>>) target(%dma_start3A_131 : memref<128x16xf32, #tpu.memory_space<hbm>>) target_semaphore(%run_scoped3A : memref<!tpu.dma_semaphore, #tpu.memory_space<semaphore_mem>>)
      %dma_wait3A_132 = arith.constant 0 : i32
      %dma_wait3A_133 = tpu.memref_slice %arg9[%add3A_128, %dma_wait3A_132] : memref<16384x16xf32, #tpu.memory_space<hbm>> -> memref<128x16xf32, #tpu.memory_space<hbm>>
      %dma_wait3A_134 = arith.constant 0 : i32
      %dma_wait3A_135 = tpu.memref_slice %arg9[%add3A_128, %dma_wait3A_134] : memref<16384x16xf32, #tpu.memory_space<hbm>> -> memref<128x16xf32, #tpu.memory_space<hbm>>
      tpu.wait_dma2 semaphore(%run_scoped3A : memref<!tpu.dma_semaphore, #tpu.memory_space<semaphore_mem>>) src(%arg16 : memref<128x16xf32, #tpu.memory_space<vmem>>) dst(%dma_wait3A_135 : memref<128x16xf32, #tpu.memory_space<hbm>>)
      tpu.yield
    }) : () -> ()
    "tpu.region"() ({
      %run_scoped3A = tpu.sem_alloc : memref<!tpu.dma_semaphore, #tpu.memory_space<semaphore_mem>>
      %dma_start3A = arith.constant 0 : i32
      %dma_start3A_129 = tpu.memref_slice %arg10[%add3A_128, %dma_start3A] : memref<16384x104xf32, #tpu.memory_space<hbm>> -> memref<128x104xf32, #tpu.memory_space<hbm>>
      %dma_start3A_130 = arith.constant 0 : i32
      %dma_start3A_131 = tpu.memref_slice %arg10[%add3A_128, %dma_start3A_130] : memref<16384x104xf32, #tpu.memory_space<hbm>> -> memref<128x104xf32, #tpu.memory_space<hbm>>
      tpu.enqueue_dma source(%arg17 : memref<128x104xf32, #tpu.memory_space<vmem>>) target(%dma_start3A_131 : memref<128x104xf32, #tpu.memory_space<hbm>>) target_semaphore(%run_scoped3A : memref<!tpu.dma_semaphore, #tpu.memory_space<semaphore_mem>>)
      %dma_wait3A_132 = arith.constant 0 : i32
      %dma_wait3A_133 = tpu.memref_slice %arg10[%add3A_128, %dma_wait3A_132] : memref<16384x104xf32, #tpu.memory_space<hbm>> -> memref<128x104xf32, #tpu.memory_space<hbm>>
      %dma_wait3A_134 = arith.constant 0 : i32
      %dma_wait3A_135 = tpu.memref_slice %arg10[%add3A_128, %dma_wait3A_134] : memref<16384x104xf32, #tpu.memory_space<hbm>> -> memref<128x104xf32, #tpu.memory_space<hbm>>
      tpu.wait_dma2 semaphore(%run_scoped3A : memref<!tpu.dma_semaphore, #tpu.memory_space<semaphore_mem>>) src(%arg17 : memref<128x104xf32, #tpu.memory_space<vmem>>) dst(%dma_wait3A_135 : memref<128x104xf32, #tpu.memory_space<hbm>>)
      tpu.yield
    }) : () -> ()
    "tpu.region"() ({
      %run_scoped3A = tpu.sem_alloc : memref<!tpu.dma_semaphore, #tpu.memory_space<semaphore_mem>>
      %dma_start3A = arith.constant 0 : i32
      %dma_start3A_129 = tpu.memref_slice %arg11[%add3A_128, %dma_start3A] : memref<16384x16xf32, #tpu.memory_space<hbm>> -> memref<128x16xf32, #tpu.memory_space<hbm>>
      %dma_start3A_130 = arith.constant 0 : i32
      %dma_start3A_131 = tpu.memref_slice %arg11[%add3A_128, %dma_start3A_130] : memref<16384x16xf32, #tpu.memory_space<hbm>> -> memref<128x16xf32, #tpu.memory_space<hbm>>
      tpu.enqueue_dma source(%arg18 : memref<128x16xf32, #tpu.memory_space<vmem>>) target(%dma_start3A_131 : memref<128x16xf32, #tpu.memory_space<hbm>>) target_semaphore(%run_scoped3A : memref<!tpu.dma_semaphore, #tpu.memory_space<semaphore_mem>>)
      %dma_wait3A_132 = arith.constant 0 : i32
      %dma_wait3A_133 = tpu.memref_slice %arg11[%add3A_128, %dma_wait3A_132] : memref<16384x16xf32, #tpu.memory_space<hbm>> -> memref<128x16xf32, #tpu.memory_space<hbm>>
      %dma_wait3A_134 = arith.constant 0 : i32
      %dma_wait3A_135 = tpu.memref_slice %arg11[%add3A_128, %dma_wait3A_134] : memref<16384x16xf32, #tpu.memory_space<hbm>> -> memref<128x16xf32, #tpu.memory_space<hbm>>
      tpu.wait_dma2 semaphore(%run_scoped3A : memref<!tpu.dma_semaphore, #tpu.memory_space<semaphore_mem>>) src(%arg18 : memref<128x16xf32, #tpu.memory_space<vmem>>) dst(%dma_wait3A_135 : memref<128x16xf32, #tpu.memory_space<hbm>>)
      tpu.yield
    }) : () -> ()
    "tpu.region"() ({
      %run_scoped3A = tpu.sem_alloc : memref<!tpu.dma_semaphore, #tpu.memory_space<semaphore_mem>>
      %dma_start3A = arith.constant 0 : i32
      %dma_start3A_129 = tpu.memref_slice %arg12[%add3A_128, %dma_start3A] : memref<16384x16xf32, #tpu.memory_space<hbm>> -> memref<128x16xf32, #tpu.memory_space<hbm>>
      %dma_start3A_130 = arith.constant 0 : i32
      %dma_start3A_131 = tpu.memref_slice %arg12[%add3A_128, %dma_start3A_130] : memref<16384x16xf32, #tpu.memory_space<hbm>> -> memref<128x16xf32, #tpu.memory_space<hbm>>
      tpu.enqueue_dma source(%arg19 : memref<128x16xf32, #tpu.memory_space<vmem>>) target(%dma_start3A_131 : memref<128x16xf32, #tpu.memory_space<hbm>>) target_semaphore(%run_scoped3A : memref<!tpu.dma_semaphore, #tpu.memory_space<semaphore_mem>>)
      %dma_wait3A_132 = arith.constant 0 : i32
      %dma_wait3A_133 = tpu.memref_slice %arg12[%add3A_128, %dma_wait3A_132] : memref<16384x16xf32, #tpu.memory_space<hbm>> -> memref<128x16xf32, #tpu.memory_space<hbm>>
      %dma_wait3A_134 = arith.constant 0 : i32
      %dma_wait3A_135 = tpu.memref_slice %arg12[%add3A_128, %dma_wait3A_134] : memref<16384x16xf32, #tpu.memory_space<hbm>> -> memref<128x16xf32, #tpu.memory_space<hbm>>
      tpu.wait_dma2 semaphore(%run_scoped3A : memref<!tpu.dma_semaphore, #tpu.memory_space<semaphore_mem>>) src(%arg19 : memref<128x16xf32, #tpu.memory_space<vmem>>) dst(%dma_wait3A_135 : memref<128x16xf32, #tpu.memory_space<hbm>>)
      tpu.yield
    }) : () -> ()
    return
  }
}

module attributes {stable_mosaic.version = 14 : i64} {
  func.func @_tc_body(%arg0: i32, %arg1: memref<2048x16xf32, #tpu.memory_space<vmem>>, %arg2: memref<2048x104xf32, #tpu.memory_space<vmem>>, %arg3: memref<2048x16xf32, #tpu.memory_space<vmem>>, %arg4: memref<2048x16xf32, #tpu.memory_space<vmem>>, %arg5: memref<2048x1xf32, #tpu.memory_space<vmem>>, %arg6: memref<2048x1xf32, #tpu.memory_space<vmem>>, %arg7: memref<26x16xf32, #tpu.memory_space<vmem>>, %arg8: memref<1x16xf32, #tpu.memory_space<vmem>>, %arg9: memref<2048xf32, #tpu.memory_space<vmem>>) attributes {dimension_semantics = [#tpu.dimension_semantics<arbitrary>], iteration_bounds = array<i64: 8>, scalar_prefetch = 0 : i64, scratch_operands = 0 : i64, tpu.core_type = #tpu.core_type<tc>, window_params = [{transform_indices = @transform_0, window_bounds = array<i64: 2048, 16>}, {transform_indices = @transform_1, window_bounds = array<i64: 2048, 104>}, {transform_indices = @transform_2, window_bounds = array<i64: 2048, 16>}, {transform_indices = @transform_3, window_bounds = array<i64: 2048, 16>}, {transform_indices = @transform_4, window_bounds = array<i64: 2048, 1>}, {transform_indices = @transform_5, window_bounds = array<i64: 2048, 1>}, {pipeline_mode = #tpu.pipeline_mode<synchronous>, transform_indices = @transform_6, window_bounds = array<i64: 26, 16>}, {pipeline_mode = #tpu.pipeline_mode<synchronous>, transform_indices = @transform_7, window_bounds = array<i64: 1, 16>}, {transform_indices = @transform_8, window_bounds = array<i64: 2048>}]} {
    %get3A = arith.constant 0 : index
    %get3A_0 = arith.constant 0 : index
    %get3A_1 = vector.load %arg5[%get3A, %get3A_0] : memref<2048x1xf32, #tpu.memory_space<vmem>>, vector<2048x1xf32>
    %get3A_2 = arith.constant 0 : index
    %get3A_3 = arith.constant 0 : index
    %get3A_4 = vector.load %arg2[%get3A_2, %get3A_3] : memref<2048x104xf32, #tpu.memory_space<vmem>>, vector<2048x104xf32>
    %broadcast_in_dim3A = arith.constant 0.000000e+00 : f32
    %broadcast_in_dim3A_5 = vector.broadcast %broadcast_in_dim3A : f32 to vector<2048x26xf32>
    %eq3A = arith.constant 0.000000e+00 : f32
    %eq3A_6 = vector.broadcast %eq3A : f32 to vector<2048x1xf32>
    %eq3A_7 = arith.cmpf oeq, %get3A_1, %eq3A_6 : vector<2048x1xf32>
    %jit3A = arith.constant 1.000000e+00 : f32
    %jit3A_8 = arith.constant 0.000000e+00 : f32
    %broadcast_in_dim3A_9 = vector.broadcast %jit3A : f32 to vector<2048x1xf32>
    %broadcast_in_dim3A_10 = vector.broadcast %jit3A_8 : f32 to vector<2048x1xf32>
    %select_n3A = arith.select %eq3A_7, %broadcast_in_dim3A_9, %broadcast_in_dim3A_10 : vector<2048x1xi1>, vector<2048x1xf32>
    %slice3A = vector.extract_strided_slice %get3A_4 {offsets = [0, 0], sizes = [2048, 26], strides = [1, 1]} : vector<2048x104xf32> to vector<2048x26xf32>
    %mul3A = vector.broadcast %select_n3A : vector<2048x1xf32> to vector<2048x26xf32>
    %mul3A_11 = arith.mulf %slice3A, %mul3A : vector<2048x26xf32>
    %add3A = arith.addf %broadcast_in_dim3A_5, %mul3A_11 : vector<2048x26xf32>
    %eq3A_12 = arith.constant 1.000000e+00 : f32
    %eq3A_13 = vector.broadcast %eq3A_12 : f32 to vector<2048x1xf32>
    %eq3A_14 = arith.cmpf oeq, %get3A_1, %eq3A_13 : vector<2048x1xf32>
    %jit3A_15 = arith.constant 1.000000e+00 : f32
    %jit3A_16 = arith.constant 0.000000e+00 : f32
    %broadcast_in_dim3A_17 = vector.broadcast %jit3A_15 : f32 to vector<2048x1xf32>
    %broadcast_in_dim3A_18 = vector.broadcast %jit3A_16 : f32 to vector<2048x1xf32>
    %select_n3A_19 = arith.select %eq3A_14, %broadcast_in_dim3A_17, %broadcast_in_dim3A_18 : vector<2048x1xi1>, vector<2048x1xf32>
    %slice3A_20 = vector.extract_strided_slice %get3A_4 {offsets = [0, 26], sizes = [2048, 26], strides = [1, 1]} : vector<2048x104xf32> to vector<2048x26xf32>
    %mul3A_21 = vector.broadcast %select_n3A_19 : vector<2048x1xf32> to vector<2048x26xf32>
    %mul3A_22 = arith.mulf %slice3A_20, %mul3A_21 : vector<2048x26xf32>
    %add3A_23 = arith.addf %add3A, %mul3A_22 : vector<2048x26xf32>
    %eq3A_24 = arith.constant 2.000000e+00 : f32
    %eq3A_25 = vector.broadcast %eq3A_24 : f32 to vector<2048x1xf32>
    %eq3A_26 = arith.cmpf oeq, %get3A_1, %eq3A_25 : vector<2048x1xf32>
    %jit3A_27 = arith.constant 1.000000e+00 : f32
    %jit3A_28 = arith.constant 0.000000e+00 : f32
    %broadcast_in_dim3A_29 = vector.broadcast %jit3A_27 : f32 to vector<2048x1xf32>
    %broadcast_in_dim3A_30 = vector.broadcast %jit3A_28 : f32 to vector<2048x1xf32>
    %select_n3A_31 = arith.select %eq3A_26, %broadcast_in_dim3A_29, %broadcast_in_dim3A_30 : vector<2048x1xi1>, vector<2048x1xf32>
    %slice3A_32 = vector.extract_strided_slice %get3A_4 {offsets = [0, 52], sizes = [2048, 26], strides = [1, 1]} : vector<2048x104xf32> to vector<2048x26xf32>
    %mul3A_33 = vector.broadcast %select_n3A_31 : vector<2048x1xf32> to vector<2048x26xf32>
    %mul3A_34 = arith.mulf %slice3A_32, %mul3A_33 : vector<2048x26xf32>
    %add3A_35 = arith.addf %add3A_23, %mul3A_34 : vector<2048x26xf32>
    %eq3A_36 = arith.constant 3.000000e+00 : f32
    %eq3A_37 = vector.broadcast %eq3A_36 : f32 to vector<2048x1xf32>
    %eq3A_38 = arith.cmpf oeq, %get3A_1, %eq3A_37 : vector<2048x1xf32>
    %jit3A_39 = arith.constant 1.000000e+00 : f32
    %jit3A_40 = arith.constant 0.000000e+00 : f32
    %broadcast_in_dim3A_41 = vector.broadcast %jit3A_39 : f32 to vector<2048x1xf32>
    %broadcast_in_dim3A_42 = vector.broadcast %jit3A_40 : f32 to vector<2048x1xf32>
    %select_n3A_43 = arith.select %eq3A_38, %broadcast_in_dim3A_41, %broadcast_in_dim3A_42 : vector<2048x1xi1>, vector<2048x1xf32>
    %slice3A_44 = vector.extract_strided_slice %get3A_4 {offsets = [0, 78], sizes = [2048, 26], strides = [1, 1]} : vector<2048x104xf32> to vector<2048x26xf32>
    %mul3A_45 = vector.broadcast %select_n3A_43 : vector<2048x1xf32> to vector<2048x26xf32>
    %mul3A_46 = arith.mulf %slice3A_44, %mul3A_45 : vector<2048x26xf32>
    %add3A_47 = arith.addf %add3A_35, %mul3A_46 : vector<2048x26xf32>
    %get3A_48 = arith.constant 0 : index
    %get3A_49 = arith.constant 0 : index
    %get3A_50 = vector.load %arg1[%get3A_48, %get3A_49] : memref<2048x16xf32, #tpu.memory_space<vmem>>, vector<2048x16xf32>
    %get3A_51 = arith.constant 0 : index
    %get3A_52 = arith.constant 0 : index
    %get3A_53 = vector.load %arg7[%get3A_51, %get3A_52] : memref<26x16xf32, #tpu.memory_space<vmem>>, vector<26x16xf32>
    %dot_general3A = arith.constant dense<0.000000e+00> : vector<2048x16xf32>
    %dot_general3A_54 = tpu.matmul %add3A_47, %get3A_53, %dot_general3A {dimension_numbers = #tpu.dot_dimension_numbers<[1], [0], [0], [1], [0, 0, 1, 1], [], []>, transpose_lhs_hint = false} : vector<2048x26xf32>, vector<26x16xf32>, vector<2048x16xf32> -> vector<2048x16xf32>
    %add3A_55 = arith.addf %get3A_50, %dot_general3A_54 : vector<2048x16xf32>
    %get3A_56 = arith.constant 0 : index
    %get3A_57 = arith.constant 0 : index
    %get3A_58 = vector.load %arg4[%get3A_56, %get3A_57] : memref<2048x16xf32, #tpu.memory_space<vmem>>, vector<2048x16xf32>
    %get3A_59 = arith.constant 0 : index
    %get3A_60 = arith.constant 0 : index
    %get3A_61 = vector.load %arg6[%get3A_59, %get3A_60] : memref<2048x1xf32, #tpu.memory_space<vmem>>, vector<2048x1xf32>
    %get3A_62 = arith.constant 0 : index
    %get3A_63 = arith.constant 0 : index
    %get3A_64 = vector.load %arg8[%get3A_62, %get3A_63] : memref<1x16xf32, #tpu.memory_space<vmem>>, vector<1x16xf32>
    %mul3A_65 = vector.broadcast %get3A_61 : vector<2048x1xf32> to vector<2048x16xf32>
    %mul3A_66 = vector.broadcast %get3A_64 : vector<1x16xf32> to vector<2048x16xf32>
    %mul3A_67 = arith.mulf %mul3A_65, %mul3A_66 : vector<2048x16xf32>
    %add3A_68 = arith.addf %get3A_58, %mul3A_67 : vector<2048x16xf32>
    %get3A_69 = arith.constant 0 : index
    %get3A_70 = arith.constant 0 : index
    %get3A_71 = vector.load %arg3[%get3A_69, %get3A_70] : memref<2048x16xf32, #tpu.memory_space<vmem>>, vector<2048x16xf32>
    %mul3A_72 = arith.mulf %add3A_55, %get3A_71 : vector<2048x16xf32>
    %mul3A_73 = arith.mulf %mul3A_72, %add3A_68 : vector<2048x16xf32>
    %reduce_sum3A = arith.constant dense<0.000000e+00> : vector<2048xf32>
    %reduce_sum3A_74 = vector.multi_reduction <add>, %mul3A_73, %reduce_sum3A [1] : vector<2048x16xf32> to vector<2048xf32>
    %swap3A = arith.constant 0 : index
    %swap3A_75 = vector.load %arg9[%swap3A] : memref<2048xf32, #tpu.memory_space<vmem>>, vector<2048xf32>
    tpu.vector_store %arg9[%swap3A], %reduce_sum3A_74 {strides = array<i32>} : memref<2048xf32, #tpu.memory_space<vmem>>, vector<2048xf32>,
    return
  }
  func.func @transform_0(%arg0: i32) -> (i32, i32) {
    %c0_i32 = arith.constant 0 : i32
    %c0_i32_0 = arith.constant 0 : i32
    return %arg0, %c0_i32 : i32, i32
  }
  func.func @transform_1(%arg0: i32) -> (i32, i32) {
    %c0_i32 = arith.constant 0 : i32
    %c0_i32_0 = arith.constant 0 : i32
    return %arg0, %c0_i32 : i32, i32
  }
  func.func @transform_2(%arg0: i32) -> (i32, i32) {
    %c0_i32 = arith.constant 0 : i32
    %c0_i32_0 = arith.constant 0 : i32
    return %arg0, %c0_i32 : i32, i32
  }
  func.func @transform_3(%arg0: i32) -> (i32, i32) {
    %c0_i32 = arith.constant 0 : i32
    %c0_i32_0 = arith.constant 0 : i32
    return %arg0, %c0_i32 : i32, i32
  }
  func.func @transform_4(%arg0: i32) -> (i32, i32) {
    %c0_i32 = arith.constant 0 : i32
    %c0_i32_0 = arith.constant 0 : i32
    return %arg0, %c0_i32 : i32, i32
  }
  func.func @transform_5(%arg0: i32) -> (i32, i32) {
    %c0_i32 = arith.constant 0 : i32
    %c0_i32_0 = arith.constant 0 : i32
    return %arg0, %c0_i32 : i32, i32
  }
  func.func @transform_6(%arg0: i32) -> (i32, i32) {
    %c0_i32 = arith.constant 0 : i32
    %c0_i32_0 = arith.constant 0 : i32
    %c0_i32_1 = arith.constant 0 : i32
    return %c0_i32, %c0_i32_0 : i32, i32
  }
  func.func @transform_7(%arg0: i32) -> (i32, i32) {
    %c0_i32 = arith.constant 0 : i32
    %c0_i32_0 = arith.constant 0 : i32
    %c0_i32_1 = arith.constant 0 : i32
    return %c0_i32, %c0_i32_0 : i32, i32
  }
  func.func @transform_8(%arg0: i32) -> i32 {
    %c0_i32 = arith.constant 0 : i32
    return %arg0 : i32
  }
}

</mosaic_0001>

<sc_bundles>
// kernel: kernel.4.cloned.1.call-start
scs
__scs_entry_jumppad:
0x0: {  	(pc) =	sbr.rel $0x88, $3  }
0x1: {  	(tag) =	ssettag $0x0;
	lr =	simm.s32 $0x1  }
0x2: {  	[smem:$0x3F98] =	sst lr;
	_ =	strace $0xD0000000  }
0x3: {  	_ = 	snop  }
0x4: {  	_ = 	snop  }
0x5: {  	_ = 	snop  }
0x6: {  	_ = 	snop  }
0x7: {  	_ = 	snop  }
__scs_overlays_trampoline_lowered:
0x8: {  	[smem:$0x3FA7] =	sst s0  }
0x9: {  	[smem:$0x3FA8] =	sst s1  }
0xa: {  	[smem:$0x3FA9] =	sst s2  }
0xb: {  	[smem:$0x3FAA] =	sst s3  }
0xc: {  	[smem:$0x3FAB] =	sst s4  }
0xd: {  	[smem:$0x3FAC] =	sst s5  }
0xe: {  	[smem:$0x3FAD] =	sst s6  }
0xf: {  	[smem:$0x3FAE] =	sst s7  }
0x10: {  	[smem:$0x3FAF] =	sst s8  }
0x11: {  	[smem:$0x3FB0] =	sst s9;
	s0 =	simm.s32 @!p0 $0x0  }
0x12: {  	s1 =	sld [smem:$0x3F96];
	s0 =	simm.s32 @p0 $0x1  }
0x13: {  	[smem:$0x3FB1] =	sst s0;
	s0 =	simm.s32 @!p1 $0x0  }
0x14: {  	s2 =	sld [smem:$0x3F95];
	s0 =	simm.s32 @p1 $0x1  }
0x15: {  	[smem:$0x3FB2] =	sst s0;
	s0 =	simm.s32 @!p2 $0x0  }
0x16: {  	s3 =	sld [smem:$0x3FDB];
	s0 =	simm.s32 @p2 $0x1  }
0x17: {  	s4 =	simm.s32 $0x1BF5;
	[smem:$0x3FB4] =	sst s0  }
0x18: {  	s0 =	sld [smem:$0x3F97];
	_ =	swait.ge [sflag:s4], $0x0  }
0x19: {  	s7 =	sld [smem:$0x3F98]  }
0x1a: {  	s8 =	sadd.s32 $0xFFFFE003, lr  }
0x1b: {  	s9 =	sadd.s32 $0xFFFFFEF7, lr;
	s5 =	simm.s32 $0xFFFFFFFF;
	p2 =	slt.u32 s8, $0xFFFFF086  }
0x1c: {  	p1 =	slt.u32 s9, $0xF7A;
	s5 =	simm.s32 @!p2 $0x0  }
0x1d: {  	s5 =	simm.s32 @p1 $0x1;
	p0 =	seq.s32 s7, s2  }
0x1e: {  	s7 =	smul.u32 @!p0 $0xF7A, s2;
	p2 =	seq.s32 @!p0 s5, $0x0  }
0x1f: {  	s9 =	smul.u32 $0xF7A, s1;
	s8 =	simm.s32 @!p0 $0x1BF5;
	p2 =	por !p2, p0  }
0x20: {  	[sflag:s8] =	ssyncset.s32 @!p0 $0xFFFFF086;
	s6 =	sadd.s32 @!p0 s3, s7;
	s7 =	simm.s32 @!p0 $0x108  }
0x21: {  	s3 =	sadd.s32 s3, s9;
	s6 =	sadd.s32 @!p0 $0x88, s6;
	s7 =	simm.s32 @p2 $0x1082  }
0x22: {  	[simem:s7], [sflag:s8] =	dma.local @!p0 [hbm:s6], $0xF7A  }
0x23: {  	s9 =	sor.u32 $0xD0000000, s2;
	s6 =	simm.s32 $0x108;
	_ =	swait.ge @!p0 [sflag:s8], $0x0  }
0x24: {  	s3 =	sadd.s32 $0x88, s3;
	s6 =	simm.s32 @!p1 $0x1082;
	[sflag:s4] =	ssyncset.s32 $0xFFFFF086  }
0x25: {  	[simem:s6], [sflag:s4] =	dma.local [hbm:s3], $0xF7A  }
0x26: {  	[smem:$0x3F98] =	sst s1;
	(tag) =	ssettag s2;
	_ =	strace s9  }
0x27: {  	s1 =	sld [smem:$0x3FA8]  }
0x28: {  	s2 =	sld [smem:$0x3FA9]  }
0x29: {  	s4 =	sld [smem:$0x3FAB]  }
0x2a: {  	p0 =	seq.s32 s5, $0x0;
	s5 =	sld [smem:$0x3FAC]  }
0x2b: {  	s6 =	sld [smem:$0x3FAD]  }
0x2c: {  	s7 =	sld [smem:$0x3FAE]  }
0x2d: {  	s3 =	simm.s32 $0x108;
	s8 =	sld [smem:$0x3FAF]  }
0x2e: {  	s3 =	simm.s32 @!p0 $0x1082;
	s9 =	sld [smem:$0x3FB0]  }
0x2f: {  	lr =	sadd.s32 s0, s3;
	s0 =	sld [smem:$0x3FA7]  }
0x30: {  	s3 =	sld [smem:$0x3FAA]  }
0x31: {  	[smem:$0x3FB3] =	sst s10  }
0x32: {  	s10 =	sld [smem:$0x3FB1];
	_ =	sdelay $0x3  }
0x33: {  	p0 =	seq.s32 s10, $0x1;
	s10 =	sld [smem:$0x3FB3];
	_ =	sdelay $0x3  }
0x34: {  	[smem:$0x3FB3] =	sst s10  }
0x35: {  	s10 =	sld [smem:$0x3FB2];
	_ =	sdelay $0x3  }
0x36: {  	p1 =	seq.s32 s10, $0x1;
	s10 =	sld [smem:$0x3FB3];
	_ =	sdelay $0x3  }
0x37: {  	[smem:$0x3FB3] =	sst s10  }
0x38: {  	s10 =	sld [smem:$0x3FB4]  }
0x39: {  	_ = 	snop;
	(pc) =	sbr.ind lr, $3  }
0x3a: {  	_ = 	snop  }
0x3b: {  	_ = 	snop  }
0x3c: {  	p2 =	seq.s32 s10, $0x1;
	s10 =	sld [smem:$0x3FB3]  }
0x3d: {  	_ =	shalt  }
0x3e: {  	_ =	shalt  }
0x3f: {  	_ =	shalt  }
0x40: {  	_ =	shalt  }
0x41: {  	_ =	shalt  }
0x42: {  	_ =	shalt  }
0x43: {  	_ =	shalt  }
0x44: {  	_ =	shalt  }
0x45: {  	_ =	shalt  }
0x46: {  	_ =	shalt  }
0x47: {  	_ =	shalt  }
0x48: {  	_ =	shalt  }
0x49: {  	_ =	shalt  }
0x4a: {  	_ =	shalt  }
0x4b: {  	_ =	shalt  }
0x4c: {  	_ =	shalt  }
0x4d: {  	_ =	shalt  }
0x4e: {  	_ =	shalt  }
0x4f: {  	_ =	shalt  }
0x50: {  	_ =	shalt  }
0x51: {  	_ =	shalt  }
0x52: {  	_ =	shalt  }
0x53: {  	_ =	shalt  }
0x54: {  	_ =	shalt  }
0x55: {  	_ =	shalt  }
0x56: {  	_ =	shalt  }
0x57: {  	_ =	shalt  }
0x58: {  	_ =	shalt  }
0x59: {  	_ =	shalt  }
0x5a: {  	_ =	shalt  }
0x5b: {  	_ =	shalt  }
0x5c: {  	_ =	shalt  }
0x5d: {  	_ =	shalt  }
0x5e: {  	_ =	shalt  }
0x5f: {  	_ =	shalt  }
0x60: {  	_ =	shalt  }
0x61: {  	_ =	shalt  }
0x62: {  	_ =	shalt  }
0x63: {  	_ =	shalt  }
0x64: {  	_ =	shalt  }
0x65: {  	_ =	shalt  }
0x66: {  	_ =	shalt  }
0x67: {  	_ =	shalt  }
0x68: {  	_ =	shalt  }
0x69: {  	_ =	shalt  }
0x6a: {  	_ =	shalt  }
0x6b: {  	_ =	shalt  }
0x6c: {  	_ =	shalt  }
0x6d: {  	_ =	shalt  }
0x6e: {  	_ =	shalt  }
0x6f: {  	_ =	shalt  }
0x70: {  	_ =	shalt  }
0x71: {  	_ =	shalt  }
0x72: {  	_ =	shalt  }
0x73: {  	_ =	shalt  }
0x74: {  	_ =	shalt  }
0x75: {  	_ =	shalt  }
0x76: {  	_ =	shalt  }
0x77: {  	_ =	shalt  }
0x78: {  	_ =	shalt  }
0x79: {  	_ =	shalt  }
0x7a: {  	_ =	shalt  }
0x7b: {  	_ =	shalt  }
0x7c: {  	_ =	shalt  }
0x7d: {  	_ =	shalt  }
0x7e: {  	_ =	shalt  }
0x7f: {  	_ =	shalt  }
0x80: {  	_ =	shalt  }
0x81: {  	_ =	shalt  }
0x82: {  	_ =	shalt  }
0x83: {  	_ =	shalt  }
0x84: {  	_ =	shalt  }
0x85: {  	_ =	shalt  }
0x86: {  	_ =	shalt  }
0x87: {  	_ =	shalt  }
.Lfunc_end0:
.L_simem_size_0:
called_computation_lowered:
.L_overlay_start_0:
0x88: {  	s2 =	sld [smem:$0x3FD9]  }
0x89: {  	s3 =	sld [smem:$0x3FFE];
	_ =	sdelay $0x1  }
0x8a: {  	s1 =	srdreg.scid  }
0x8b: {  	s0 =	sand.u32 $0x1, s1  }
0x8c: {  	s17 =	sshll.u32 s0, $0xA;
	s2 =	sadd.s32 s3, s2  }
0x8d: {  	s2 =	sadd.s32 s2, s17  }
0x8e: {  	[smem:$0x3FBF] =	sst s2  }
0x8f: {  	_ = 	snop  }
0x90: {  	s2 =	sld [smem:$0x3FC9]  }
0x91: {  	s18 =	sld [smem:$0x3FC8]  }
0x92: {  	s4 =	sld [smem:$0x3FC7];
	(tm) =	ssettm $0x1  }
0x93: {  	s5 =	sld [smem:$0x3FFB];
	_ =	sdelay $0x3  }
0x94: {  	_ =	strace s5  }
0x95: {  	s5 =	sld [smem:$0x3FFC];
	_ =	sdelay $0x3  }
0x96: {  	_ =	strace s5  }
0x97: {  	s5 =	sld [smem:$0x3FFD];
	_ =	sdelay $0x3  }
0x98: {  	_ =	strace s5  }
0x99: {  	_ =	strace $0x8FFFFFFF  }
0x9a: {  	s19 =	sld [smem:$0x3FDB];
	_ =	sdelay $0x1  }
0x9b: {  	s6 =	simm.s32 $_scs_section_size  }
0x9c: {  	s7 =	simm.s32 $_size__tile_overlayer_lowered;
	s8 =	simm.s32 $_tile_overlayer_lowered  }
0x9d: {  	s22 =	simm.s32 $0x1BFF;
	s21 =	sshll.u32 s8, $0x1;
	s5 =	sadd.s32 s6, s19  }
0x9e: {  	s9 =	simm.s32 $0x0;
	s20 =	sshll.u32 s7, $0x1;
	s7 =	sadd.s32 s21, s5  }
0x9f: {  	[timem:s9], [sflag:s22] =	dma.local [hbm:s7], s20  }
0xa0: {  	_ =	swait.ge [sflag:s22], s20  }
0xa1: {  	s6 =	ssub.s32 $0x0, s20;
	[sflag:s22] =	ssyncset.done $0x0  }
0xa2: {  	[sflag:s22] =	ssyncadd.s32 s6;
	_ =	sdelay $0x1  }
0xa3: {  	s23 =	simm.s32 $0x1B8B  }
0xa4: {  	_ =	swait.ge [sflag:s23], $0x1  }
0xa5: {  	[sflag:s23] =	ssyncset.done $0x0  }
0xa6: {  	s25 =	simm.s32 $0x1B8E;
	s24 =	sld [smem:$0x3FFE];
	[sflag:s23] =	ssyncadd.s32 $0xFFFFFFFF  }
0xa7: {  	s26 =	simm.s32 $execute0_lowered;
	[smem:$0x3FD2] =	sst s25  }
0xa8: {  	s7 =	sshll.u32 s26, $0x1;
	_ =	strace $0x80000046;
	[dreg:$0x1] =	wrdreg $0xFFFFFFFF  }
0xa9: {  	s28 =	simm.s32 $_size_execute0_lowered;
	s5 =	sadd.s32 s5, s7;
	[dreg:$0x0] =	wrdreg $0x0  }
0xaa: {  	s7 =	sshll.u32 s28, $0x1;
	[dreg:$0x2] =	wrdreg s5  }
0xab: {  	[dreg:$0x3] =	wrdreg s7  }
0xac: {  	[dreg:$0x4] =	wrdreg $0xC0  }
0xad: {  	_ =	task [dreg:s9], $0x5FFFF  }
0xae: {  	[dreg:$0x1] =	wrdreg $0xFFFFFFFF  }
0xaf: {  	[dreg:$0x0] =	wrdreg $0x60  }
0xb0: {  	[dreg:$0x2] =	wrdreg s2  }
0xb1: {  	[dreg:$0x3] =	wrdreg s18  }
0xb2: {  	[dreg:$0x4] =	wrdreg s4  }
0xb3: {  	[dreg:$0x5] =	wrdreg s24  }
0xb4: {  	[dreg:$0x6] =	wrdreg $0x9  }
0xb5: {  	_ =	task.clear_ibuf [dreg:s9], $0x7FFFF;
	_ =	strace $0x90000046  }
0xb6: {  	s29 =	simm.s32 $0x9;
	_ =	strace $0x80000048  }
0xb7: {  	_ =	swait.ge [sflag:s29], $0x1  }
0xb8: {  	[sflag:s29] =	ssyncadd.s32 $0xFFFFFFFF  }
0xb9: {  	_ =	strace $0x90000048  }
0xba: {  	_ =	sfence  }
0xbb: {  	s30 =	sld [smem:$0x0];
	_ =	sdelay $0x2  }
0xbc: {  	s31 =	sshll.u32 s1, $0xD;
	s1 =	sshrl.u32 s1, $0x2  }
0xbd: {  	s3 =	sand.u32 $0x4000, s31;
	s1 =	sadd.s32 s1, s30  }
0xbe: {  	s0 =	sor.u32 s3, s0;
	s1 =	sshll.u32 s1, $0x11  }
0xbf: {  	s0 =	sor.u32 s1, s0  }
0xc0: {  	s0 =	sadd.s32 $0x8F2B, s0  }
0xc1: {  	[sflag:s0] =	ssyncadd.remote.s32 $0x1  }
0xc2: {  	_ =	sfence.sel $0xFFFF  }
0xc3: {  	[dreg:$0x0] =	wrdreg $0xFFFFFFFF;
	(pc) =	sbr.abs _section_cstart, $3  }
0xc4: {  	[dreg:$0x1] =	wrdreg $0xFFFFFFFF  }
0xc5: {  	_ =	task.clear_ibuf [dreg:s9], $0x2FFFF;
	_ =	strace $0x9FFFFFFF  }
0xc6: {  	(tm) =	ssettm $0x7FFFFFFF  }
0xc7: {  	_ =	shalt  }
tec
execute0_lowered:
.L_overlay_start_1:
0x0: {  	(tag) =	ssettag $0x1  }
0x1: {  	s0 =	rddreg [dreg:$0x0]  }
0x2: {  	s2 =	rddreg [dreg:$0x1]  }
0x3: {  	s4 =	rddreg [dreg:$0x2]  }
0x4: {  	s5 =	rddreg [dreg:$0x3]  }
0x5: {  	s1 =	simm.s32 $0x0;
	s6 =	srdreg.scid;
	s8 =	stileid.u32  }
0x6: {  	s28 =	simm.s32 $0x5;
	s29 =	simm.s32 $0x1;
	s30 =	simm.s32 $0x2  }
0x7: {  	s31 =	simm.s32 $0x3;
	[smem:$0x7FF] =	sst s1;
	s6 =	sand.u32 $0x1, s6  }
0x8: {  	s3 =	sadd.s32 $0x1800, s5;
	s8 =	sshll.u32 s8, $0xA;
	s9 =	sshll.u32 s6, $0x9  }
0x9: {  	s7 =	sadd.s32 $0x1319400, s5;
	s10 =	sadd.s32 $0x1359400, s5;
	s8 =	sor.u32 s9, s8  }
0xa: {  	s22 =	sadd.s32 $0x13D9400, s5;
	s6 =	ssub.s32 $0x2, s6;
	s12 =	sshrl.u32 s8, $0x3  }
0xb: {  	_ =	strace $0x80000047;
	s11 =	sshrl.u32 s6, $0x1;
	s0 =	sadd.s32 s0, s12  }
0xc: {  	s6 =	ssub.s32 s6, s11;
	s11 =	sadd.s32 s2, s12;
	[dreg:$0x5] =	wrdreg s0  }
0xd: {  	s14 =	sshll.u32 s8, $0x4;
	s13 =	sadd.s32 s4, s12;
	[dreg:$0x6] =	wrdreg s11  }
0xe: {  	s9 =	sadd.s32 $0x1399400, s5;
	s17 =	sadd.s32 s7, s14;
	[dreg:$0x7] =	wrdreg s13  }
0xf: {  	s18 =	sadd.s32 s10, s14;
	s19 =	sor.u32 $0x800, s14;
	[dreg:$0x8] =	wrdreg s17  }
0x10: {  	s20 =	sadd.s32 s9, s14;
	s21 =	sadd.s32 s22, s14;
	[dreg:$0x9] =	wrdreg s18  }
0x11: {  	s26 =	sor.u32 $0x1000, s14;
	s4 =	simm.s32 $0x4600;
	[dreg:$0xa] =	wrdreg s20  }
0x12: {  	[dreg:$0xb] =	wrdreg s21;
	s23 =	sadd.s32 s7, s19;
	s24 =	sadd.s32 s10, s19  }
0x13: {  	s25 =	sadd.s32 s9, s19;
	s2 =	sadd.s32 s22, s19;
	s15 =	sadd.s32 s7, s26  }
0x14: {  	s16 =	sadd.s32 s10, s26;
	s17 =	sadd.s32 s9, s26;
	[dreg:$0xc] =	wrdreg s23  }
0x15: {  	s18 =	sadd.s32 s22, s26;
	s0 =	sor.u32 $0x1800, s14;
	[dreg:$0xd] =	wrdreg s24  }
0x16: {  	s26 =	smax.u32 s6, $0x1;
	s6 =	simm.s32 $0xC600;
	[dreg:$0xe] =	wrdreg s25  }
0x17: {  	[dreg:$0xf] =	wrdreg s2;
	s19 =	sadd.s32 s7, s0;
	s20 =	sadd.s32 s10, s0  }
0x18: {  	s21 =	sadd.s32 s9, s0;
	s22 =	sadd.s32 s22, s0;
	s23 =	sadd.s32 $0xF43C00, s5  }
0x19: {  	s24 =	sadd.s32 $0x1314600, s5;
	s25 =	sadd.s32 $0x1318600, s5;
	s0 =	simm.s32 $0x4  }
0x1a: {  	s2 =	simm.s32 $0x600;
	s5 =	simm.s32 $0x8600;
	s7 =	simm.s32 $0x0  }
.LBB2_1:
0x1b: {  	s8 =	rddreg [dreg:$0x5]  }
0x1c: {  	[tilespmem:s1], [sflag:$0x5] =	stream.linear.gather [hbm4b:s8+s1], $0x200, $0x38;
	[tilespmem:$0x10600] =	vst v63  }
0x1d: {  	_ =	swait.ge [sflag:s28], $0x200  }
0x1e: {  	[sflag:s28] =	ssyncset.done $0x0  }
0x1f: {  	s8 =	simm.s32 $0x200;
	s9 =	rddreg [dreg:$0x6];
	[sflag:s28] =	ssyncadd.s32 $0xFFFFFE00  }
0x20: {  	[tilespmem:s8], [sflag:$0x5] =	stream.linear.gather [hbm4b:s9+s1], $0x200, $0x38;
	[tilespmem:$0x10600] =	vst v63  }
0x21: {  	_ =	swait.ge [sflag:s28], $0x200  }
0x22: {  	[sflag:s28] =	ssyncset.done $0x0  }
0x23: {  	s9 =	simm.s32 $0x400;
	s10 =	rddreg [dreg:$0x7];
	[sflag:s28] =	ssyncadd.s32 $0xFFFFFE00  }
0x24: {  	[tilespmem:s9], [sflag:$0x5] =	stream.linear.gather [hbm4b:s10+s1], $0x200, $0x38;
	[tilespmem:$0x10600] =	vst v63  }
0x25: {  	_ =	swait.ge [sflag:s28], $0x200  }
0x26: {  	[sflag:s28] =	ssyncset.done $0x0  }
0x27: {  	s11 =	simm.s32 $0x0;
	s10 =	simm.s32 $0x0;
	[sflag:s28] =	ssyncadd.s32 $0xFFFFFE00  }
.LBB2_2:
0x28: {  	v0 =	vld [tilespmem:s10+$0x0];
	_ =	sdelay $0x4  }
0x29: {  	v3 =	vshll.u32 v0, $0x4  }
0x2a: {  	(v2sf) =	vpush v3, $0x0;
	_ =	sdelay $0x1  }
0x2b: {  	v1 =	vld [tilespmem:s8+$0x0];
	v0 =	vshrl.u32 v0, $0x2  }
0x2c: {  	v2 =	vshll.u32 v0, $0x4  }
0x2d: {  	(v2sf) =	vpush v2, $0x0;
	_ =	sdelay $0x1  }
0x2e: {  	v63 =	vld [tilespmem:s9+$0x0]  }
0x2f: {  	v1 =	vshll.u32 v1, $0x4  }
0x30: {  	(v2sf) =	vpush v1, $0x0;
	_ =	sdelay $0x2  }
0x31: {  	v0 =	vshll.u32 v63, $0x4  }
0x32: {  	(v2sf) =	vpush v0, $0x0;
	_ =	sdelay $0x2  }
0x33: {  	s13 =	spop (v2sf)  }
0x34: {  	s12 =	sshra.s32 s11, $0x2;
	(v2sf) =	vpush v3, $0x1;
	s13 =	sand.u32 $0x1FFFFFF0, s13  }
0x35: {  	s14 =	sadd.s32 $0x600, s12;
	s13 =	sadd.s32 s3, s13  }
0x36: {  	[tilespmem:s14], [sflag:$0x1] =	stream.linear.gather [hbm4b:s13+s1], $0x80, $0x38;
	[tilespmem:$0x10600] =	vst v63  }
0x37: {  	s14 =	spop (v2sf)  }
0x38: {  	(v2sf) =	vpush v2, $0x1;
	s13 =	sand.u32 $0x1FFFFFF0, s14  }
0x39: {  	s14 =	sadd.s32 $0x4600, s12;
	s13 =	sadd.s32 s23, s13  }
0x3a: {  	[tilespmem:s14], [sflag:$0x2] =	stream.linear.gather [hbm4b:s13+s1], $0x80, $0x38;
	[tilespmem:$0x10600] =	vst v63  }
0x3b: {  	s14 =	spop (v2sf)  }
0x3c: {  	(v2sf) =	vpush v1, $0x1;
	s13 =	sand.u32 $0x1FFFFFF0, s14  }
0x3d: {  	s14 =	sadd.s32 $0x8600, s12;
	s13 =	sadd.s32 s24, s13  }
0x3e: {  	[tilespmem:s14], [sflag:$0x3] =	stream.linear.gather [hbm4b:s13+s1], $0x80, $0x38;
	[tilespmem:$0x10600] =	vst v63  }
0x3f: {  	s14 =	spop (v2sf)  }
0x40: {  	(v2sf) =	vpush v0, $0x1;
	s13 =	sand.u32 $0x1FFFFFF0, s14  }
0x41: {  	s14 =	sadd.s32 $0xC600, s12;
	s13 =	sadd.s32 s25, s13  }
0x42: {  	[tilespmem:s14], [sflag:$0x4] =	stream.linear.gather [hbm4b:s13+s1], $0x80, $0x38;
	[tilespmem:$0x10600] =	vst v63  }
0x43: {  	s14 =	spop (v2sf)  }
0x44: {  	(v2sf) =	vpush v3, $0x2;
	s13 =	sand.u32 $0x1FFFFFF0, s14  }
0x45: {  	s14 =	sadd.s32 $0x680, s12;
	s13 =	sadd.s32 s3, s13  }
0x46: {  	[tilespmem:s14], [sflag:$0x1] =	stream.linear.gather [hbm4b:s13+s1], $0x80, $0x38;
	[tilespmem:$0x10600] =	vst v63  }
0x47: {  	s14 =	spop (v2sf)  }
0x48: {  	(v2sf) =	vpush v2, $0x2;
	s13 =	sand.u32 $0x1FFFFFF0, s14  }
0x49: {  	s14 =	sadd.s32 $0x4680, s12;
	s13 =	sadd.s32 s23, s13  }
0x4a: {  	[tilespmem:s14], [sflag:$0x2] =	stream.linear.gather [hbm4b:s13+s1], $0x80, $0x38;
	[tilespmem:$0x10600] =	vst v63  }
0x4b: {  	s14 =	spop (v2sf)  }
0x4c: {  	(v2sf) =	vpush v1, $0x2;
	s13 =	sand.u32 $0x1FFFFFF0, s14  }
0x4d: {  	s14 =	sadd.s32 $0x8680, s12;
	s13 =	sadd.s32 s24, s13  }
0x4e: {  	[tilespmem:s14], [sflag:$0x3] =	stream.linear.gather [hbm4b:s13+s1], $0x80, $0x38;
	[tilespmem:$0x10600] =	vst v63  }
0x4f: {  	s14 =	spop (v2sf)  }
0x50: {  	(v2sf) =	vpush v0, $0x2;
	s13 =	sand.u32 $0x1FFFFFF0, s14  }
0x51: {  	s14 =	sadd.s32 $0xC680, s12;
	s13 =	sadd.s32 s25, s13  }
0x52: {  	[tilespmem:s14], [sflag:$0x4] =	stream.linear.gather [hbm4b:s13+s1], $0x80, $0x38;
	[tilespmem:$0x10600] =	vst v63  }
0x53: {  	s14 =	spop (v2sf)  }
0x54: {  	(v2sf) =	vpush v3, $0x3;
	s13 =	sand.u32 $0x1FFFFFF0, s14  }
0x55: {  	s14 =	sadd.s32 $0x700, s12;
	s13 =	sadd.s32 s3, s13  }
0x56: {  	[tilespmem:s14], [sflag:$0x1] =	stream.linear.gather [hbm4b:s13+s1], $0x80, $0x38;
	[tilespmem:$0x10600] =	vst v63  }
0x57: {  	s14 =	spop (v2sf)  }
0x58: {  	(v2sf) =	vpush v2, $0x3;
	s13 =	sand.u32 $0x1FFFFFF0, s14  }
0x59: {  	s14 =	sadd.s32 $0x4700, s12;
	s13 =	sadd.s32 s23, s13  }
0x5a: {  	[tilespmem:s14], [sflag:$0x2] =	stream.linear.gather [hbm4b:s13+s1], $0x80, $0x38;
	[tilespmem:$0x10600] =	vst v63  }
0x5b: {  	s14 =	spop (v2sf)  }
0x5c: {  	(v2sf) =	vpush v1, $0x3;
	s13 =	sand.u32 $0x1FFFFFF0, s14  }
0x5d: {  	s14 =	sadd.s32 $0x8700, s12;
	s13 =	sadd.s32 s24, s13  }
0x5e: {  	[tilespmem:s14], [sflag:$0x3] =	stream.linear.gather [hbm4b:s13+s1], $0x80, $0x38;
	[tilespmem:$0x10600] =	vst v63  }
0x5f: {  	s14 =	spop (v2sf)  }
0x60: {  	(v2sf) =	vpush v0, $0x3;
	s13 =	sand.u32 $0x1FFFFFF0, s14  }
0x61: {  	s14 =	sadd.s32 $0xC700, s12;
	s13 =	sadd.s32 s25, s13  }
0x62: {  	[tilespmem:s14], [sflag:$0x4] =	stream.linear.gather [hbm4b:s13+s1], $0x80, $0x38;
	[tilespmem:$0x10600] =	vst v63  }
0x63: {  	s14 =	spop (v2sf)  }
0x64: {  	(v2sf) =	vpush v3, $0x4;
	s13 =	sand.u32 $0x1FFFFFF0, s14  }
0x65: {  	s14 =	sadd.s32 $0x780, s12;
	s13 =	sadd.s32 s3, s13  }
0x66: {  	[tilespmem:s14], [sflag:$0x1] =	stream.linear.gather [hbm4b:s13+s1], $0x80, $0x38;
	[tilespmem:$0x10600] =	vst v63  }
0x67: {  	s14 =	spop (v2sf)  }
0x68: {  	(v2sf) =	vpush v2, $0x4;
	s13 =	sand.u32 $0x1FFFFFF0, s14  }
0x69: {  	s14 =	sadd.s32 $0x4780, s12;
	s13 =	sadd.s32 s23, s13  }
0x6a: {  	[tilespmem:s14], [sflag:$0x2] =	stream.linear.gather [hbm4b:s13+s1], $0x80, $0x38;
	[tilespmem:$0x10600] =	vst v63  }
0x6b: {  	s14 =	spop (v2sf)  }
0x6c: {  	(v2sf) =	vpush v1, $0x4;
	s13 =	sand.u32 $0x1FFFFFF0, s14  }
0x6d: {  	s14 =	sadd.s32 $0x8780, s12;
	s13 =	sadd.s32 s24, s13  }
0x6e: {  	[tilespmem:s14], [sflag:$0x3] =	stream.linear.gather [hbm4b:s13+s1], $0x80, $0x38;
	[tilespmem:$0x10600] =	vst v63  }
0x6f: {  	s14 =	spop (v2sf)  }
0x70: {  	(v2sf) =	vpush v0, $0x4;
	s13 =	sand.u32 $0x1FFFFFF0, s14  }
0x71: {  	s14 =	sadd.s32 $0xC780, s12;
	s13 =	sadd.s32 s25, s13  }
0x72: {  	[tilespmem:s14], [sflag:$0x4] =	stream.linear.gather [hbm4b:s13+s1], $0x80, $0x38;
	[tilespmem:$0x10600] =	vst v63  }
0x73: {  	s14 =	spop (v2sf)  }
0x74: {  	(v2sf) =	vpush v3, $0x5;
	s13 =	sand.u32 $0x1FFFFFF0, s14  }
0x75: {  	s14 =	sadd.s32 $0x800, s12;
	s13 =	sadd.s32 s3, s13  }
0x76: {  	[tilespmem:s14], [sflag:$0x1] =	stream.linear.gather [hbm4b:s13+s1], $0x80, $0x38;
	[tilespmem:$0x10600] =	vst v63  }
0x77: {  	s14 =	spop (v2sf)  }
0x78: {  	(v2sf) =	vpush v2, $0x5;
	s13 =	sand.u32 $0x1FFFFFF0, s14  }
0x79: {  	s14 =	sadd.s32 $0x4800, s12;
	s13 =	sadd.s32 s23, s13  }
0x7a: {  	[tilespmem:s14], [sflag:$0x2] =	stream.linear.gather [hbm4b:s13+s1], $0x80, $0x38;
	[tilespmem:$0x10600] =	vst v63  }
0x7b: {  	s14 =	spop (v2sf)  }
0x7c: {  	(v2sf) =	vpush v1, $0x5;
	s13 =	sand.u32 $0x1FFFFFF0, s14  }
0x7d: {  	s14 =	sadd.s32 $0x8800, s12;
	s13 =	sadd.s32 s24, s13  }
0x7e: {  	[tilespmem:s14], [sflag:$0x3] =	stream.linear.gather [hbm4b:s13+s1], $0x80, $0x38;
	[tilespmem:$0x10600] =	vst v63  }
0x7f: {  	s14 =	spop (v2sf)  }
0x80: {  	(v2sf) =	vpush v0, $0x5;
	s13 =	sand.u32 $0x1FFFFFF0, s14  }
0x81: {  	s14 =	sadd.s32 $0xC800, s12;
	s13 =	sadd.s32 s25, s13  }
0x82: {  	[tilespmem:s14], [sflag:$0x4] =	stream.linear.gather [hbm4b:s13+s1], $0x80, $0x38;
	[tilespmem:$0x10600] =	vst v63  }
0x83: {  	s14 =	spop (v2sf)  }
0x84: {  	(v2sf) =	vpush v3, $0x6;
	s13 =	sand.u32 $0x1FFFFFF0, s14  }
0x85: {  	s14 =	sadd.s32 $0x880, s12;
	s13 =	sadd.s32 s3, s13  }
0x86: {  	[tilespmem:s14], [sflag:$0x1] =	stream.linear.gather [hbm4b:s13+s1], $0x80, $0x38;
	[tilespmem:$0x10600] =	vst v63  }
0x87: {  	s14 =	spop (v2sf)  }
0x88: {  	(v2sf) =	vpush v2, $0x6;
	s13 =	sand.u32 $0x1FFFFFF0, s14  }
0x89: {  	s14 =	sadd.s32 $0x4880, s12;
	s13 =	sadd.s32 s23, s13  }
0x8a: {  	[tilespmem:s14], [sflag:$0x2] =	stream.linear.gather [hbm4b:s13+s1], $0x80, $0x38;
	[tilespmem:$0x10600] =	vst v63  }
0x8b: {  	s14 =	spop (v2sf)  }
0x8c: {  	(v2sf) =	vpush v1, $0x6;
	s13 =	sand.u32 $0x1FFFFFF0, s14  }
0x8d: {  	s14 =	sadd.s32 $0x8880, s12;
	s13 =	sadd.s32 s24, s13  }
0x8e: {  	[tilespmem:s14], [sflag:$0x3] =	stream.linear.gather [hbm4b:s13+s1], $0x80, $0x38;
	[tilespmem:$0x10600] =	vst v63  }
0x8f: {  	s14 =	spop (v2sf)  }
0x90: {  	(v2sf) =	vpush v0, $0x6;
	s13 =	sand.u32 $0x1FFFFFF0, s14  }
0x91: {  	s14 =	sadd.s32 $0xC880, s12;
	s13 =	sadd.s32 s25, s13  }
0x92: {  	[tilespmem:s14], [sflag:$0x4] =	stream.linear.gather [hbm4b:s13+s1], $0x80, $0x38;
	[tilespmem:$0x10600] =	vst v63  }
0x93: {  	s14 =	spop (v2sf)  }
0x94: {  	(v2sf) =	vpush v3, $0x7;
	s13 =	sand.u32 $0x1FFFFFF0, s14  }
0x95: {  	s14 =	sadd.s32 $0x900, s12;
	s13 =	sadd.s32 s3, s13  }
0x96: {  	[tilespmem:s14], [sflag:$0x1] =	stream.linear.gather [hbm4b:s13+s1], $0x80, $0x38;
	[tilespmem:$0x10600] =	vst v63  }
0x97: {  	s14 =	spop (v2sf)  }
0x98: {  	(v2sf) =	vpush v2, $0x7;
	s13 =	sand.u32 $0x1FFFFFF0, s14  }
0x99: {  	s14 =	sadd.s32 $0x4900, s12;
	s13 =	sadd.s32 s23, s13  }
0x9a: {  	[tilespmem:s14], [sflag:$0x2] =	stream.linear.gather [hbm4b:s13+s1], $0x80, $0x38;
	[tilespmem:$0x10600] =	vst v63  }
0x9b: {  	s14 =	spop (v2sf)  }
0x9c: {  	(v2sf) =	vpush v1, $0x7;
	s13 =	sand.u32 $0x1FFFFFF0, s14  }
0x9d: {  	s14 =	sadd.s32 $0x8900, s12;
	s13 =	sadd.s32 s24, s13  }
0x9e: {  	[tilespmem:s14], [sflag:$0x3] =	stream.linear.gather [hbm4b:s13+s1], $0x80, $0x38;
	[tilespmem:$0x10600] =	vst v63  }
0x9f: {  	s14 =	spop (v2sf)  }
0xa0: {  	(v2sf) =	vpush v0, $0x7;
	s13 =	sand.u32 $0x1FFFFFF0, s14  }
0xa1: {  	s14 =	sadd.s32 $0xC900, s12;
	s13 =	sadd.s32 s25, s13  }
0xa2: {  	[tilespmem:s14], [sflag:$0x4] =	stream.linear.gather [hbm4b:s13+s1], $0x80, $0x38;
	[tilespmem:$0x10600] =	vst v63  }
0xa3: {  	s14 =	spop (v2sf)  }
0xa4: {  	(v2sf) =	vpush v3, $0x8;
	s13 =	sand.u32 $0x1FFFFFF0, s14  }
0xa5: {  	s14 =	sadd.s32 $0x980, s12;
	s13 =	sadd.s32 s3, s13  }
0xa6: {  	[tilespmem:s14], [sflag:$0x1] =	stream.linear.gather [hbm4b:s13+s1], $0x80, $0x38;
	[tilespmem:$0x10600] =	vst v63  }
0xa7: {  	s14 =	spop (v2sf)  }
0xa8: {  	(v2sf) =	vpush v2, $0x8;
	s13 =	sand.u32 $0x1FFFFFF0, s14  }
0xa9: {  	s14 =	sadd.s32 $0x4980, s12;
	s13 =	sadd.s32 s23, s13  }
0xaa: {  	[tilespmem:s14], [sflag:$0x2] =	stream.linear.gather [hbm4b:s13+s1], $0x80, $0x38;
	[tilespmem:$0x10600] =	vst v63  }
0xab: {  	s14 =	spop (v2sf)  }
0xac: {  	(v2sf) =	vpush v1, $0x8;
	s13 =	sand.u32 $0x1FFFFFF0, s14  }
0xad: {  	s14 =	sadd.s32 $0x8980, s12;
	s13 =	sadd.s32 s24, s13  }
0xae: {  	[tilespmem:s14], [sflag:$0x3] =	stream.linear.gather [hbm4b:s13+s1], $0x80, $0x38;
	[tilespmem:$0x10600] =	vst v63  }
0xaf: {  	s14 =	spop (v2sf)  }
0xb0: {  	(v2sf) =	vpush v0, $0x8;
	s13 =	sand.u32 $0x1FFFFFF0, s14  }
0xb1: {  	s14 =	sadd.s32 $0xC980, s12;
	s13 =	sadd.s32 s25, s13  }
0xb2: {  	[tilespmem:s14], [sflag:$0x4] =	stream.linear.gather [hbm4b:s13+s1], $0x80, $0x38;
	[tilespmem:$0x10600] =	vst v63  }
0xb3: {  	s14 =	spop (v2sf)  }
0xb4: {  	(v2sf) =	vpush v3, $0x9;
	s13 =	sand.u32 $0x1FFFFFF0, s14  }
0xb5: {  	s14 =	sadd.s32 $0xA00, s12;
	s13 =	sadd.s32 s3, s13  }
0xb6: {  	[tilespmem:s14], [sflag:$0x1] =	stream.linear.gather [hbm4b:s13+s1], $0x80, $0x38;
	[tilespmem:$0x10600] =	vst v63  }
0xb7: {  	s14 =	spop (v2sf)  }
0xb8: {  	(v2sf) =	vpush v2, $0x9;
	s13 =	sand.u32 $0x1FFFFFF0, s14  }
0xb9: {  	s14 =	sadd.s32 $0x4A00, s12;
	s13 =	sadd.s32 s23, s13  }
0xba: {  	[tilespmem:s14], [sflag:$0x2] =	stream.linear.gather [hbm4b:s13+s1], $0x80, $0x38;
	[tilespmem:$0x10600] =	vst v63  }
0xbb: {  	s14 =	spop (v2sf)  }
0xbc: {  	(v2sf) =	vpush v1, $0x9;
	s13 =	sand.u32 $0x1FFFFFF0, s14  }
0xbd: {  	s14 =	sadd.s32 $0x8A00, s12;
	s13 =	sadd.s32 s24, s13  }
0xbe: {  	[tilespmem:s14], [sflag:$0x3] =	stream.linear.gather [hbm4b:s13+s1], $0x80, $0x38;
	[tilespmem:$0x10600] =	vst v63  }
0xbf: {  	s14 =	spop (v2sf)  }
0xc0: {  	(v2sf) =	vpush v0, $0x9;
	s13 =	sand.u32 $0x1FFFFFF0, s14  }
0xc1: {  	s14 =	sadd.s32 $0xCA00, s12;
	s13 =	sadd.s32 s25, s13  }
0xc2: {  	[tilespmem:s14], [sflag:$0x4] =	stream.linear.gather [hbm4b:s13+s1], $0x80, $0x38;
	[tilespmem:$0x10600] =	vst v63  }
0xc3: {  	s14 =	spop (v2sf)  }
0xc4: {  	(v2sf) =	vpush v3, $0xA;
	s13 =	sand.u32 $0x1FFFFFF0, s14  }
0xc5: {  	s14 =	sadd.s32 $0xA80, s12;
	s13 =	sadd.s32 s3, s13  }
0xc6: {  	[tilespmem:s14], [sflag:$0x1] =	stream.linear.gather [hbm4b:s13+s1], $0x80, $0x38;
	[tilespmem:$0x10600] =	vst v63  }
0xc7: {  	s14 =	spop (v2sf)  }
0xc8: {  	(v2sf) =	vpush v2, $0xA;
	s13 =	sand.u32 $0x1FFFFFF0, s14  }
0xc9: {  	s14 =	sadd.s32 $0x4A80, s12;
	s13 =	sadd.s32 s23, s13  }
0xca: {  	[tilespmem:s14], [sflag:$0x2] =	stream.linear.gather [hbm4b:s13+s1], $0x80, $0x38;
	[tilespmem:$0x10600] =	vst v63  }
0xcb: {  	s14 =	spop (v2sf)  }
0xcc: {  	(v2sf) =	vpush v1, $0xA;
	s13 =	sand.u32 $0x1FFFFFF0, s14  }
0xcd: {  	s14 =	sadd.s32 $0x8A80, s12;
	s13 =	sadd.s32 s24, s13  }
0xce: {  	[tilespmem:s14], [sflag:$0x3] =	stream.linear.gather [hbm4b:s13+s1], $0x80, $0x38;
	[tilespmem:$0x10600] =	vst v63  }
0xcf: {  	s14 =	spop (v2sf)  }
0xd0: {  	(v2sf) =	vpush v0, $0xA;
	s13 =	sand.u32 $0x1FFFFFF0, s14  }
0xd1: {  	s14 =	sadd.s32 $0xCA80, s12;
	s13 =	sadd.s32 s25, s13  }
0xd2: {  	[tilespmem:s14], [sflag:$0x4] =	stream.linear.gather [hbm4b:s13+s1], $0x80, $0x38;
	[tilespmem:$0x10600] =	vst v63  }
0xd3: {  	s14 =	spop (v2sf)  }
0xd4: {  	(v2sf) =	vpush v3, $0xB;
	s13 =	sand.u32 $0x1FFFFFF0, s14  }
0xd5: {  	s14 =	sadd.s32 $0xB00, s12;
	s13 =	sadd.s32 s3, s13  }
0xd6: {  	[tilespmem:s14], [sflag:$0x1] =	stream.linear.gather [hbm4b:s13+s1], $0x80, $0x38;
	[tilespmem:$0x10600] =	vst v63  }
0xd7: {  	s14 =	spop (v2sf)  }
0xd8: {  	(v2sf) =	vpush v2, $0xB;
	s13 =	sand.u32 $0x1FFFFFF0, s14  }
0xd9: {  	s14 =	sadd.s32 $0x4B00, s12;
	s13 =	sadd.s32 s23, s13  }
0xda: {  	[tilespmem:s14], [sflag:$0x2] =	stream.linear.gather [hbm4b:s13+s1], $0x80, $0x38;
	[tilespmem:$0x10600] =	vst v63  }
0xdb: {  	s14 =	spop (v2sf)  }
0xdc: {  	(v2sf) =	vpush v1, $0xB;
	s13 =	sand.u32 $0x1FFFFFF0, s14  }
0xdd: {  	s14 =	sadd.s32 $0x8B00, s12;
	s13 =	sadd.s32 s24, s13  }
0xde: {  	[tilespmem:s14], [sflag:$0x3] =	stream.linear.gather [hbm4b:s13+s1], $0x80, $0x38;
	[tilespmem:$0x10600] =	vst v63  }
0xdf: {  	s14 =	spop (v2sf)  }
0xe0: {  	(v2sf) =	vpush v0, $0xB;
	s13 =	sand.u32 $0x1FFFFFF0, s14  }
0xe1: {  	s14 =	sadd.s32 $0xCB00, s12;
	s13 =	sadd.s32 s25, s13  }
0xe2: {  	[tilespmem:s14], [sflag:$0x4] =	stream.linear.gather [hbm4b:s13+s1], $0x80, $0x38;
	[tilespmem:$0x10600] =	vst v63  }
0xe3: {  	s14 =	spop (v2sf)  }
0xe4: {  	(v2sf) =	vpush v3, $0xC;
	s13 =	sand.u32 $0x1FFFFFF0, s14  }
0xe5: {  	s14 =	sadd.s32 $0xB80, s12;
	s13 =	sadd.s32 s3, s13  }
0xe6: {  	[tilespmem:s14], [sflag:$0x1] =	stream.linear.gather [hbm4b:s13+s1], $0x80, $0x38;
	[tilespmem:$0x10600] =	vst v63  }
0xe7: {  	s14 =	spop (v2sf)  }
0xe8: {  	(v2sf) =	vpush v2, $0xC;
	s13 =	sand.u32 $0x1FFFFFF0, s14  }
0xe9: {  	s14 =	sadd.s32 $0x4B80, s12;
	s13 =	sadd.s32 s23, s13  }
0xea: {  	[tilespmem:s14], [sflag:$0x2] =	stream.linear.gather [hbm4b:s13+s1], $0x80, $0x38;
	[tilespmem:$0x10600] =	vst v63  }
0xeb: {  	s14 =	spop (v2sf)  }
0xec: {  	(v2sf) =	vpush v1, $0xC;
	s13 =	sand.u32 $0x1FFFFFF0, s14  }
0xed: {  	s14 =	sadd.s32 $0x8B80, s12;
	s13 =	sadd.s32 s24, s13  }
0xee: {  	[tilespmem:s14], [sflag:$0x3] =	stream.linear.gather [hbm4b:s13+s1], $0x80, $0x38;
	[tilespmem:$0x10600] =	vst v63  }
0xef: {  	s14 =	spop (v2sf)  }
0xf0: {  	(v2sf) =	vpush v0, $0xC;
	s13 =	sand.u32 $0x1FFFFFF0, s14  }
0xf1: {  	s14 =	sadd.s32 $0xCB80, s12;
	s13 =	sadd.s32 s25, s13  }
0xf2: {  	[tilespmem:s14], [sflag:$0x4] =	stream.linear.gather [hbm4b:s13+s1], $0x80, $0x38;
	[tilespmem:$0x10600] =	vst v63  }
0xf3: {  	s14 =	spop (v2sf)  }
0xf4: {  	(v2sf) =	vpush v3, $0xD;
	s13 =	sand.u32 $0x1FFFFFF0, s14  }
0xf5: {  	s14 =	sadd.s32 $0xC00, s12;
	s13 =	sadd.s32 s3, s13  }
0xf6: {  	[tilespmem:s14], [sflag:$0x1] =	stream.linear.gather [hbm4b:s13+s1], $0x80, $0x38;
	[tilespmem:$0x10600] =	vst v63  }
0xf7: {  	s14 =	spop (v2sf)  }
0xf8: {  	(v2sf) =	vpush v2, $0xD;
	s13 =	sand.u32 $0x1FFFFFF0, s14  }
0xf9: {  	s14 =	sadd.s32 $0x4C00, s12;
	s13 =	sadd.s32 s23, s13  }
0xfa: {  	[tilespmem:s14], [sflag:$0x2] =	stream.linear.gather [hbm4b:s13+s1], $0x80, $0x38;
	[tilespmem:$0x10600] =	vst v63  }
0xfb: {  	s14 =	spop (v2sf)  }
0xfc: {  	(v2sf) =	vpush v1, $0xD;
	s13 =	sand.u32 $0x1FFFFFF0, s14  }
0xfd: {  	s14 =	sadd.s32 $0x8C00, s12;
	s13 =	sadd.s32 s24, s13  }
0xfe: {  	[tilespmem:s14], [sflag:$0x3] =	stream.linear.gather [hbm4b:s13+s1], $0x80, $0x38;
	[tilespmem:$0x10600] =	vst v63  }
0xff: {  	s14 =	spop (v2sf)  }
0x100: {  	(v2sf) =	vpush v0, $0xD;
	s13 =	sand.u32 $0x1FFFFFF0, s14  }
0x101: {  	s14 =	sadd.s32 $0xCC00, s12;
	s13 =	sadd.s32 s25, s13  }
0x102: {  	[tilespmem:s14], [sflag:$0x4] =	stream.linear.gather [hbm4b:s13+s1], $0x80, $0x38;
	[tilespmem:$0x10600] =	vst v63  }
0x103: {  	s14 =	spop (v2sf)  }
0x104: {  	(v2sf) =	vpush v3, $0xE;
	s13 =	sand.u32 $0x1FFFFFF0, s14  }
0x105: {  	s14 =	sadd.s32 $0xC80, s12;
	s13 =	sadd.s32 s3, s13  }
0x106: {  	[tilespmem:s14], [sflag:$0x1] =	stream.linear.gather [hbm4b:s13+s1], $0x80, $0x38;
	[tilespmem:$0x10600] =	vst v63  }
0x107: {  	s14 =	spop (v2sf)  }
0x108: {  	(v2sf) =	vpush v2, $0xE;
	s13 =	sand.u32 $0x1FFFFFF0, s14  }
0x109: {  	s14 =	sadd.s32 $0x4C80, s12;
	s13 =	sadd.s32 s23, s13  }
0x10a: {  	[tilespmem:s14], [sflag:$0x2] =	stream.linear.gather [hbm4b:s13+s1], $0x80, $0x38;
	[tilespmem:$0x10600] =	vst v63  }
0x10b: {  	s14 =	spop (v2sf)  }
0x10c: {  	(v2sf) =	vpush v1, $0xE;
	s13 =	sand.u32 $0x1FFFFFF0, s14  }
0x10d: {  	s14 =	sadd.s32 $0x8C80, s12;
	s13 =	sadd.s32 s24, s13  }
0x10e: {  	[tilespmem:s14], [sflag:$0x3] =	stream.linear.gather [hbm4b:s13+s1], $0x80, $0x38;
	[tilespmem:$0x10600] =	vst v63  }
0x10f: {  	s14 =	spop (v2sf)  }
0x110: {  	(v2sf) =	vpush v0, $0xE;
	s13 =	sand.u32 $0x1FFFFFF0, s14  }
0x111: {  	s14 =	sadd.s32 $0xCC80, s12;
	s13 =	sadd.s32 s25, s13  }
0x112: {  	[tilespmem:s14], [sflag:$0x4] =	stream.linear.gather [hbm4b:s13+s1], $0x80, $0x38;
	[tilespmem:$0x10600] =	vst v63  }
0x113: {  	s14 =	spop (v2sf)  }
0x114: {  	(v2sf) =	vpush v3, $0xF;
	s13 =	sand.u32 $0x1FFFFFF0, s14  }
0x115: {  	s14 =	sadd.s32 $0xD00, s12;
	s13 =	sadd.s32 s3, s13  }
0x116: {  	[tilespmem:s14], [sflag:$0x1] =	stream.linear.gather [hbm4b:s13+s1], $0x80, $0x38;
	[tilespmem:$0x10600] =	vst v63  }
0x117: {  	s14 =	spop (v2sf)  }
0x118: {  	(v2sf) =	vpush v2, $0xF;
	s13 =	sand.u32 $0x1FFFFFF0, s14  }
0x119: {  	s14 =	sadd.s32 $0x4D00, s12;
	s13 =	sadd.s32 s23, s13  }
0x11a: {  	[tilespmem:s14], [sflag:$0x2] =	stream.linear.gather [hbm4b:s13+s1], $0x80, $0x38;
	[tilespmem:$0x10600] =	vst v63  }
0x11b: {  	s14 =	spop (v2sf)  }
0x11c: {  	(v2sf) =	vpush v1, $0xF;
	s13 =	sand.u32 $0x1FFFFFF0, s14  }
0x11d: {  	s14 =	sadd.s32 $0x8D00, s12;
	s13 =	sadd.s32 s24, s13  }
0x11e: {  	[tilespmem:s14], [sflag:$0x3] =	stream.linear.gather [hbm4b:s13+s1], $0x80, $0x38;
	[tilespmem:$0x10600] =	vst v63  }
0x11f: {  	s14 =	spop (v2sf)  }
0x120: {  	s13 =	sand.u32 $0x1FFFFFF0, s14  }
0x121: {  	(v2sf) =	vpush v0, $0xF;
	s14 =	sadd.s32 $0xCD00, s12;
	s13 =	sadd.s32 s25, s13  }
0x122: {  	[tilespmem:s14], [sflag:$0x4] =	stream.linear.gather [hbm4b:s13+s1], $0x80, $0x38;
	[tilespmem:$0x10600] =	vst v63  }
0x123: {  	s14 =	spop (v2sf)  }
0x124: {  	s13 =	sand.u32 $0x1FFFFFF0, s14  }
0x125: {  	s14 =	sadd.s32 $0xD80, s12;
	s13 =	sadd.s32 s3, s13  }
0x126: {  	[tilespmem:s14], [sflag:$0x1] =	stream.linear.gather [hbm4b:s13+s1], $0x80, $0x38;
	[tilespmem:$0x10600] =	vst v63  }
0x127: {  	s14 =	spop (v2sf)  }
0x128: {  	s13 =	sand.u32 $0x1FFFFFF0, s14  }
0x129: {  	s14 =	sadd.s32 $0x4D80, s12;
	s13 =	sadd.s32 s23, s13  }
0x12a: {  	[tilespmem:s14], [sflag:$0x2] =	stream.linear.gather [hbm4b:s13+s1], $0x80, $0x38;
	[tilespmem:$0x10600] =	vst v63  }
0x12b: {  	s14 =	spop (v2sf)  }
0x12c: {  	s13 =	sand.u32 $0x1FFFFFF0, s14  }
0x12d: {  	p0 =	sne.s32 s11, $0xE000;
	s14 =	sadd.s32 $0x8D80, s12;
	s13 =	sadd.s32 s24, s13  }
0x12e: {  	[tilespmem:s14], [sflag:$0x3] =	stream.linear.gather [hbm4b:s13+s1], $0x80, $0x38;
	[tilespmem:$0x10600] =	vst v63  }
.Ltmp0:
0x12f: {  	_ = 	snop;
	(pc) =	sbr.rel @p0 .LBB2_2-.Ltmp0, $4  }
0x130: {  	s10 =	sadd.s32 $0x10, s10;
	s14 =	spop (v2sf)  }
0x131: {  	s8 =	sadd.s32 $0x10, s8;
	s9 =	sadd.s32 $0x10, s9;
	s13 =	sand.u32 $0x1FFFFFF0, s14  }
0x132: {  	s11 =	sadd.s32 $0x2000, s11;
	s12 =	sadd.s32 $0xCD80, s12;
	s13 =	sadd.s32 s25, s13  }
0x133: {  	[tilespmem:s12], [sflag:$0x4] =	stream.linear.gather [hbm4b:s13+s1], $0x80, $0x38;
	[tilespmem:$0x10600] =	vst v63  }
0x134: {  	_ =	swait.ge [sflag:s29], $0x4000  }
0x135: {  	[sflag:s29] =	ssyncset.done $0x0  }
0x136: {  	[sflag:s29] =	ssyncadd.s32 $0xFFFFC000  }
0x137: {  	_ =	swait.ge [sflag:s30], $0x4000  }
0x138: {  	[sflag:s30] =	ssyncset.done $0x0  }
0x139: {  	[sflag:s30] =	ssyncadd.s32 $0xFFFFC000  }
0x13a: {  	_ =	swait.ge [sflag:s31], $0x4000  }
0x13b: {  	[sflag:s31] =	ssyncset.done $0x0  }
0x13c: {  	[sflag:s31] =	ssyncadd.s32 $0xFFFFC000  }
0x13d: {  	_ =	swait.ge [sflag:s0], $0x4000  }
0x13e: {  	[sflag:s0] =	ssyncset.done $0x0  }
0x13f: {  	s8 =	simm.s32 $0x0;
	s9 =	rddreg [dreg:$0x8];
	[sflag:s0] =	ssyncadd.s32 $0xFFFFC000  }
0x140: {  	[hbm4b:s9+s8] =	stream.linear.scatter [tilespmem:s2], [sflag:$0x5], $0x4000, $0x38;
	[tilespmem:$0x10600] =	vst v63  }
0x141: {  	_ =	swait.ge [sflag:s28], $0x4000  }
0x142: {  	[sflag:s28] =	ssyncset.done $0x0  }
0x143: {  	s12 =	rddreg [dreg:$0x9];
	[sflag:s28] =	ssyncadd.s32 $0xFFFFC000  }
0x144: {  	[hbm4b:s12+s8] =	stream.linear.scatter [tilespmem:s4], [sflag:$0x5], $0x4000, $0x38;
	[tilespmem:$0x10600] =	vst v63  }
0x145: {  	_ =	swait.ge [sflag:s28], $0x4000  }
0x146: {  	[sflag:s28] =	ssyncset.done $0x0  }
0x147: {  	s13 =	rddreg [dreg:$0xa];
	[sflag:s28] =	ssyncadd.s32 $0xFFFFC000  }
0x148: {  	[hbm4b:s13+s8] =	stream.linear.scatter [tilespmem:s5], [sflag:$0x5], $0x4000, $0x38;
	[tilespmem:$0x10600] =	vst v63  }
0x149: {  	_ =	swait.ge [sflag:s28], $0x4000  }
0x14a: {  	[sflag:s28] =	ssyncset.done $0x0  }
0x14b: {  	s14 =	rddreg [dreg:$0xb];
	[sflag:s28] =	ssyncadd.s32 $0xFFFFC000  }
0x14c: {  	[hbm4b:s14+s8] =	stream.linear.scatter [tilespmem:s6], [sflag:$0x5], $0x4000, $0x38;
	[tilespmem:$0x10600] =	vst v63  }
0x14d: {  	_ =	swait.ge [sflag:s28], $0x4000  }
0x14e: {  	s10 =	simm.s32 $0x280;
	[sflag:s28] =	ssyncset.done $0x0  }
0x14f: {  	s11 =	simm.s32 $0x80;
	s9 =	simm.s32 $0x480;
	[sflag:s28] =	ssyncadd.s32 $0xFFFFC000  }
.LBB2_4:
0x150: {  	v0 =	vld [tilespmem:s11+$0x0];
	_ =	sdelay $0x4  }
0x151: {  	v3 =	vshll.u32 v0, $0x4  }
0x152: {  	(v2sf) =	vpush v3, $0x0;
	_ =	sdelay $0x1  }
0x153: {  	v1 =	vld [tilespmem:s10+$0x0];
	v0 =	vshrl.u32 v0, $0x2  }
0x154: {  	v2 =	vshll.u32 v0, $0x4  }
0x155: {  	(v2sf) =	vpush v2, $0x0;
	_ =	sdelay $0x1  }
0x156: {  	v63 =	vld [tilespmem:s9+$0x0]  }
0x157: {  	v1 =	vshll.u32 v1, $0x4  }
0x158: {  	(v2sf) =	vpush v1, $0x0;
	_ =	sdelay $0x2  }
0x159: {  	v0 =	vshll.u32 v63, $0x4  }
0x15a: {  	(v2sf) =	vpush v0, $0x0;
	_ =	sdelay $0x2  }
0x15b: {  	s13 =	spop (v2sf)  }
0x15c: {  	s12 =	sshra.s32 s8, $0x2;
	(v2sf) =	vpush v3, $0x1;
	s13 =	sand.u32 $0x1FFFFFF0, s13  }
0x15d: {  	s14 =	sadd.s32 $0x600, s12;
	s13 =	sadd.s32 s3, s13  }
0x15e: {  	[tilespmem:s14], [sflag:$0x1] =	stream.linear.gather [hbm4b:s13+s1], $0x80, $0x38;
	[tilespmem:$0x10600] =	vst v63  }
0x15f: {  	s14 =	spop (v2sf)  }
0x160: {  	(v2sf) =	vpush v2, $0x1;
	s13 =	sand.u32 $0x1FFFFFF0, s14  }
0x161: {  	s14 =	sadd.s32 $0x4600, s12;
	s13 =	sadd.s32 s23, s13  }
0x162: {  	[tilespmem:s14], [sflag:$0x2] =	stream.linear.gather [hbm4b:s13+s1], $0x80, $0x38;
	[tilespmem:$0x10600] =	vst v63  }
0x163: {  	s14 =	spop (v2sf)  }
0x164: {  	(v2sf) =	vpush v1, $0x1;
	s13 =	sand.u32 $0x1FFFFFF0, s14  }
0x165: {  	s14 =	sadd.s32 $0x8600, s12;
	s13 =	sadd.s32 s24, s13  }
0x166: {  	[tilespmem:s14], [sflag:$0x3] =	stream.linear.gather [hbm4b:s13+s1], $0x80, $0x38;
	[tilespmem:$0x10600] =	vst v63  }
0x167: {  	s14 =	spop (v2sf)  }
0x168: {  	(v2sf) =	vpush v0, $0x1;
	s13 =	sand.u32 $0x1FFFFFF0, s14  }
0x169: {  	s14 =	sadd.s32 $0xC600, s12;
	s13 =	sadd.s32 s25, s13  }
0x16a: {  	[tilespmem:s14], [sflag:$0x4] =	stream.linear.gather [hbm4b:s13+s1], $0x80, $0x38;
	[tilespmem:$0x10600] =	vst v63  }
0x16b: {  	s14 =	spop (v2sf)  }
0x16c: {  	(v2sf) =	vpush v3, $0x2;
	s13 =	sand.u32 $0x1FFFFFF0, s14  }
0x16d: {  	s14 =	sadd.s32 $0x680, s12;
	s13 =	sadd.s32 s3, s13  }
0x16e: {  	[tilespmem:s14], [sflag:$0x1] =	stream.linear.gather [hbm4b:s13+s1], $0x80, $0x38;
	[tilespmem:$0x10600] =	vst v63  }
0x16f: {  	s14 =	spop (v2sf)  }
0x170: {  	(v2sf) =	vpush v2, $0x2;
	s13 =	sand.u32 $0x1FFFFFF0, s14  }
0x171: {  	s14 =	sadd.s32 $0x4680, s12;
	s13 =	sadd.s32 s23, s13  }
0x172: {  	[tilespmem:s14], [sflag:$0x2] =	stream.linear.gather [hbm4b:s13+s1], $0x80, $0x38;
	[tilespmem:$0x10600] =	vst v63  }
0x173: {  	s14 =	spop (v2sf)  }
0x174: {  	(v2sf) =	vpush v1, $0x2;
	s13 =	sand.u32 $0x1FFFFFF0, s14  }
0x175: {  	s14 =	sadd.s32 $0x8680, s12;
	s13 =	sadd.s32 s24, s13  }
0x176: {  	[tilespmem:s14], [sflag:$0x3] =	stream.linear.gather [hbm4b:s13+s1], $0x80, $0x38;
	[tilespmem:$0x10600] =	vst v63  }
0x177: {  	s14 =	spop (v2sf)  }
0x178: {  	(v2sf) =	vpush v0, $0x2;
	s13 =	sand.u32 $0x1FFFFFF0, s14  }
0x179: {  	s14 =	sadd.s32 $0xC680, s12;
	s13 =	sadd.s32 s25, s13  }
0x17a: {  	[tilespmem:s14], [sflag:$0x4] =	stream.linear.gather [hbm4b:s13+s1], $0x80, $0x38;
	[tilespmem:$0x10600] =	vst v63  }
0x17b: {  	s14 =	spop (v2sf)  }
0x17c: {  	(v2sf) =	vpush v3, $0x3;
	s13 =	sand.u32 $0x1FFFFFF0, s14  }
0x17d: {  	s14 =	sadd.s32 $0x700, s12;
	s13 =	sadd.s32 s3, s13  }
0x17e: {  	[tilespmem:s14], [sflag:$0x1] =	stream.linear.gather [hbm4b:s13+s1], $0x80, $0x38;
	[tilespmem:$0x10600] =	vst v63  }
0x17f: {  	s14 =	spop (v2sf)  }
0x180: {  	(v2sf) =	vpush v2, $0x3;
	s13 =	sand.u32 $0x1FFFFFF0, s14  }
0x181: {  	s14 =	sadd.s32 $0x4700, s12;
	s13 =	sadd.s32 s23, s13  }
0x182: {  	[tilespmem:s14], [sflag:$0x2] =	stream.linear.gather [hbm4b:s13+s1], $0x80, $0x38;
	[tilespmem:$0x10600] =	vst v63  }
0x183: {  	s14 =	spop (v2sf)  }
0x184: {  	(v2sf) =	vpush v1, $0x3;
	s13 =	sand.u32 $0x1FFFFFF0, s14  }
0x185: {  	s14 =	sadd.s32 $0x8700, s12;
	s13 =	sadd.s32 s24, s13  }
0x186: {  	[tilespmem:s14], [sflag:$0x3] =	stream.linear.gather [hbm4b:s13+s1], $0x80, $0x38;
	[tilespmem:$0x10600] =	vst v63  }
0x187: {  	s14 =	spop (v2sf)  }
0x188: {  	(v2sf) =	vpush v0, $0x3;
	s13 =	sand.u32 $0x1FFFFFF0, s14  }
0x189: {  	s14 =	sadd.s32 $0xC700, s12;
	s13 =	sadd.s32 s25, s13  }
0x18a: {  	[tilespmem:s14], [sflag:$0x4] =	stream.linear.gather [hbm4b:s13+s1], $0x80, $0x38;
	[tilespmem:$0x10600] =	vst v63  }
0x18b: {  	s14 =	spop (v2sf)  }
0x18c: {  	(v2sf) =	vpush v3, $0x4;
	s13 =	sand.u32 $0x1FFFFFF0, s14  }
0x18d: {  	s14 =	sadd.s32 $0x780, s12;
	s13 =	sadd.s32 s3, s13  }
0x18e: {  	[tilespmem:s14], [sflag:$0x1] =	stream.linear.gather [hbm4b:s13+s1], $0x80, $0x38;
	[tilespmem:$0x10600] =	vst v63  }
0x18f: {  	s14 =	spop (v2sf)  }
0x190: {  	(v2sf) =	vpush v2, $0x4;
	s13 =	sand.u32 $0x1FFFFFF0, s14  }
0x191: {  	s14 =	sadd.s32 $0x4780, s12;
	s13 =	sadd.s32 s23, s13  }
0x192: {  	[tilespmem:s14], [sflag:$0x2] =	stream.linear.gather [hbm4b:s13+s1], $0x80, $0x38;
	[tilespmem:$0x10600] =	vst v63  }
0x193: {  	s14 =	spop (v2sf)  }
0x194: {  	(v2sf) =	vpush v1, $0x4;
	s13 =	sand.u32 $0x1FFFFFF0, s14  }
0x195: {  	s14 =	sadd.s32 $0x8780, s12;
	s13 =	sadd.s32 s24, s13  }
0x196: {  	[tilespmem:s14], [sflag:$0x3] =	stream.linear.gather [hbm4b:s13+s1], $0x80, $0x38;
	[tilespmem:$0x10600] =	vst v63  }
0x197: {  	s14 =	spop (v2sf)  }
0x198: {  	(v2sf) =	vpush v0, $0x4;
	s13 =	sand.u32 $0x1FFFFFF0, s14  }
0x199: {  	s14 =	sadd.s32 $0xC780, s12;
	s13 =	sadd.s32 s25, s13  }
0x19a: {  	[tilespmem:s14], [sflag:$0x4] =	stream.linear.gather [hbm4b:s13+s1], $0x80, $0x38;
	[tilespmem:$0x10600] =	vst v63  }
0x19b: {  	s14 =	spop (v2sf)  }
0x19c: {  	(v2sf) =	vpush v3, $0x5;
	s13 =	sand.u32 $0x1FFFFFF0, s14  }
0x19d: {  	s14 =	sadd.s32 $0x800, s12;
	s13 =	sadd.s32 s3, s13  }
0x19e: {  	[tilespmem:s14], [sflag:$0x1] =	stream.linear.gather [hbm4b:s13+s1], $0x80, $0x38;
	[tilespmem:$0x10600] =	vst v63  }
0x19f: {  	s14 =	spop (v2sf)  }
0x1a0: {  	(v2sf) =	vpush v2, $0x5;
	s13 =	sand.u32 $0x1FFFFFF0, s14  }
0x1a1: {  	s14 =	sadd.s32 $0x4800, s12;
	s13 =	sadd.s32 s23, s13  }
0x1a2: {  	[tilespmem:s14], [sflag:$0x2] =	stream.linear.gather [hbm4b:s13+s1], $0x80, $0x38;
	[tilespmem:$0x10600] =	vst v63  }
0x1a3: {  	s14 =	spop (v2sf)  }
0x1a4: {  	(v2sf) =	vpush v1, $0x5;
	s13 =	sand.u32 $0x1FFFFFF0, s14  }
0x1a5: {  	s14 =	sadd.s32 $0x8800, s12;
	s13 =	sadd.s32 s24, s13  }
0x1a6: {  	[tilespmem:s14], [sflag:$0x3] =	stream.linear.gather [hbm4b:s13+s1], $0x80, $0x38;
	[tilespmem:$0x10600] =	vst v63  }
0x1a7: {  	s14 =	spop (v2sf)  }
0x1a8: {  	(v2sf) =	vpush v0, $0x5;
	s13 =	sand.u32 $0x1FFFFFF0, s14  }
0x1a9: {  	s14 =	sadd.s32 $0xC800, s12;
	s13 =	sadd.s32 s25, s13  }
0x1aa: {  	[tilespmem:s14], [sflag:$0x4] =	stream.linear.gather [hbm4b:s13+s1], $0x80, $0x38;
	[tilespmem:$0x10600] =	vst v63  }
0x1ab: {  	s14 =	spop (v2sf)  }
0x1ac: {  	(v2sf) =	vpush v3, $0x6;
	s13 =	sand.u32 $0x1FFFFFF0, s14  }
0x1ad: {  	s14 =	sadd.s32 $0x880, s12;
	s13 =	sadd.s32 s3, s13  }
0x1ae: {  	[tilespmem:s14], [sflag:$0x1] =	stream.linear.gather [hbm4b:s13+s1], $0x80, $0x38;
	[tilespmem:$0x10600] =	vst v63  }
0x1af: {  	s14 =	spop (v2sf)  }
0x1b0: {  	(v2sf) =	vpush v2, $0x6;
	s13 =	sand.u32 $0x1FFFFFF0, s14  }
0x1b1: {  	s14 =	sadd.s32 $0x4880, s12;
	s13 =	sadd.s32 s23, s13  }
0x1b2: {  	[tilespmem:s14], [sflag:$0x2] =	stream.linear.gather [hbm4b:s13+s1], $0x80, $0x38;
	[tilespmem:$0x10600] =	vst v63  }
0x1b3: {  	s14 =	spop (v2sf)  }
0x1b4: {  	(v2sf) =	vpush v1, $0x6;
	s13 =	sand.u32 $0x1FFFFFF0, s14  }
0x1b5: {  	s14 =	sadd.s32 $0x8880, s12;
	s13 =	sadd.s32 s24, s13  }
0x1b6: {  	[tilespmem:s14], [sflag:$0x3] =	stream.linear.gather [hbm4b:s13+s1], $0x80, $0x38;
	[tilespmem:$0x10600] =	vst v63  }
0x1b7: {  	s14 =	spop (v2sf)  }
0x1b8: {  	(v2sf) =	vpush v0, $0x6;
	s13 =	sand.u32 $0x1FFFFFF0, s14  }
0x1b9: {  	s14 =	sadd.s32 $0xC880, s12;
	s13 =	sadd.s32 s25, s13  }
0x1ba: {  	[tilespmem:s14], [sflag:$0x4] =	stream.linear.gather [hbm4b:s13+s1], $0x80, $0x38;
	[tilespmem:$0x10600] =	vst v63  }
0x1bb: {  	s14 =	spop (v2sf)  }
0x1bc: {  	(v2sf) =	vpush v3, $0x7;
	s13 =	sand.u32 $0x1FFFFFF0, s14  }
0x1bd: {  	s14 =	sadd.s32 $0x900, s12;
	s13 =	sadd.s32 s3, s13  }
0x1be: {  	[tilespmem:s14], [sflag:$0x1] =	stream.linear.gather [hbm4b:s13+s1], $0x80, $0x38;
	[tilespmem:$0x10600] =	vst v63  }
0x1bf: {  	s14 =	spop (v2sf)  }
0x1c0: {  	(v2sf) =	vpush v2, $0x7;
	s13 =	sand.u32 $0x1FFFFFF0, s14  }
0x1c1: {  	s14 =	sadd.s32 $0x4900, s12;
	s13 =	sadd.s32 s23, s13  }
0x1c2: {  	[tilespmem:s14], [sflag:$0x2] =	stream.linear.gather [hbm4b:s13+s1], $0x80, $0x38;
	[tilespmem:$0x10600] =	vst v63  }
0x1c3: {  	s14 =	spop (v2sf)  }
0x1c4: {  	(v2sf) =	vpush v1, $0x7;
	s13 =	sand.u32 $0x1FFFFFF0, s14  }
0x1c5: {  	s14 =	sadd.s32 $0x8900, s12;
	s13 =	sadd.s32 s24, s13  }
0x1c6: {  	[tilespmem:s14], [sflag:$0x3] =	stream.linear.gather [hbm4b:s13+s1], $0x80, $0x38;
	[tilespmem:$0x10600] =	vst v63  }
0x1c7: {  	s14 =	spop (v2sf)  }
0x1c8: {  	(v2sf) =	vpush v0, $0x7;
	s13 =	sand.u32 $0x1FFFFFF0, s14  }
0x1c9: {  	s14 =	sadd.s32 $0xC900, s12;
	s13 =	sadd.s32 s25, s13  }
0x1ca: {  	[tilespmem:s14], [sflag:$0x4] =	stream.linear.gather [hbm4b:s13+s1], $0x80, $0x38;
	[tilespmem:$0x10600] =	vst v63  }
0x1cb: {  	s14 =	spop (v2sf)  }
0x1cc: {  	(v2sf) =	vpush v3, $0x8;
	s13 =	sand.u32 $0x1FFFFFF0, s14  }
0x1cd: {  	s14 =	sadd.s32 $0x980, s12;
	s13 =	sadd.s32 s3, s13  }
0x1ce: {  	[tilespmem:s14], [sflag:$0x1] =	stream.linear.gather [hbm4b:s13+s1], $0x80, $0x38;
	[tilespmem:$0x10600] =	vst v63  }
0x1cf: {  	s14 =	spop (v2sf)  }
0x1d0: {  	(v2sf) =	vpush v2, $0x8;
	s13 =	sand.u32 $0x1FFFFFF0, s14  }
0x1d1: {  	s14 =	sadd.s32 $0x4980, s12;
	s13 =	sadd.s32 s23, s13  }
0x1d2: {  	[tilespmem:s14], [sflag:$0x2] =	stream.linear.gather [hbm4b:s13+s1], $0x80, $0x38;
	[tilespmem:$0x10600] =	vst v63  }
0x1d3: {  	s14 =	spop (v2sf)  }
0x1d4: {  	(v2sf) =	vpush v1, $0x8;
	s13 =	sand.u32 $0x1FFFFFF0, s14  }
0x1d5: {  	s14 =	sadd.s32 $0x8980, s12;
	s13 =	sadd.s32 s24, s13  }
0x1d6: {  	[tilespmem:s14], [sflag:$0x3] =	stream.linear.gather [hbm4b:s13+s1], $0x80, $0x38;
	[tilespmem:$0x10600] =	vst v63  }
0x1d7: {  	s14 =	spop (v2sf)  }
0x1d8: {  	(v2sf) =	vpush v0, $0x8;
	s13 =	sand.u32 $0x1FFFFFF0, s14  }
0x1d9: {  	s14 =	sadd.s32 $0xC980, s12;
	s13 =	sadd.s32 s25, s13  }
0x1da: {  	[tilespmem:s14], [sflag:$0x4] =	stream.linear.gather [hbm4b:s13+s1], $0x80, $0x38;
	[tilespmem:$0x10600] =	vst v63  }
0x1db: {  	s14 =	spop (v2sf)  }
0x1dc: {  	(v2sf) =	vpush v3, $0x9;
	s13 =	sand.u32 $0x1FFFFFF0, s14  }
0x1dd: {  	s14 =	sadd.s32 $0xA00, s12;
	s13 =	sadd.s32 s3, s13  }
0x1de: {  	[tilespmem:s14], [sflag:$0x1] =	stream.linear.gather [hbm4b:s13+s1], $0x80, $0x38;
	[tilespmem:$0x10600] =	vst v63  }
0x1df: {  	s14 =	spop (v2sf)  }
0x1e0: {  	(v2sf) =	vpush v2, $0x9;
	s13 =	sand.u32 $0x1FFFFFF0, s14  }
0x1e1: {  	s14 =	sadd.s32 $0x4A00, s12;
	s13 =	sadd.s32 s23, s13  }
0x1e2: {  	[tilespmem:s14], [sflag:$0x2] =	stream.linear.gather [hbm4b:s13+s1], $0x80, $0x38;
	[tilespmem:$0x10600] =	vst v63  }
0x1e3: {  	s14 =	spop (v2sf)  }
0x1e4: {  	(v2sf) =	vpush v1, $0x9;
	s13 =	sand.u32 $0x1FFFFFF0, s14  }
0x1e5: {  	s14 =	sadd.s32 $0x8A00, s12;
	s13 =	sadd.s32 s24, s13  }
0x1e6: {  	[tilespmem:s14], [sflag:$0x3] =	stream.linear.gather [hbm4b:s13+s1], $0x80, $0x38;
	[tilespmem:$0x10600] =	vst v63  }
0x1e7: {  	s14 =	spop (v2sf)  }
0x1e8: {  	(v2sf) =	vpush v0, $0x9;
	s13 =	sand.u32 $0x1FFFFFF0, s14  }
0x1e9: {  	s14 =	sadd.s32 $0xCA00, s12;
	s13 =	sadd.s32 s25, s13  }
0x1ea: {  	[tilespmem:s14], [sflag:$0x4] =	stream.linear.gather [hbm4b:s13+s1], $0x80, $0x38;
	[tilespmem:$0x10600] =	vst v63  }
0x1eb: {  	s14 =	spop (v2sf)  }
0x1ec: {  	(v2sf) =	vpush v3, $0xA;
	s13 =	sand.u32 $0x1FFFFFF0, s14  }
0x1ed: {  	s14 =	sadd.s32 $0xA80, s12;
	s13 =	sadd.s32 s3, s13  }
0x1ee: {  	[tilespmem:s14], [sflag:$0x1] =	stream.linear.gather [hbm4b:s13+s1], $0x80, $0x38;
	[tilespmem:$0x10600] =	vst v63  }
0x1ef: {  	s14 =	spop (v2sf)  }
0x1f0: {  	(v2sf) =	vpush v2, $0xA;
	s13 =	sand.u32 $0x1FFFFFF0, s14  }
0x1f1: {  	s14 =	sadd.s32 $0x4A80, s12;
	s13 =	sadd.s32 s23, s13  }
0x1f2: {  	[tilespmem:s14], [sflag:$0x2] =	stream.linear.gather [hbm4b:s13+s1], $0x80, $0x38;
	[tilespmem:$0x10600] =	vst v63  }
0x1f3: {  	s14 =	spop (v2sf)  }
0x1f4: {  	(v2sf) =	vpush v1, $0xA;
	s13 =	sand.u32 $0x1FFFFFF0, s14  }
0x1f5: {  	s14 =	sadd.s32 $0x8A80, s12;
	s13 =	sadd.s32 s24, s13  }
0x1f6: {  	[tilespmem:s14], [sflag:$0x3] =	stream.linear.gather [hbm4b:s13+s1], $0x80, $0x38;
	[tilespmem:$0x10600] =	vst v63  }
0x1f7: {  	s14 =	spop (v2sf)  }
0x1f8: {  	(v2sf) =	vpush v0, $0xA;
	s13 =	sand.u32 $0x1FFFFFF0, s14  }
0x1f9: {  	s14 =	sadd.s32 $0xCA80, s12;
	s13 =	sadd.s32 s25, s13  }
0x1fa: {  	[tilespmem:s14], [sflag:$0x4] =	stream.linear.gather [hbm4b:s13+s1], $0x80, $0x38;
	[tilespmem:$0x10600] =	vst v63  }
0x1fb: {  	s14 =	spop (v2sf)  }
0x1fc: {  	(v2sf) =	vpush v3, $0xB;
	s13 =	sand.u32 $0x1FFFFFF0, s14  }
0x1fd: {  	s14 =	sadd.s32 $0xB00, s12;
	s13 =	sadd.s32 s3, s13  }
0x1fe: {  	[tilespmem:s14], [sflag:$0x1] =	stream.linear.gather [hbm4b:s13+s1], $0x80, $0x38;
	[tilespmem:$0x10600] =	vst v63  }
0x1ff: {  	s14 =	spop (v2sf)  }
0x200: {  	(v2sf) =	vpush v2, $0xB;
	s13 =	sand.u32 $0x1FFFFFF0, s14  }
0x201: {  	s14 =	sadd.s32 $0x4B00, s12;
	s13 =	sadd.s32 s23, s13  }
0x202: {  	[tilespmem:s14], [sflag:$0x2] =	stream.linear.gather [hbm4b:s13+s1], $0x80, $0x38;
	[tilespmem:$0x10600] =	vst v63  }
0x203: {  	s14 =	spop (v2sf)  }
0x204: {  	(v2sf) =	vpush v1, $0xB;
	s13 =	sand.u32 $0x1FFFFFF0, s14  }
0x205: {  	s14 =	sadd.s32 $0x8B00, s12;
	s13 =	sadd.s32 s24, s13  }
0x206: {  	[tilespmem:s14], [sflag:$0x3] =	stream.linear.gather [hbm4b:s13+s1], $0x80, $0x38;
	[tilespmem:$0x10600] =	vst v63  }
0x207: {  	s14 =	spop (v2sf)  }
0x208: {  	(v2sf) =	vpush v0, $0xB;
	s13 =	sand.u32 $0x1FFFFFF0, s14  }
0x209: {  	s14 =	sadd.s32 $0xCB00, s12;
	s13 =	sadd.s32 s25, s13  }
0x20a: {  	[tilespmem:s14], [sflag:$0x4] =	stream.linear.gather [hbm4b:s13+s1], $0x80, $0x38;
	[tilespmem:$0x10600] =	vst v63  }
0x20b: {  	s14 =	spop (v2sf)  }
0x20c: {  	(v2sf) =	vpush v3, $0xC;
	s13 =	sand.u32 $0x1FFFFFF0, s14  }
0x20d: {  	s14 =	sadd.s32 $0xB80, s12;
	s13 =	sadd.s32 s3, s13  }
0x20e: {  	[tilespmem:s14], [sflag:$0x1] =	stream.linear.gather [hbm4b:s13+s1], $0x80, $0x38;
	[tilespmem:$0x10600] =	vst v63  }
0x20f: {  	s14 =	spop (v2sf)  }
0x210: {  	(v2sf) =	vpush v2, $0xC;
	s13 =	sand.u32 $0x1FFFFFF0, s14  }
0x211: {  	s14 =	sadd.s32 $0x4B80, s12;
	s13 =	sadd.s32 s23, s13  }
0x212: {  	[tilespmem:s14], [sflag:$0x2] =	stream.linear.gather [hbm4b:s13+s1], $0x80, $0x38;
	[tilespmem:$0x10600] =	vst v63  }
0x213: {  	s14 =	spop (v2sf)  }
0x214: {  	(v2sf) =	vpush v1, $0xC;
	s13 =	sand.u32 $0x1FFFFFF0, s14  }
0x215: {  	s14 =	sadd.s32 $0x8B80, s12;
	s13 =	sadd.s32 s24, s13  }
0x216: {  	[tilespmem:s14], [sflag:$0x3] =	stream.linear.gather [hbm4b:s13+s1], $0x80, $0x38;
	[tilespmem:$0x10600] =	vst v63  }
0x217: {  	s14 =	spop (v2sf)  }
0x218: {  	(v2sf) =	vpush v0, $0xC;
	s13 =	sand.u32 $0x1FFFFFF0, s14  }
0x219: {  	s14 =	sadd.s32 $0xCB80, s12;
	s13 =	sadd.s32 s25, s13  }
0x21a: {  	[tilespmem:s14], [sflag:$0x4] =	stream.linear.gather [hbm4b:s13+s1], $0x80, $0x38;
	[tilespmem:$0x10600] =	vst v63  }
0x21b: {  	s14 =	spop (v2sf)  }
0x21c: {  	(v2sf) =	vpush v3, $0xD;
	s13 =	sand.u32 $0x1FFFFFF0, s14  }
0x21d: {  	s14 =	sadd.s32 $0xC00, s12;
	s13 =	sadd.s32 s3, s13  }
0x21e: {  	[tilespmem:s14], [sflag:$0x1] =	stream.linear.gather [hbm4b:s13+s1], $0x80, $0x38;
	[tilespmem:$0x10600] =	vst v63  }
0x21f: {  	s14 =	spop (v2sf)  }
0x220: {  	(v2sf) =	vpush v2, $0xD;
	s13 =	sand.u32 $0x1FFFFFF0, s14  }
0x221: {  	s14 =	sadd.s32 $0x4C00, s12;
	s13 =	sadd.s32 s23, s13  }
0x222: {  	[tilespmem:s14], [sflag:$0x2] =	stream.linear.gather [hbm4b:s13+s1], $0x80, $0x38;
	[tilespmem:$0x10600] =	vst v63  }
0x223: {  	s14 =	spop (v2sf)  }
0x224: {  	(v2sf) =	vpush v1, $0xD;
	s13 =	sand.u32 $0x1FFFFFF0, s14  }
0x225: {  	s14 =	sadd.s32 $0x8C00, s12;
	s13 =	sadd.s32 s24, s13  }
0x226: {  	[tilespmem:s14], [sflag:$0x3] =	stream.linear.gather [hbm4b:s13+s1], $0x80, $0x38;
	[tilespmem:$0x10600] =	vst v63  }
0x227: {  	s14 =	spop (v2sf)  }
0x228: {  	(v2sf) =	vpush v0, $0xD;
	s13 =	sand.u32 $0x1FFFFFF0, s14  }
0x229: {  	s14 =	sadd.s32 $0xCC00, s12;
	s13 =	sadd.s32 s25, s13  }
0x22a: {  	[tilespmem:s14], [sflag:$0x4] =	stream.linear.gather [hbm4b:s13+s1], $0x80, $0x38;
	[tilespmem:$0x10600] =	vst v63  }
0x22b: {  	s14 =	spop (v2sf)  }
0x22c: {  	(v2sf) =	vpush v3, $0xE;
	s13 =	sand.u32 $0x1FFFFFF0, s14  }
0x22d: {  	s14 =	sadd.s32 $0xC80, s12;
	s13 =	sadd.s32 s3, s13  }
0x22e: {  	[tilespmem:s14], [sflag:$0x1] =	stream.linear.gather [hbm4b:s13+s1], $0x80, $0x38;
	[tilespmem:$0x10600] =	vst v63  }
0x22f: {  	s14 =	spop (v2sf)  }
0x230: {  	(v2sf) =	vpush v2, $0xE;
	s13 =	sand.u32 $0x1FFFFFF0, s14  }
0x231: {  	s14 =	sadd.s32 $0x4C80, s12;
	s13 =	sadd.s32 s23, s13  }
0x232: {  	[tilespmem:s14], [sflag:$0x2] =	stream.linear.gather [hbm4b:s13+s1], $0x80, $0x38;
	[tilespmem:$0x10600] =	vst v63  }
0x233: {  	s14 =	spop (v2sf)  }
0x234: {  	(v2sf) =	vpush v1, $0xE;
	s13 =	sand.u32 $0x1FFFFFF0, s14  }
0x235: {  	s14 =	sadd.s32 $0x8C80, s12;
	s13 =	sadd.s32 s24, s13  }
0x236: {  	[tilespmem:s14], [sflag:$0x3] =	stream.linear.gather [hbm4b:s13+s1], $0x80, $0x38;
	[tilespmem:$0x10600] =	vst v63  }
0x237: {  	s14 =	spop (v2sf)  }
0x238: {  	(v2sf) =	vpush v0, $0xE;
	s13 =	sand.u32 $0x1FFFFFF0, s14  }
0x239: {  	s14 =	sadd.s32 $0xCC80, s12;
	s13 =	sadd.s32 s25, s13  }
0x23a: {  	[tilespmem:s14], [sflag:$0x4] =	stream.linear.gather [hbm4b:s13+s1], $0x80, $0x38;
	[tilespmem:$0x10600] =	vst v63  }
0x23b: {  	s14 =	spop (v2sf)  }
0x23c: {  	(v2sf) =	vpush v3, $0xF;
	s13 =	sand.u32 $0x1FFFFFF0, s14  }
0x23d: {  	s14 =	sadd.s32 $0xD00, s12;
	s13 =	sadd.s32 s3, s13  }
0x23e: {  	[tilespmem:s14], [sflag:$0x1] =	stream.linear.gather [hbm4b:s13+s1], $0x80, $0x38;
	[tilespmem:$0x10600] =	vst v63  }
0x23f: {  	s14 =	spop (v2sf)  }
0x240: {  	(v2sf) =	vpush v2, $0xF;
	s13 =	sand.u32 $0x1FFFFFF0, s14  }
0x241: {  	s14 =	sadd.s32 $0x4D00, s12;
	s13 =	sadd.s32 s23, s13  }
0x242: {  	[tilespmem:s14], [sflag:$0x2] =	stream.linear.gather [hbm4b:s13+s1], $0x80, $0x38;
	[tilespmem:$0x10600] =	vst v63  }
0x243: {  	s14 =	spop (v2sf)  }
0x244: {  	(v2sf) =	vpush v1, $0xF;
	s13 =	sand.u32 $0x1FFFFFF0, s14  }
0x245: {  	s14 =	sadd.s32 $0x8D00, s12;
	s13 =	sadd.s32 s24, s13  }
0x246: {  	[tilespmem:s14], [sflag:$0x3] =	stream.linear.gather [hbm4b:s13+s1], $0x80, $0x38;
	[tilespmem:$0x10600] =	vst v63  }
0x247: {  	s14 =	spop (v2sf)  }
0x248: {  	s13 =	sand.u32 $0x1FFFFFF0, s14  }
0x249: {  	(v2sf) =	vpush v0, $0xF;
	s14 =	sadd.s32 $0xCD00, s12;
	s13 =	sadd.s32 s25, s13  }
0x24a: {  	[tilespmem:s14], [sflag:$0x4] =	stream.linear.gather [hbm4b:s13+s1], $0x80, $0x38;
	[tilespmem:$0x10600] =	vst v63  }
0x24b: {  	s14 =	spop (v2sf)  }
0x24c: {  	s13 =	sand.u32 $0x1FFFFFF0, s14  }
0x24d: {  	s14 =	sadd.s32 $0xD80, s12;
	s13 =	sadd.s32 s3, s13  }
0x24e: {  	[tilespmem:s14], [sflag:$0x1] =	stream.linear.gather [hbm4b:s13+s1], $0x80, $0x38;
	[tilespmem:$0x10600] =	vst v63  }
0x24f: {  	s14 =	spop (v2sf)  }
0x250: {  	s13 =	sand.u32 $0x1FFFFFF0, s14  }
0x251: {  	s14 =	sadd.s32 $0x4D80, s12;
	s13 =	sadd.s32 s23, s13  }
0x252: {  	[tilespmem:s14], [sflag:$0x2] =	stream.linear.gather [hbm4b:s13+s1], $0x80, $0x38;
	[tilespmem:$0x10600] =	vst v63  }
0x253: {  	s14 =	spop (v2sf)  }
0x254: {  	s13 =	sand.u32 $0x1FFFFFF0, s14  }
0x255: {  	p0 =	sne.s32 s8, $0xE000;
	s14 =	sadd.s32 $0x8D80, s12;
	s13 =	sadd.s32 s24, s13  }
0x256: {  	[tilespmem:s14], [sflag:$0x3] =	stream.linear.gather [hbm4b:s13+s1], $0x80, $0x38;
	[tilespmem:$0x10600] =	vst v63  }
.Ltmp1:
0x257: {  	_ = 	snop;
	(pc) =	sbr.rel @p0 .LBB2_4-.Ltmp1, $4  }
0x258: {  	s9 =	sadd.s32 $0x10, s9;
	s14 =	spop (v2sf)  }
0x259: {  	s10 =	sadd.s32 $0x10, s10;
	s11 =	sadd.s32 $0x10, s11;
	s13 =	sand.u32 $0x1FFFFFF0, s14  }
0x25a: {  	s8 =	sadd.s32 $0x2000, s8;
	s12 =	sadd.s32 $0xCD80, s12;
	s13 =	sadd.s32 s25, s13  }
0x25b: {  	[tilespmem:s12], [sflag:$0x4] =	stream.linear.gather [hbm4b:s13+s1], $0x80, $0x38;
	[tilespmem:$0x10600] =	vst v63  }
0x25c: {  	_ =	swait.ge [sflag:s29], $0x4000  }
0x25d: {  	[sflag:s29] =	ssyncset.done $0x0  }
0x25e: {  	[sflag:s29] =	ssyncadd.s32 $0xFFFFC000  }
0x25f: {  	_ =	swait.ge [sflag:s30], $0x4000  }
0x260: {  	[sflag:s30] =	ssyncset.done $0x0  }
0x261: {  	[sflag:s30] =	ssyncadd.s32 $0xFFFFC000  }
0x262: {  	_ =	swait.ge [sflag:s31], $0x4000  }
0x263: {  	[sflag:s31] =	ssyncset.done $0x0  }
0x264: {  	[sflag:s31] =	ssyncadd.s32 $0xFFFFC000  }
0x265: {  	_ =	swait.ge [sflag:s0], $0x4000  }
0x266: {  	[sflag:s0] =	ssyncset.done $0x0  }
0x267: {  	s8 =	simm.s32 $0x0;
	s9 =	rddreg [dreg:$0xc];
	[sflag:s0] =	ssyncadd.s32 $0xFFFFC000  }
0x268: {  	[hbm4b:s9+s8] =	stream.linear.scatter [tilespmem:s2], [sflag:$0x5], $0x4000, $0x38;
	[tilespmem:$0x10600] =	vst v63  }
0x269: {  	_ =	swait.ge [sflag:s28], $0x4000  }
0x26a: {  	[sflag:s28] =	ssyncset.done $0x0  }
0x26b: {  	s12 =	rddreg [dreg:$0xd];
	[sflag:s28] =	ssyncadd.s32 $0xFFFFC000  }
0x26c: {  	[hbm4b:s12+s8] =	stream.linear.scatter [tilespmem:s4], [sflag:$0x5], $0x4000, $0x38;
	[tilespmem:$0x10600] =	vst v63  }
0x26d: {  	_ =	swait.ge [sflag:s28], $0x4000  }
0x26e: {  	[sflag:s28] =	ssyncset.done $0x0  }
0x26f: {  	s13 =	rddreg [dreg:$0xe];
	[sflag:s28] =	ssyncadd.s32 $0xFFFFC000  }
0x270: {  	[hbm4b:s13+s8] =	stream.linear.scatter [tilespmem:s5], [sflag:$0x5], $0x4000, $0x38;
	[tilespmem:$0x10600] =	vst v63  }
0x271: {  	_ =	swait.ge [sflag:s28], $0x4000  }
0x272: {  	[sflag:s28] =	ssyncset.done $0x0  }
0x273: {  	s14 =	rddreg [dreg:$0xf];
	[sflag:s28] =	ssyncadd.s32 $0xFFFFC000  }
0x274: {  	[hbm4b:s14+s8] =	stream.linear.scatter [tilespmem:s6], [sflag:$0x5], $0x4000, $0x38;
	[tilespmem:$0x10600] =	vst v63  }
0x275: {  	_ =	swait.ge [sflag:s28], $0x4000  }
0x276: {  	s10 =	simm.s32 $0x300;
	[sflag:s28] =	ssyncset.done $0x0  }
0x277: {  	s11 =	simm.s32 $0x100;
	s9 =	simm.s32 $0x500;
	[sflag:s28] =	ssyncadd.s32 $0xFFFFC000  }
.LBB2_6:
0x278: {  	v0 =	vld [tilespmem:s11+$0x0];
	_ =	sdelay $0x4  }
0x279: {  	v3 =	vshll.u32 v0, $0x4  }
0x27a: {  	(v2sf) =	vpush v3, $0x0;
	_ =	sdelay $0x1  }
0x27b: {  	v1 =	vld [tilespmem:s10+$0x0];
	v0 =	vshrl.u32 v0, $0x2  }
0x27c: {  	v2 =	vshll.u32 v0, $0x4  }
0x27d: {  	(v2sf) =	vpush v2, $0x0;
	_ =	sdelay $0x1  }
0x27e: {  	v63 =	vld [tilespmem:s9+$0x0]  }
0x27f: {  	v1 =	vshll.u32 v1, $0x4  }
0x280: {  	(v2sf) =	vpush v1, $0x0;
	_ =	sdelay $0x2  }
0x281: {  	v0 =	vshll.u32 v63, $0x4  }
0x282: {  	(v2sf) =	vpush v0, $0x0;
	_ =	sdelay $0x2  }
0x283: {  	s13 =	spop (v2sf)  }
0x284: {  	s12 =	sshra.s32 s8, $0x2;
	(v2sf) =	vpush v3, $0x1;
	s13 =	sand.u32 $0x1FFFFFF0, s13  }
0x285: {  	s14 =	sadd.s32 $0x600, s12;
	s13 =	sadd.s32 s3, s13  }
0x286: {  	[tilespmem:s14], [sflag:$0x1] =	stream.linear.gather [hbm4b:s13+s1], $0x80, $0x38;
	[tilespmem:$0x10600] =	vst v63  }
0x287: {  	s14 =	spop (v2sf)  }
0x288: {  	(v2sf) =	vpush v2, $0x1;
	s13 =	sand.u32 $0x1FFFFFF0, s14  }
0x289: {  	s14 =	sadd.s32 $0x4600, s12;
	s13 =	sadd.s32 s23, s13  }
0x28a: {  	[tilespmem:s14], [sflag:$0x2] =	stream.linear.gather [hbm4b:s13+s1], $0x80, $0x38;
	[tilespmem:$0x10600] =	vst v63  }
0x28b: {  	s14 =	spop (v2sf)  }
0x28c: {  	(v2sf) =	vpush v1, $0x1;
	s13 =	sand.u32 $0x1FFFFFF0, s14  }
0x28d: {  	s14 =	sadd.s32 $0x8600, s12;
	s13 =	sadd.s32 s24, s13  }
0x28e: {  	[tilespmem:s14], [sflag:$0x3] =	stream.linear.gather [hbm4b:s13+s1], $0x80, $0x38;
	[tilespmem:$0x10600] =	vst v63  }
0x28f: {  	s14 =	spop (v2sf)  }
0x290: {  	(v2sf) =	vpush v0, $0x1;
	s13 =	sand.u32 $0x1FFFFFF0, s14  }
0x291: {  	s14 =	sadd.s32 $0xC600, s12;
	s13 =	sadd.s32 s25, s13  }
0x292: {  	[tilespmem:s14], [sflag:$0x4] =	stream.linear.gather [hbm4b:s13+s1], $0x80, $0x38;
	[tilespmem:$0x10600] =	vst v63  }
0x293: {  	s14 =	spop (v2sf)  }
0x294: {  	(v2sf) =	vpush v3, $0x2;
	s13 =	sand.u32 $0x1FFFFFF0, s14  }
0x295: {  	s14 =	sadd.s32 $0x680, s12;
	s13 =	sadd.s32 s3, s13  }
0x296: {  	[tilespmem:s14], [sflag:$0x1] =	stream.linear.gather [hbm4b:s13+s1], $0x80, $0x38;
	[tilespmem:$0x10600] =	vst v63  }
0x297: {  	s14 =	spop (v2sf)  }
0x298: {  	(v2sf) =	vpush v2, $0x2;
	s13 =	sand.u32 $0x1FFFFFF0, s14  }
0x299: {  	s14 =	sadd.s32 $0x4680, s12;
	s13 =	sadd.s32 s23, s13  }
0x29a: {  	[tilespmem:s14], [sflag:$0x2] =	stream.linear.gather [hbm4b:s13+s1], $0x80, $0x38;
	[tilespmem:$0x10600] =	vst v63  }
0x29b: {  	s14 =	spop (v2sf)  }
0x29c: {  	(v2sf) =	vpush v1, $0x2;
	s13 =	sand.u32 $0x1FFFFFF0, s14  }
0x29d: {  	s14 =	sadd.s32 $0x8680, s12;
	s13 =	sadd.s32 s24, s13  }
0x29e: {  	[tilespmem:s14], [sflag:$0x3] =	stream.linear.gather [hbm4b:s13+s1], $0x80, $0x38;
	[tilespmem:$0x10600] =	vst v63  }
0x29f: {  	s14 =	spop (v2sf)  }
0x2a0: {  	(v2sf) =	vpush v0, $0x2;
	s13 =	sand.u32 $0x1FFFFFF0, s14  }
0x2a1: {  	s14 =	sadd.s32 $0xC680, s12;
	s13 =	sadd.s32 s25, s13  }
0x2a2: {  	[tilespmem:s14], [sflag:$0x4] =	stream.linear.gather [hbm4b:s13+s1], $0x80, $0x38;
	[tilespmem:$0x10600] =	vst v63  }
0x2a3: {  	s14 =	spop (v2sf)  }
0x2a4: {  	(v2sf) =	vpush v3, $0x3;
	s13 =	sand.u32 $0x1FFFFFF0, s14  }
0x2a5: {  	s14 =	sadd.s32 $0x700, s12;
	s13 =	sadd.s32 s3, s13  }
0x2a6: {  	[tilespmem:s14], [sflag:$0x1] =	stream.linear.gather [hbm4b:s13+s1], $0x80, $0x38;
	[tilespmem:$0x10600] =	vst v63  }
0x2a7: {  	s14 =	spop (v2sf)  }
0x2a8: {  	(v2sf) =	vpush v2, $0x3;
	s13 =	sand.u32 $0x1FFFFFF0, s14  }
0x2a9: {  	s14 =	sadd.s32 $0x4700, s12;
	s13 =	sadd.s32 s23, s13  }
0x2aa: {  	[tilespmem:s14], [sflag:$0x2] =	stream.linear.gather [hbm4b:s13+s1], $0x80, $0x38;
	[tilespmem:$0x10600] =	vst v63  }
0x2ab: {  	s14 =	spop (v2sf)  }
0x2ac: {  	(v2sf) =	vpush v1, $0x3;
	s13 =	sand.u32 $0x1FFFFFF0, s14  }
0x2ad: {  	s14 =	sadd.s32 $0x8700, s12;
	s13 =	sadd.s32 s24, s13  }
0x2ae: {  	[tilespmem:s14], [sflag:$0x3] =	stream.linear.gather [hbm4b:s13+s1], $0x80, $0x38;
	[tilespmem:$0x10600] =	vst v63  }
0x2af: {  	s14 =	spop (v2sf)  }
0x2b0: {  	(v2sf) =	vpush v0, $0x3;
	s13 =	sand.u32 $0x1FFFFFF0, s14  }
0x2b1: {  	s14 =	sadd.s32 $0xC700, s12;
	s13 =	sadd.s32 s25, s13  }
0x2b2: {  	[tilespmem:s14], [sflag:$0x4] =	stream.linear.gather [hbm4b:s13+s1], $0x80, $0x38;
	[tilespmem:$0x10600] =	vst v63  }
0x2b3: {  	s14 =	spop (v2sf)  }
0x2b4: {  	(v2sf) =	vpush v3, $0x4;
	s13 =	sand.u32 $0x1FFFFFF0, s14  }
0x2b5: {  	s14 =	sadd.s32 $0x780, s12;
	s13 =	sadd.s32 s3, s13  }
0x2b6: {  	[tilespmem:s14], [sflag:$0x1] =	stream.linear.gather [hbm4b:s13+s1], $0x80, $0x38;
	[tilespmem:$0x10600] =	vst v63  }
0x2b7: {  	s14 =	spop (v2sf)  }
0x2b8: {  	(v2sf) =	vpush v2, $0x4;
	s13 =	sand.u32 $0x1FFFFFF0, s14  }
0x2b9: {  	s14 =	sadd.s32 $0x4780, s12;
	s13 =	sadd.s32 s23, s13  }
0x2ba: {  	[tilespmem:s14], [sflag:$0x2] =	stream.linear.gather [hbm4b:s13+s1], $0x80, $0x38;
	[tilespmem:$0x10600] =	vst v63  }
0x2bb: {  	s14 =	spop (v2sf)  }
0x2bc: {  	(v2sf) =	vpush v1, $0x4;
	s13 =	sand.u32 $0x1FFFFFF0, s14  }
0x2bd: {  	s14 =	sadd.s32 $0x8780, s12;
	s13 =	sadd.s32 s24, s13  }
0x2be: {  	[tilespmem:s14], [sflag:$0x3] =	stream.linear.gather [hbm4b:s13+s1], $0x80, $0x38;
	[tilespmem:$0x10600] =	vst v63  }
0x2bf: {  	s14 =	spop (v2sf)  }
0x2c0: {  	(v2sf) =	vpush v0, $0x4;
	s13 =	sand.u32 $0x1FFFFFF0, s14  }
0x2c1: {  	s14 =	sadd.s32 $0xC780, s12;
	s13 =	sadd.s32 s25, s13  }
0x2c2: {  	[tilespmem:s14], [sflag:$0x4] =	stream.linear.gather [hbm4b:s13+s1], $0x80, $0x38;
	[tilespmem:$0x10600] =	vst v63  }
0x2c3: {  	s14 =	spop (v2sf)  }
0x2c4: {  	(v2sf) =	vpush v3, $0x5;
	s13 =	sand.u32 $0x1FFFFFF0, s14  }
0x2c5: {  	s14 =	sadd.s32 $0x800, s12;
	s13 =	sadd.s32 s3, s13  }
0x2c6: {  	[tilespmem:s14], [sflag:$0x1] =	stream.linear.gather [hbm4b:s13+s1], $0x80, $0x38;
	[tilespmem:$0x10600] =	vst v63  }
0x2c7: {  	s14 =	spop (v2sf)  }
0x2c8: {  	(v2sf) =	vpush v2, $0x5;
	s13 =	sand.u32 $0x1FFFFFF0, s14  }
0x2c9: {  	s14 =	sadd.s32 $0x4800, s12;
	s13 =	sadd.s32 s23, s13  }
0x2ca: {  	[tilespmem:s14], [sflag:$0x2] =	stream.linear.gather [hbm4b:s13+s1], $0x80, $0x38;
	[tilespmem:$0x10600] =	vst v63  }
0x2cb: {  	s14 =	spop (v2sf)  }
0x2cc: {  	(v2sf) =	vpush v1, $0x5;
	s13 =	sand.u32 $0x1FFFFFF0, s14  }
0x2cd: {  	s14 =	sadd.s32 $0x8800, s12;
	s13 =	sadd.s32 s24, s13  }
0x2ce: {  	[tilespmem:s14], [sflag:$0x3] =	stream.linear.gather [hbm4b:s13+s1], $0x80, $0x38;
	[tilespmem:$0x10600] =	vst v63  }
0x2cf: {  	s14 =	spop (v2sf)  }
0x2d0: {  	(v2sf) =	vpush v0, $0x5;
	s13 =	sand.u32 $0x1FFFFFF0, s14  }
0x2d1: {  	s14 =	sadd.s32 $0xC800, s12;
	s13 =	sadd.s32 s25, s13  }
0x2d2: {  	[tilespmem:s14], [sflag:$0x4] =	stream.linear.gather [hbm4b:s13+s1], $0x80, $0x38;
	[tilespmem:$0x10600] =	vst v63  }
0x2d3: {  	s14 =	spop (v2sf)  }
0x2d4: {  	(v2sf) =	vpush v3, $0x6;
	s13 =	sand.u32 $0x1FFFFFF0, s14  }
0x2d5: {  	s14 =	sadd.s32 $0x880, s12;
	s13 =	sadd.s32 s3, s13  }
0x2d6: {  	[tilespmem:s14], [sflag:$0x1] =	stream.linear.gather [hbm4b:s13+s1], $0x80, $0x38;
	[tilespmem:$0x10600] =	vst v63  }
0x2d7: {  	s14 =	spop (v2sf)  }
0x2d8: {  	(v2sf) =	vpush v2, $0x6;
	s13 =	sand.u32 $0x1FFFFFF0, s14  }
0x2d9: {  	s14 =	sadd.s32 $0x4880, s12;
	s13 =	sadd.s32 s23, s13  }
0x2da: {  	[tilespmem:s14], [sflag:$0x2] =	stream.linear.gather [hbm4b:s13+s1], $0x80, $0x38;
	[tilespmem:$0x10600] =	vst v63  }
0x2db: {  	s14 =	spop (v2sf)  }
0x2dc: {  	(v2sf) =	vpush v1, $0x6;
	s13 =	sand.u32 $0x1FFFFFF0, s14  }
0x2dd: {  	s14 =	sadd.s32 $0x8880, s12;
	s13 =	sadd.s32 s24, s13  }
0x2de: {  	[tilespmem:s14], [sflag:$0x3] =	stream.linear.gather [hbm4b:s13+s1], $0x80, $0x38;
	[tilespmem:$0x10600] =	vst v63  }
0x2df: {  	s14 =	spop (v2sf)  }
0x2e0: {  	(v2sf) =	vpush v0, $0x6;
	s13 =	sand.u32 $0x1FFFFFF0, s14  }
0x2e1: {  	s14 =	sadd.s32 $0xC880, s12;
	s13 =	sadd.s32 s25, s13  }
0x2e2: {  	[tilespmem:s14], [sflag:$0x4] =	stream.linear.gather [hbm4b:s13+s1], $0x80, $0x38;
	[tilespmem:$0x10600] =	vst v63  }
0x2e3: {  	s14 =	spop (v2sf)  }
0x2e4: {  	(v2sf) =	vpush v3, $0x7;
	s13 =	sand.u32 $0x1FFFFFF0, s14  }
0x2e5: {  	s14 =	sadd.s32 $0x900, s12;
	s13 =	sadd.s32 s3, s13  }
0x2e6: {  	[tilespmem:s14], [sflag:$0x1] =	stream.linear.gather [hbm4b:s13+s1], $0x80, $0x38;
	[tilespmem:$0x10600] =	vst v63  }
0x2e7: {  	s14 =	spop (v2sf)  }
0x2e8: {  	(v2sf) =	vpush v2, $0x7;
	s13 =	sand.u32 $0x1FFFFFF0, s14  }
0x2e9: {  	s14 =	sadd.s32 $0x4900, s12;
	s13 =	sadd.s32 s23, s13  }
0x2ea: {  	[tilespmem:s14], [sflag:$0x2] =	stream.linear.gather [hbm4b:s13+s1], $0x80, $0x38;
	[tilespmem:$0x10600] =	vst v63  }
0x2eb: {  	s14 =	spop (v2sf)  }
0x2ec: {  	(v2sf) =	vpush v1, $0x7;
	s13 =	sand.u32 $0x1FFFFFF0, s14  }
0x2ed: {  	s14 =	sadd.s32 $0x8900, s12;
	s13 =	sadd.s32 s24, s13  }
0x2ee: {  	[tilespmem:s14], [sflag:$0x3] =	stream.linear.gather [hbm4b:s13+s1], $0x80, $0x38;
	[tilespmem:$0x10600] =	vst v63  }
0x2ef: {  	s14 =	spop (v2sf)  }
0x2f0: {  	(v2sf) =	vpush v0, $0x7;
	s13 =	sand.u32 $0x1FFFFFF0, s14  }
0x2f1: {  	s14 =	sadd.s32 $0xC900, s12;
	s13 =	sadd.s32 s25, s13  }
0x2f2: {  	[tilespmem:s14], [sflag:$0x4] =	stream.linear.gather [hbm4b:s13+s1], $0x80, $0x38;
	[tilespmem:$0x10600] =	vst v63  }
0x2f3: {  	s14 =	spop (v2sf)  }
0x2f4: {  	(v2sf) =	vpush v3, $0x8;
	s13 =	sand.u32 $0x1FFFFFF0, s14  }
0x2f5: {  	s14 =	sadd.s32 $0x980, s12;
	s13 =	sadd.s32 s3, s13  }
0x2f6: {  	[tilespmem:s14], [sflag:$0x1] =	stream.linear.gather [hbm4b:s13+s1], $0x80, $0x38;
	[tilespmem:$0x10600] =	vst v63  }
0x2f7: {  	s14 =	spop (v2sf)  }
0x2f8: {  	(v2sf) =	vpush v2, $0x8;
	s13 =	sand.u32 $0x1FFFFFF0, s14  }
0x2f9: {  	s14 =	sadd.s32 $0x4980, s12;
	s13 =	sadd.s32 s23, s13  }
0x2fa: {  	[tilespmem:s14], [sflag:$0x2] =	stream.linear.gather [hbm4b:s13+s1], $0x80, $0x38;
	[tilespmem:$0x10600] =	vst v63  }
0x2fb: {  	s14 =	spop (v2sf)  }
0x2fc: {  	(v2sf) =	vpush v1, $0x8;
	s13 =	sand.u32 $0x1FFFFFF0, s14  }
0x2fd: {  	s14 =	sadd.s32 $0x8980, s12;
	s13 =	sadd.s32 s24, s13  }
0x2fe: {  	[tilespmem:s14], [sflag:$0x3] =	stream.linear.gather [hbm4b:s13+s1], $0x80, $0x38;
	[tilespmem:$0x10600] =	vst v63  }
0x2ff: {  	s14 =	spop (v2sf)  }
0x300: {  	(v2sf) =	vpush v0, $0x8;
	s13 =	sand.u32 $0x1FFFFFF0, s14  }
0x301: {  	s14 =	sadd.s32 $0xC980, s12;
	s13 =	sadd.s32 s25, s13  }
0x302: {  	[tilespmem:s14], [sflag:$0x4] =	stream.linear.gather [hbm4b:s13+s1], $0x80, $0x38;
	[tilespmem:$0x10600] =	vst v63  }
0x303: {  	s14 =	spop (v2sf)  }
0x304: {  	(v2sf) =	vpush v3, $0x9;
	s13 =	sand.u32 $0x1FFFFFF0, s14  }
0x305: {  	s14 =	sadd.s32 $0xA00, s12;
	s13 =	sadd.s32 s3, s13  }
0x306: {  	[tilespmem:s14], [sflag:$0x1] =	stream.linear.gather [hbm4b:s13+s1], $0x80, $0x38;
	[tilespmem:$0x10600] =	vst v63  }
0x307: {  	s14 =	spop (v2sf)  }
0x308: {  	(v2sf) =	vpush v2, $0x9;
	s13 =	sand.u32 $0x1FFFFFF0, s14  }
0x309: {  	s14 =	sadd.s32 $0x4A00, s12;
	s13 =	sadd.s32 s23, s13  }
0x30a: {  	[tilespmem:s14], [sflag:$0x2] =	stream.linear.gather [hbm4b:s13+s1], $0x80, $0x38;
	[tilespmem:$0x10600] =	vst v63  }
0x30b: {  	s14 =	spop (v2sf)  }
0x30c: {  	(v2sf) =	vpush v1, $0x9;
	s13 =	sand.u32 $0x1FFFFFF0, s14  }
0x30d: {  	s14 =	sadd.s32 $0x8A00, s12;
	s13 =	sadd.s32 s24, s13  }
0x30e: {  	[tilespmem:s14], [sflag:$0x3] =	stream.linear.gather [hbm4b:s13+s1], $0x80, $0x38;
	[tilespmem:$0x10600] =	vst v63  }
0x30f: {  	s14 =	spop (v2sf)  }
0x310: {  	(v2sf) =	vpush v0, $0x9;
	s13 =	sand.u32 $0x1FFFFFF0, s14  }
0x311: {  	s14 =	sadd.s32 $0xCA00, s12;
	s13 =	sadd.s32 s25, s13  }
0x312: {  	[tilespmem:s14], [sflag:$0x4] =	stream.linear.gather [hbm4b:s13+s1], $0x80, $0x38;
	[tilespmem:$0x10600] =	vst v63  }
0x313: {  	s14 =	spop (v2sf)  }
0x314: {  	(v2sf) =	vpush v3, $0xA;
	s13 =	sand.u32 $0x1FFFFFF0, s14  }
0x315: {  	s14 =	sadd.s32 $0xA80, s12;
	s13 =	sadd.s32 s3, s13  }
0x316: {  	[tilespmem:s14], [sflag:$0x1] =	stream.linear.gather [hbm4b:s13+s1], $0x80, $0x38;
	[tilespmem:$0x10600] =	vst v63  }
0x317: {  	s14 =	spop (v2sf)  }
0x318: {  	(v2sf) =	vpush v2, $0xA;
	s13 =	sand.u32 $0x1FFFFFF0, s14  }
0x319: {  	s14 =	sadd.s32 $0x4A80, s12;
	s13 =	sadd.s32 s23, s13  }
0x31a: {  	[tilespmem:s14], [sflag:$0x2] =	stream.linear.gather [hbm4b:s13+s1], $0x80, $0x38;
	[tilespmem:$0x10600] =	vst v63  }
0x31b: {  	s14 =	spop (v2sf)  }
0x31c: {  	(v2sf) =	vpush v1, $0xA;
	s13 =	sand.u32 $0x1FFFFFF0, s14  }
0x31d: {  	s14 =	sadd.s32 $0x8A80, s12;
	s13 =	sadd.s32 s24, s13  }
0x31e: {  	[tilespmem:s14], [sflag:$0x3] =	stream.linear.gather [hbm4b:s13+s1], $0x80, $0x38;
	[tilespmem:$0x10600] =	vst v63  }
0x31f: {  	s14 =	spop (v2sf)  }
0x320: {  	(v2sf) =	vpush v0, $0xA;
	s13 =	sand.u32 $0x1FFFFFF0, s14  }
0x321: {  	s14 =	sadd.s32 $0xCA80, s12;
	s13 =	sadd.s32 s25, s13  }
0x322: {  	[tilespmem:s14], [sflag:$0x4] =	stream.linear.gather [hbm4b:s13+s1], $0x80, $0x38;
	[tilespmem:$0x10600] =	vst v63  }
0x323: {  	s14 =	spop (v2sf)  }
0x324: {  	(v2sf) =	vpush v3, $0xB;
	s13 =	sand.u32 $0x1FFFFFF0, s14  }
0x325: {  	s14 =	sadd.s32 $0xB00, s12;
	s13 =	sadd.s32 s3, s13  }
0x326: {  	[tilespmem:s14], [sflag:$0x1] =	stream.linear.gather [hbm4b:s13+s1], $0x80, $0x38;
	[tilespmem:$0x10600] =	vst v63  }
0x327: {  	s14 =	spop (v2sf)  }
0x328: {  	(v2sf) =	vpush v2, $0xB;
	s13 =	sand.u32 $0x1FFFFFF0, s14  }
0x329: {  	s14 =	sadd.s32 $0x4B00, s12;
	s13 =	sadd.s32 s23, s13  }
0x32a: {  	[tilespmem:s14], [sflag:$0x2] =	stream.linear.gather [hbm4b:s13+s1], $0x80, $0x38;
	[tilespmem:$0x10600] =	vst v63  }
0x32b: {  	s14 =	spop (v2sf)  }
0x32c: {  	(v2sf) =	vpush v1, $0xB;
	s13 =	sand.u32 $0x1FFFFFF0, s14  }
0x32d: {  	s14 =	sadd.s32 $0x8B00, s12;
	s13 =	sadd.s32 s24, s13  }
0x32e: {  	[tilespmem:s14], [sflag:$0x3] =	stream.linear.gather [hbm4b:s13+s1], $0x80, $0x38;
	[tilespmem:$0x10600] =	vst v63  }
0x32f: {  	s14 =	spop (v2sf)  }
0x330: {  	(v2sf) =	vpush v0, $0xB;
	s13 =	sand.u32 $0x1FFFFFF0, s14  }
0x331: {  	s14 =	sadd.s32 $0xCB00, s12;
	s13 =	sadd.s32 s25, s13  }
0x332: {  	[tilespmem:s14], [sflag:$0x4] =	stream.linear.gather [hbm4b:s13+s1], $0x80, $0x38;
	[tilespmem:$0x10600] =	vst v63  }
0x333: {  	s14 =	spop (v2sf)  }
0x334: {  	(v2sf) =	vpush v3, $0xC;
	s13 =	sand.u32 $0x1FFFFFF0, s14  }
0x335: {  	s14 =	sadd.s32 $0xB80, s12;
	s13 =	sadd.s32 s3, s13  }
0x336: {  	[tilespmem:s14], [sflag:$0x1] =	stream.linear.gather [hbm4b:s13+s1], $0x80, $0x38;
	[tilespmem:$0x10600] =	vst v63  }
0x337: {  	s14 =	spop (v2sf)  }
0x338: {  	(v2sf) =	vpush v2, $0xC;
	s13 =	sand.u32 $0x1FFFFFF0, s14  }
0x339: {  	s14 =	sadd.s32 $0x4B80, s12;
	s13 =	sadd.s32 s23, s13  }
0x33a: {  	[tilespmem:s14], [sflag:$0x2] =	stream.linear.gather [hbm4b:s13+s1], $0x80, $0x38;
	[tilespmem:$0x10600] =	vst v63  }
0x33b: {  	s14 =	spop (v2sf)  }
0x33c: {  	(v2sf) =	vpush v1, $0xC;
	s13 =	sand.u32 $0x1FFFFFF0, s14  }
0x33d: {  	s14 =	sadd.s32 $0x8B80, s12;
	s13 =	sadd.s32 s24, s13  }
0x33e: {  	[tilespmem:s14], [sflag:$0x3] =	stream.linear.gather [hbm4b:s13+s1], $0x80, $0x38;
	[tilespmem:$0x10600] =	vst v63  }
0x33f: {  	s14 =	spop (v2sf)  }
0x340: {  	(v2sf) =	vpush v0, $0xC;
	s13 =	sand.u32 $0x1FFFFFF0, s14  }
0x341: {  	s14 =	sadd.s32 $0xCB80, s12;
	s13 =	sadd.s32 s25, s13  }
0x342: {  	[tilespmem:s14], [sflag:$0x4] =	stream.linear.gather [hbm4b:s13+s1], $0x80, $0x38;
	[tilespmem:$0x10600] =	vst v63  }
0x343: {  	s14 =	spop (v2sf)  }
0x344: {  	(v2sf) =	vpush v3, $0xD;
	s13 =	sand.u32 $0x1FFFFFF0, s14  }
0x345: {  	s14 =	sadd.s32 $0xC00, s12;
	s13 =	sadd.s32 s3, s13  }
0x346: {  	[tilespmem:s14], [sflag:$0x1] =	stream.linear.gather [hbm4b:s13+s1], $0x80, $0x38;
	[tilespmem:$0x10600] =	vst v63  }
0x347: {  	s14 =	spop (v2sf)  }
0x348: {  	(v2sf) =	vpush v2, $0xD;
	s13 =	sand.u32 $0x1FFFFFF0, s14  }
0x349: {  	s14 =	sadd.s32 $0x4C00, s12;
	s13 =	sadd.s32 s23, s13  }
0x34a: {  	[tilespmem:s14], [sflag:$0x2] =	stream.linear.gather [hbm4b:s13+s1], $0x80, $0x38;
	[tilespmem:$0x10600] =	vst v63  }
0x34b: {  	s14 =	spop (v2sf)  }
0x34c: {  	(v2sf) =	vpush v1, $0xD;
	s13 =	sand.u32 $0x1FFFFFF0, s14  }
0x34d: {  	s14 =	sadd.s32 $0x8C00, s12;
	s13 =	sadd.s32 s24, s13  }
0x34e: {  	[tilespmem:s14], [sflag:$0x3] =	stream.linear.gather [hbm4b:s13+s1], $0x80, $0x38;
	[tilespmem:$0x10600] =	vst v63  }
0x34f: {  	s14 =	spop (v2sf)  }
0x350: {  	(v2sf) =	vpush v0, $0xD;
	s13 =	sand.u32 $0x1FFFFFF0, s14  }
0x351: {  	s14 =	sadd.s32 $0xCC00, s12;
	s13 =	sadd.s32 s25, s13  }
0x352: {  	[tilespmem:s14], [sflag:$0x4] =	stream.linear.gather [hbm4b:s13+s1], $0x80, $0x38;
	[tilespmem:$0x10600] =	vst v63  }
0x353: {  	s14 =	spop (v2sf)  }
0x354: {  	(v2sf) =	vpush v3, $0xE;
	s13 =	sand.u32 $0x1FFFFFF0, s14  }
0x355: {  	s14 =	sadd.s32 $0xC80, s12;
	s13 =	sadd.s32 s3, s13  }
0x356: {  	[tilespmem:s14], [sflag:$0x1] =	stream.linear.gather [hbm4b:s13+s1], $0x80, $0x38;
	[tilespmem:$0x10600] =	vst v63  }
0x357: {  	s14 =	spop (v2sf)  }
0x358: {  	(v2sf) =	vpush v2, $0xE;
	s13 =	sand.u32 $0x1FFFFFF0, s14  }
0x359: {  	s14 =	sadd.s32 $0x4C80, s12;
	s13 =	sadd.s32 s23, s13  }
0x35a: {  	[tilespmem:s14], [sflag:$0x2] =	stream.linear.gather [hbm4b:s13+s1], $0x80, $0x38;
	[tilespmem:$0x10600] =	vst v63  }
0x35b: {  	s14 =	spop (v2sf)  }
0x35c: {  	(v2sf) =	vpush v1, $0xE;
	s13 =	sand.u32 $0x1FFFFFF0, s14  }
0x35d: {  	s14 =	sadd.s32 $0x8C80, s12;
	s13 =	sadd.s32 s24, s13  }
0x35e: {  	[tilespmem:s14], [sflag:$0x3] =	stream.linear.gather [hbm4b:s13+s1], $0x80, $0x38;
	[tilespmem:$0x10600] =	vst v63  }
0x35f: {  	s14 =	spop (v2sf)  }
0x360: {  	(v2sf) =	vpush v0, $0xE;
	s13 =	sand.u32 $0x1FFFFFF0, s14  }
0x361: {  	s14 =	sadd.s32 $0xCC80, s12;
	s13 =	sadd.s32 s25, s13  }
0x362: {  	[tilespmem:s14], [sflag:$0x4] =	stream.linear.gather [hbm4b:s13+s1], $0x80, $0x38;
	[tilespmem:$0x10600] =	vst v63  }
0x363: {  	s14 =	spop (v2sf)  }
0x364: {  	(v2sf) =	vpush v3, $0xF;
	s13 =	sand.u32 $0x1FFFFFF0, s14  }
0x365: {  	s14 =	sadd.s32 $0xD00, s12;
	s13 =	sadd.s32 s3, s13  }
0x366: {  	[tilespmem:s14], [sflag:$0x1] =	stream.linear.gather [hbm4b:s13+s1], $0x80, $0x38;
	[tilespmem:$0x10600] =	vst v63  }
0x367: {  	s14 =	spop (v2sf)  }
0x368: {  	(v2sf) =	vpush v2, $0xF;
	s13 =	sand.u32 $0x1FFFFFF0, s14  }
0x369: {  	s14 =	sadd.s32 $0x4D00, s12;
	s13 =	sadd.s32 s23, s13  }
0x36a: {  	[tilespmem:s14], [sflag:$0x2] =	stream.linear.gather [hbm4b:s13+s1], $0x80, $0x38;
	[tilespmem:$0x10600] =	vst v63  }
0x36b: {  	s14 =	spop (v2sf)  }
0x36c: {  	(v2sf) =	vpush v1, $0xF;
	s13 =	sand.u32 $0x1FFFFFF0, s14  }
0x36d: {  	s14 =	sadd.s32 $0x8D00, s12;
	s13 =	sadd.s32 s24, s13  }
0x36e: {  	[tilespmem:s14], [sflag:$0x3] =	stream.linear.gather [hbm4b:s13+s1], $0x80, $0x38;
	[tilespmem:$0x10600] =	vst v63  }
0x36f: {  	s14 =	spop (v2sf)  }
0x370: {  	s13 =	sand.u32 $0x1FFFFFF0, s14  }
0x371: {  	(v2sf) =	vpush v0, $0xF;
	s14 =	sadd.s32 $0xCD00, s12;
	s13 =	sadd.s32 s25, s13  }
0x372: {  	[tilespmem:s14], [sflag:$0x4] =	stream.linear.gather [hbm4b:s13+s1], $0x80, $0x38;
	[tilespmem:$0x10600] =	vst v63  }
0x373: {  	s14 =	spop (v2sf)  }
0x374: {  	s13 =	sand.u32 $0x1FFFFFF0, s14  }
0x375: {  	s14 =	sadd.s32 $0xD80, s12;
	s13 =	sadd.s32 s3, s13  }
0x376: {  	[tilespmem:s14], [sflag:$0x1] =	stream.linear.gather [hbm4b:s13+s1], $0x80, $0x38;
	[tilespmem:$0x10600] =	vst v63  }
0x377: {  	s14 =	spop (v2sf)  }
0x378: {  	s13 =	sand.u32 $0x1FFFFFF0, s14  }
0x379: {  	s14 =	sadd.s32 $0x4D80, s12;
	s13 =	sadd.s32 s23, s13  }
0x37a: {  	[tilespmem:s14], [sflag:$0x2] =	stream.linear.gather [hbm4b:s13+s1], $0x80, $0x38;
	[tilespmem:$0x10600] =	vst v63  }
0x37b: {  	s14 =	spop (v2sf)  }
0x37c: {  	s13 =	sand.u32 $0x1FFFFFF0, s14  }
0x37d: {  	p0 =	sne.s32 s8, $0xE000;
	s14 =	sadd.s32 $0x8D80, s12;
	s13 =	sadd.s32 s24, s13  }
0x37e: {  	[tilespmem:s14], [sflag:$0x3] =	stream.linear.gather [hbm4b:s13+s1], $0x80, $0x38;
	[tilespmem:$0x10600] =	vst v63  }
.Ltmp2:
0x37f: {  	_ = 	snop;
	(pc) =	sbr.rel @p0 .LBB2_6-.Ltmp2, $4  }
0x380: {  	s9 =	sadd.s32 $0x10, s9;
	s14 =	spop (v2sf)  }
0x381: {  	s10 =	sadd.s32 $0x10, s10;
	s11 =	sadd.s32 $0x10, s11;
	s13 =	sand.u32 $0x1FFFFFF0, s14  }
0x382: {  	s8 =	sadd.s32 $0x2000, s8;
	s12 =	sadd.s32 $0xCD80, s12;
	s13 =	sadd.s32 s25, s13  }
0x383: {  	[tilespmem:s12], [sflag:$0x4] =	stream.linear.gather [hbm4b:s13+s1], $0x80, $0x38;
	[tilespmem:$0x10600] =	vst v63  }
0x384: {  	_ =	swait.ge [sflag:s29], $0x4000  }
0x385: {  	[sflag:s29] =	ssyncset.done $0x0  }
0x386: {  	[sflag:s29] =	ssyncadd.s32 $0xFFFFC000  }
0x387: {  	_ =	swait.ge [sflag:s30], $0x4000  }
0x388: {  	[sflag:s30] =	ssyncset.done $0x0  }
0x389: {  	[sflag:s30] =	ssyncadd.s32 $0xFFFFC000  }
0x38a: {  	_ =	swait.ge [sflag:s31], $0x4000  }
0x38b: {  	[sflag:s31] =	ssyncset.done $0x0  }
0x38c: {  	[sflag:s31] =	ssyncadd.s32 $0xFFFFC000  }
0x38d: {  	_ =	swait.ge [sflag:s0], $0x4000  }
0x38e: {  	[sflag:s0] =	ssyncset.done $0x0  }
0x38f: {  	s8 =	simm.s32 $0x0;
	[sflag:s0] =	ssyncadd.s32 $0xFFFFC000  }
0x390: {  	[hbm4b:s15+s8] =	stream.linear.scatter [tilespmem:s2], [sflag:$0x5], $0x4000, $0x38;
	[tilespmem:$0x10600] =	vst v63  }
0x391: {  	_ =	swait.ge [sflag:s28], $0x4000  }
0x392: {  	[sflag:s28] =	ssyncset.done $0x0  }
0x393: {  	[sflag:s28] =	ssyncadd.s32 $0xFFFFC000  }
0x394: {  	[hbm4b:s16+s8] =	stream.linear.scatter [tilespmem:s4], [sflag:$0x5], $0x4000, $0x38;
	[tilespmem:$0x10600] =	vst v63  }
0x395: {  	_ =	swait.ge [sflag:s28], $0x4000  }
0x396: {  	[sflag:s28] =	ssyncset.done $0x0  }
0x397: {  	[sflag:s28] =	ssyncadd.s32 $0xFFFFC000  }
0x398: {  	[hbm4b:s17+s8] =	stream.linear.scatter [tilespmem:s5], [sflag:$0x5], $0x4000, $0x38;
	[tilespmem:$0x10600] =	vst v63  }
0x399: {  	_ =	swait.ge [sflag:s28], $0x4000  }
0x39a: {  	[sflag:s28] =	ssyncset.done $0x0  }
0x39b: {  	[sflag:s28] =	ssyncadd.s32 $0xFFFFC000  }
0x39c: {  	[hbm4b:s18+s8] =	stream.linear.scatter [tilespmem:s6], [sflag:$0x5], $0x4000, $0x38;
	[tilespmem:$0x10600] =	vst v63  }
0x39d: {  	_ =	swait.ge [sflag:s28], $0x4000  }
0x39e: {  	s9 =	simm.s32 $0x580;
	[sflag:s28] =	ssyncset.done $0x0  }
0x39f: {  	s10 =	simm.s32 $0x380;
	s11 =	simm.s32 $0x180;
	[sflag:s28] =	ssyncadd.s32 $0xFFFFC000  }
.LBB2_8:
0x3a0: {  	v0 =	vld [tilespmem:s11+$0x0];
	_ =	sdelay $0x4  }
0x3a1: {  	v3 =	vshll.u32 v0, $0x4  }
0x3a2: {  	(v2sf) =	vpush v3, $0x0;
	_ =	sdelay $0x1  }
0x3a3: {  	v1 =	vld [tilespmem:s10+$0x0];
	v0 =	vshrl.u32 v0, $0x2  }
0x3a4: {  	v2 =	vshll.u32 v0, $0x4  }
0x3a5: {  	(v2sf) =	vpush v2, $0x0;
	_ =	sdelay $0x1  }
0x3a6: {  	v63 =	vld [tilespmem:s9+$0x0]  }
0x3a7: {  	v1 =	vshll.u32 v1, $0x4  }
0x3a8: {  	(v2sf) =	vpush v1, $0x0;
	_ =	sdelay $0x2  }
0x3a9: {  	v0 =	vshll.u32 v63, $0x4  }
0x3aa: {  	(v2sf) =	vpush v0, $0x0;
	_ =	sdelay $0x2  }
0x3ab: {  	s13 =	spop (v2sf)  }
0x3ac: {  	s12 =	sshra.s32 s8, $0x2;
	(v2sf) =	vpush v3, $0x1;
	s13 =	sand.u32 $0x1FFFFFF0, s13  }
0x3ad: {  	s14 =	sadd.s32 $0x600, s12;
	s13 =	sadd.s32 s3, s13  }
0x3ae: {  	[tilespmem:s14], [sflag:$0x1] =	stream.linear.gather [hbm4b:s13+s1], $0x80, $0x38;
	[tilespmem:$0x10600] =	vst v63  }
0x3af: {  	s14 =	spop (v2sf)  }
0x3b0: {  	(v2sf) =	vpush v2, $0x1;
	s13 =	sand.u32 $0x1FFFFFF0, s14  }
0x3b1: {  	s14 =	sadd.s32 $0x4600, s12;
	s13 =	sadd.s32 s23, s13  }
0x3b2: {  	[tilespmem:s14], [sflag:$0x2] =	stream.linear.gather [hbm4b:s13+s1], $0x80, $0x38;
	[tilespmem:$0x10600] =	vst v63  }
0x3b3: {  	s14 =	spop (v2sf)  }
0x3b4: {  	(v2sf) =	vpush v1, $0x1;
	s13 =	sand.u32 $0x1FFFFFF0, s14  }
0x3b5: {  	s14 =	sadd.s32 $0x8600, s12;
	s13 =	sadd.s32 s24, s13  }
0x3b6: {  	[tilespmem:s14], [sflag:$0x3] =	stream.linear.gather [hbm4b:s13+s1], $0x80, $0x38;
	[tilespmem:$0x10600] =	vst v63  }
0x3b7: {  	s14 =	spop (v2sf)  }
0x3b8: {  	(v2sf) =	vpush v0, $0x1;
	s13 =	sand.u32 $0x1FFFFFF0, s14  }
0x3b9: {  	s14 =	sadd.s32 $0xC600, s12;
	s13 =	sadd.s32 s25, s13  }
0x3ba: {  	[tilespmem:s14], [sflag:$0x4] =	stream.linear.gather [hbm4b:s13+s1], $0x80, $0x38;
	[tilespmem:$0x10600] =	vst v63  }
0x3bb: {  	s14 =	spop (v2sf)  }
0x3bc: {  	(v2sf) =	vpush v3, $0x2;
	s13 =	sand.u32 $0x1FFFFFF0, s14  }
0x3bd: {  	s14 =	sadd.s32 $0x680, s12;
	s13 =	sadd.s32 s3, s13  }
0x3be: {  	[tilespmem:s14], [sflag:$0x1] =	stream.linear.gather [hbm4b:s13+s1], $0x80, $0x38;
	[tilespmem:$0x10600] =	vst v63  }
0x3bf: {  	s14 =	spop (v2sf)  }
0x3c0: {  	(v2sf) =	vpush v2, $0x2;
	s13 =	sand.u32 $0x1FFFFFF0, s14  }
0x3c1: {  	s14 =	sadd.s32 $0x4680, s12;
	s13 =	sadd.s32 s23, s13  }
0x3c2: {  	[tilespmem:s14], [sflag:$0x2] =	stream.linear.gather [hbm4b:s13+s1], $0x80, $0x38;
	[tilespmem:$0x10600] =	vst v63  }
0x3c3: {  	s14 =	spop (v2sf)  }
0x3c4: {  	(v2sf) =	vpush v1, $0x2;
	s13 =	sand.u32 $0x1FFFFFF0, s14  }
0x3c5: {  	s14 =	sadd.s32 $0x8680, s12;
	s13 =	sadd.s32 s24, s13  }
0x3c6: {  	[tilespmem:s14], [sflag:$0x3] =	stream.linear.gather [hbm4b:s13+s1], $0x80, $0x38;
	[tilespmem:$0x10600] =	vst v63  }
0x3c7: {  	s14 =	spop (v2sf)  }
0x3c8: {  	(v2sf) =	vpush v0, $0x2;
	s13 =	sand.u32 $0x1FFFFFF0, s14  }
0x3c9: {  	s14 =	sadd.s32 $0xC680, s12;
	s13 =	sadd.s32 s25, s13  }
0x3ca: {  	[tilespmem:s14], [sflag:$0x4] =	stream.linear.gather [hbm4b:s13+s1], $0x80, $0x38;
	[tilespmem:$0x10600] =	vst v63  }
0x3cb: {  	s14 =	spop (v2sf)  }
0x3cc: {  	(v2sf) =	vpush v3, $0x3;
	s13 =	sand.u32 $0x1FFFFFF0, s14  }
0x3cd: {  	s14 =	sadd.s32 $0x700, s12;
	s13 =	sadd.s32 s3, s13  }
0x3ce: {  	[tilespmem:s14], [sflag:$0x1] =	stream.linear.gather [hbm4b:s13+s1], $0x80, $0x38;
	[tilespmem:$0x10600] =	vst v63  }
0x3cf: {  	s14 =	spop (v2sf)  }
0x3d0: {  	(v2sf) =	vpush v2, $0x3;
	s13 =	sand.u32 $0x1FFFFFF0, s14  }
0x3d1: {  	s14 =	sadd.s32 $0x4700, s12;
	s13 =	sadd.s32 s23, s13  }
0x3d2: {  	[tilespmem:s14], [sflag:$0x2] =	stream.linear.gather [hbm4b:s13+s1], $0x80, $0x38;
	[tilespmem:$0x10600] =	vst v63  }
0x3d3: {  	s14 =	spop (v2sf)  }
0x3d4: {  	(v2sf) =	vpush v1, $0x3;
	s13 =	sand.u32 $0x1FFFFFF0, s14  }
0x3d5: {  	s14 =	sadd.s32 $0x8700, s12;
	s13 =	sadd.s32 s24, s13  }
0x3d6: {  	[tilespmem:s14], [sflag:$0x3] =	stream.linear.gather [hbm4b:s13+s1], $0x80, $0x38;
	[tilespmem:$0x10600] =	vst v63  }
0x3d7: {  	s14 =	spop (v2sf)  }
0x3d8: {  	(v2sf) =	vpush v0, $0x3;
	s13 =	sand.u32 $0x1FFFFFF0, s14  }
0x3d9: {  	s14 =	sadd.s32 $0xC700, s12;
	s13 =	sadd.s32 s25, s13  }
0x3da: {  	[tilespmem:s14], [sflag:$0x4] =	stream.linear.gather [hbm4b:s13+s1], $0x80, $0x38;
	[tilespmem:$0x10600] =	vst v63  }
0x3db: {  	s14 =	spop (v2sf)  }
0x3dc: {  	(v2sf) =	vpush v3, $0x4;
	s13 =	sand.u32 $0x1FFFFFF0, s14  }
0x3dd: {  	s14 =	sadd.s32 $0x780, s12;
	s13 =	sadd.s32 s3, s13  }
0x3de: {  	[tilespmem:s14], [sflag:$0x1] =	stream.linear.gather [hbm4b:s13+s1], $0x80, $0x38;
	[tilespmem:$0x10600] =	vst v63  }
0x3df: {  	s14 =	spop (v2sf)  }
0x3e0: {  	(v2sf) =	vpush v2, $0x4;
	s13 =	sand.u32 $0x1FFFFFF0, s14  }
0x3e1: {  	s14 =	sadd.s32 $0x4780, s12;
	s13 =	sadd.s32 s23, s13  }
0x3e2: {  	[tilespmem:s14], [sflag:$0x2] =	stream.linear.gather [hbm4b:s13+s1], $0x80, $0x38;
	[tilespmem:$0x10600] =	vst v63  }
0x3e3: {  	s14 =	spop (v2sf)  }
0x3e4: {  	(v2sf) =	vpush v1, $0x4;
	s13 =	sand.u32 $0x1FFFFFF0, s14  }
0x3e5: {  	s14 =	sadd.s32 $0x8780, s12;
	s13 =	sadd.s32 s24, s13  }
0x3e6: {  	[tilespmem:s14], [sflag:$0x3] =	stream.linear.gather [hbm4b:s13+s1], $0x80, $0x38;
	[tilespmem:$0x10600] =	vst v63  }
0x3e7: {  	s14 =	spop (v2sf)  }
0x3e8: {  	(v2sf) =	vpush v0, $0x4;
	s13 =	sand.u32 $0x1FFFFFF0, s14  }
0x3e9: {  	s14 =	sadd.s32 $0xC780, s12;
	s13 =	sadd.s32 s25, s13  }
0x3ea: {  	[tilespmem:s14], [sflag:$0x4] =	stream.linear.gather [hbm4b:s13+s1], $0x80, $0x38;
	[tilespmem:$0x10600] =	vst v63  }
0x3eb: {  	s14 =	spop (v2sf)  }
0x3ec: {  	(v2sf) =	vpush v3, $0x5;
	s13 =	sand.u32 $0x1FFFFFF0, s14  }
0x3ed: {  	s14 =	sadd.s32 $0x800, s12;
	s13 =	sadd.s32 s3, s13  }
0x3ee: {  	[tilespmem:s14], [sflag:$0x1] =	stream.linear.gather [hbm4b:s13+s1], $0x80, $0x38;
	[tilespmem:$0x10600] =	vst v63  }
0x3ef: {  	s14 =	spop (v2sf)  }
0x3f0: {  	(v2sf) =	vpush v2, $0x5;
	s13 =	sand.u32 $0x1FFFFFF0, s14  }
0x3f1: {  	s14 =	sadd.s32 $0x4800, s12;
	s13 =	sadd.s32 s23, s13  }
0x3f2: {  	[tilespmem:s14], [sflag:$0x2] =	stream.linear.gather [hbm4b:s13+s1], $0x80, $0x38;
	[tilespmem:$0x10600] =	vst v63  }
0x3f3: {  	s14 =	spop (v2sf)  }
0x3f4: {  	(v2sf) =	vpush v1, $0x5;
	s13 =	sand.u32 $0x1FFFFFF0, s14  }
0x3f5: {  	s14 =	sadd.s32 $0x8800, s12;
	s13 =	sadd.s32 s24, s13  }
0x3f6: {  	[tilespmem:s14], [sflag:$0x3] =	stream.linear.gather [hbm4b:s13+s1], $0x80, $0x38;
	[tilespmem:$0x10600] =	vst v63  }
0x3f7: {  	s14 =	spop (v2sf)  }
0x3f8: {  	(v2sf) =	vpush v0, $0x5;
	s13 =	sand.u32 $0x1FFFFFF0, s14  }
0x3f9: {  	s14 =	sadd.s32 $0xC800, s12;
	s13 =	sadd.s32 s25, s13  }
0x3fa: {  	[tilespmem:s14], [sflag:$0x4] =	stream.linear.gather [hbm4b:s13+s1], $0x80, $0x38;
	[tilespmem:$0x10600] =	vst v63  }
0x3fb: {  	s14 =	spop (v2sf)  }
0x3fc: {  	(v2sf) =	vpush v3, $0x6;
	s13 =	sand.u32 $0x1FFFFFF0, s14  }
0x3fd: {  	s14 =	sadd.s32 $0x880, s12;
	s13 =	sadd.s32 s3, s13  }
0x3fe: {  	[tilespmem:s14], [sflag:$0x1] =	stream.linear.gather [hbm4b:s13+s1], $0x80, $0x38;
	[tilespmem:$0x10600] =	vst v63  }
0x3ff: {  	s14 =	spop (v2sf)  }
0x400: {  	(v2sf) =	vpush v2, $0x6;
	s13 =	sand.u32 $0x1FFFFFF0, s14  }
0x401: {  	s14 =	sadd.s32 $0x4880, s12;
	s13 =	sadd.s32 s23, s13  }
0x402: {  	[tilespmem:s14], [sflag:$0x2] =	stream.linear.gather [hbm4b:s13+s1], $0x80, $0x38;
	[tilespmem:$0x10600] =	vst v63  }
0x403: {  	s14 =	spop (v2sf)  }
0x404: {  	(v2sf) =	vpush v1, $0x6;
	s13 =	sand.u32 $0x1FFFFFF0, s14  }
0x405: {  	s14 =	sadd.s32 $0x8880, s12;
	s13 =	sadd.s32 s24, s13  }
0x406: {  	[tilespmem:s14], [sflag:$0x3] =	stream.linear.gather [hbm4b:s13+s1], $0x80, $0x38;
	[tilespmem:$0x10600] =	vst v63  }
0x407: {  	s14 =	spop (v2sf)  }
0x408: {  	(v2sf) =	vpush v0, $0x6;
	s13 =	sand.u32 $0x1FFFFFF0, s14  }
0x409: {  	s14 =	sadd.s32 $0xC880, s12;
	s13 =	sadd.s32 s25, s13  }
0x40a: {  	[tilespmem:s14], [sflag:$0x4] =	stream.linear.gather [hbm4b:s13+s1], $0x80, $0x38;
	[tilespmem:$0x10600] =	vst v63  }
0x40b: {  	s14 =	spop (v2sf)  }
0x40c: {  	(v2sf) =	vpush v3, $0x7;
	s13 =	sand.u32 $0x1FFFFFF0, s14  }
0x40d: {  	s14 =	sadd.s32 $0x900, s12;
	s13 =	sadd.s32 s3, s13  }
0x40e: {  	[tilespmem:s14], [sflag:$0x1] =	stream.linear.gather [hbm4b:s13+s1], $0x80, $0x38;
	[tilespmem:$0x10600] =	vst v63  }
0x40f: {  	s14 =	spop (v2sf)  }
0x410: {  	(v2sf) =	vpush v2, $0x7;
	s13 =	sand.u32 $0x1FFFFFF0, s14  }
0x411: {  	s14 =	sadd.s32 $0x4900, s12;
	s13 =	sadd.s32 s23, s13  }
0x412: {  	[tilespmem:s14], [sflag:$0x2] =	stream.linear.gather [hbm4b:s13+s1], $0x80, $0x38;
	[tilespmem:$0x10600] =	vst v63  }
0x413: {  	s14 =	spop (v2sf)  }
0x414: {  	(v2sf) =	vpush v1, $0x7;
	s13 =	sand.u32 $0x1FFFFFF0, s14  }
0x415: {  	s14 =	sadd.s32 $0x8900, s12;
	s13 =	sadd.s32 s24, s13  }
0x416: {  	[tilespmem:s14], [sflag:$0x3] =	stream.linear.gather [hbm4b:s13+s1], $0x80, $0x38;
	[tilespmem:$0x10600] =	vst v63  }
0x417: {  	s14 =	spop (v2sf)  }
0x418: {  	(v2sf) =	vpush v0, $0x7;
	s13 =	sand.u32 $0x1FFFFFF0, s14  }
0x419: {  	s14 =	sadd.s32 $0xC900, s12;
	s13 =	sadd.s32 s25, s13  }
0x41a: {  	[tilespmem:s14], [sflag:$0x4] =	stream.linear.gather [hbm4b:s13+s1], $0x80, $0x38;
	[tilespmem:$0x10600] =	vst v63  }
0x41b: {  	s14 =	spop (v2sf)  }
0x41c: {  	(v2sf) =	vpush v3, $0x8;
	s13 =	sand.u32 $0x1FFFFFF0, s14  }
0x41d: {  	s14 =	sadd.s32 $0x980, s12;
	s13 =	sadd.s32 s3, s13  }
0x41e: {  	[tilespmem:s14], [sflag:$0x1] =	stream.linear.gather [hbm4b:s13+s1], $0x80, $0x38;
	[tilespmem:$0x10600] =	vst v63  }
0x41f: {  	s14 =	spop (v2sf)  }
0x420: {  	(v2sf) =	vpush v2, $0x8;
	s13 =	sand.u32 $0x1FFFFFF0, s14  }
0x421: {  	s14 =	sadd.s32 $0x4980, s12;
	s13 =	sadd.s32 s23, s13  }
0x422: {  	[tilespmem:s14], [sflag:$0x2] =	stream.linear.gather [hbm4b:s13+s1], $0x80, $0x38;
	[tilespmem:$0x10600] =	vst v63  }
0x423: {  	s14 =	spop (v2sf)  }
0x424: {  	(v2sf) =	vpush v1, $0x8;
	s13 =	sand.u32 $0x1FFFFFF0, s14  }
0x425: {  	s14 =	sadd.s32 $0x8980, s12;
	s13 =	sadd.s32 s24, s13  }
0x426: {  	[tilespmem:s14], [sflag:$0x3] =	stream.linear.gather [hbm4b:s13+s1], $0x80, $0x38;
	[tilespmem:$0x10600] =	vst v63  }
0x427: {  	s14 =	spop (v2sf)  }
0x428: {  	(v2sf) =	vpush v0, $0x8;
	s13 =	sand.u32 $0x1FFFFFF0, s14  }
0x429: {  	s14 =	sadd.s32 $0xC980, s12;
	s13 =	sadd.s32 s25, s13  }
0x42a: {  	[tilespmem:s14], [sflag:$0x4] =	stream.linear.gather [hbm4b:s13+s1], $0x80, $0x38;
	[tilespmem:$0x10600] =	vst v63  }
0x42b: {  	s14 =	spop (v2sf)  }
0x42c: {  	(v2sf) =	vpush v3, $0x9;
	s13 =	sand.u32 $0x1FFFFFF0, s14  }
0x42d: {  	s14 =	sadd.s32 $0xA00, s12;
	s13 =	sadd.s32 s3, s13  }
0x42e: {  	[tilespmem:s14], [sflag:$0x1] =	stream.linear.gather [hbm4b:s13+s1], $0x80, $0x38;
	[tilespmem:$0x10600] =	vst v63  }
0x42f: {  	s14 =	spop (v2sf)  }
0x430: {  	(v2sf) =	vpush v2, $0x9;
	s13 =	sand.u32 $0x1FFFFFF0, s14  }
0x431: {  	s14 =	sadd.s32 $0x4A00, s12;
	s13 =	sadd.s32 s23, s13  }
0x432: {  	[tilespmem:s14], [sflag:$0x2] =	stream.linear.gather [hbm4b:s13+s1], $0x80, $0x38;
	[tilespmem:$0x10600] =	vst v63  }
0x433: {  	s14 =	spop (v2sf)  }
0x434: {  	(v2sf) =	vpush v1, $0x9;
	s13 =	sand.u32 $0x1FFFFFF0, s14  }
0x435: {  	s14 =	sadd.s32 $0x8A00, s12;
	s13 =	sadd.s32 s24, s13  }
0x436: {  	[tilespmem:s14], [sflag:$0x3] =	stream.linear.gather [hbm4b:s13+s1], $0x80, $0x38;
	[tilespmem:$0x10600] =	vst v63  }
0x437: {  	s14 =	spop (v2sf)  }
0x438: {  	(v2sf) =	vpush v0, $0x9;
	s13 =	sand.u32 $0x1FFFFFF0, s14  }
0x439: {  	s14 =	sadd.s32 $0xCA00, s12;
	s13 =	sadd.s32 s25, s13  }
0x43a: {  	[tilespmem:s14], [sflag:$0x4] =	stream.linear.gather [hbm4b:s13+s1], $0x80, $0x38;
	[tilespmem:$0x10600] =	vst v63  }
0x43b: {  	s14 =	spop (v2sf)  }
0x43c: {  	(v2sf) =	vpush v3, $0xA;
	s13 =	sand.u32 $0x1FFFFFF0, s14  }
0x43d: {  	s14 =	sadd.s32 $0xA80, s12;
	s13 =	sadd.s32 s3, s13  }
0x43e: {  	[tilespmem:s14], [sflag:$0x1] =	stream.linear.gather [hbm4b:s13+s1], $0x80, $0x38;
	[tilespmem:$0x10600] =	vst v63  }
0x43f: {  	s14 =	spop (v2sf)  }
0x440: {  	(v2sf) =	vpush v2, $0xA;
	s13 =	sand.u32 $0x1FFFFFF0, s14  }
0x441: {  	s14 =	sadd.s32 $0x4A80, s12;
	s13 =	sadd.s32 s23, s13  }
0x442: {  	[tilespmem:s14], [sflag:$0x2] =	stream.linear.gather [hbm4b:s13+s1], $0x80, $0x38;
	[tilespmem:$0x10600] =	vst v63  }
0x443: {  	s14 =	spop (v2sf)  }
0x444: {  	(v2sf) =	vpush v1, $0xA;
	s13 =	sand.u32 $0x1FFFFFF0, s14  }
0x445: {  	s14 =	sadd.s32 $0x8A80, s12;
	s13 =	sadd.s32 s24, s13  }
0x446: {  	[tilespmem:s14], [sflag:$0x3] =	stream.linear.gather [hbm4b:s13+s1], $0x80, $0x38;
	[tilespmem:$0x10600] =	vst v63  }
0x447: {  	s14 =	spop (v2sf)  }
0x448: {  	(v2sf) =	vpush v0, $0xA;
	s13 =	sand.u32 $0x1FFFFFF0, s14  }
0x449: {  	s14 =	sadd.s32 $0xCA80, s12;
	s13 =	sadd.s32 s25, s13  }
0x44a: {  	[tilespmem:s14], [sflag:$0x4] =	stream.linear.gather [hbm4b:s13+s1], $0x80, $0x38;
	[tilespmem:$0x10600] =	vst v63  }
0x44b: {  	s14 =	spop (v2sf)  }
0x44c: {  	(v2sf) =	vpush v3, $0xB;
	s13 =	sand.u32 $0x1FFFFFF0, s14  }
0x44d: {  	s14 =	sadd.s32 $0xB00, s12;
	s13 =	sadd.s32 s3, s13  }
0x44e: {  	[tilespmem:s14], [sflag:$0x1] =	stream.linear.gather [hbm4b:s13+s1], $0x80, $0x38;
	[tilespmem:$0x10600] =	vst v63  }
0x44f: {  	s14 =	spop (v2sf)  }
0x450: {  	(v2sf) =	vpush v2, $0xB;
	s13 =	sand.u32 $0x1FFFFFF0, s14  }
0x451: {  	s14 =	sadd.s32 $0x4B00, s12;
	s13 =	sadd.s32 s23, s13  }
0x452: {  	[tilespmem:s14], [sflag:$0x2] =	stream.linear.gather [hbm4b:s13+s1], $0x80, $0x38;
	[tilespmem:$0x10600] =	vst v63  }
0x453: {  	s14 =	spop (v2sf)  }
0x454: {  	(v2sf) =	vpush v1, $0xB;
	s13 =	sand.u32 $0x1FFFFFF0, s14  }
0x455: {  	s14 =	sadd.s32 $0x8B00, s12;
	s13 =	sadd.s32 s24, s13  }
0x456: {  	[tilespmem:s14], [sflag:$0x3] =	stream.linear.gather [hbm4b:s13+s1], $0x80, $0x38;
	[tilespmem:$0x10600] =	vst v63  }
0x457: {  	s14 =	spop (v2sf)  }
0x458: {  	(v2sf) =	vpush v0, $0xB;
	s13 =	sand.u32 $0x1FFFFFF0, s14  }
0x459: {  	s14 =	sadd.s32 $0xCB00, s12;
	s13 =	sadd.s32 s25, s13  }
0x45a: {  	[tilespmem:s14], [sflag:$0x4] =	stream.linear.gather [hbm4b:s13+s1], $0x80, $0x38;
	[tilespmem:$0x10600] =	vst v63  }
0x45b: {  	s14 =	spop (v2sf)  }
0x45c: {  	(v2sf) =	vpush v3, $0xC;
	s13 =	sand.u32 $0x1FFFFFF0, s14  }
0x45d: {  	s14 =	sadd.s32 $0xB80, s12;
	s13 =	sadd.s32 s3, s13  }
0x45e: {  	[tilespmem:s14], [sflag:$0x1] =	stream.linear.gather [hbm4b:s13+s1], $0x80, $0x38;
	[tilespmem:$0x10600] =	vst v63  }
0x45f: {  	s14 =	spop (v2sf)  }
0x460: {  	(v2sf) =	vpush v2, $0xC;
	s13 =	sand.u32 $0x1FFFFFF0, s14  }
0x461: {  	s14 =	sadd.s32 $0x4B80, s12;
	s13 =	sadd.s32 s23, s13  }
0x462: {  	[tilespmem:s14], [sflag:$0x2] =	stream.linear.gather [hbm4b:s13+s1], $0x80, $0x38;
	[tilespmem:$0x10600] =	vst v63  }
0x463: {  	s14 =	spop (v2sf)  }
0x464: {  	(v2sf) =	vpush v1, $0xC;
	s13 =	sand.u32 $0x1FFFFFF0, s14  }
0x465: {  	s14 =	sadd.s32 $0x8B80, s12;
	s13 =	sadd.s32 s24, s13  }
0x466: {  	[tilespmem:s14], [sflag:$0x3] =	stream.linear.gather [hbm4b:s13+s1], $0x80, $0x38;
	[tilespmem:$0x10600] =	vst v63  }
0x467: {  	s14 =	spop (v2sf)  }
0x468: {  	(v2sf) =	vpush v0, $0xC;
	s13 =	sand.u32 $0x1FFFFFF0, s14  }
0x469: {  	s14 =	sadd.s32 $0xCB80, s12;
	s13 =	sadd.s32 s25, s13  }
0x46a: {  	[tilespmem:s14], [sflag:$0x4] =	stream.linear.gather [hbm4b:s13+s1], $0x80, $0x38;
	[tilespmem:$0x10600] =	vst v63  }
0x46b: {  	s14 =	spop (v2sf)  }
0x46c: {  	(v2sf) =	vpush v3, $0xD;
	s13 =	sand.u32 $0x1FFFFFF0, s14  }
0x46d: {  	s14 =	sadd.s32 $0xC00, s12;
	s13 =	sadd.s32 s3, s13  }
0x46e: {  	[tilespmem:s14], [sflag:$0x1] =	stream.linear.gather [hbm4b:s13+s1], $0x80, $0x38;
	[tilespmem:$0x10600] =	vst v63  }
0x46f: {  	s14 =	spop (v2sf)  }
0x470: {  	(v2sf) =	vpush v2, $0xD;
	s13 =	sand.u32 $0x1FFFFFF0, s14  }
0x471: {  	s14 =	sadd.s32 $0x4C00, s12;
	s13 =	sadd.s32 s23, s13  }
0x472: {  	[tilespmem:s14], [sflag:$0x2] =	stream.linear.gather [hbm4b:s13+s1], $0x80, $0x38;
	[tilespmem:$0x10600] =	vst v63  }
0x473: {  	s14 =	spop (v2sf)  }
0x474: {  	(v2sf) =	vpush v1, $0xD;
	s13 =	sand.u32 $0x1FFFFFF0, s14  }
0x475: {  	s14 =	sadd.s32 $0x8C00, s12;
	s13 =	sadd.s32 s24, s13  }
0x476: {  	[tilespmem:s14], [sflag:$0x3] =	stream.linear.gather [hbm4b:s13+s1], $0x80, $0x38;
	[tilespmem:$0x10600] =	vst v63  }
0x477: {  	s14 =	spop (v2sf)  }
0x478: {  	(v2sf) =	vpush v0, $0xD;
	s13 =	sand.u32 $0x1FFFFFF0, s14  }
0x479: {  	s14 =	sadd.s32 $0xCC00, s12;
	s13 =	sadd.s32 s25, s13  }
0x47a: {  	[tilespmem:s14], [sflag:$0x4] =	stream.linear.gather [hbm4b:s13+s1], $0x80, $0x38;
	[tilespmem:$0x10600] =	vst v63  }
0x47b: {  	s14 =	spop (v2sf)  }
0x47c: {  	(v2sf) =	vpush v3, $0xE;
	s13 =	sand.u32 $0x1FFFFFF0, s14  }
0x47d: {  	s14 =	sadd.s32 $0xC80, s12;
	s13 =	sadd.s32 s3, s13  }
0x47e: {  	[tilespmem:s14], [sflag:$0x1] =	stream.linear.gather [hbm4b:s13+s1], $0x80, $0x38;
	[tilespmem:$0x10600] =	vst v63  }
0x47f: {  	s14 =	spop (v2sf)  }
0x480: {  	(v2sf) =	vpush v2, $0xE;
	s13 =	sand.u32 $0x1FFFFFF0, s14  }
0x481: {  	s14 =	sadd.s32 $0x4C80, s12;
	s13 =	sadd.s32 s23, s13  }
0x482: {  	[tilespmem:s14], [sflag:$0x2] =	stream.linear.gather [hbm4b:s13+s1], $0x80, $0x38;
	[tilespmem:$0x10600] =	vst v63  }
0x483: {  	s14 =	spop (v2sf)  }
0x484: {  	(v2sf) =	vpush v1, $0xE;
	s13 =	sand.u32 $0x1FFFFFF0, s14  }
0x485: {  	s14 =	sadd.s32 $0x8C80, s12;
	s13 =	sadd.s32 s24, s13  }
0x486: {  	[tilespmem:s14], [sflag:$0x3] =	stream.linear.gather [hbm4b:s13+s1], $0x80, $0x38;
	[tilespmem:$0x10600] =	vst v63  }
0x487: {  	s14 =	spop (v2sf)  }
0x488: {  	(v2sf) =	vpush v0, $0xE;
	s13 =	sand.u32 $0x1FFFFFF0, s14  }
0x489: {  	s14 =	sadd.s32 $0xCC80, s12;
	s13 =	sadd.s32 s25, s13  }
0x48a: {  	[tilespmem:s14], [sflag:$0x4] =	stream.linear.gather [hbm4b:s13+s1], $0x80, $0x38;
	[tilespmem:$0x10600] =	vst v63  }
0x48b: {  	s14 =	spop (v2sf)  }
0x48c: {  	(v2sf) =	vpush v3, $0xF;
	s13 =	sand.u32 $0x1FFFFFF0, s14  }
0x48d: {  	s14 =	sadd.s32 $0xD00, s12;
	s13 =	sadd.s32 s3, s13  }
0x48e: {  	[tilespmem:s14], [sflag:$0x1] =	stream.linear.gather [hbm4b:s13+s1], $0x80, $0x38;
	[tilespmem:$0x10600] =	vst v63  }
0x48f: {  	s14 =	spop (v2sf)  }
0x490: {  	(v2sf) =	vpush v2, $0xF;
	s13 =	sand.u32 $0x1FFFFFF0, s14  }
0x491: {  	s14 =	sadd.s32 $0x4D00, s12;
	s13 =	sadd.s32 s23, s13  }
0x492: {  	[tilespmem:s14], [sflag:$0x2] =	stream.linear.gather [hbm4b:s13+s1], $0x80, $0x38;
	[tilespmem:$0x10600] =	vst v63  }
0x493: {  	s14 =	spop (v2sf)  }
0x494: {  	(v2sf) =	vpush v1, $0xF;
	s13 =	sand.u32 $0x1FFFFFF0, s14  }
0x495: {  	s14 =	sadd.s32 $0x8D00, s12;
	s13 =	sadd.s32 s24, s13  }
0x496: {  	[tilespmem:s14], [sflag:$0x3] =	stream.linear.gather [hbm4b:s13+s1], $0x80, $0x38;
	[tilespmem:$0x10600] =	vst v63  }
0x497: {  	s14 =	spop (v2sf)  }
0x498: {  	s13 =	sand.u32 $0x1FFFFFF0, s14  }
0x499: {  	(v2sf) =	vpush v0, $0xF;
	s14 =	sadd.s32 $0xCD00, s12;
	s13 =	sadd.s32 s25, s13  }
0x49a: {  	[tilespmem:s14], [sflag:$0x4] =	stream.linear.gather [hbm4b:s13+s1], $0x80, $0x38;
	[tilespmem:$0x10600] =	vst v63  }
0x49b: {  	s14 =	spop (v2sf)  }
0x49c: {  	s13 =	sand.u32 $0x1FFFFFF0, s14  }
0x49d: {  	s14 =	sadd.s32 $0xD80, s12;
	s13 =	sadd.s32 s3, s13  }
0x49e: {  	[tilespmem:s14], [sflag:$0x1] =	stream.linear.gather [hbm4b:s13+s1], $0x80, $0x38;
	[tilespmem:$0x10600] =	vst v63  }
0x49f: {  	s14 =	spop (v2sf)  }
0x4a0: {  	s13 =	sand.u32 $0x1FFFFFF0, s14  }
0x4a1: {  	s14 =	sadd.s32 $0x4D80, s12;
	s13 =	sadd.s32 s23, s13  }
0x4a2: {  	[tilespmem:s14], [sflag:$0x2] =	stream.linear.gather [hbm4b:s13+s1], $0x80, $0x38;
	[tilespmem:$0x10600] =	vst v63  }
0x4a3: {  	s14 =	spop (v2sf)  }
0x4a4: {  	s13 =	sand.u32 $0x1FFFFFF0, s14  }
0x4a5: {  	p0 =	sne.s32 s8, $0xE000;
	s14 =	sadd.s32 $0x8D80, s12;
	s13 =	sadd.s32 s24, s13  }
0x4a6: {  	[tilespmem:s14], [sflag:$0x3] =	stream.linear.gather [hbm4b:s13+s1], $0x80, $0x38;
	[tilespmem:$0x10600] =	vst v63  }
.Ltmp3:
0x4a7: {  	_ = 	snop;
	(pc) =	sbr.rel @p0 .LBB2_8-.Ltmp3, $4  }
0x4a8: {  	s9 =	sadd.s32 $0x10, s9;
	s14 =	spop (v2sf)  }
0x4a9: {  	s10 =	sadd.s32 $0x10, s10;
	s11 =	sadd.s32 $0x10, s11;
	s13 =	sand.u32 $0x1FFFFFF0, s14  }
0x4aa: {  	s8 =	sadd.s32 $0x2000, s8;
	s12 =	sadd.s32 $0xCD80, s12;
	s13 =	sadd.s32 s25, s13  }
0x4ab: {  	[tilespmem:s12], [sflag:$0x4] =	stream.linear.gather [hbm4b:s13+s1], $0x80, $0x38;
	[tilespmem:$0x10600] =	vst v63  }
0x4ac: {  	_ =	swait.ge [sflag:s29], $0x4000  }
0x4ad: {  	[sflag:s29] =	ssyncset.done $0x0  }
0x4ae: {  	[sflag:s29] =	ssyncadd.s32 $0xFFFFC000  }
0x4af: {  	_ =	swait.ge [sflag:s30], $0x4000  }
0x4b0: {  	[sflag:s30] =	ssyncset.done $0x0  }
0x4b1: {  	[sflag:s30] =	ssyncadd.s32 $0xFFFFC000  }
0x4b2: {  	_ =	swait.ge [sflag:s31], $0x4000  }
0x4b3: {  	[sflag:s31] =	ssyncset.done $0x0  }
0x4b4: {  	[sflag:s31] =	ssyncadd.s32 $0xFFFFC000  }
0x4b5: {  	_ =	swait.ge [sflag:s0], $0x4000  }
0x4b6: {  	[sflag:s0] =	ssyncset.done $0x0  }
0x4b7: {  	[sflag:s0] =	ssyncadd.s32 $0xFFFFC000  }
0x4b8: {  	[hbm4b:s19+s1] =	stream.linear.scatter [tilespmem:s2], [sflag:$0x5], $0x4000, $0x38;
	[tilespmem:$0x10600] =	vst v63  }
0x4b9: {  	_ =	swait.ge [sflag:s28], $0x4000  }
0x4ba: {  	[sflag:s28] =	ssyncset.done $0x0  }
0x4bb: {  	[sflag:s28] =	ssyncadd.s32 $0xFFFFC000  }
0x4bc: {  	[hbm4b:s20+s1] =	stream.linear.scatter [tilespmem:s4], [sflag:$0x5], $0x4000, $0x38;
	[tilespmem:$0x10600] =	vst v63  }
0x4bd: {  	_ =	swait.ge [sflag:s28], $0x4000  }
0x4be: {  	[sflag:s28] =	ssyncset.done $0x0  }
0x4bf: {  	[sflag:s28] =	ssyncadd.s32 $0xFFFFC000  }
0x4c0: {  	[hbm4b:s21+s1] =	stream.linear.scatter [tilespmem:s5], [sflag:$0x5], $0x4000, $0x38;
	[tilespmem:$0x10600] =	vst v63  }
0x4c1: {  	s7 =	sadd.s32 $0x1, s7;
	_ =	swait.ge [sflag:s28], $0x4000  }
0x4c2: {  	p0 =	sne.s32 s7, s26;
	[sflag:s28] =	ssyncset.done $0x0  }
.Ltmp4:
0x4c3: {  	[sflag:s28] =	ssyncadd.s32 $0xFFFFC000;
	(pc) =	sbr.rel @p0 .LBB2_1-.Ltmp4, $4  }
0x4c4: {  	[hbm4b:s22+s1] =	stream.linear.scatter [tilespmem:s6], [sflag:$0x5], $0x4000, $0x38;
	[tilespmem:$0x10600] =	vst v63  }
0x4c5: {  	_ =	swait.ge [sflag:s28], $0x4000  }
0x4c6: {  	[sflag:s28] =	ssyncset.done $0x0  }
0x4c7: {  	[sflag:s28] =	ssyncadd.s32 $0xFFFFC000  }
0x4c8: {  	_ =	sfence.sel $0x180000  }
0x4c9: {  	[bflag:$0x0] =	sbarrier.arrive $0xFFFF  }
0x4ca: {  	_ =	strace $0x90000047  }
0x4cb: {  	s0 =	stileid.u32;
	[bflag:$0x2] =	sbarrier.arrive $0xFFFF  }
0x4cc: {  	p0 =	sne.s32 s0, $0x0;
	s0 =	rddreg [dreg:$0x4]  }
0x4cd: {  	s0 =	sadd.s32 @!p0 $0x100000, s0  }
0x4ce: {  	[sflag:s0] =	ssyncadd.tile.s32 @!p0 $0x1;
	_ =	shalt  }
.Lfunc_end2:
_tile_overlayer_lowered:
.L_overlay_start_2:
0x4cf: {  	(tag) =	ssettag $0x2  }
0x4d0: {  	s0 =	rddreg [dreg:$0x0];
	s2 =	stileid.u32  }
0x4d1: {  	s1 =	rddreg [dreg:$0x1];
	p0 =	sne.s32 s2, $0x0  }
0x4d2: {  	s3 =	rddreg [dreg:$0x2];
	[bflag:$0x3] =	sbarrier.arrive $0xFFFF;
	s2 =	simm.s32 @!p0 $0x1C05  }
0x4d3: {  	[timem:s3], [sflag:s2] =	dma.local @!p0 [hbm:s0], s1  }
0x4d4: {  	s0 =	simm.s32 @!p0 $0x5  }
0x4d5: {  	_ =	swait.ge @!p0 [sflag:s0], s1  }
0x4d6: {  	s1 =	ssub.s32 @!p0 $0x0, s1;
	[sflag:s0] =	ssyncset.done @!p0 $0x0  }
0x4d7: {  	[sflag:s0] =	ssyncadd.s32 @!p0 s1  }
0x4d8: {  	[bflag:$0x3] =	sbarrier.arrive $0xFFFF  }
0x4d9: {  	_ =	shalt  }

</sc_bundles>
